<compile_context>
chip_gen: v7x
topology: tpu7x:2x2x1
jax: 0.10.2.dev20260603
libtpu: 0.0.44.dev20260713+nightly
codegen_flags: <defaults>
</compile_context>

<pallas_src>
import jax
import jax.numpy as jnp
from jax import lax
from jax.experimental import pallas as pl
from jax.experimental.pallas import tpu as pltpu
from jax.experimental.pallas import tpu_sc as plsc

B = 4096
L = 50
D = 64
V = 100000
LANES = 16
DW = D // 2

NC, NS = 2, 16
NW = NC * NS
BPW = B // NW
CH = 2
IDX_RAW = CH * L
IDX_PAD = 104
NSTREAM = BPW // CH
NBUF = 4
IDXBUF = NSTREAM * IDX_PAD + 16

def _split_bf16_pair(w):
    hi_mask = jnp.full((LANES,), -65536, dtype=jnp.int32)
    even = lax.bitcast_convert_type(lax.shift_left(w, 16), jnp.float32)
    odd = lax.bitcast_convert_type(lax.bitwise_and(w, hi_mask), jnp.float32)
    return even, odd


_GATHER_DNUMS = lax.GatherDimensionNumbers(
    offset_dims=(), collapsed_slice_dims=(0,), start_index_map=(0,)
)


def _lane_shuffle(v, idx):
    return lax.gather(
        v,
        idx[:, None],
        dimension_numbers=_GATHER_DNUMS,
        slice_sizes=(1,),
        mode=lax.GatherScatterMode.PROMISE_IN_BOUNDS,
    )


def _allsum16(v):
    lane = lax.iota(jnp.int32, LANES)
    for s in (1, 2, 4, 8):
        v = v + _lane_shuffle(v, jnp.bitwise_xor(lane, s))
    return v


def _rsqrt16(sv):
    yi = jnp.full((LANES,), 0x5F3759DF, dtype=jnp.int32) - (
        lax.shift_right_logical(lax.bitcast_convert_type(sv, jnp.int32), 1)
    )
    y = lax.bitcast_convert_type(yi, jnp.float32)
    half = sv * jnp.float32(0.5)
    for _ in range(3):
        y = y * (jnp.float32(1.5) - half * y * y)
    return y


def _sc_body(idx_hbm, table_hbm, out_hbm, stage_v, idx_v,
             buf0, buf1, buf2, buf3, acc_v, out_v, sem0, sem1, sem2, sem3):
    wid = lax.axis_index("s") * NC + lax.axis_index("c")
    bufs = (buf0, buf1, buf2, buf3)
    sems = (sem0, sem1, sem2, sem3)

    pltpu.sync_copy(idx_hbm.at[wid], stage_v)

    z16 = jnp.zeros((LANES,), jnp.int32)

    def repack_body(j, carry):
        dst = j * IDX_PAD
        src = j * IDX_RAW
        idx_v[pl.ds(dst + 96, LANES)] = z16
        for k in range(0, IDX_RAW - LANES + 1, LANES):
            idx_v[pl.ds(dst + k, LANES)] = stage_v[pl.ds(src + k, LANES)]
        t = IDX_RAW - LANES
        idx_v[pl.ds(dst + t, LANES)] = stage_v[pl.ds(src + t, LANES)]
        return carry

    lax.fori_loop(0, NSTREAM, repack_body, 0, unroll=False)

    def start(j, b):
        pltpu.async_copy(
            table_hbm.at[idx_v.at[pl.ds(j * IDX_PAD, IDX_PAD)]],
            bufs[b], sems[b])

    def wait(j, b):
        pltpu.make_async_copy(
            table_hbm.at[idx_v.at[pl.ds(j * IDX_PAD, IDX_PAD)]],
            bufs[b], sems[b]).wait()

    def accumulate(j, buf):
        for c in range(CH):
            base = c * L

            def acc_l(l, carry):
                e0, o0, e1, o1 = carry
                w0 = buf[base + l, pl.ds(0, LANES)]
                w1 = buf[base + l, pl.ds(LANES, LANES)]
                ev0, od0 = _split_bf16_pair(w0)
                ev1, od1 = _split_bf16_pair(w1)
                return e0 + ev0, o0 + od0, e1 + ev1, o1 + od1

            zf = jnp.zeros((LANES,), jnp.float32)
            e0, o0, e1, o1 = lax.fori_loop(
                0, L, acc_l, (zf, zf, zf, zf), unroll=10)
            r = j * CH + c
            acc_v[r, pl.ds(0, LANES)] = e0
            acc_v[r, pl.ds(LANES, LANES)] = o0
            acc_v[r, pl.ds(2 * LANES, LANES)] = e1
            acc_v[r, pl.ds(3 * LANES, LANES)] = o1

    for b in range(NBUF):
        start(b, b)

    def stream_body(jj, carry):
        for b in range(NBUF):
            j = jj * NBUF + b
            wait(j, b)
            accumulate(j, bufs[b])
            nxt = jnp.minimum(j + NBUF, NSTREAM - 1)

            @pl.when(j + NBUF < NSTREAM)
            def _():
                start(nxt, b)
        return carry

    lax.fori_loop(0, NSTREAM // NBUF, stream_body, 0, unroll=False)

    lane = lax.iota(jnp.int32, LANES)
    half_lo = lax.shift_right_logical(lane, 1)
    half_hi = half_lo + jnp.int32(8)
    is_even = lax.eq(jnp.bitwise_and(lane, 1), jnp.int32(0))

    def interleave(e, o, hi):
        idx = half_hi if hi else half_lo
        return jnp.where(is_even, _lane_shuffle(e, idx), _lane_shuffle(o, idx))

    def norm_body(r, carry):
        e0 = acc_v[r, pl.ds(0, LANES)]
        o0 = acc_v[r, pl.ds(LANES, LANES)]
        e1 = acc_v[r, pl.ds(2 * LANES, LANES)]
        o1 = acc_v[r, pl.ds(3 * LANES, LANES)]
        v = e0 * e0 + o0 * o0 + e1 * e1 + o1 * o1
        sv = jnp.maximum(_allsum16(v), jnp.float32(1e-24))
        y = _rsqrt16(sv)
        e0, o0, e1, o1 = e0 * y, o0 * y, e1 * y, o1 * y
        out_v[r, pl.ds(0, LANES)] = interleave(e0, o0, False)
        out_v[r, pl.ds(LANES, LANES)] = interleave(e0, o0, True)
        out_v[r, pl.ds(2 * LANES, LANES)] = interleave(e1, o1, False)
        out_v[r, pl.ds(3 * LANES, LANES)] = interleave(e1, o1, True)
        return carry

    lax.fori_loop(0, BPW, norm_body, 0, unroll=False)

    pltpu.sync_copy(out_v, out_hbm.at[pl.ds(wid * BPW, BPW)])


@jax.jit
def _mean_embed(idx_blocks, table_words):
    mesh = plsc.VectorSubcoreMesh(core_axis_name="c", subcore_axis_name="s")
    f = pl.kernel(
        _sc_body,
        out_type=jax.ShapeDtypeStruct((B, D), jnp.float32),
        mesh=mesh,
        compiler_params=pltpu.CompilerParams(use_tc_tiling_on_sc=False),
        scratch_types=(
            [pltpu.VMEM((BPW * L,), jnp.int32),
             pltpu.VMEM((IDXBUF,), jnp.int32)]
            + [pltpu.VMEM((IDX_PAD, DW), jnp.int32) for _ in range(NBUF)]
            + [pltpu.VMEM((BPW, D), jnp.float32),
               pltpu.VMEM((BPW, D), jnp.float32)]
            + [pltpu.SemaphoreType.DMA for _ in range(NBUF)]
        ),
    )
    return f(idx_blocks, table_words)


def kernel(text_idxs, text_len, embedding_table):
    del text_len
    idx = text_idxs.astype(jnp.int32).reshape(NW, BPW * L)
    table_words = lax.bitcast_convert_type(
        embedding_table.astype(jnp.bfloat16).reshape(V, DW, 2), jnp.int32)
    return _mean_embed(idx, table_words)

# --- scband reference (transcript-rebuilt; emitter-appended) ---
"""Pipeline reference for scband-mean-embedding-interface-8813272892038 (READ-ONLY COPY).

The authoritative reference and input builder live on the scoring server;
editing this copy changes nothing except your own understanding.
"""

import jax, jax.numpy as jnp
import numpy as np


def setup_inputs(seed: int = 0) -> dict:
    key = jax.random.key(seed)
    k1, k2, k3 = jax.random.split(key, 3)
    text_idxs = jax.random.randint(k1, (4096, 50), 0, 100000, dtype=jnp.int64 if jax.config.jax_enable_x64 else jnp.int32)
    text_len = jax.random.randint(k2, (4096,), 0, 50, dtype=jnp.int64 if jax.config.jax_enable_x64 else jnp.int32)
    embedding_table = jax.random.normal(k3, (100000, 64), dtype=jnp.float32)
    return {"text_idxs": text_idxs, "text_len": text_len, "embedding_table": embedding_table}


def reference(text_idxs, text_len, embedding_table):
    # emb = self.embedding(text_idxs)  -> gather rows from frozen table
    emb = jnp.take(embedding_table, text_idxs, axis=0)  # [B, L, D]
    # emb = torch.sum(emb, dim=1)
    emb = jnp.sum(emb, axis=1)  # [B, D]
    # emb = F.normalize(emb, dim=1)  (L2, eps=1e-12)
    norm = jnp.linalg.norm(emb, ord=2, axis=1, keepdims=True)
    norm = jnp.maximum(norm, 1e-12)
    return emb / norm

if __name__ == "__main__":
    import jax
    _d = setup_inputs()
    print(jax.jit(kernel)(*tuple(_d.values())))

</pallas_src>

<mosaic_0001>
#map = affine_map<(d0, d1) -> (0, 0)>
module attributes {stable_mosaic.version = 14 : i64} {
  func.func @_sc_body(%arg0: i32, %arg1: i32, %arg2: memref<32x6400xi32, #tpu.memory_space<hbm>>, %arg3: memref<100000x32xi32, #tpu.memory_space<hbm>>, %arg4: memref<4096x64xf32, #tpu.memory_space<hbm>>, %arg5: memref<6400xi32, #tpu.memory_space<vmem>>, %arg6: memref<6672xi32, #tpu.memory_space<vmem>>, %arg7: memref<104x32xi32, #tpu.memory_space<vmem>>, %arg8: memref<104x32xi32, #tpu.memory_space<vmem>>, %arg9: memref<104x32xi32, #tpu.memory_space<vmem>>, %arg10: memref<104x32xi32, #tpu.memory_space<vmem>>, %arg11: memref<128x64xf32, #tpu.memory_space<vmem>>, %arg12: memref<128x64xf32, #tpu.memory_space<vmem>>, %arg13: memref<!tpu.dma_semaphore, #tpu.memory_space<semaphore_mem>>, %arg14: memref<!tpu.dma_semaphore, #tpu.memory_space<semaphore_mem>>, %arg15: memref<!tpu.dma_semaphore, #tpu.memory_space<semaphore_mem>>, %arg16: memref<!tpu.dma_semaphore, #tpu.memory_space<semaphore_mem>>) attributes {dimension_semantics = [#tpu.dimension_semantics<core_parallel>, #tpu.dimension_semantics<subcore_parallel>], iteration_bounds = array<i64: 2, 16>, scalar_prefetch = 0 : i64, scratch_operands = 12 : i64, tpu.core_type = #tpu.core_type<sc_vector_subcore>, window_params = [{transform_indices = #map}, {transform_indices = #map}, {transform_indices = #map}]} {
    %mul3A = arith.constant 2 : i32
    %mul3A_0 = arith.muli %arg1, %mul3A : i32
    %add3A = arith.addi %mul3A_0, %arg0 : i32
    "tpu.region"() ({
      %run_scoped3A = tpu.sem_alloc : memref<!tpu.dma_semaphore, #tpu.memory_space<semaphore_mem>>
      %dma_start3A_49 = arith.constant 0 : i32
      %dma_start3A_50 = tpu.memref_slice %arg2[%add3A, %dma_start3A_49] : memref<32x6400xi32, #tpu.memory_space<hbm>> -> memref<1x6400xi32, #tpu.memory_space<hbm>>
      %dma_start3A_51 = tpu.memref_squeeze %dma_start3A_50 : memref<1x6400xi32, #tpu.memory_space<hbm>> -> memref<6400xi32, #tpu.memory_space<hbm>>
      %dma_start3A_52 = arith.constant 0 : i32
      %dma_start3A_53 = tpu.memref_slice %arg2[%add3A, %dma_start3A_52] : memref<32x6400xi32, #tpu.memory_space<hbm>> -> memref<1x6400xi32, #tpu.memory_space<hbm>>
      %dma_start3A_54 = tpu.memref_squeeze %dma_start3A_53 : memref<1x6400xi32, #tpu.memory_space<hbm>> -> memref<6400xi32, #tpu.memory_space<hbm>>
      tpu.enqueue_dma source(%dma_start3A_54 : memref<6400xi32, #tpu.memory_space<hbm>>) target(%arg5 : memref<6400xi32, #tpu.memory_space<vmem>>) target_semaphore(%run_scoped3A : memref<!tpu.dma_semaphore, #tpu.memory_space<semaphore_mem>>)
      %dma_wait3A = arith.constant 0 : i32
      %dma_wait3A_55 = tpu.memref_slice %arg2[%add3A, %dma_wait3A] : memref<32x6400xi32, #tpu.memory_space<hbm>> -> memref<1x6400xi32, #tpu.memory_space<hbm>>
      %dma_wait3A_56 = tpu.memref_squeeze %dma_wait3A_55 : memref<1x6400xi32, #tpu.memory_space<hbm>> -> memref<6400xi32, #tpu.memory_space<hbm>>
      %dma_wait3A_57 = arith.constant 0 : i32
      %dma_wait3A_58 = tpu.memref_slice %arg2[%add3A, %dma_wait3A_57] : memref<32x6400xi32, #tpu.memory_space<hbm>> -> memref<1x6400xi32, #tpu.memory_space<hbm>>
      %dma_wait3A_59 = tpu.memref_squeeze %dma_wait3A_58 : memref<1x6400xi32, #tpu.memory_space<hbm>> -> memref<6400xi32, #tpu.memory_space<hbm>>
      tpu.wait_dma2 semaphore(%run_scoped3A : memref<!tpu.dma_semaphore, #tpu.memory_space<semaphore_mem>>) src(%dma_wait3A_59 : memref<6400xi32, #tpu.memory_space<hbm>>) dst(%arg5 : memref<6400xi32, #tpu.memory_space<vmem>>)
      tpu.yield
    }) : () -> ()
    %broadcast_in_dim3A = arith.constant 0 : i32
    %broadcast_in_dim3A_1 = vector.broadcast %broadcast_in_dim3A : i32 to vector<16xi32>
    %scan3A = arith.constant 0 : i32
    %scan3A_2 = arith.constant 0 : i32
    %scan3A_3 = arith.constant 64 : i32
    %scan3A_4 = arith.addi %scan3A_2, %scan3A_3 : i32
    %scan3A_5 = arith.constant 1 : i32
    scf.for %scan3A_49 = %scan3A_2 to %scan3A_4 step %scan3A_5  : i32 {
      %mul3A_50 = arith.constant 104 : i32
      %mul3A_51 = arith.muli %scan3A_49, %mul3A_50 : i32
      %mul3A_52 = arith.constant 100 : i32
      %mul3A_53 = arith.muli %scan3A_49, %mul3A_52 : i32
      %add3A_54 = arith.constant 96 : i32
      %add3A_55 = arith.addi %mul3A_51, %add3A_54 : i32
      %swap3A = arith.index_cast %add3A_55 : i32 to index
      %swap3A_56 = tpu.vector_load %arg6[%swap3A] {strides = array<i32>} : memref<6672xi32, #tpu.memory_space<vmem>>, vector<16xi32>,
      %swap3A_57 = vector.shape_cast %swap3A_56 : vector<16xi32> to vector<16xi32>
      %swap3A_58 = vector.shape_cast %broadcast_in_dim3A_1 : vector<16xi32> to vector<16xi32>
      tpu.vector_store %arg6[%swap3A], %swap3A_58 {strides = array<i32>} : memref<6672xi32, #tpu.memory_space<vmem>>, vector<16xi32>,
      %add3A_59 = arith.constant 0 : i32
      %add3A_60 = arith.addi %mul3A_53, %add3A_59 : i32
      %get3A = arith.index_cast %add3A_60 : i32 to index
      %get3A_61 = tpu.vector_load %arg5[%get3A] {strides = array<i32>} : memref<6400xi32, #tpu.memory_space<vmem>>, vector<16xi32>,
      %get3A_62 = vector.shape_cast %get3A_61 : vector<16xi32> to vector<16xi32>
      %add3A_63 = arith.constant 0 : i32
      %add3A_64 = arith.addi %mul3A_51, %add3A_63 : i32
      %swap3A_65 = arith.index_cast %add3A_64 : i32 to index
      %swap3A_66 = tpu.vector_load %arg6[%swap3A_65] {strides = array<i32>} : memref<6672xi32, #tpu.memory_space<vmem>>, vector<16xi32>,
      %swap3A_67 = vector.shape_cast %swap3A_66 : vector<16xi32> to vector<16xi32>
      %swap3A_68 = vector.shape_cast %get3A_62 : vector<16xi32> to vector<16xi32>
      tpu.vector_store %arg6[%swap3A_65], %swap3A_68 {strides = array<i32>} : memref<6672xi32, #tpu.memory_space<vmem>>, vector<16xi32>,
      %add3A_69 = arith.constant 16 : i32
      %add3A_70 = arith.addi %mul3A_53, %add3A_69 : i32
      %get3A_71 = arith.index_cast %add3A_70 : i32 to index
      %get3A_72 = tpu.vector_load %arg5[%get3A_71] {strides = array<i32>} : memref<6400xi32, #tpu.memory_space<vmem>>, vector<16xi32>,
      %get3A_73 = vector.shape_cast %get3A_72 : vector<16xi32> to vector<16xi32>
      %add3A_74 = arith.constant 16 : i32
      %add3A_75 = arith.addi %mul3A_51, %add3A_74 : i32
      %swap3A_76 = arith.index_cast %add3A_75 : i32 to index
      %swap3A_77 = tpu.vector_load %arg6[%swap3A_76] {strides = array<i32>} : memref<6672xi32, #tpu.memory_space<vmem>>, vector<16xi32>,
      %swap3A_78 = vector.shape_cast %swap3A_77 : vector<16xi32> to vector<16xi32>
      %swap3A_79 = vector.shape_cast %get3A_73 : vector<16xi32> to vector<16xi32>
      tpu.vector_store %arg6[%swap3A_76], %swap3A_79 {strides = array<i32>} : memref<6672xi32, #tpu.memory_space<vmem>>, vector<16xi32>,
      %add3A_80 = arith.constant 32 : i32
      %add3A_81 = arith.addi %mul3A_53, %add3A_80 : i32
      %get3A_82 = arith.index_cast %add3A_81 : i32 to index
      %get3A_83 = tpu.vector_load %arg5[%get3A_82] {strides = array<i32>} : memref<6400xi32, #tpu.memory_space<vmem>>, vector<16xi32>,
      %get3A_84 = vector.shape_cast %get3A_83 : vector<16xi32> to vector<16xi32>
      %add3A_85 = arith.constant 32 : i32
      %add3A_86 = arith.addi %mul3A_51, %add3A_85 : i32
      %swap3A_87 = arith.index_cast %add3A_86 : i32 to index
      %swap3A_88 = tpu.vector_load %arg6[%swap3A_87] {strides = array<i32>} : memref<6672xi32, #tpu.memory_space<vmem>>, vector<16xi32>,
      %swap3A_89 = vector.shape_cast %swap3A_88 : vector<16xi32> to vector<16xi32>
      %swap3A_90 = vector.shape_cast %get3A_84 : vector<16xi32> to vector<16xi32>
      tpu.vector_store %arg6[%swap3A_87], %swap3A_90 {strides = array<i32>} : memref<6672xi32, #tpu.memory_space<vmem>>, vector<16xi32>,
      %add3A_91 = arith.constant 48 : i32
      %add3A_92 = arith.addi %mul3A_53, %add3A_91 : i32
      %get3A_93 = arith.index_cast %add3A_92 : i32 to index
      %get3A_94 = tpu.vector_load %arg5[%get3A_93] {strides = array<i32>} : memref<6400xi32, #tpu.memory_space<vmem>>, vector<16xi32>,
      %get3A_95 = vector.shape_cast %get3A_94 : vector<16xi32> to vector<16xi32>
      %add3A_96 = arith.constant 48 : i32
      %add3A_97 = arith.addi %mul3A_51, %add3A_96 : i32
      %swap3A_98 = arith.index_cast %add3A_97 : i32 to index
      %swap3A_99 = tpu.vector_load %arg6[%swap3A_98] {strides = array<i32>} : memref<6672xi32, #tpu.memory_space<vmem>>, vector<16xi32>,
      %swap3A_100 = vector.shape_cast %swap3A_99 : vector<16xi32> to vector<16xi32>
      %swap3A_101 = vector.shape_cast %get3A_95 : vector<16xi32> to vector<16xi32>
      tpu.vector_store %arg6[%swap3A_98], %swap3A_101 {strides = array<i32>} : memref<6672xi32, #tpu.memory_space<vmem>>, vector<16xi32>,
      %add3A_102 = arith.constant 64 : i32
      %add3A_103 = arith.addi %mul3A_53, %add3A_102 : i32
      %get3A_104 = arith.index_cast %add3A_103 : i32 to index
      %get3A_105 = tpu.vector_load %arg5[%get3A_104] {strides = array<i32>} : memref<6400xi32, #tpu.memory_space<vmem>>, vector<16xi32>,
      %get3A_106 = vector.shape_cast %get3A_105 : vector<16xi32> to vector<16xi32>
      %add3A_107 = arith.constant 64 : i32
      %add3A_108 = arith.addi %mul3A_51, %add3A_107 : i32
      %swap3A_109 = arith.index_cast %add3A_108 : i32 to index
      %swap3A_110 = tpu.vector_load %arg6[%swap3A_109] {strides = array<i32>} : memref<6672xi32, #tpu.memory_space<vmem>>, vector<16xi32>,
      %swap3A_111 = vector.shape_cast %swap3A_110 : vector<16xi32> to vector<16xi32>
      %swap3A_112 = vector.shape_cast %get3A_106 : vector<16xi32> to vector<16xi32>
      tpu.vector_store %arg6[%swap3A_109], %swap3A_112 {strides = array<i32>} : memref<6672xi32, #tpu.memory_space<vmem>>, vector<16xi32>,
      %add3A_113 = arith.constant 80 : i32
      %add3A_114 = arith.addi %mul3A_53, %add3A_113 : i32
      %get3A_115 = arith.index_cast %add3A_114 : i32 to index
      %get3A_116 = tpu.vector_load %arg5[%get3A_115] {strides = array<i32>} : memref<6400xi32, #tpu.memory_space<vmem>>, vector<16xi32>,
      %get3A_117 = vector.shape_cast %get3A_116 : vector<16xi32> to vector<16xi32>
      %add3A_118 = arith.constant 80 : i32
      %add3A_119 = arith.addi %mul3A_51, %add3A_118 : i32
      %swap3A_120 = arith.index_cast %add3A_119 : i32 to index
      %swap3A_121 = tpu.vector_load %arg6[%swap3A_120] {strides = array<i32>} : memref<6672xi32, #tpu.memory_space<vmem>>, vector<16xi32>,
      %swap3A_122 = vector.shape_cast %swap3A_121 : vector<16xi32> to vector<16xi32>
      %swap3A_123 = vector.shape_cast %get3A_117 : vector<16xi32> to vector<16xi32>
      tpu.vector_store %arg6[%swap3A_120], %swap3A_123 {strides = array<i32>} : memref<6672xi32, #tpu.memory_space<vmem>>, vector<16xi32>,
      %add3A_124 = arith.constant 84 : i32
      %add3A_125 = arith.addi %mul3A_53, %add3A_124 : i32
      %get3A_126 = arith.index_cast %add3A_125 : i32 to index
      %get3A_127 = tpu.vector_load %arg5[%get3A_126] {strides = array<i32>} : memref<6400xi32, #tpu.memory_space<vmem>>, vector<16xi32>,
      %get3A_128 = vector.shape_cast %get3A_127 : vector<16xi32> to vector<16xi32>
      %add3A_129 = arith.constant 84 : i32
      %add3A_130 = arith.addi %mul3A_51, %add3A_129 : i32
      %swap3A_131 = arith.index_cast %add3A_130 : i32 to index
      %swap3A_132 = tpu.vector_load %arg6[%swap3A_131] {strides = array<i32>} : memref<6672xi32, #tpu.memory_space<vmem>>, vector<16xi32>,
      %swap3A_133 = vector.shape_cast %swap3A_132 : vector<16xi32> to vector<16xi32>
      %swap3A_134 = vector.shape_cast %get3A_128 : vector<16xi32> to vector<16xi32>
      tpu.vector_store %arg6[%swap3A_131], %swap3A_134 {strides = array<i32>} : memref<6672xi32, #tpu.memory_space<vmem>>, vector<16xi32>,
    }
    %scan3A_6 = arith.constant 64 : i32
    %dma_start3A = arith.constant 0 : i32
    %dma_start3A_7 = tpu.memref_slice %arg6[%dma_start3A] : memref<6672xi32, #tpu.memory_space<vmem>> -> memref<104xi32, #tpu.memory_space<vmem>>
    %dma_start3A_8 = arith.constant 0 : i32
    %dma_start3A_9 = arith.constant 0 : i32
    %dma_start3A_10 = tpu.memref_slice %arg3[%dma_start3A_8, %dma_start3A_9] : memref<100000x32xi32, #tpu.memory_space<hbm>> -> memref<100000x32xi32, #tpu.memory_space<hbm>>
    tpu.enqueue_indirect_dma source(%dma_start3A_10 : memref<100000x32xi32, #tpu.memory_space<hbm>>) target(%arg7 : memref<104x32xi32, #tpu.memory_space<vmem>>) offsets(%dma_start3A_7 : memref<104xi32, #tpu.memory_space<vmem>>) semaphore(%arg13 : memref<!tpu.dma_semaphore, #tpu.memory_space<semaphore_mem>>)
    %dma_start3A_11 = arith.constant 104 : i32
    %dma_start3A_12 = tpu.memref_slice %arg6[%dma_start3A_11] : memref<6672xi32, #tpu.memory_space<vmem>> -> memref<104xi32, #tpu.memory_space<vmem>>
    %dma_start3A_13 = arith.constant 0 : i32
    %dma_start3A_14 = arith.constant 0 : i32
    %dma_start3A_15 = tpu.memref_slice %arg3[%dma_start3A_13, %dma_start3A_14] : memref<100000x32xi32, #tpu.memory_space<hbm>> -> memref<100000x32xi32, #tpu.memory_space<hbm>>
    tpu.enqueue_indirect_dma source(%dma_start3A_15 : memref<100000x32xi32, #tpu.memory_space<hbm>>) target(%arg8 : memref<104x32xi32, #tpu.memory_space<vmem>>) offsets(%dma_start3A_12 : memref<104xi32, #tpu.memory_space<vmem>>) semaphore(%arg14 : memref<!tpu.dma_semaphore, #tpu.memory_space<semaphore_mem>>)
    %dma_start3A_16 = arith.constant 208 : i32
    %dma_start3A_17 = tpu.memref_slice %arg6[%dma_start3A_16] : memref<6672xi32, #tpu.memory_space<vmem>> -> memref<104xi32, #tpu.memory_space<vmem>>
    %dma_start3A_18 = arith.constant 0 : i32
    %dma_start3A_19 = arith.constant 0 : i32
    %dma_start3A_20 = tpu.memref_slice %arg3[%dma_start3A_18, %dma_start3A_19] : memref<100000x32xi32, #tpu.memory_space<hbm>> -> memref<100000x32xi32, #tpu.memory_space<hbm>>
    tpu.enqueue_indirect_dma source(%dma_start3A_20 : memref<100000x32xi32, #tpu.memory_space<hbm>>) target(%arg9 : memref<104x32xi32, #tpu.memory_space<vmem>>) offsets(%dma_start3A_17 : memref<104xi32, #tpu.memory_space<vmem>>) semaphore(%arg15 : memref<!tpu.dma_semaphore, #tpu.memory_space<semaphore_mem>>)
    %dma_start3A_21 = arith.constant 312 : i32
    %dma_start3A_22 = tpu.memref_slice %arg6[%dma_start3A_21] : memref<6672xi32, #tpu.memory_space<vmem>> -> memref<104xi32, #tpu.memory_space<vmem>>
    %dma_start3A_23 = arith.constant 0 : i32
    %dma_start3A_24 = arith.constant 0 : i32
    %dma_start3A_25 = tpu.memref_slice %arg3[%dma_start3A_23, %dma_start3A_24] : memref<100000x32xi32, #tpu.memory_space<hbm>> -> memref<100000x32xi32, #tpu.memory_space<hbm>>
    tpu.enqueue_indirect_dma source(%dma_start3A_25 : memref<100000x32xi32, #tpu.memory_space<hbm>>) target(%arg10 : memref<104x32xi32, #tpu.memory_space<vmem>>) offsets(%dma_start3A_22 : memref<104xi32, #tpu.memory_space<vmem>>) semaphore(%arg16 : memref<!tpu.dma_semaphore, #tpu.memory_space<semaphore_mem>>)
    %scan3A_26 = arith.constant 0 : i32
    %scan3A_27 = arith.constant 0 : i32
    %scan3A_28 = arith.constant 16 : i32
    %scan3A_29 = arith.addi %scan3A_27, %scan3A_28 : i32
    %scan3A_30 = arith.constant 1 : i32
    scf.for %scan3A_49 = %scan3A_27 to %scan3A_29 step %scan3A_30  : i32 {
      %mul3A_50 = arith.constant 4 : i32
      %mul3A_51 = arith.muli %scan3A_49, %mul3A_50 : i32
      %add3A_52 = arith.constant 0 : i32
      %add3A_53 = arith.addi %mul3A_51, %add3A_52 : i32
      %mul3A_54 = arith.constant 104 : i32
      %mul3A_55 = arith.muli %add3A_53, %mul3A_54 : i32
      %dma_wait3A = tpu.memref_slice %arg6[%mul3A_55] : memref<6672xi32, #tpu.memory_space<vmem>> -> memref<104xi32, #tpu.memory_space<vmem>>
      %dma_wait3A_56 = arith.constant 0 : i32
      %dma_wait3A_57 = arith.constant 0 : i32
      %dma_wait3A_58 = tpu.memref_slice %arg3[%dma_wait3A_56, %dma_wait3A_57] : memref<100000x32xi32, #tpu.memory_space<hbm>> -> memref<100000x32xi32, #tpu.memory_space<hbm>>
      tpu.wait_indirect_dma semaphore(%arg13 : memref<!tpu.dma_semaphore, #tpu.memory_space<semaphore_mem>>) src(%dma_wait3A_58 : memref<100000x32xi32, #tpu.memory_space<hbm>>) dst(%arg7 : memref<104x32xi32, #tpu.memory_space<vmem>>)
      %broadcast_in_dim3A_59 = arith.constant 0.000000e+00 : f32
      %broadcast_in_dim3A_60 = vector.broadcast %broadcast_in_dim3A_59 : f32 to vector<16xf32>
      %scan3A_61 = arith.constant 0 : i32
      %scan3A_62 = arith.constant 50 : i32
      %scan3A_63 = arith.addi %scan3A_61, %scan3A_62 : i32
      %scan3A_64 = arith.constant 10 : i32
      %scan3A_65:4 = scf.for %scan3A_384 = %scan3A_61 to %scan3A_63 step %scan3A_64 iter_args(%scan3A_385 = %broadcast_in_dim3A_60, %scan3A_386 = %broadcast_in_dim3A_60, %scan3A_387 = %broadcast_in_dim3A_60, %scan3A_388 = %broadcast_in_dim3A_60) -> (vector<16xf32>, vector<16xf32>, vector<16xf32>, vector<16xf32>)  : i32 {
        %add3A_389 = arith.constant 0 : i32
        %add3A_390 = arith.addi %add3A_389, %scan3A_384 : i32
        %get3A = arith.index_cast %add3A_390 : i32 to index
        %get3A_391 = arith.constant 0 : index
        %get3A_392 = tpu.vector_load %arg7[%get3A, %get3A_391] {strides = array<i32>} : memref<104x32xi32, #tpu.memory_space<vmem>>, vector<1x16xi32>,
        %get3A_393 = vector.shape_cast %get3A_392 : vector<1x16xi32> to vector<16xi32>
        %add3A_394 = arith.constant 0 : i32
        %add3A_395 = arith.addi %add3A_394, %scan3A_384 : i32
        %get3A_396 = arith.index_cast %add3A_395 : i32 to index
        %get3A_397 = arith.constant 16 : index
        %get3A_398 = tpu.vector_load %arg7[%get3A_396, %get3A_397] {strides = array<i32>} : memref<104x32xi32, #tpu.memory_space<vmem>>, vector<1x16xi32>,
        %get3A_399 = vector.shape_cast %get3A_398 : vector<1x16xi32> to vector<16xi32>
        %broadcast_in_dim3A_400 = arith.constant -65536 : i32
        %broadcast_in_dim3A_401 = vector.broadcast %broadcast_in_dim3A_400 : i32 to vector<16xi32>
        %shift_left3A = arith.constant 16 : i32
        %shift_left3A_402 = vector.broadcast %shift_left3A : i32 to vector<16xi32>
        %shift_left3A_403 = arith.shli %get3A_393, %shift_left3A_402 : vector<16xi32>
        %bitcast_convert_type3A = tpu.bitcast %shift_left3A_403 : vector<16xi32> -> vector<16xf32>
        %and3A_404 = arith.andi %get3A_393, %broadcast_in_dim3A_401 : vector<16xi32>
        %bitcast_convert_type3A_405 = tpu.bitcast %and3A_404 : vector<16xi32> -> vector<16xf32>
        %broadcast_in_dim3A_406 = arith.constant -65536 : i32
        %broadcast_in_dim3A_407 = vector.broadcast %broadcast_in_dim3A_406 : i32 to vector<16xi32>
        %shift_left3A_408 = arith.constant 16 : i32
        %shift_left3A_409 = vector.broadcast %shift_left3A_408 : i32 to vector<16xi32>
        %shift_left3A_410 = arith.shli %get3A_399, %shift_left3A_409 : vector<16xi32>
        %bitcast_convert_type3A_411 = tpu.bitcast %shift_left3A_410 : vector<16xi32> -> vector<16xf32>
        %and3A_412 = arith.andi %get3A_399, %broadcast_in_dim3A_407 : vector<16xi32>
        %bitcast_convert_type3A_413 = tpu.bitcast %and3A_412 : vector<16xi32> -> vector<16xf32>
        %add3A_414 = arith.addf %scan3A_385, %bitcast_convert_type3A : vector<16xf32>
        %add3A_415 = arith.addf %scan3A_386, %bitcast_convert_type3A_405 : vector<16xf32>
        %add3A_416 = arith.addf %scan3A_387, %bitcast_convert_type3A_411 : vector<16xf32>
        %add3A_417 = arith.addf %scan3A_388, %bitcast_convert_type3A_413 : vector<16xf32>
        %scan3A_418 = arith.constant 1 : i32
        %scan3A_419 = arith.addi %scan3A_384, %scan3A_418 : i32
        %add3A_420 = arith.constant 0 : i32
        %add3A_421 = arith.addi %add3A_420, %scan3A_419 : i32
        %get3A_422 = arith.index_cast %add3A_421 : i32 to index
        %get3A_423 = arith.constant 0 : index
        %get3A_424 = tpu.vector_load %arg7[%get3A_422, %get3A_423] {strides = array<i32>} : memref<104x32xi32, #tpu.memory_space<vmem>>, vector<1x16xi32>,
        %get3A_425 = vector.shape_cast %get3A_424 : vector<1x16xi32> to vector<16xi32>
        %add3A_426 = arith.constant 0 : i32
        %add3A_427 = arith.addi %add3A_426, %scan3A_419 : i32
        %get3A_428 = arith.index_cast %add3A_427 : i32 to index
        %get3A_429 = arith.constant 16 : index
        %get3A_430 = tpu.vector_load %arg7[%get3A_428, %get3A_429] {strides = array<i32>} : memref<104x32xi32, #tpu.memory_space<vmem>>, vector<1x16xi32>,
        %get3A_431 = vector.shape_cast %get3A_430 : vector<1x16xi32> to vector<16xi32>
        %broadcast_in_dim3A_432 = arith.constant -65536 : i32
        %broadcast_in_dim3A_433 = vector.broadcast %broadcast_in_dim3A_432 : i32 to vector<16xi32>
        %shift_left3A_434 = arith.constant 16 : i32
        %shift_left3A_435 = vector.broadcast %shift_left3A_434 : i32 to vector<16xi32>
        %shift_left3A_436 = arith.shli %get3A_425, %shift_left3A_435 : vector<16xi32>
        %bitcast_convert_type3A_437 = tpu.bitcast %shift_left3A_436 : vector<16xi32> -> vector<16xf32>
        %and3A_438 = arith.andi %get3A_425, %broadcast_in_dim3A_433 : vector<16xi32>
        %bitcast_convert_type3A_439 = tpu.bitcast %and3A_438 : vector<16xi32> -> vector<16xf32>
        %broadcast_in_dim3A_440 = arith.constant -65536 : i32
        %broadcast_in_dim3A_441 = vector.broadcast %broadcast_in_dim3A_440 : i32 to vector<16xi32>
        %shift_left3A_442 = arith.constant 16 : i32
        %shift_left3A_443 = vector.broadcast %shift_left3A_442 : i32 to vector<16xi32>
        %shift_left3A_444 = arith.shli %get3A_431, %shift_left3A_443 : vector<16xi32>
        %bitcast_convert_type3A_445 = tpu.bitcast %shift_left3A_444 : vector<16xi32> -> vector<16xf32>
        %and3A_446 = arith.andi %get3A_431, %broadcast_in_dim3A_441 : vector<16xi32>
        %bitcast_convert_type3A_447 = tpu.bitcast %and3A_446 : vector<16xi32> -> vector<16xf32>
        %add3A_448 = arith.addf %add3A_414, %bitcast_convert_type3A_437 : vector<16xf32>
        %add3A_449 = arith.addf %add3A_415, %bitcast_convert_type3A_439 : vector<16xf32>
        %add3A_450 = arith.addf %add3A_416, %bitcast_convert_type3A_445 : vector<16xf32>
        %add3A_451 = arith.addf %add3A_417, %bitcast_convert_type3A_447 : vector<16xf32>
        %scan3A_452 = arith.constant 2 : i32
        %scan3A_453 = arith.addi %scan3A_384, %scan3A_452 : i32
        %add3A_454 = arith.constant 0 : i32
        %add3A_455 = arith.addi %add3A_454, %scan3A_453 : i32
        %get3A_456 = arith.index_cast %add3A_455 : i32 to index
        %get3A_457 = arith.constant 0 : index
        %get3A_458 = tpu.vector_load %arg7[%get3A_456, %get3A_457] {strides = array<i32>} : memref<104x32xi32, #tpu.memory_space<vmem>>, vector<1x16xi32>,
        %get3A_459 = vector.shape_cast %get3A_458 : vector<1x16xi32> to vector<16xi32>
        %add3A_460 = arith.constant 0 : i32
        %add3A_461 = arith.addi %add3A_460, %scan3A_453 : i32
        %get3A_462 = arith.index_cast %add3A_461 : i32 to index
        %get3A_463 = arith.constant 16 : index
        %get3A_464 = tpu.vector_load %arg7[%get3A_462, %get3A_463] {strides = array<i32>} : memref<104x32xi32, #tpu.memory_space<vmem>>, vector<1x16xi32>,
        %get3A_465 = vector.shape_cast %get3A_464 : vector<1x16xi32> to vector<16xi32>
        %broadcast_in_dim3A_466 = arith.constant -65536 : i32
        %broadcast_in_dim3A_467 = vector.broadcast %broadcast_in_dim3A_466 : i32 to vector<16xi32>
        %shift_left3A_468 = arith.constant 16 : i32
        %shift_left3A_469 = vector.broadcast %shift_left3A_468 : i32 to vector<16xi32>
        %shift_left3A_470 = arith.shli %get3A_459, %shift_left3A_469 : vector<16xi32>
        %bitcast_convert_type3A_471 = tpu.bitcast %shift_left3A_470 : vector<16xi32> -> vector<16xf32>
        %and3A_472 = arith.andi %get3A_459, %broadcast_in_dim3A_467 : vector<16xi32>
        %bitcast_convert_type3A_473 = tpu.bitcast %and3A_472 : vector<16xi32> -> vector<16xf32>
        %broadcast_in_dim3A_474 = arith.constant -65536 : i32
        %broadcast_in_dim3A_475 = vector.broadcast %broadcast_in_dim3A_474 : i32 to vector<16xi32>
        %shift_left3A_476 = arith.constant 16 : i32
        %shift_left3A_477 = vector.broadcast %shift_left3A_476 : i32 to vector<16xi32>
        %shift_left3A_478 = arith.shli %get3A_465, %shift_left3A_477 : vector<16xi32>
        %bitcast_convert_type3A_479 = tpu.bitcast %shift_left3A_478 : vector<16xi32> -> vector<16xf32>
        %and3A_480 = arith.andi %get3A_465, %broadcast_in_dim3A_475 : vector<16xi32>
        %bitcast_convert_type3A_481 = tpu.bitcast %and3A_480 : vector<16xi32> -> vector<16xf32>
        %add3A_482 = arith.addf %add3A_448, %bitcast_convert_type3A_471 : vector<16xf32>
        %add3A_483 = arith.addf %add3A_449, %bitcast_convert_type3A_473 : vector<16xf32>
        %add3A_484 = arith.addf %add3A_450, %bitcast_convert_type3A_479 : vector<16xf32>
        %add3A_485 = arith.addf %add3A_451, %bitcast_convert_type3A_481 : vector<16xf32>
        %scan3A_486 = arith.constant 3 : i32
        %scan3A_487 = arith.addi %scan3A_384, %scan3A_486 : i32
        %add3A_488 = arith.constant 0 : i32
        %add3A_489 = arith.addi %add3A_488, %scan3A_487 : i32
        %get3A_490 = arith.index_cast %add3A_489 : i32 to index
        %get3A_491 = arith.constant 0 : index
        %get3A_492 = tpu.vector_load %arg7[%get3A_490, %get3A_491] {strides = array<i32>} : memref<104x32xi32, #tpu.memory_space<vmem>>, vector<1x16xi32>,
        %get3A_493 = vector.shape_cast %get3A_492 : vector<1x16xi32> to vector<16xi32>
        %add3A_494 = arith.constant 0 : i32
        %add3A_495 = arith.addi %add3A_494, %scan3A_487 : i32
        %get3A_496 = arith.index_cast %add3A_495 : i32 to index
        %get3A_497 = arith.constant 16 : index
        %get3A_498 = tpu.vector_load %arg7[%get3A_496, %get3A_497] {strides = array<i32>} : memref<104x32xi32, #tpu.memory_space<vmem>>, vector<1x16xi32>,
        %get3A_499 = vector.shape_cast %get3A_498 : vector<1x16xi32> to vector<16xi32>
        %broadcast_in_dim3A_500 = arith.constant -65536 : i32
        %broadcast_in_dim3A_501 = vector.broadcast %broadcast_in_dim3A_500 : i32 to vector<16xi32>
        %shift_left3A_502 = arith.constant 16 : i32
        %shift_left3A_503 = vector.broadcast %shift_left3A_502 : i32 to vector<16xi32>
        %shift_left3A_504 = arith.shli %get3A_493, %shift_left3A_503 : vector<16xi32>
        %bitcast_convert_type3A_505 = tpu.bitcast %shift_left3A_504 : vector<16xi32> -> vector<16xf32>
        %and3A_506 = arith.andi %get3A_493, %broadcast_in_dim3A_501 : vector<16xi32>
        %bitcast_convert_type3A_507 = tpu.bitcast %and3A_506 : vector<16xi32> -> vector<16xf32>
        %broadcast_in_dim3A_508 = arith.constant -65536 : i32
        %broadcast_in_dim3A_509 = vector.broadcast %broadcast_in_dim3A_508 : i32 to vector<16xi32>
        %shift_left3A_510 = arith.constant 16 : i32
        %shift_left3A_511 = vector.broadcast %shift_left3A_510 : i32 to vector<16xi32>
        %shift_left3A_512 = arith.shli %get3A_499, %shift_left3A_511 : vector<16xi32>
        %bitcast_convert_type3A_513 = tpu.bitcast %shift_left3A_512 : vector<16xi32> -> vector<16xf32>
        %and3A_514 = arith.andi %get3A_499, %broadcast_in_dim3A_509 : vector<16xi32>
        %bitcast_convert_type3A_515 = tpu.bitcast %and3A_514 : vector<16xi32> -> vector<16xf32>
        %add3A_516 = arith.addf %add3A_482, %bitcast_convert_type3A_505 : vector<16xf32>
        %add3A_517 = arith.addf %add3A_483, %bitcast_convert_type3A_507 : vector<16xf32>
        %add3A_518 = arith.addf %add3A_484, %bitcast_convert_type3A_513 : vector<16xf32>
        %add3A_519 = arith.addf %add3A_485, %bitcast_convert_type3A_515 : vector<16xf32>
        %scan3A_520 = arith.constant 4 : i32
        %scan3A_521 = arith.addi %scan3A_384, %scan3A_520 : i32
        %add3A_522 = arith.constant 0 : i32
        %add3A_523 = arith.addi %add3A_522, %scan3A_521 : i32
        %get3A_524 = arith.index_cast %add3A_523 : i32 to index
        %get3A_525 = arith.constant 0 : index
        %get3A_526 = tpu.vector_load %arg7[%get3A_524, %get3A_525] {strides = array<i32>} : memref<104x32xi32, #tpu.memory_space<vmem>>, vector<1x16xi32>,
        %get3A_527 = vector.shape_cast %get3A_526 : vector<1x16xi32> to vector<16xi32>
        %add3A_528 = arith.constant 0 : i32
        %add3A_529 = arith.addi %add3A_528, %scan3A_521 : i32
        %get3A_530 = arith.index_cast %add3A_529 : i32 to index
        %get3A_531 = arith.constant 16 : index
        %get3A_532 = tpu.vector_load %arg7[%get3A_530, %get3A_531] {strides = array<i32>} : memref<104x32xi32, #tpu.memory_space<vmem>>, vector<1x16xi32>,
        %get3A_533 = vector.shape_cast %get3A_532 : vector<1x16xi32> to vector<16xi32>
        %broadcast_in_dim3A_534 = arith.constant -65536 : i32
        %broadcast_in_dim3A_535 = vector.broadcast %broadcast_in_dim3A_534 : i32 to vector<16xi32>
        %shift_left3A_536 = arith.constant 16 : i32
        %shift_left3A_537 = vector.broadcast %shift_left3A_536 : i32 to vector<16xi32>
        %shift_left3A_538 = arith.shli %get3A_527, %shift_left3A_537 : vector<16xi32>
        %bitcast_convert_type3A_539 = tpu.bitcast %shift_left3A_538 : vector<16xi32> -> vector<16xf32>
        %and3A_540 = arith.andi %get3A_527, %broadcast_in_dim3A_535 : vector<16xi32>
        %bitcast_convert_type3A_541 = tpu.bitcast %and3A_540 : vector<16xi32> -> vector<16xf32>
        %broadcast_in_dim3A_542 = arith.constant -65536 : i32
        %broadcast_in_dim3A_543 = vector.broadcast %broadcast_in_dim3A_542 : i32 to vector<16xi32>
        %shift_left3A_544 = arith.constant 16 : i32
        %shift_left3A_545 = vector.broadcast %shift_left3A_544 : i32 to vector<16xi32>
        %shift_left3A_546 = arith.shli %get3A_533, %shift_left3A_545 : vector<16xi32>
        %bitcast_convert_type3A_547 = tpu.bitcast %shift_left3A_546 : vector<16xi32> -> vector<16xf32>
        %and3A_548 = arith.andi %get3A_533, %broadcast_in_dim3A_543 : vector<16xi32>
        %bitcast_convert_type3A_549 = tpu.bitcast %and3A_548 : vector<16xi32> -> vector<16xf32>
        %add3A_550 = arith.addf %add3A_516, %bitcast_convert_type3A_539 : vector<16xf32>
        %add3A_551 = arith.addf %add3A_517, %bitcast_convert_type3A_541 : vector<16xf32>
        %add3A_552 = arith.addf %add3A_518, %bitcast_convert_type3A_547 : vector<16xf32>
        %add3A_553 = arith.addf %add3A_519, %bitcast_convert_type3A_549 : vector<16xf32>
        %scan3A_554 = arith.constant 5 : i32
        %scan3A_555 = arith.addi %scan3A_384, %scan3A_554 : i32
        %add3A_556 = arith.constant 0 : i32
        %add3A_557 = arith.addi %add3A_556, %scan3A_555 : i32
        %get3A_558 = arith.index_cast %add3A_557 : i32 to index
        %get3A_559 = arith.constant 0 : index
        %get3A_560 = tpu.vector_load %arg7[%get3A_558, %get3A_559] {strides = array<i32>} : memref<104x32xi32, #tpu.memory_space<vmem>>, vector<1x16xi32>,
        %get3A_561 = vector.shape_cast %get3A_560 : vector<1x16xi32> to vector<16xi32>
        %add3A_562 = arith.constant 0 : i32
        %add3A_563 = arith.addi %add3A_562, %scan3A_555 : i32
        %get3A_564 = arith.index_cast %add3A_563 : i32 to index
        %get3A_565 = arith.constant 16 : index
        %get3A_566 = tpu.vector_load %arg7[%get3A_564, %get3A_565] {strides = array<i32>} : memref<104x32xi32, #tpu.memory_space<vmem>>, vector<1x16xi32>,
        %get3A_567 = vector.shape_cast %get3A_566 : vector<1x16xi32> to vector<16xi32>
        %broadcast_in_dim3A_568 = arith.constant -65536 : i32
        %broadcast_in_dim3A_569 = vector.broadcast %broadcast_in_dim3A_568 : i32 to vector<16xi32>
        %shift_left3A_570 = arith.constant 16 : i32
        %shift_left3A_571 = vector.broadcast %shift_left3A_570 : i32 to vector<16xi32>
        %shift_left3A_572 = arith.shli %get3A_561, %shift_left3A_571 : vector<16xi32>
        %bitcast_convert_type3A_573 = tpu.bitcast %shift_left3A_572 : vector<16xi32> -> vector<16xf32>
        %and3A_574 = arith.andi %get3A_561, %broadcast_in_dim3A_569 : vector<16xi32>
        %bitcast_convert_type3A_575 = tpu.bitcast %and3A_574 : vector<16xi32> -> vector<16xf32>
        %broadcast_in_dim3A_576 = arith.constant -65536 : i32
        %broadcast_in_dim3A_577 = vector.broadcast %broadcast_in_dim3A_576 : i32 to vector<16xi32>
        %shift_left3A_578 = arith.constant 16 : i32
        %shift_left3A_579 = vector.broadcast %shift_left3A_578 : i32 to vector<16xi32>
        %shift_left3A_580 = arith.shli %get3A_567, %shift_left3A_579 : vector<16xi32>
        %bitcast_convert_type3A_581 = tpu.bitcast %shift_left3A_580 : vector<16xi32> -> vector<16xf32>
        %and3A_582 = arith.andi %get3A_567, %broadcast_in_dim3A_577 : vector<16xi32>
        %bitcast_convert_type3A_583 = tpu.bitcast %and3A_582 : vector<16xi32> -> vector<16xf32>
        %add3A_584 = arith.addf %add3A_550, %bitcast_convert_type3A_573 : vector<16xf32>
        %add3A_585 = arith.addf %add3A_551, %bitcast_convert_type3A_575 : vector<16xf32>
        %add3A_586 = arith.addf %add3A_552, %bitcast_convert_type3A_581 : vector<16xf32>
        %add3A_587 = arith.addf %add3A_553, %bitcast_convert_type3A_583 : vector<16xf32>
        %scan3A_588 = arith.constant 6 : i32
        %scan3A_589 = arith.addi %scan3A_384, %scan3A_588 : i32
        %add3A_590 = arith.constant 0 : i32
        %add3A_591 = arith.addi %add3A_590, %scan3A_589 : i32
        %get3A_592 = arith.index_cast %add3A_591 : i32 to index
        %get3A_593 = arith.constant 0 : index
        %get3A_594 = tpu.vector_load %arg7[%get3A_592, %get3A_593] {strides = array<i32>} : memref<104x32xi32, #tpu.memory_space<vmem>>, vector<1x16xi32>,
        %get3A_595 = vector.shape_cast %get3A_594 : vector<1x16xi32> to vector<16xi32>
        %add3A_596 = arith.constant 0 : i32
        %add3A_597 = arith.addi %add3A_596, %scan3A_589 : i32
        %get3A_598 = arith.index_cast %add3A_597 : i32 to index
        %get3A_599 = arith.constant 16 : index
        %get3A_600 = tpu.vector_load %arg7[%get3A_598, %get3A_599] {strides = array<i32>} : memref<104x32xi32, #tpu.memory_space<vmem>>, vector<1x16xi32>,
        %get3A_601 = vector.shape_cast %get3A_600 : vector<1x16xi32> to vector<16xi32>
        %broadcast_in_dim3A_602 = arith.constant -65536 : i32
        %broadcast_in_dim3A_603 = vector.broadcast %broadcast_in_dim3A_602 : i32 to vector<16xi32>
        %shift_left3A_604 = arith.constant 16 : i32
        %shift_left3A_605 = vector.broadcast %shift_left3A_604 : i32 to vector<16xi32>
        %shift_left3A_606 = arith.shli %get3A_595, %shift_left3A_605 : vector<16xi32>
        %bitcast_convert_type3A_607 = tpu.bitcast %shift_left3A_606 : vector<16xi32> -> vector<16xf32>
        %and3A_608 = arith.andi %get3A_595, %broadcast_in_dim3A_603 : vector<16xi32>
        %bitcast_convert_type3A_609 = tpu.bitcast %and3A_608 : vector<16xi32> -> vector<16xf32>
        %broadcast_in_dim3A_610 = arith.constant -65536 : i32
        %broadcast_in_dim3A_611 = vector.broadcast %broadcast_in_dim3A_610 : i32 to vector<16xi32>
        %shift_left3A_612 = arith.constant 16 : i32
        %shift_left3A_613 = vector.broadcast %shift_left3A_612 : i32 to vector<16xi32>
        %shift_left3A_614 = arith.shli %get3A_601, %shift_left3A_613 : vector<16xi32>
        %bitcast_convert_type3A_615 = tpu.bitcast %shift_left3A_614 : vector<16xi32> -> vector<16xf32>
        %and3A_616 = arith.andi %get3A_601, %broadcast_in_dim3A_611 : vector<16xi32>
        %bitcast_convert_type3A_617 = tpu.bitcast %and3A_616 : vector<16xi32> -> vector<16xf32>
        %add3A_618 = arith.addf %add3A_584, %bitcast_convert_type3A_607 : vector<16xf32>
        %add3A_619 = arith.addf %add3A_585, %bitcast_convert_type3A_609 : vector<16xf32>
        %add3A_620 = arith.addf %add3A_586, %bitcast_convert_type3A_615 : vector<16xf32>
        %add3A_621 = arith.addf %add3A_587, %bitcast_convert_type3A_617 : vector<16xf32>
        %scan3A_622 = arith.constant 7 : i32
        %scan3A_623 = arith.addi %scan3A_384, %scan3A_622 : i32
        %add3A_624 = arith.constant 0 : i32
        %add3A_625 = arith.addi %add3A_624, %scan3A_623 : i32
        %get3A_626 = arith.index_cast %add3A_625 : i32 to index
        %get3A_627 = arith.constant 0 : index
        %get3A_628 = tpu.vector_load %arg7[%get3A_626, %get3A_627] {strides = array<i32>} : memref<104x32xi32, #tpu.memory_space<vmem>>, vector<1x16xi32>,
        %get3A_629 = vector.shape_cast %get3A_628 : vector<1x16xi32> to vector<16xi32>
        %add3A_630 = arith.constant 0 : i32
        %add3A_631 = arith.addi %add3A_630, %scan3A_623 : i32
        %get3A_632 = arith.index_cast %add3A_631 : i32 to index
        %get3A_633 = arith.constant 16 : index
        %get3A_634 = tpu.vector_load %arg7[%get3A_632, %get3A_633] {strides = array<i32>} : memref<104x32xi32, #tpu.memory_space<vmem>>, vector<1x16xi32>,
        %get3A_635 = vector.shape_cast %get3A_634 : vector<1x16xi32> to vector<16xi32>
        %broadcast_in_dim3A_636 = arith.constant -65536 : i32
        %broadcast_in_dim3A_637 = vector.broadcast %broadcast_in_dim3A_636 : i32 to vector<16xi32>
        %shift_left3A_638 = arith.constant 16 : i32
        %shift_left3A_639 = vector.broadcast %shift_left3A_638 : i32 to vector<16xi32>
        %shift_left3A_640 = arith.shli %get3A_629, %shift_left3A_639 : vector<16xi32>
        %bitcast_convert_type3A_641 = tpu.bitcast %shift_left3A_640 : vector<16xi32> -> vector<16xf32>
        %and3A_642 = arith.andi %get3A_629, %broadcast_in_dim3A_637 : vector<16xi32>
        %bitcast_convert_type3A_643 = tpu.bitcast %and3A_642 : vector<16xi32> -> vector<16xf32>
        %broadcast_in_dim3A_644 = arith.constant -65536 : i32
        %broadcast_in_dim3A_645 = vector.broadcast %broadcast_in_dim3A_644 : i32 to vector<16xi32>
        %shift_left3A_646 = arith.constant 16 : i32
        %shift_left3A_647 = vector.broadcast %shift_left3A_646 : i32 to vector<16xi32>
        %shift_left3A_648 = arith.shli %get3A_635, %shift_left3A_647 : vector<16xi32>
        %bitcast_convert_type3A_649 = tpu.bitcast %shift_left3A_648 : vector<16xi32> -> vector<16xf32>
        %and3A_650 = arith.andi %get3A_635, %broadcast_in_dim3A_645 : vector<16xi32>
        %bitcast_convert_type3A_651 = tpu.bitcast %and3A_650 : vector<16xi32> -> vector<16xf32>
        %add3A_652 = arith.addf %add3A_618, %bitcast_convert_type3A_641 : vector<16xf32>
        %add3A_653 = arith.addf %add3A_619, %bitcast_convert_type3A_643 : vector<16xf32>
        %add3A_654 = arith.addf %add3A_620, %bitcast_convert_type3A_649 : vector<16xf32>
        %add3A_655 = arith.addf %add3A_621, %bitcast_convert_type3A_651 : vector<16xf32>
        %scan3A_656 = arith.constant 8 : i32
        %scan3A_657 = arith.addi %scan3A_384, %scan3A_656 : i32
        %add3A_658 = arith.constant 0 : i32
        %add3A_659 = arith.addi %add3A_658, %scan3A_657 : i32
        %get3A_660 = arith.index_cast %add3A_659 : i32 to index
        %get3A_661 = arith.constant 0 : index
        %get3A_662 = tpu.vector_load %arg7[%get3A_660, %get3A_661] {strides = array<i32>} : memref<104x32xi32, #tpu.memory_space<vmem>>, vector<1x16xi32>,
        %get3A_663 = vector.shape_cast %get3A_662 : vector<1x16xi32> to vector<16xi32>
        %add3A_664 = arith.constant 0 : i32
        %add3A_665 = arith.addi %add3A_664, %scan3A_657 : i32
        %get3A_666 = arith.index_cast %add3A_665 : i32 to index
        %get3A_667 = arith.constant 16 : index
        %get3A_668 = tpu.vector_load %arg7[%get3A_666, %get3A_667] {strides = array<i32>} : memref<104x32xi32, #tpu.memory_space<vmem>>, vector<1x16xi32>,
        %get3A_669 = vector.shape_cast %get3A_668 : vector<1x16xi32> to vector<16xi32>
        %broadcast_in_dim3A_670 = arith.constant -65536 : i32
        %broadcast_in_dim3A_671 = vector.broadcast %broadcast_in_dim3A_670 : i32 to vector<16xi32>
        %shift_left3A_672 = arith.constant 16 : i32
        %shift_left3A_673 = vector.broadcast %shift_left3A_672 : i32 to vector<16xi32>
        %shift_left3A_674 = arith.shli %get3A_663, %shift_left3A_673 : vector<16xi32>
        %bitcast_convert_type3A_675 = tpu.bitcast %shift_left3A_674 : vector<16xi32> -> vector<16xf32>
        %and3A_676 = arith.andi %get3A_663, %broadcast_in_dim3A_671 : vector<16xi32>
        %bitcast_convert_type3A_677 = tpu.bitcast %and3A_676 : vector<16xi32> -> vector<16xf32>
        %broadcast_in_dim3A_678 = arith.constant -65536 : i32
        %broadcast_in_dim3A_679 = vector.broadcast %broadcast_in_dim3A_678 : i32 to vector<16xi32>
        %shift_left3A_680 = arith.constant 16 : i32
        %shift_left3A_681 = vector.broadcast %shift_left3A_680 : i32 to vector<16xi32>
        %shift_left3A_682 = arith.shli %get3A_669, %shift_left3A_681 : vector<16xi32>
        %bitcast_convert_type3A_683 = tpu.bitcast %shift_left3A_682 : vector<16xi32> -> vector<16xf32>
        %and3A_684 = arith.andi %get3A_669, %broadcast_in_dim3A_679 : vector<16xi32>
        %bitcast_convert_type3A_685 = tpu.bitcast %and3A_684 : vector<16xi32> -> vector<16xf32>
        %add3A_686 = arith.addf %add3A_652, %bitcast_convert_type3A_675 : vector<16xf32>
        %add3A_687 = arith.addf %add3A_653, %bitcast_convert_type3A_677 : vector<16xf32>
        %add3A_688 = arith.addf %add3A_654, %bitcast_convert_type3A_683 : vector<16xf32>
        %add3A_689 = arith.addf %add3A_655, %bitcast_convert_type3A_685 : vector<16xf32>
        %scan3A_690 = arith.constant 9 : i32
        %scan3A_691 = arith.addi %scan3A_384, %scan3A_690 : i32
        %add3A_692 = arith.constant 0 : i32
        %add3A_693 = arith.addi %add3A_692, %scan3A_691 : i32
        %get3A_694 = arith.index_cast %add3A_693 : i32 to index
        %get3A_695 = arith.constant 0 : index
        %get3A_696 = tpu.vector_load %arg7[%get3A_694, %get3A_695] {strides = array<i32>} : memref<104x32xi32, #tpu.memory_space<vmem>>, vector<1x16xi32>,
        %get3A_697 = vector.shape_cast %get3A_696 : vector<1x16xi32> to vector<16xi32>
        %add3A_698 = arith.constant 0 : i32
        %add3A_699 = arith.addi %add3A_698, %scan3A_691 : i32
        %get3A_700 = arith.index_cast %add3A_699 : i32 to index
        %get3A_701 = arith.constant 16 : index
        %get3A_702 = tpu.vector_load %arg7[%get3A_700, %get3A_701] {strides = array<i32>} : memref<104x32xi32, #tpu.memory_space<vmem>>, vector<1x16xi32>,
        %get3A_703 = vector.shape_cast %get3A_702 : vector<1x16xi32> to vector<16xi32>
        %broadcast_in_dim3A_704 = arith.constant -65536 : i32
        %broadcast_in_dim3A_705 = vector.broadcast %broadcast_in_dim3A_704 : i32 to vector<16xi32>
        %shift_left3A_706 = arith.constant 16 : i32
        %shift_left3A_707 = vector.broadcast %shift_left3A_706 : i32 to vector<16xi32>
        %shift_left3A_708 = arith.shli %get3A_697, %shift_left3A_707 : vector<16xi32>
        %bitcast_convert_type3A_709 = tpu.bitcast %shift_left3A_708 : vector<16xi32> -> vector<16xf32>
        %and3A_710 = arith.andi %get3A_697, %broadcast_in_dim3A_705 : vector<16xi32>
        %bitcast_convert_type3A_711 = tpu.bitcast %and3A_710 : vector<16xi32> -> vector<16xf32>
        %broadcast_in_dim3A_712 = arith.constant -65536 : i32
        %broadcast_in_dim3A_713 = vector.broadcast %broadcast_in_dim3A_712 : i32 to vector<16xi32>
        %shift_left3A_714 = arith.constant 16 : i32
        %shift_left3A_715 = vector.broadcast %shift_left3A_714 : i32 to vector<16xi32>
        %shift_left3A_716 = arith.shli %get3A_703, %shift_left3A_715 : vector<16xi32>
        %bitcast_convert_type3A_717 = tpu.bitcast %shift_left3A_716 : vector<16xi32> -> vector<16xf32>
        %and3A_718 = arith.andi %get3A_703, %broadcast_in_dim3A_713 : vector<16xi32>
        %bitcast_convert_type3A_719 = tpu.bitcast %and3A_718 : vector<16xi32> -> vector<16xf32>
        %add3A_720 = arith.addf %add3A_686, %bitcast_convert_type3A_709 : vector<16xf32>
        %add3A_721 = arith.addf %add3A_687, %bitcast_convert_type3A_711 : vector<16xf32>
        %add3A_722 = arith.addf %add3A_688, %bitcast_convert_type3A_717 : vector<16xf32>
        %add3A_723 = arith.addf %add3A_689, %bitcast_convert_type3A_719 : vector<16xf32>
        scf.yield %add3A_720, %add3A_721, %add3A_722, %add3A_723 : vector<16xf32>, vector<16xf32>, vector<16xf32>, vector<16xf32>
      }
      %scan3A_66 = arith.constant 50 : i32
      %mul3A_67 = arith.constant 2 : i32
      %mul3A_68 = arith.muli %add3A_53, %mul3A_67 : i32
      %add3A_69 = arith.constant 0 : i32
      %add3A_70 = arith.addi %mul3A_68, %add3A_69 : i32
      %swap3A = arith.index_cast %add3A_70 : i32 to index
      %swap3A_71 = arith.constant 0 : index
      %swap3A_72 = tpu.vector_load %arg11[%swap3A, %swap3A_71] {strides = array<i32>} : memref<128x64xf32, #tpu.memory_space<vmem>>, vector<1x16xf32>,
      %swap3A_73 = vector.shape_cast %swap3A_72 : vector<1x16xf32> to vector<16xf32>
      %swap3A_74 = vector.shape_cast %scan3A_65#0 : vector<16xf32> to vector<1x16xf32>
      tpu.vector_store %arg11[%swap3A, %swap3A_71], %swap3A_74 {strides = array<i32>} : memref<128x64xf32, #tpu.memory_space<vmem>>, vector<1x16xf32>,
      %swap3A_75 = arith.index_cast %add3A_70 : i32 to index
      %swap3A_76 = arith.constant 16 : index
      %swap3A_77 = tpu.vector_load %arg11[%swap3A_75, %swap3A_76] {strides = array<i32>} : memref<128x64xf32, #tpu.memory_space<vmem>>, vector<1x16xf32>,
      %swap3A_78 = vector.shape_cast %swap3A_77 : vector<1x16xf32> to vector<16xf32>
      %swap3A_79 = vector.shape_cast %scan3A_65#1 : vector<16xf32> to vector<1x16xf32>
      tpu.vector_store %arg11[%swap3A_75, %swap3A_76], %swap3A_79 {strides = array<i32>} : memref<128x64xf32, #tpu.memory_space<vmem>>, vector<1x16xf32>,
      %swap3A_80 = arith.index_cast %add3A_70 : i32 to index
      %swap3A_81 = arith.constant 32 : index
      %swap3A_82 = tpu.vector_load %arg11[%swap3A_80, %swap3A_81] {strides = array<i32>} : memref<128x64xf32, #tpu.memory_space<vmem>>, vector<1x16xf32>,
      %swap3A_83 = vector.shape_cast %swap3A_82 : vector<1x16xf32> to vector<16xf32>
      %swap3A_84 = vector.shape_cast %scan3A_65#2 : vector<16xf32> to vector<1x16xf32>
      tpu.vector_store %arg11[%swap3A_80, %swap3A_81], %swap3A_84 {strides = array<i32>} : memref<128x64xf32, #tpu.memory_space<vmem>>, vector<1x16xf32>,
      %swap3A_85 = arith.index_cast %add3A_70 : i32 to index
      %swap3A_86 = arith.constant 48 : index
      %swap3A_87 = tpu.vector_load %arg11[%swap3A_85, %swap3A_86] {strides = array<i32>} : memref<128x64xf32, #tpu.memory_space<vmem>>, vector<1x16xf32>,
      %swap3A_88 = vector.shape_cast %swap3A_87 : vector<1x16xf32> to vector<16xf32>
      %swap3A_89 = vector.shape_cast %scan3A_65#3 : vector<16xf32> to vector<1x16xf32>
      tpu.vector_store %arg11[%swap3A_85, %swap3A_86], %swap3A_89 {strides = array<i32>} : memref<128x64xf32, #tpu.memory_space<vmem>>, vector<1x16xf32>,
      %broadcast_in_dim3A_90 = arith.constant 0.000000e+00 : f32
      %broadcast_in_dim3A_91 = vector.broadcast %broadcast_in_dim3A_90 : f32 to vector<16xf32>
      %scan3A_92 = arith.constant 0 : i32
      %scan3A_93 = arith.constant 50 : i32
      %scan3A_94 = arith.addi %scan3A_92, %scan3A_93 : i32
      %scan3A_95 = arith.constant 10 : i32
      %scan3A_96:4 = scf.for %scan3A_384 = %scan3A_92 to %scan3A_94 step %scan3A_95 iter_args(%scan3A_385 = %broadcast_in_dim3A_91, %scan3A_386 = %broadcast_in_dim3A_91, %scan3A_387 = %broadcast_in_dim3A_91, %scan3A_388 = %broadcast_in_dim3A_91) -> (vector<16xf32>, vector<16xf32>, vector<16xf32>, vector<16xf32>)  : i32 {
        %add3A_389 = arith.constant 50 : i32
        %add3A_390 = arith.addi %add3A_389, %scan3A_384 : i32
        %get3A = arith.index_cast %add3A_390 : i32 to index
        %get3A_391 = arith.constant 0 : index
        %get3A_392 = tpu.vector_load %arg7[%get3A, %get3A_391] {strides = array<i32>} : memref<104x32xi32, #tpu.memory_space<vmem>>, vector<1x16xi32>,
        %get3A_393 = vector.shape_cast %get3A_392 : vector<1x16xi32> to vector<16xi32>
        %add3A_394 = arith.constant 50 : i32
        %add3A_395 = arith.addi %add3A_394, %scan3A_384 : i32
        %get3A_396 = arith.index_cast %add3A_395 : i32 to index
        %get3A_397 = arith.constant 16 : index
        %get3A_398 = tpu.vector_load %arg7[%get3A_396, %get3A_397] {strides = array<i32>} : memref<104x32xi32, #tpu.memory_space<vmem>>, vector<1x16xi32>,
        %get3A_399 = vector.shape_cast %get3A_398 : vector<1x16xi32> to vector<16xi32>
        %broadcast_in_dim3A_400 = arith.constant -65536 : i32
        %broadcast_in_dim3A_401 = vector.broadcast %broadcast_in_dim3A_400 : i32 to vector<16xi32>
        %shift_left3A = arith.constant 16 : i32
        %shift_left3A_402 = vector.broadcast %shift_left3A : i32 to vector<16xi32>
        %shift_left3A_403 = arith.shli %get3A_393, %shift_left3A_402 : vector<16xi32>
        %bitcast_convert_type3A = tpu.bitcast %shift_left3A_403 : vector<16xi32> -> vector<16xf32>
        %and3A_404 = arith.andi %get3A_393, %broadcast_in_dim3A_401 : vector<16xi32>
        %bitcast_convert_type3A_405 = tpu.bitcast %and3A_404 : vector<16xi32> -> vector<16xf32>
        %broadcast_in_dim3A_406 = arith.constant -65536 : i32
        %broadcast_in_dim3A_407 = vector.broadcast %broadcast_in_dim3A_406 : i32 to vector<16xi32>
        %shift_left3A_408 = arith.constant 16 : i32
        %shift_left3A_409 = vector.broadcast %shift_left3A_408 : i32 to vector<16xi32>
        %shift_left3A_410 = arith.shli %get3A_399, %shift_left3A_409 : vector<16xi32>
        %bitcast_convert_type3A_411 = tpu.bitcast %shift_left3A_410 : vector<16xi32> -> vector<16xf32>
        %and3A_412 = arith.andi %get3A_399, %broadcast_in_dim3A_407 : vector<16xi32>
        %bitcast_convert_type3A_413 = tpu.bitcast %and3A_412 : vector<16xi32> -> vector<16xf32>
        %add3A_414 = arith.addf %scan3A_385, %bitcast_convert_type3A : vector<16xf32>
        %add3A_415 = arith.addf %scan3A_386, %bitcast_convert_type3A_405 : vector<16xf32>
        %add3A_416 = arith.addf %scan3A_387, %bitcast_convert_type3A_411 : vector<16xf32>
        %add3A_417 = arith.addf %scan3A_388, %bitcast_convert_type3A_413 : vector<16xf32>
        %scan3A_418 = arith.constant 1 : i32
        %scan3A_419 = arith.addi %scan3A_384, %scan3A_418 : i32
        %add3A_420 = arith.constant 50 : i32
        %add3A_421 = arith.addi %add3A_420, %scan3A_419 : i32
        %get3A_422 = arith.index_cast %add3A_421 : i32 to index
        %get3A_423 = arith.constant 0 : index
        %get3A_424 = tpu.vector_load %arg7[%get3A_422, %get3A_423] {strides = array<i32>} : memref<104x32xi32, #tpu.memory_space<vmem>>, vector<1x16xi32>,
        %get3A_425 = vector.shape_cast %get3A_424 : vector<1x16xi32> to vector<16xi32>
        %add3A_426 = arith.constant 50 : i32
        %add3A_427 = arith.addi %add3A_426, %scan3A_419 : i32
        %get3A_428 = arith.index_cast %add3A_427 : i32 to index
        %get3A_429 = arith.constant 16 : index
        %get3A_430 = tpu.vector_load %arg7[%get3A_428, %get3A_429] {strides = array<i32>} : memref<104x32xi32, #tpu.memory_space<vmem>>, vector<1x16xi32>,
        %get3A_431 = vector.shape_cast %get3A_430 : vector<1x16xi32> to vector<16xi32>
        %broadcast_in_dim3A_432 = arith.constant -65536 : i32
        %broadcast_in_dim3A_433 = vector.broadcast %broadcast_in_dim3A_432 : i32 to vector<16xi32>
        %shift_left3A_434 = arith.constant 16 : i32
        %shift_left3A_435 = vector.broadcast %shift_left3A_434 : i32 to vector<16xi32>
        %shift_left3A_436 = arith.shli %get3A_425, %shift_left3A_435 : vector<16xi32>
        %bitcast_convert_type3A_437 = tpu.bitcast %shift_left3A_436 : vector<16xi32> -> vector<16xf32>
        %and3A_438 = arith.andi %get3A_425, %broadcast_in_dim3A_433 : vector<16xi32>
        %bitcast_convert_type3A_439 = tpu.bitcast %and3A_438 : vector<16xi32> -> vector<16xf32>
        %broadcast_in_dim3A_440 = arith.constant -65536 : i32
        %broadcast_in_dim3A_441 = vector.broadcast %broadcast_in_dim3A_440 : i32 to vector<16xi32>
        %shift_left3A_442 = arith.constant 16 : i32
        %shift_left3A_443 = vector.broadcast %shift_left3A_442 : i32 to vector<16xi32>
        %shift_left3A_444 = arith.shli %get3A_431, %shift_left3A_443 : vector<16xi32>
        %bitcast_convert_type3A_445 = tpu.bitcast %shift_left3A_444 : vector<16xi32> -> vector<16xf32>
        %and3A_446 = arith.andi %get3A_431, %broadcast_in_dim3A_441 : vector<16xi32>
        %bitcast_convert_type3A_447 = tpu.bitcast %and3A_446 : vector<16xi32> -> vector<16xf32>
        %add3A_448 = arith.addf %add3A_414, %bitcast_convert_type3A_437 : vector<16xf32>
        %add3A_449 = arith.addf %add3A_415, %bitcast_convert_type3A_439 : vector<16xf32>
        %add3A_450 = arith.addf %add3A_416, %bitcast_convert_type3A_445 : vector<16xf32>
        %add3A_451 = arith.addf %add3A_417, %bitcast_convert_type3A_447 : vector<16xf32>
        %scan3A_452 = arith.constant 2 : i32
        %scan3A_453 = arith.addi %scan3A_384, %scan3A_452 : i32
        %add3A_454 = arith.constant 50 : i32
        %add3A_455 = arith.addi %add3A_454, %scan3A_453 : i32
        %get3A_456 = arith.index_cast %add3A_455 : i32 to index
        %get3A_457 = arith.constant 0 : index
        %get3A_458 = tpu.vector_load %arg7[%get3A_456, %get3A_457] {strides = array<i32>} : memref<104x32xi32, #tpu.memory_space<vmem>>, vector<1x16xi32>,
        %get3A_459 = vector.shape_cast %get3A_458 : vector<1x16xi32> to vector<16xi32>
        %add3A_460 = arith.constant 50 : i32
        %add3A_461 = arith.addi %add3A_460, %scan3A_453 : i32
        %get3A_462 = arith.index_cast %add3A_461 : i32 to index
        %get3A_463 = arith.constant 16 : index
        %get3A_464 = tpu.vector_load %arg7[%get3A_462, %get3A_463] {strides = array<i32>} : memref<104x32xi32, #tpu.memory_space<vmem>>, vector<1x16xi32>,
        %get3A_465 = vector.shape_cast %get3A_464 : vector<1x16xi32> to vector<16xi32>
        %broadcast_in_dim3A_466 = arith.constant -65536 : i32
        %broadcast_in_dim3A_467 = vector.broadcast %broadcast_in_dim3A_466 : i32 to vector<16xi32>
        %shift_left3A_468 = arith.constant 16 : i32
        %shift_left3A_469 = vector.broadcast %shift_left3A_468 : i32 to vector<16xi32>
        %shift_left3A_470 = arith.shli %get3A_459, %shift_left3A_469 : vector<16xi32>
        %bitcast_convert_type3A_471 = tpu.bitcast %shift_left3A_470 : vector<16xi32> -> vector<16xf32>
        %and3A_472 = arith.andi %get3A_459, %broadcast_in_dim3A_467 : vector<16xi32>
        %bitcast_convert_type3A_473 = tpu.bitcast %and3A_472 : vector<16xi32> -> vector<16xf32>
        %broadcast_in_dim3A_474 = arith.constant -65536 : i32
        %broadcast_in_dim3A_475 = vector.broadcast %broadcast_in_dim3A_474 : i32 to vector<16xi32>
        %shift_left3A_476 = arith.constant 16 : i32
        %shift_left3A_477 = vector.broadcast %shift_left3A_476 : i32 to vector<16xi32>
        %shift_left3A_478 = arith.shli %get3A_465, %shift_left3A_477 : vector<16xi32>
        %bitcast_convert_type3A_479 = tpu.bitcast %shift_left3A_478 : vector<16xi32> -> vector<16xf32>
        %and3A_480 = arith.andi %get3A_465, %broadcast_in_dim3A_475 : vector<16xi32>
        %bitcast_convert_type3A_481 = tpu.bitcast %and3A_480 : vector<16xi32> -> vector<16xf32>
        %add3A_482 = arith.addf %add3A_448, %bitcast_convert_type3A_471 : vector<16xf32>
        %add3A_483 = arith.addf %add3A_449, %bitcast_convert_type3A_473 : vector<16xf32>
        %add3A_484 = arith.addf %add3A_450, %bitcast_convert_type3A_479 : vector<16xf32>
        %add3A_485 = arith.addf %add3A_451, %bitcast_convert_type3A_481 : vector<16xf32>
        %scan3A_486 = arith.constant 3 : i32
        %scan3A_487 = arith.addi %scan3A_384, %scan3A_486 : i32
        %add3A_488 = arith.constant 50 : i32
        %add3A_489 = arith.addi %add3A_488, %scan3A_487 : i32
        %get3A_490 = arith.index_cast %add3A_489 : i32 to index
        %get3A_491 = arith.constant 0 : index
        %get3A_492 = tpu.vector_load %arg7[%get3A_490, %get3A_491] {strides = array<i32>} : memref<104x32xi32, #tpu.memory_space<vmem>>, vector<1x16xi32>,
        %get3A_493 = vector.shape_cast %get3A_492 : vector<1x16xi32> to vector<16xi32>
        %add3A_494 = arith.constant 50 : i32
        %add3A_495 = arith.addi %add3A_494, %scan3A_487 : i32
        %get3A_496 = arith.index_cast %add3A_495 : i32 to index
        %get3A_497 = arith.constant 16 : index
        %get3A_498 = tpu.vector_load %arg7[%get3A_496, %get3A_497] {strides = array<i32>} : memref<104x32xi32, #tpu.memory_space<vmem>>, vector<1x16xi32>,
        %get3A_499 = vector.shape_cast %get3A_498 : vector<1x16xi32> to vector<16xi32>
        %broadcast_in_dim3A_500 = arith.constant -65536 : i32
        %broadcast_in_dim3A_501 = vector.broadcast %broadcast_in_dim3A_500 : i32 to vector<16xi32>
        %shift_left3A_502 = arith.constant 16 : i32
        %shift_left3A_503 = vector.broadcast %shift_left3A_502 : i32 to vector<16xi32>
        %shift_left3A_504 = arith.shli %get3A_493, %shift_left3A_503 : vector<16xi32>
        %bitcast_convert_type3A_505 = tpu.bitcast %shift_left3A_504 : vector<16xi32> -> vector<16xf32>
        %and3A_506 = arith.andi %get3A_493, %broadcast_in_dim3A_501 : vector<16xi32>
        %bitcast_convert_type3A_507 = tpu.bitcast %and3A_506 : vector<16xi32> -> vector<16xf32>
        %broadcast_in_dim3A_508 = arith.constant -65536 : i32
        %broadcast_in_dim3A_509 = vector.broadcast %broadcast_in_dim3A_508 : i32 to vector<16xi32>
        %shift_left3A_510 = arith.constant 16 : i32
        %shift_left3A_511 = vector.broadcast %shift_left3A_510 : i32 to vector<16xi32>
        %shift_left3A_512 = arith.shli %get3A_499, %shift_left3A_511 : vector<16xi32>
        %bitcast_convert_type3A_513 = tpu.bitcast %shift_left3A_512 : vector<16xi32> -> vector<16xf32>
        %and3A_514 = arith.andi %get3A_499, %broadcast_in_dim3A_509 : vector<16xi32>
        %bitcast_convert_type3A_515 = tpu.bitcast %and3A_514 : vector<16xi32> -> vector<16xf32>
        %add3A_516 = arith.addf %add3A_482, %bitcast_convert_type3A_505 : vector<16xf32>
        %add3A_517 = arith.addf %add3A_483, %bitcast_convert_type3A_507 : vector<16xf32>
        %add3A_518 = arith.addf %add3A_484, %bitcast_convert_type3A_513 : vector<16xf32>
        %add3A_519 = arith.addf %add3A_485, %bitcast_convert_type3A_515 : vector<16xf32>
        %scan3A_520 = arith.constant 4 : i32
        %scan3A_521 = arith.addi %scan3A_384, %scan3A_520 : i32
        %add3A_522 = arith.constant 50 : i32
        %add3A_523 = arith.addi %add3A_522, %scan3A_521 : i32
        %get3A_524 = arith.index_cast %add3A_523 : i32 to index
        %get3A_525 = arith.constant 0 : index
        %get3A_526 = tpu.vector_load %arg7[%get3A_524, %get3A_525] {strides = array<i32>} : memref<104x32xi32, #tpu.memory_space<vmem>>, vector<1x16xi32>,
        %get3A_527 = vector.shape_cast %get3A_526 : vector<1x16xi32> to vector<16xi32>
        %add3A_528 = arith.constant 50 : i32
        %add3A_529 = arith.addi %add3A_528, %scan3A_521 : i32
        %get3A_530 = arith.index_cast %add3A_529 : i32 to index
        %get3A_531 = arith.constant 16 : index
        %get3A_532 = tpu.vector_load %arg7[%get3A_530, %get3A_531] {strides = array<i32>} : memref<104x32xi32, #tpu.memory_space<vmem>>, vector<1x16xi32>,
        %get3A_533 = vector.shape_cast %get3A_532 : vector<1x16xi32> to vector<16xi32>
        %broadcast_in_dim3A_534 = arith.constant -65536 : i32
        %broadcast_in_dim3A_535 = vector.broadcast %broadcast_in_dim3A_534 : i32 to vector<16xi32>
        %shift_left3A_536 = arith.constant 16 : i32
        %shift_left3A_537 = vector.broadcast %shift_left3A_536 : i32 to vector<16xi32>
        %shift_left3A_538 = arith.shli %get3A_527, %shift_left3A_537 : vector<16xi32>
        %bitcast_convert_type3A_539 = tpu.bitcast %shift_left3A_538 : vector<16xi32> -> vector<16xf32>
        %and3A_540 = arith.andi %get3A_527, %broadcast_in_dim3A_535 : vector<16xi32>
        %bitcast_convert_type3A_541 = tpu.bitcast %and3A_540 : vector<16xi32> -> vector<16xf32>
        %broadcast_in_dim3A_542 = arith.constant -65536 : i32
        %broadcast_in_dim3A_543 = vector.broadcast %broadcast_in_dim3A_542 : i32 to vector<16xi32>
        %shift_left3A_544 = arith.constant 16 : i32
        %shift_left3A_545 = vector.broadcast %shift_left3A_544 : i32 to vector<16xi32>
        %shift_left3A_546 = arith.shli %get3A_533, %shift_left3A_545 : vector<16xi32>
        %bitcast_convert_type3A_547 = tpu.bitcast %shift_left3A_546 : vector<16xi32> -> vector<16xf32>
        %and3A_548 = arith.andi %get3A_533, %broadcast_in_dim3A_543 : vector<16xi32>
        %bitcast_convert_type3A_549 = tpu.bitcast %and3A_548 : vector<16xi32> -> vector<16xf32>
        %add3A_550 = arith.addf %add3A_516, %bitcast_convert_type3A_539 : vector<16xf32>
        %add3A_551 = arith.addf %add3A_517, %bitcast_convert_type3A_541 : vector<16xf32>
        %add3A_552 = arith.addf %add3A_518, %bitcast_convert_type3A_547 : vector<16xf32>
        %add3A_553 = arith.addf %add3A_519, %bitcast_convert_type3A_549 : vector<16xf32>
        %scan3A_554 = arith.constant 5 : i32
        %scan3A_555 = arith.addi %scan3A_384, %scan3A_554 : i32
        %add3A_556 = arith.constant 50 : i32
        %add3A_557 = arith.addi %add3A_556, %scan3A_555 : i32
        %get3A_558 = arith.index_cast %add3A_557 : i32 to index
        %get3A_559 = arith.constant 0 : index
        %get3A_560 = tpu.vector_load %arg7[%get3A_558, %get3A_559] {strides = array<i32>} : memref<104x32xi32, #tpu.memory_space<vmem>>, vector<1x16xi32>,
        %get3A_561 = vector.shape_cast %get3A_560 : vector<1x16xi32> to vector<16xi32>
        %add3A_562 = arith.constant 50 : i32
        %add3A_563 = arith.addi %add3A_562, %scan3A_555 : i32
        %get3A_564 = arith.index_cast %add3A_563 : i32 to index
        %get3A_565 = arith.constant 16 : index
        %get3A_566 = tpu.vector_load %arg7[%get3A_564, %get3A_565] {strides = array<i32>} : memref<104x32xi32, #tpu.memory_space<vmem>>, vector<1x16xi32>,
        %get3A_567 = vector.shape_cast %get3A_566 : vector<1x16xi32> to vector<16xi32>
        %broadcast_in_dim3A_568 = arith.constant -65536 : i32
        %broadcast_in_dim3A_569 = vector.broadcast %broadcast_in_dim3A_568 : i32 to vector<16xi32>
        %shift_left3A_570 = arith.constant 16 : i32
        %shift_left3A_571 = vector.broadcast %shift_left3A_570 : i32 to vector<16xi32>
        %shift_left3A_572 = arith.shli %get3A_561, %shift_left3A_571 : vector<16xi32>
        %bitcast_convert_type3A_573 = tpu.bitcast %shift_left3A_572 : vector<16xi32> -> vector<16xf32>
        %and3A_574 = arith.andi %get3A_561, %broadcast_in_dim3A_569 : vector<16xi32>
        %bitcast_convert_type3A_575 = tpu.bitcast %and3A_574 : vector<16xi32> -> vector<16xf32>
        %broadcast_in_dim3A_576 = arith.constant -65536 : i32
        %broadcast_in_dim3A_577 = vector.broadcast %broadcast_in_dim3A_576 : i32 to vector<16xi32>
        %shift_left3A_578 = arith.constant 16 : i32
        %shift_left3A_579 = vector.broadcast %shift_left3A_578 : i32 to vector<16xi32>
        %shift_left3A_580 = arith.shli %get3A_567, %shift_left3A_579 : vector<16xi32>
        %bitcast_convert_type3A_581 = tpu.bitcast %shift_left3A_580 : vector<16xi32> -> vector<16xf32>
        %and3A_582 = arith.andi %get3A_567, %broadcast_in_dim3A_577 : vector<16xi32>
        %bitcast_convert_type3A_583 = tpu.bitcast %and3A_582 : vector<16xi32> -> vector<16xf32>
        %add3A_584 = arith.addf %add3A_550, %bitcast_convert_type3A_573 : vector<16xf32>
        %add3A_585 = arith.addf %add3A_551, %bitcast_convert_type3A_575 : vector<16xf32>
        %add3A_586 = arith.addf %add3A_552, %bitcast_convert_type3A_581 : vector<16xf32>
        %add3A_587 = arith.addf %add3A_553, %bitcast_convert_type3A_583 : vector<16xf32>
        %scan3A_588 = arith.constant 6 : i32
        %scan3A_589 = arith.addi %scan3A_384, %scan3A_588 : i32
        %add3A_590 = arith.constant 50 : i32
        %add3A_591 = arith.addi %add3A_590, %scan3A_589 : i32
        %get3A_592 = arith.index_cast %add3A_591 : i32 to index
        %get3A_593 = arith.constant 0 : index
        %get3A_594 = tpu.vector_load %arg7[%get3A_592, %get3A_593] {strides = array<i32>} : memref<104x32xi32, #tpu.memory_space<vmem>>, vector<1x16xi32>,
        %get3A_595 = vector.shape_cast %get3A_594 : vector<1x16xi32> to vector<16xi32>
        %add3A_596 = arith.constant 50 : i32
        %add3A_597 = arith.addi %add3A_596, %scan3A_589 : i32
        %get3A_598 = arith.index_cast %add3A_597 : i32 to index
        %get3A_599 = arith.constant 16 : index
        %get3A_600 = tpu.vector_load %arg7[%get3A_598, %get3A_599] {strides = array<i32>} : memref<104x32xi32, #tpu.memory_space<vmem>>, vector<1x16xi32>,
        %get3A_601 = vector.shape_cast %get3A_600 : vector<1x16xi32> to vector<16xi32>
        %broadcast_in_dim3A_602 = arith.constant -65536 : i32
        %broadcast_in_dim3A_603 = vector.broadcast %broadcast_in_dim3A_602 : i32 to vector<16xi32>
        %shift_left3A_604 = arith.constant 16 : i32
        %shift_left3A_605 = vector.broadcast %shift_left3A_604 : i32 to vector<16xi32>
        %shift_left3A_606 = arith.shli %get3A_595, %shift_left3A_605 : vector<16xi32>
        %bitcast_convert_type3A_607 = tpu.bitcast %shift_left3A_606 : vector<16xi32> -> vector<16xf32>
        %and3A_608 = arith.andi %get3A_595, %broadcast_in_dim3A_603 : vector<16xi32>
        %bitcast_convert_type3A_609 = tpu.bitcast %and3A_608 : vector<16xi32> -> vector<16xf32>
        %broadcast_in_dim3A_610 = arith.constant -65536 : i32
        %broadcast_in_dim3A_611 = vector.broadcast %broadcast_in_dim3A_610 : i32 to vector<16xi32>
        %shift_left3A_612 = arith.constant 16 : i32
        %shift_left3A_613 = vector.broadcast %shift_left3A_612 : i32 to vector<16xi32>
        %shift_left3A_614 = arith.shli %get3A_601, %shift_left3A_613 : vector<16xi32>
        %bitcast_convert_type3A_615 = tpu.bitcast %shift_left3A_614 : vector<16xi32> -> vector<16xf32>
        %and3A_616 = arith.andi %get3A_601, %broadcast_in_dim3A_611 : vector<16xi32>
        %bitcast_convert_type3A_617 = tpu.bitcast %and3A_616 : vector<16xi32> -> vector<16xf32>
        %add3A_618 = arith.addf %add3A_584, %bitcast_convert_type3A_607 : vector<16xf32>
        %add3A_619 = arith.addf %add3A_585, %bitcast_convert_type3A_609 : vector<16xf32>
        %add3A_620 = arith.addf %add3A_586, %bitcast_convert_type3A_615 : vector<16xf32>
        %add3A_621 = arith.addf %add3A_587, %bitcast_convert_type3A_617 : vector<16xf32>
        %scan3A_622 = arith.constant 7 : i32
        %scan3A_623 = arith.addi %scan3A_384, %scan3A_622 : i32
        %add3A_624 = arith.constant 50 : i32
        %add3A_625 = arith.addi %add3A_624, %scan3A_623 : i32
        %get3A_626 = arith.index_cast %add3A_625 : i32 to index
        %get3A_627 = arith.constant 0 : index
        %get3A_628 = tpu.vector_load %arg7[%get3A_626, %get3A_627] {strides = array<i32>} : memref<104x32xi32, #tpu.memory_space<vmem>>, vector<1x16xi32>,
        %get3A_629 = vector.shape_cast %get3A_628 : vector<1x16xi32> to vector<16xi32>
        %add3A_630 = arith.constant 50 : i32
        %add3A_631 = arith.addi %add3A_630, %scan3A_623 : i32
        %get3A_632 = arith.index_cast %add3A_631 : i32 to index
        %get3A_633 = arith.constant 16 : index
        %get3A_634 = tpu.vector_load %arg7[%get3A_632, %get3A_633] {strides = array<i32>} : memref<104x32xi32, #tpu.memory_space<vmem>>, vector<1x16xi32>,
        %get3A_635 = vector.shape_cast %get3A_634 : vector<1x16xi32> to vector<16xi32>
        %broadcast_in_dim3A_636 = arith.constant -65536 : i32
        %broadcast_in_dim3A_637 = vector.broadcast %broadcast_in_dim3A_636 : i32 to vector<16xi32>
        %shift_left3A_638 = arith.constant 16 : i32
        %shift_left3A_639 = vector.broadcast %shift_left3A_638 : i32 to vector<16xi32>
        %shift_left3A_640 = arith.shli %get3A_629, %shift_left3A_639 : vector<16xi32>
        %bitcast_convert_type3A_641 = tpu.bitcast %shift_left3A_640 : vector<16xi32> -> vector<16xf32>
        %and3A_642 = arith.andi %get3A_629, %broadcast_in_dim3A_637 : vector<16xi32>
        %bitcast_convert_type3A_643 = tpu.bitcast %and3A_642 : vector<16xi32> -> vector<16xf32>
        %broadcast_in_dim3A_644 = arith.constant -65536 : i32
        %broadcast_in_dim3A_645 = vector.broadcast %broadcast_in_dim3A_644 : i32 to vector<16xi32>
        %shift_left3A_646 = arith.constant 16 : i32
        %shift_left3A_647 = vector.broadcast %shift_left3A_646 : i32 to vector<16xi32>
        %shift_left3A_648 = arith.shli %get3A_635, %shift_left3A_647 : vector<16xi32>
        %bitcast_convert_type3A_649 = tpu.bitcast %shift_left3A_648 : vector<16xi32> -> vector<16xf32>
        %and3A_650 = arith.andi %get3A_635, %broadcast_in_dim3A_645 : vector<16xi32>
        %bitcast_convert_type3A_651 = tpu.bitcast %and3A_650 : vector<16xi32> -> vector<16xf32>
        %add3A_652 = arith.addf %add3A_618, %bitcast_convert_type3A_641 : vector<16xf32>
        %add3A_653 = arith.addf %add3A_619, %bitcast_convert_type3A_643 : vector<16xf32>
        %add3A_654 = arith.addf %add3A_620, %bitcast_convert_type3A_649 : vector<16xf32>
        %add3A_655 = arith.addf %add3A_621, %bitcast_convert_type3A_651 : vector<16xf32>
        %scan3A_656 = arith.constant 8 : i32
        %scan3A_657 = arith.addi %scan3A_384, %scan3A_656 : i32
        %add3A_658 = arith.constant 50 : i32
        %add3A_659 = arith.addi %add3A_658, %scan3A_657 : i32
        %get3A_660 = arith.index_cast %add3A_659 : i32 to index
        %get3A_661 = arith.constant 0 : index
        %get3A_662 = tpu.vector_load %arg7[%get3A_660, %get3A_661] {strides = array<i32>} : memref<104x32xi32, #tpu.memory_space<vmem>>, vector<1x16xi32>,
        %get3A_663 = vector.shape_cast %get3A_662 : vector<1x16xi32> to vector<16xi32>
        %add3A_664 = arith.constant 50 : i32
        %add3A_665 = arith.addi %add3A_664, %scan3A_657 : i32
        %get3A_666 = arith.index_cast %add3A_665 : i32 to index
        %get3A_667 = arith.constant 16 : index
        %get3A_668 = tpu.vector_load %arg7[%get3A_666, %get3A_667] {strides = array<i32>} : memref<104x32xi32, #tpu.memory_space<vmem>>, vector<1x16xi32>,
        %get3A_669 = vector.shape_cast %get3A_668 : vector<1x16xi32> to vector<16xi32>
        %broadcast_in_dim3A_670 = arith.constant -65536 : i32
        %broadcast_in_dim3A_671 = vector.broadcast %broadcast_in_dim3A_670 : i32 to vector<16xi32>
        %shift_left3A_672 = arith.constant 16 : i32
        %shift_left3A_673 = vector.broadcast %shift_left3A_672 : i32 to vector<16xi32>
        %shift_left3A_674 = arith.shli %get3A_663, %shift_left3A_673 : vector<16xi32>
        %bitcast_convert_type3A_675 = tpu.bitcast %shift_left3A_674 : vector<16xi32> -> vector<16xf32>
        %and3A_676 = arith.andi %get3A_663, %broadcast_in_dim3A_671 : vector<16xi32>
        %bitcast_convert_type3A_677 = tpu.bitcast %and3A_676 : vector<16xi32> -> vector<16xf32>
        %broadcast_in_dim3A_678 = arith.constant -65536 : i32
        %broadcast_in_dim3A_679 = vector.broadcast %broadcast_in_dim3A_678 : i32 to vector<16xi32>
        %shift_left3A_680 = arith.constant 16 : i32
        %shift_left3A_681 = vector.broadcast %shift_left3A_680 : i32 to vector<16xi32>
        %shift_left3A_682 = arith.shli %get3A_669, %shift_left3A_681 : vector<16xi32>
        %bitcast_convert_type3A_683 = tpu.bitcast %shift_left3A_682 : vector<16xi32> -> vector<16xf32>
        %and3A_684 = arith.andi %get3A_669, %broadcast_in_dim3A_679 : vector<16xi32>
        %bitcast_convert_type3A_685 = tpu.bitcast %and3A_684 : vector<16xi32> -> vector<16xf32>
        %add3A_686 = arith.addf %add3A_652, %bitcast_convert_type3A_675 : vector<16xf32>
        %add3A_687 = arith.addf %add3A_653, %bitcast_convert_type3A_677 : vector<16xf32>
        %add3A_688 = arith.addf %add3A_654, %bitcast_convert_type3A_683 : vector<16xf32>
        %add3A_689 = arith.addf %add3A_655, %bitcast_convert_type3A_685 : vector<16xf32>
        %scan3A_690 = arith.constant 9 : i32
        %scan3A_691 = arith.addi %scan3A_384, %scan3A_690 : i32
        %add3A_692 = arith.constant 50 : i32
        %add3A_693 = arith.addi %add3A_692, %scan3A_691 : i32
        %get3A_694 = arith.index_cast %add3A_693 : i32 to index
        %get3A_695 = arith.constant 0 : index
        %get3A_696 = tpu.vector_load %arg7[%get3A_694, %get3A_695] {strides = array<i32>} : memref<104x32xi32, #tpu.memory_space<vmem>>, vector<1x16xi32>,
        %get3A_697 = vector.shape_cast %get3A_696 : vector<1x16xi32> to vector<16xi32>
        %add3A_698 = arith.constant 50 : i32
        %add3A_699 = arith.addi %add3A_698, %scan3A_691 : i32
        %get3A_700 = arith.index_cast %add3A_699 : i32 to index
        %get3A_701 = arith.constant 16 : index
        %get3A_702 = tpu.vector_load %arg7[%get3A_700, %get3A_701] {strides = array<i32>} : memref<104x32xi32, #tpu.memory_space<vmem>>, vector<1x16xi32>,
        %get3A_703 = vector.shape_cast %get3A_702 : vector<1x16xi32> to vector<16xi32>
        %broadcast_in_dim3A_704 = arith.constant -65536 : i32
        %broadcast_in_dim3A_705 = vector.broadcast %broadcast_in_dim3A_704 : i32 to vector<16xi32>
        %shift_left3A_706 = arith.constant 16 : i32
        %shift_left3A_707 = vector.broadcast %shift_left3A_706 : i32 to vector<16xi32>
        %shift_left3A_708 = arith.shli %get3A_697, %shift_left3A_707 : vector<16xi32>
        %bitcast_convert_type3A_709 = tpu.bitcast %shift_left3A_708 : vector<16xi32> -> vector<16xf32>
        %and3A_710 = arith.andi %get3A_697, %broadcast_in_dim3A_705 : vector<16xi32>
        %bitcast_convert_type3A_711 = tpu.bitcast %and3A_710 : vector<16xi32> -> vector<16xf32>
        %broadcast_in_dim3A_712 = arith.constant -65536 : i32
        %broadcast_in_dim3A_713 = vector.broadcast %broadcast_in_dim3A_712 : i32 to vector<16xi32>
        %shift_left3A_714 = arith.constant 16 : i32
        %shift_left3A_715 = vector.broadcast %shift_left3A_714 : i32 to vector<16xi32>
        %shift_left3A_716 = arith.shli %get3A_703, %shift_left3A_715 : vector<16xi32>
        %bitcast_convert_type3A_717 = tpu.bitcast %shift_left3A_716 : vector<16xi32> -> vector<16xf32>
        %and3A_718 = arith.andi %get3A_703, %broadcast_in_dim3A_713 : vector<16xi32>
        %bitcast_convert_type3A_719 = tpu.bitcast %and3A_718 : vector<16xi32> -> vector<16xf32>
        %add3A_720 = arith.addf %add3A_686, %bitcast_convert_type3A_709 : vector<16xf32>
        %add3A_721 = arith.addf %add3A_687, %bitcast_convert_type3A_711 : vector<16xf32>
        %add3A_722 = arith.addf %add3A_688, %bitcast_convert_type3A_717 : vector<16xf32>
        %add3A_723 = arith.addf %add3A_689, %bitcast_convert_type3A_719 : vector<16xf32>
        scf.yield %add3A_720, %add3A_721, %add3A_722, %add3A_723 : vector<16xf32>, vector<16xf32>, vector<16xf32>, vector<16xf32>
      }
      %scan3A_97 = arith.constant 50 : i32
      %mul3A_98 = arith.constant 2 : i32
      %mul3A_99 = arith.muli %add3A_53, %mul3A_98 : i32
      %add3A_100 = arith.constant 1 : i32
      %add3A_101 = arith.addi %mul3A_99, %add3A_100 : i32
      %swap3A_102 = arith.index_cast %add3A_101 : i32 to index
      %swap3A_103 = arith.constant 0 : index
      %swap3A_104 = tpu.vector_load %arg11[%swap3A_102, %swap3A_103] {strides = array<i32>} : memref<128x64xf32, #tpu.memory_space<vmem>>, vector<1x16xf32>,
      %swap3A_105 = vector.shape_cast %swap3A_104 : vector<1x16xf32> to vector<16xf32>
      %swap3A_106 = vector.shape_cast %scan3A_96#0 : vector<16xf32> to vector<1x16xf32>
      tpu.vector_store %arg11[%swap3A_102, %swap3A_103], %swap3A_106 {strides = array<i32>} : memref<128x64xf32, #tpu.memory_space<vmem>>, vector<1x16xf32>,
      %swap3A_107 = arith.index_cast %add3A_101 : i32 to index
      %swap3A_108 = arith.constant 16 : index
      %swap3A_109 = tpu.vector_load %arg11[%swap3A_107, %swap3A_108] {strides = array<i32>} : memref<128x64xf32, #tpu.memory_space<vmem>>, vector<1x16xf32>,
      %swap3A_110 = vector.shape_cast %swap3A_109 : vector<1x16xf32> to vector<16xf32>
      %swap3A_111 = vector.shape_cast %scan3A_96#1 : vector<16xf32> to vector<1x16xf32>
      tpu.vector_store %arg11[%swap3A_107, %swap3A_108], %swap3A_111 {strides = array<i32>} : memref<128x64xf32, #tpu.memory_space<vmem>>, vector<1x16xf32>,
      %swap3A_112 = arith.index_cast %add3A_101 : i32 to index
      %swap3A_113 = arith.constant 32 : index
      %swap3A_114 = tpu.vector_load %arg11[%swap3A_112, %swap3A_113] {strides = array<i32>} : memref<128x64xf32, #tpu.memory_space<vmem>>, vector<1x16xf32>,
      %swap3A_115 = vector.shape_cast %swap3A_114 : vector<1x16xf32> to vector<16xf32>
      %swap3A_116 = vector.shape_cast %scan3A_96#2 : vector<16xf32> to vector<1x16xf32>
      tpu.vector_store %arg11[%swap3A_112, %swap3A_113], %swap3A_116 {strides = array<i32>} : memref<128x64xf32, #tpu.memory_space<vmem>>, vector<1x16xf32>,
      %swap3A_117 = arith.index_cast %add3A_101 : i32 to index
      %swap3A_118 = arith.constant 48 : index
      %swap3A_119 = tpu.vector_load %arg11[%swap3A_117, %swap3A_118] {strides = array<i32>} : memref<128x64xf32, #tpu.memory_space<vmem>>, vector<1x16xf32>,
      %swap3A_120 = vector.shape_cast %swap3A_119 : vector<1x16xf32> to vector<16xf32>
      %swap3A_121 = vector.shape_cast %scan3A_96#3 : vector<16xf32> to vector<1x16xf32>
      tpu.vector_store %arg11[%swap3A_117, %swap3A_118], %swap3A_121 {strides = array<i32>} : memref<128x64xf32, #tpu.memory_space<vmem>>, vector<1x16xf32>,
      %add3A_122 = arith.constant 4 : i32
      %add3A_123 = arith.addi %add3A_53, %add3A_122 : i32
      %min3A = arith.constant 63 : i32
      %min3A_124 = arith.minsi %add3A_123, %min3A : i32
      %add3A_125 = arith.constant 4 : i32
      %add3A_126 = arith.addi %add3A_53, %add3A_125 : i32
      %lt3A = arith.constant 64 : i32
      %lt3A_127 = arith.cmpi slt, %add3A_126, %lt3A : i32
      %convert_element_type3A = arith.extui %lt3A_127 : i1 to i32
      %cond3A = arith.constant 0 : i32
      %cond3A_128 = arith.cmpi ne, %convert_element_type3A, %cond3A : i32
      scf.if %cond3A_128 {
        %mul3A_384 = arith.constant 104 : i32
        %mul3A_385 = arith.muli %min3A_124, %mul3A_384 : i32
        %dma_start3A_386 = tpu.memref_slice %arg6[%mul3A_385] : memref<6672xi32, #tpu.memory_space<vmem>> -> memref<104xi32, #tpu.memory_space<vmem>>
        %dma_start3A_387 = arith.constant 0 : i32
        %dma_start3A_388 = arith.constant 0 : i32
        %dma_start3A_389 = tpu.memref_slice %arg3[%dma_start3A_387, %dma_start3A_388] : memref<100000x32xi32, #tpu.memory_space<hbm>> -> memref<100000x32xi32, #tpu.memory_space<hbm>>
        tpu.enqueue_indirect_dma source(%dma_start3A_389 : memref<100000x32xi32, #tpu.memory_space<hbm>>) target(%arg7 : memref<104x32xi32, #tpu.memory_space<vmem>>) offsets(%dma_start3A_386 : memref<104xi32, #tpu.memory_space<vmem>>) semaphore(%arg13 : memref<!tpu.dma_semaphore, #tpu.memory_space<semaphore_mem>>)
      } else {
      }
      %mul3A_129 = arith.constant 4 : i32
      %mul3A_130 = arith.muli %scan3A_49, %mul3A_129 : i32
      %add3A_131 = arith.constant 1 : i32
      %add3A_132 = arith.addi %mul3A_130, %add3A_131 : i32
      %mul3A_133 = arith.constant 104 : i32
      %mul3A_134 = arith.muli %add3A_132, %mul3A_133 : i32
      %dma_wait3A_135 = tpu.memref_slice %arg6[%mul3A_134] : memref<6672xi32, #tpu.memory_space<vmem>> -> memref<104xi32, #tpu.memory_space<vmem>>
      %dma_wait3A_136 = arith.constant 0 : i32
      %dma_wait3A_137 = arith.constant 0 : i32
      %dma_wait3A_138 = tpu.memref_slice %arg3[%dma_wait3A_136, %dma_wait3A_137] : memref<100000x32xi32, #tpu.memory_space<hbm>> -> memref<100000x32xi32, #tpu.memory_space<hbm>>
      tpu.wait_indirect_dma semaphore(%arg14 : memref<!tpu.dma_semaphore, #tpu.memory_space<semaphore_mem>>) src(%dma_wait3A_138 : memref<100000x32xi32, #tpu.memory_space<hbm>>) dst(%arg8 : memref<104x32xi32, #tpu.memory_space<vmem>>)
      %broadcast_in_dim3A_139 = arith.constant 0.000000e+00 : f32
      %broadcast_in_dim3A_140 = vector.broadcast %broadcast_in_dim3A_139 : f32 to vector<16xf32>
      %scan3A_141 = arith.constant 0 : i32
      %scan3A_142 = arith.constant 50 : i32
      %scan3A_143 = arith.addi %scan3A_141, %scan3A_142 : i32
      %scan3A_144 = arith.constant 10 : i32
      %scan3A_145:4 = scf.for %scan3A_384 = %scan3A_141 to %scan3A_143 step %scan3A_144 iter_args(%scan3A_385 = %broadcast_in_dim3A_140, %scan3A_386 = %broadcast_in_dim3A_140, %scan3A_387 = %broadcast_in_dim3A_140, %scan3A_388 = %broadcast_in_dim3A_140) -> (vector<16xf32>, vector<16xf32>, vector<16xf32>, vector<16xf32>)  : i32 {
        %add3A_389 = arith.constant 0 : i32
        %add3A_390 = arith.addi %add3A_389, %scan3A_384 : i32
        %get3A = arith.index_cast %add3A_390 : i32 to index
        %get3A_391 = arith.constant 0 : index
        %get3A_392 = tpu.vector_load %arg8[%get3A, %get3A_391] {strides = array<i32>} : memref<104x32xi32, #tpu.memory_space<vmem>>, vector<1x16xi32>,
        %get3A_393 = vector.shape_cast %get3A_392 : vector<1x16xi32> to vector<16xi32>
        %add3A_394 = arith.constant 0 : i32
        %add3A_395 = arith.addi %add3A_394, %scan3A_384 : i32
        %get3A_396 = arith.index_cast %add3A_395 : i32 to index
        %get3A_397 = arith.constant 16 : index
        %get3A_398 = tpu.vector_load %arg8[%get3A_396, %get3A_397] {strides = array<i32>} : memref<104x32xi32, #tpu.memory_space<vmem>>, vector<1x16xi32>,
        %get3A_399 = vector.shape_cast %get3A_398 : vector<1x16xi32> to vector<16xi32>
        %broadcast_in_dim3A_400 = arith.constant -65536 : i32
        %broadcast_in_dim3A_401 = vector.broadcast %broadcast_in_dim3A_400 : i32 to vector<16xi32>
        %shift_left3A = arith.constant 16 : i32
        %shift_left3A_402 = vector.broadcast %shift_left3A : i32 to vector<16xi32>
        %shift_left3A_403 = arith.shli %get3A_393, %shift_left3A_402 : vector<16xi32>
        %bitcast_convert_type3A = tpu.bitcast %shift_left3A_403 : vector<16xi32> -> vector<16xf32>
        %and3A_404 = arith.andi %get3A_393, %broadcast_in_dim3A_401 : vector<16xi32>
        %bitcast_convert_type3A_405 = tpu.bitcast %and3A_404 : vector<16xi32> -> vector<16xf32>
        %broadcast_in_dim3A_406 = arith.constant -65536 : i32
        %broadcast_in_dim3A_407 = vector.broadcast %broadcast_in_dim3A_406 : i32 to vector<16xi32>
        %shift_left3A_408 = arith.constant 16 : i32
        %shift_left3A_409 = vector.broadcast %shift_left3A_408 : i32 to vector<16xi32>
        %shift_left3A_410 = arith.shli %get3A_399, %shift_left3A_409 : vector<16xi32>
        %bitcast_convert_type3A_411 = tpu.bitcast %shift_left3A_410 : vector<16xi32> -> vector<16xf32>
        %and3A_412 = arith.andi %get3A_399, %broadcast_in_dim3A_407 : vector<16xi32>
        %bitcast_convert_type3A_413 = tpu.bitcast %and3A_412 : vector<16xi32> -> vector<16xf32>
        %add3A_414 = arith.addf %scan3A_385, %bitcast_convert_type3A : vector<16xf32>
        %add3A_415 = arith.addf %scan3A_386, %bitcast_convert_type3A_405 : vector<16xf32>
        %add3A_416 = arith.addf %scan3A_387, %bitcast_convert_type3A_411 : vector<16xf32>
        %add3A_417 = arith.addf %scan3A_388, %bitcast_convert_type3A_413 : vector<16xf32>
        %scan3A_418 = arith.constant 1 : i32
        %scan3A_419 = arith.addi %scan3A_384, %scan3A_418 : i32
        %add3A_420 = arith.constant 0 : i32
        %add3A_421 = arith.addi %add3A_420, %scan3A_419 : i32
        %get3A_422 = arith.index_cast %add3A_421 : i32 to index
        %get3A_423 = arith.constant 0 : index
        %get3A_424 = tpu.vector_load %arg8[%get3A_422, %get3A_423] {strides = array<i32>} : memref<104x32xi32, #tpu.memory_space<vmem>>, vector<1x16xi32>,
        %get3A_425 = vector.shape_cast %get3A_424 : vector<1x16xi32> to vector<16xi32>
        %add3A_426 = arith.constant 0 : i32
        %add3A_427 = arith.addi %add3A_426, %scan3A_419 : i32
        %get3A_428 = arith.index_cast %add3A_427 : i32 to index
        %get3A_429 = arith.constant 16 : index
        %get3A_430 = tpu.vector_load %arg8[%get3A_428, %get3A_429] {strides = array<i32>} : memref<104x32xi32, #tpu.memory_space<vmem>>, vector<1x16xi32>,
        %get3A_431 = vector.shape_cast %get3A_430 : vector<1x16xi32> to vector<16xi32>
        %broadcast_in_dim3A_432 = arith.constant -65536 : i32
        %broadcast_in_dim3A_433 = vector.broadcast %broadcast_in_dim3A_432 : i32 to vector<16xi32>
        %shift_left3A_434 = arith.constant 16 : i32
        %shift_left3A_435 = vector.broadcast %shift_left3A_434 : i32 to vector<16xi32>
        %shift_left3A_436 = arith.shli %get3A_425, %shift_left3A_435 : vector<16xi32>
        %bitcast_convert_type3A_437 = tpu.bitcast %shift_left3A_436 : vector<16xi32> -> vector<16xf32>
        %and3A_438 = arith.andi %get3A_425, %broadcast_in_dim3A_433 : vector<16xi32>
        %bitcast_convert_type3A_439 = tpu.bitcast %and3A_438 : vector<16xi32> -> vector<16xf32>
        %broadcast_in_dim3A_440 = arith.constant -65536 : i32
        %broadcast_in_dim3A_441 = vector.broadcast %broadcast_in_dim3A_440 : i32 to vector<16xi32>
        %shift_left3A_442 = arith.constant 16 : i32
        %shift_left3A_443 = vector.broadcast %shift_left3A_442 : i32 to vector<16xi32>
        %shift_left3A_444 = arith.shli %get3A_431, %shift_left3A_443 : vector<16xi32>
        %bitcast_convert_type3A_445 = tpu.bitcast %shift_left3A_444 : vector<16xi32> -> vector<16xf32>
        %and3A_446 = arith.andi %get3A_431, %broadcast_in_dim3A_441 : vector<16xi32>
        %bitcast_convert_type3A_447 = tpu.bitcast %and3A_446 : vector<16xi32> -> vector<16xf32>
        %add3A_448 = arith.addf %add3A_414, %bitcast_convert_type3A_437 : vector<16xf32>
        %add3A_449 = arith.addf %add3A_415, %bitcast_convert_type3A_439 : vector<16xf32>
        %add3A_450 = arith.addf %add3A_416, %bitcast_convert_type3A_445 : vector<16xf32>
        %add3A_451 = arith.addf %add3A_417, %bitcast_convert_type3A_447 : vector<16xf32>
        %scan3A_452 = arith.constant 2 : i32
        %scan3A_453 = arith.addi %scan3A_384, %scan3A_452 : i32
        %add3A_454 = arith.constant 0 : i32
        %add3A_455 = arith.addi %add3A_454, %scan3A_453 : i32
        %get3A_456 = arith.index_cast %add3A_455 : i32 to index
        %get3A_457 = arith.constant 0 : index
        %get3A_458 = tpu.vector_load %arg8[%get3A_456, %get3A_457] {strides = array<i32>} : memref<104x32xi32, #tpu.memory_space<vmem>>, vector<1x16xi32>,
        %get3A_459 = vector.shape_cast %get3A_458 : vector<1x16xi32> to vector<16xi32>
        %add3A_460 = arith.constant 0 : i32
        %add3A_461 = arith.addi %add3A_460, %scan3A_453 : i32
        %get3A_462 = arith.index_cast %add3A_461 : i32 to index
        %get3A_463 = arith.constant 16 : index
        %get3A_464 = tpu.vector_load %arg8[%get3A_462, %get3A_463] {strides = array<i32>} : memref<104x32xi32, #tpu.memory_space<vmem>>, vector<1x16xi32>,
        %get3A_465 = vector.shape_cast %get3A_464 : vector<1x16xi32> to vector<16xi32>
        %broadcast_in_dim3A_466 = arith.constant -65536 : i32
        %broadcast_in_dim3A_467 = vector.broadcast %broadcast_in_dim3A_466 : i32 to vector<16xi32>
        %shift_left3A_468 = arith.constant 16 : i32
        %shift_left3A_469 = vector.broadcast %shift_left3A_468 : i32 to vector<16xi32>
        %shift_left3A_470 = arith.shli %get3A_459, %shift_left3A_469 : vector<16xi32>
        %bitcast_convert_type3A_471 = tpu.bitcast %shift_left3A_470 : vector<16xi32> -> vector<16xf32>
        %and3A_472 = arith.andi %get3A_459, %broadcast_in_dim3A_467 : vector<16xi32>
        %bitcast_convert_type3A_473 = tpu.bitcast %and3A_472 : vector<16xi32> -> vector<16xf32>
        %broadcast_in_dim3A_474 = arith.constant -65536 : i32
        %broadcast_in_dim3A_475 = vector.broadcast %broadcast_in_dim3A_474 : i32 to vector<16xi32>
        %shift_left3A_476 = arith.constant 16 : i32
        %shift_left3A_477 = vector.broadcast %shift_left3A_476 : i32 to vector<16xi32>
        %shift_left3A_478 = arith.shli %get3A_465, %shift_left3A_477 : vector<16xi32>
        %bitcast_convert_type3A_479 = tpu.bitcast %shift_left3A_478 : vector<16xi32> -> vector<16xf32>
        %and3A_480 = arith.andi %get3A_465, %broadcast_in_dim3A_475 : vector<16xi32>
        %bitcast_convert_type3A_481 = tpu.bitcast %and3A_480 : vector<16xi32> -> vector<16xf32>
        %add3A_482 = arith.addf %add3A_448, %bitcast_convert_type3A_471 : vector<16xf32>
        %add3A_483 = arith.addf %add3A_449, %bitcast_convert_type3A_473 : vector<16xf32>
        %add3A_484 = arith.addf %add3A_450, %bitcast_convert_type3A_479 : vector<16xf32>
        %add3A_485 = arith.addf %add3A_451, %bitcast_convert_type3A_481 : vector<16xf32>
        %scan3A_486 = arith.constant 3 : i32
        %scan3A_487 = arith.addi %scan3A_384, %scan3A_486 : i32
        %add3A_488 = arith.constant 0 : i32
        %add3A_489 = arith.addi %add3A_488, %scan3A_487 : i32
        %get3A_490 = arith.index_cast %add3A_489 : i32 to index
        %get3A_491 = arith.constant 0 : index
        %get3A_492 = tpu.vector_load %arg8[%get3A_490, %get3A_491] {strides = array<i32>} : memref<104x32xi32, #tpu.memory_space<vmem>>, vector<1x16xi32>,
        %get3A_493 = vector.shape_cast %get3A_492 : vector<1x16xi32> to vector<16xi32>
        %add3A_494 = arith.constant 0 : i32
        %add3A_495 = arith.addi %add3A_494, %scan3A_487 : i32
        %get3A_496 = arith.index_cast %add3A_495 : i32 to index
        %get3A_497 = arith.constant 16 : index
        %get3A_498 = tpu.vector_load %arg8[%get3A_496, %get3A_497] {strides = array<i32>} : memref<104x32xi32, #tpu.memory_space<vmem>>, vector<1x16xi32>,
        %get3A_499 = vector.shape_cast %get3A_498 : vector<1x16xi32> to vector<16xi32>
        %broadcast_in_dim3A_500 = arith.constant -65536 : i32
        %broadcast_in_dim3A_501 = vector.broadcast %broadcast_in_dim3A_500 : i32 to vector<16xi32>
        %shift_left3A_502 = arith.constant 16 : i32
        %shift_left3A_503 = vector.broadcast %shift_left3A_502 : i32 to vector<16xi32>
        %shift_left3A_504 = arith.shli %get3A_493, %shift_left3A_503 : vector<16xi32>
        %bitcast_convert_type3A_505 = tpu.bitcast %shift_left3A_504 : vector<16xi32> -> vector<16xf32>
        %and3A_506 = arith.andi %get3A_493, %broadcast_in_dim3A_501 : vector<16xi32>
        %bitcast_convert_type3A_507 = tpu.bitcast %and3A_506 : vector<16xi32> -> vector<16xf32>
        %broadcast_in_dim3A_508 = arith.constant -65536 : i32
        %broadcast_in_dim3A_509 = vector.broadcast %broadcast_in_dim3A_508 : i32 to vector<16xi32>
        %shift_left3A_510 = arith.constant 16 : i32
        %shift_left3A_511 = vector.broadcast %shift_left3A_510 : i32 to vector<16xi32>
        %shift_left3A_512 = arith.shli %get3A_499, %shift_left3A_511 : vector<16xi32>
        %bitcast_convert_type3A_513 = tpu.bitcast %shift_left3A_512 : vector<16xi32> -> vector<16xf32>
        %and3A_514 = arith.andi %get3A_499, %broadcast_in_dim3A_509 : vector<16xi32>
        %bitcast_convert_type3A_515 = tpu.bitcast %and3A_514 : vector<16xi32> -> vector<16xf32>
        %add3A_516 = arith.addf %add3A_482, %bitcast_convert_type3A_505 : vector<16xf32>
        %add3A_517 = arith.addf %add3A_483, %bitcast_convert_type3A_507 : vector<16xf32>
        %add3A_518 = arith.addf %add3A_484, %bitcast_convert_type3A_513 : vector<16xf32>
        %add3A_519 = arith.addf %add3A_485, %bitcast_convert_type3A_515 : vector<16xf32>
        %scan3A_520 = arith.constant 4 : i32
        %scan3A_521 = arith.addi %scan3A_384, %scan3A_520 : i32
        %add3A_522 = arith.constant 0 : i32
        %add3A_523 = arith.addi %add3A_522, %scan3A_521 : i32
        %get3A_524 = arith.index_cast %add3A_523 : i32 to index
        %get3A_525 = arith.constant 0 : index
        %get3A_526 = tpu.vector_load %arg8[%get3A_524, %get3A_525] {strides = array<i32>} : memref<104x32xi32, #tpu.memory_space<vmem>>, vector<1x16xi32>,
        %get3A_527 = vector.shape_cast %get3A_526 : vector<1x16xi32> to vector<16xi32>
        %add3A_528 = arith.constant 0 : i32
        %add3A_529 = arith.addi %add3A_528, %scan3A_521 : i32
        %get3A_530 = arith.index_cast %add3A_529 : i32 to index
        %get3A_531 = arith.constant 16 : index
        %get3A_532 = tpu.vector_load %arg8[%get3A_530, %get3A_531] {strides = array<i32>} : memref<104x32xi32, #tpu.memory_space<vmem>>, vector<1x16xi32>,
        %get3A_533 = vector.shape_cast %get3A_532 : vector<1x16xi32> to vector<16xi32>
        %broadcast_in_dim3A_534 = arith.constant -65536 : i32
        %broadcast_in_dim3A_535 = vector.broadcast %broadcast_in_dim3A_534 : i32 to vector<16xi32>
        %shift_left3A_536 = arith.constant 16 : i32
        %shift_left3A_537 = vector.broadcast %shift_left3A_536 : i32 to vector<16xi32>
        %shift_left3A_538 = arith.shli %get3A_527, %shift_left3A_537 : vector<16xi32>
        %bitcast_convert_type3A_539 = tpu.bitcast %shift_left3A_538 : vector<16xi32> -> vector<16xf32>
        %and3A_540 = arith.andi %get3A_527, %broadcast_in_dim3A_535 : vector<16xi32>
        %bitcast_convert_type3A_541 = tpu.bitcast %and3A_540 : vector<16xi32> -> vector<16xf32>
        %broadcast_in_dim3A_542 = arith.constant -65536 : i32
        %broadcast_in_dim3A_543 = vector.broadcast %broadcast_in_dim3A_542 : i32 to vector<16xi32>
        %shift_left3A_544 = arith.constant 16 : i32
        %shift_left3A_545 = vector.broadcast %shift_left3A_544 : i32 to vector<16xi32>
        %shift_left3A_546 = arith.shli %get3A_533, %shift_left3A_545 : vector<16xi32>
        %bitcast_convert_type3A_547 = tpu.bitcast %shift_left3A_546 : vector<16xi32> -> vector<16xf32>
        %and3A_548 = arith.andi %get3A_533, %broadcast_in_dim3A_543 : vector<16xi32>
        %bitcast_convert_type3A_549 = tpu.bitcast %and3A_548 : vector<16xi32> -> vector<16xf32>
        %add3A_550 = arith.addf %add3A_516, %bitcast_convert_type3A_539 : vector<16xf32>
        %add3A_551 = arith.addf %add3A_517, %bitcast_convert_type3A_541 : vector<16xf32>
        %add3A_552 = arith.addf %add3A_518, %bitcast_convert_type3A_547 : vector<16xf32>
        %add3A_553 = arith.addf %add3A_519, %bitcast_convert_type3A_549 : vector<16xf32>
        %scan3A_554 = arith.constant 5 : i32
        %scan3A_555 = arith.addi %scan3A_384, %scan3A_554 : i32
        %add3A_556 = arith.constant 0 : i32
        %add3A_557 = arith.addi %add3A_556, %scan3A_555 : i32
        %get3A_558 = arith.index_cast %add3A_557 : i32 to index
        %get3A_559 = arith.constant 0 : index
        %get3A_560 = tpu.vector_load %arg8[%get3A_558, %get3A_559] {strides = array<i32>} : memref<104x32xi32, #tpu.memory_space<vmem>>, vector<1x16xi32>,
        %get3A_561 = vector.shape_cast %get3A_560 : vector<1x16xi32> to vector<16xi32>
        %add3A_562 = arith.constant 0 : i32
        %add3A_563 = arith.addi %add3A_562, %scan3A_555 : i32
        %get3A_564 = arith.index_cast %add3A_563 : i32 to index
        %get3A_565 = arith.constant 16 : index
        %get3A_566 = tpu.vector_load %arg8[%get3A_564, %get3A_565] {strides = array<i32>} : memref<104x32xi32, #tpu.memory_space<vmem>>, vector<1x16xi32>,
        %get3A_567 = vector.shape_cast %get3A_566 : vector<1x16xi32> to vector<16xi32>
        %broadcast_in_dim3A_568 = arith.constant -65536 : i32
        %broadcast_in_dim3A_569 = vector.broadcast %broadcast_in_dim3A_568 : i32 to vector<16xi32>
        %shift_left3A_570 = arith.constant 16 : i32
        %shift_left3A_571 = vector.broadcast %shift_left3A_570 : i32 to vector<16xi32>
        %shift_left3A_572 = arith.shli %get3A_561, %shift_left3A_571 : vector<16xi32>
        %bitcast_convert_type3A_573 = tpu.bitcast %shift_left3A_572 : vector<16xi32> -> vector<16xf32>
        %and3A_574 = arith.andi %get3A_561, %broadcast_in_dim3A_569 : vector<16xi32>
        %bitcast_convert_type3A_575 = tpu.bitcast %and3A_574 : vector<16xi32> -> vector<16xf32>
        %broadcast_in_dim3A_576 = arith.constant -65536 : i32
        %broadcast_in_dim3A_577 = vector.broadcast %broadcast_in_dim3A_576 : i32 to vector<16xi32>
        %shift_left3A_578 = arith.constant 16 : i32
        %shift_left3A_579 = vector.broadcast %shift_left3A_578 : i32 to vector<16xi32>
        %shift_left3A_580 = arith.shli %get3A_567, %shift_left3A_579 : vector<16xi32>
        %bitcast_convert_type3A_581 = tpu.bitcast %shift_left3A_580 : vector<16xi32> -> vector<16xf32>
        %and3A_582 = arith.andi %get3A_567, %broadcast_in_dim3A_577 : vector<16xi32>
        %bitcast_convert_type3A_583 = tpu.bitcast %and3A_582 : vector<16xi32> -> vector<16xf32>
        %add3A_584 = arith.addf %add3A_550, %bitcast_convert_type3A_573 : vector<16xf32>
        %add3A_585 = arith.addf %add3A_551, %bitcast_convert_type3A_575 : vector<16xf32>
        %add3A_586 = arith.addf %add3A_552, %bitcast_convert_type3A_581 : vector<16xf32>
        %add3A_587 = arith.addf %add3A_553, %bitcast_convert_type3A_583 : vector<16xf32>
        %scan3A_588 = arith.constant 6 : i32
        %scan3A_589 = arith.addi %scan3A_384, %scan3A_588 : i32
        %add3A_590 = arith.constant 0 : i32
        %add3A_591 = arith.addi %add3A_590, %scan3A_589 : i32
        %get3A_592 = arith.index_cast %add3A_591 : i32 to index
        %get3A_593 = arith.constant 0 : index
        %get3A_594 = tpu.vector_load %arg8[%get3A_592, %get3A_593] {strides = array<i32>} : memref<104x32xi32, #tpu.memory_space<vmem>>, vector<1x16xi32>,
        %get3A_595 = vector.shape_cast %get3A_594 : vector<1x16xi32> to vector<16xi32>
        %add3A_596 = arith.constant 0 : i32
        %add3A_597 = arith.addi %add3A_596, %scan3A_589 : i32
        %get3A_598 = arith.index_cast %add3A_597 : i32 to index
        %get3A_599 = arith.constant 16 : index
        %get3A_600 = tpu.vector_load %arg8[%get3A_598, %get3A_599] {strides = array<i32>} : memref<104x32xi32, #tpu.memory_space<vmem>>, vector<1x16xi32>,
        %get3A_601 = vector.shape_cast %get3A_600 : vector<1x16xi32> to vector<16xi32>
        %broadcast_in_dim3A_602 = arith.constant -65536 : i32
        %broadcast_in_dim3A_603 = vector.broadcast %broadcast_in_dim3A_602 : i32 to vector<16xi32>
        %shift_left3A_604 = arith.constant 16 : i32
        %shift_left3A_605 = vector.broadcast %shift_left3A_604 : i32 to vector<16xi32>
        %shift_left3A_606 = arith.shli %get3A_595, %shift_left3A_605 : vector<16xi32>
        %bitcast_convert_type3A_607 = tpu.bitcast %shift_left3A_606 : vector<16xi32> -> vector<16xf32>
        %and3A_608 = arith.andi %get3A_595, %broadcast_in_dim3A_603 : vector<16xi32>
        %bitcast_convert_type3A_609 = tpu.bitcast %and3A_608 : vector<16xi32> -> vector<16xf32>
        %broadcast_in_dim3A_610 = arith.constant -65536 : i32
        %broadcast_in_dim3A_611 = vector.broadcast %broadcast_in_dim3A_610 : i32 to vector<16xi32>
        %shift_left3A_612 = arith.constant 16 : i32
        %shift_left3A_613 = vector.broadcast %shift_left3A_612 : i32 to vector<16xi32>
        %shift_left3A_614 = arith.shli %get3A_601, %shift_left3A_613 : vector<16xi32>
        %bitcast_convert_type3A_615 = tpu.bitcast %shift_left3A_614 : vector<16xi32> -> vector<16xf32>
        %and3A_616 = arith.andi %get3A_601, %broadcast_in_dim3A_611 : vector<16xi32>
        %bitcast_convert_type3A_617 = tpu.bitcast %and3A_616 : vector<16xi32> -> vector<16xf32>
        %add3A_618 = arith.addf %add3A_584, %bitcast_convert_type3A_607 : vector<16xf32>
        %add3A_619 = arith.addf %add3A_585, %bitcast_convert_type3A_609 : vector<16xf32>
        %add3A_620 = arith.addf %add3A_586, %bitcast_convert_type3A_615 : vector<16xf32>
        %add3A_621 = arith.addf %add3A_587, %bitcast_convert_type3A_617 : vector<16xf32>
        %scan3A_622 = arith.constant 7 : i32
        %scan3A_623 = arith.addi %scan3A_384, %scan3A_622 : i32
        %add3A_624 = arith.constant 0 : i32
        %add3A_625 = arith.addi %add3A_624, %scan3A_623 : i32
        %get3A_626 = arith.index_cast %add3A_625 : i32 to index
        %get3A_627 = arith.constant 0 : index
        %get3A_628 = tpu.vector_load %arg8[%get3A_626, %get3A_627] {strides = array<i32>} : memref<104x32xi32, #tpu.memory_space<vmem>>, vector<1x16xi32>,
        %get3A_629 = vector.shape_cast %get3A_628 : vector<1x16xi32> to vector<16xi32>
        %add3A_630 = arith.constant 0 : i32
        %add3A_631 = arith.addi %add3A_630, %scan3A_623 : i32
        %get3A_632 = arith.index_cast %add3A_631 : i32 to index
        %get3A_633 = arith.constant 16 : index
        %get3A_634 = tpu.vector_load %arg8[%get3A_632, %get3A_633] {strides = array<i32>} : memref<104x32xi32, #tpu.memory_space<vmem>>, vector<1x16xi32>,
        %get3A_635 = vector.shape_cast %get3A_634 : vector<1x16xi32> to vector<16xi32>
        %broadcast_in_dim3A_636 = arith.constant -65536 : i32
        %broadcast_in_dim3A_637 = vector.broadcast %broadcast_in_dim3A_636 : i32 to vector<16xi32>
        %shift_left3A_638 = arith.constant 16 : i32
        %shift_left3A_639 = vector.broadcast %shift_left3A_638 : i32 to vector<16xi32>
        %shift_left3A_640 = arith.shli %get3A_629, %shift_left3A_639 : vector<16xi32>
        %bitcast_convert_type3A_641 = tpu.bitcast %shift_left3A_640 : vector<16xi32> -> vector<16xf32>
        %and3A_642 = arith.andi %get3A_629, %broadcast_in_dim3A_637 : vector<16xi32>
        %bitcast_convert_type3A_643 = tpu.bitcast %and3A_642 : vector<16xi32> -> vector<16xf32>
        %broadcast_in_dim3A_644 = arith.constant -65536 : i32
        %broadcast_in_dim3A_645 = vector.broadcast %broadcast_in_dim3A_644 : i32 to vector<16xi32>
        %shift_left3A_646 = arith.constant 16 : i32
        %shift_left3A_647 = vector.broadcast %shift_left3A_646 : i32 to vector<16xi32>
        %shift_left3A_648 = arith.shli %get3A_635, %shift_left3A_647 : vector<16xi32>
        %bitcast_convert_type3A_649 = tpu.bitcast %shift_left3A_648 : vector<16xi32> -> vector<16xf32>
        %and3A_650 = arith.andi %get3A_635, %broadcast_in_dim3A_645 : vector<16xi32>
        %bitcast_convert_type3A_651 = tpu.bitcast %and3A_650 : vector<16xi32> -> vector<16xf32>
        %add3A_652 = arith.addf %add3A_618, %bitcast_convert_type3A_641 : vector<16xf32>
        %add3A_653 = arith.addf %add3A_619, %bitcast_convert_type3A_643 : vector<16xf32>
        %add3A_654 = arith.addf %add3A_620, %bitcast_convert_type3A_649 : vector<16xf32>
        %add3A_655 = arith.addf %add3A_621, %bitcast_convert_type3A_651 : vector<16xf32>
        %scan3A_656 = arith.constant 8 : i32
        %scan3A_657 = arith.addi %scan3A_384, %scan3A_656 : i32
        %add3A_658 = arith.constant 0 : i32
        %add3A_659 = arith.addi %add3A_658, %scan3A_657 : i32
        %get3A_660 = arith.index_cast %add3A_659 : i32 to index
        %get3A_661 = arith.constant 0 : index
        %get3A_662 = tpu.vector_load %arg8[%get3A_660, %get3A_661] {strides = array<i32>} : memref<104x32xi32, #tpu.memory_space<vmem>>, vector<1x16xi32>,
        %get3A_663 = vector.shape_cast %get3A_662 : vector<1x16xi32> to vector<16xi32>
        %add3A_664 = arith.constant 0 : i32
        %add3A_665 = arith.addi %add3A_664, %scan3A_657 : i32
        %get3A_666 = arith.index_cast %add3A_665 : i32 to index
        %get3A_667 = arith.constant 16 : index
        %get3A_668 = tpu.vector_load %arg8[%get3A_666, %get3A_667] {strides = array<i32>} : memref<104x32xi32, #tpu.memory_space<vmem>>, vector<1x16xi32>,
        %get3A_669 = vector.shape_cast %get3A_668 : vector<1x16xi32> to vector<16xi32>
        %broadcast_in_dim3A_670 = arith.constant -65536 : i32
        %broadcast_in_dim3A_671 = vector.broadcast %broadcast_in_dim3A_670 : i32 to vector<16xi32>
        %shift_left3A_672 = arith.constant 16 : i32
        %shift_left3A_673 = vector.broadcast %shift_left3A_672 : i32 to vector<16xi32>
        %shift_left3A_674 = arith.shli %get3A_663, %shift_left3A_673 : vector<16xi32>
        %bitcast_convert_type3A_675 = tpu.bitcast %shift_left3A_674 : vector<16xi32> -> vector<16xf32>
        %and3A_676 = arith.andi %get3A_663, %broadcast_in_dim3A_671 : vector<16xi32>
        %bitcast_convert_type3A_677 = tpu.bitcast %and3A_676 : vector<16xi32> -> vector<16xf32>
        %broadcast_in_dim3A_678 = arith.constant -65536 : i32
        %broadcast_in_dim3A_679 = vector.broadcast %broadcast_in_dim3A_678 : i32 to vector<16xi32>
        %shift_left3A_680 = arith.constant 16 : i32
        %shift_left3A_681 = vector.broadcast %shift_left3A_680 : i32 to vector<16xi32>
        %shift_left3A_682 = arith.shli %get3A_669, %shift_left3A_681 : vector<16xi32>
        %bitcast_convert_type3A_683 = tpu.bitcast %shift_left3A_682 : vector<16xi32> -> vector<16xf32>
        %and3A_684 = arith.andi %get3A_669, %broadcast_in_dim3A_679 : vector<16xi32>
        %bitcast_convert_type3A_685 = tpu.bitcast %and3A_684 : vector<16xi32> -> vector<16xf32>
        %add3A_686 = arith.addf %add3A_652, %bitcast_convert_type3A_675 : vector<16xf32>
        %add3A_687 = arith.addf %add3A_653, %bitcast_convert_type3A_677 : vector<16xf32>
        %add3A_688 = arith.addf %add3A_654, %bitcast_convert_type3A_683 : vector<16xf32>
        %add3A_689 = arith.addf %add3A_655, %bitcast_convert_type3A_685 : vector<16xf32>
        %scan3A_690 = arith.constant 9 : i32
        %scan3A_691 = arith.addi %scan3A_384, %scan3A_690 : i32
        %add3A_692 = arith.constant 0 : i32
        %add3A_693 = arith.addi %add3A_692, %scan3A_691 : i32
        %get3A_694 = arith.index_cast %add3A_693 : i32 to index
        %get3A_695 = arith.constant 0 : index
        %get3A_696 = tpu.vector_load %arg8[%get3A_694, %get3A_695] {strides = array<i32>} : memref<104x32xi32, #tpu.memory_space<vmem>>, vector<1x16xi32>,
        %get3A_697 = vector.shape_cast %get3A_696 : vector<1x16xi32> to vector<16xi32>
        %add3A_698 = arith.constant 0 : i32
        %add3A_699 = arith.addi %add3A_698, %scan3A_691 : i32
        %get3A_700 = arith.index_cast %add3A_699 : i32 to index
        %get3A_701 = arith.constant 16 : index
        %get3A_702 = tpu.vector_load %arg8[%get3A_700, %get3A_701] {strides = array<i32>} : memref<104x32xi32, #tpu.memory_space<vmem>>, vector<1x16xi32>,
        %get3A_703 = vector.shape_cast %get3A_702 : vector<1x16xi32> to vector<16xi32>
        %broadcast_in_dim3A_704 = arith.constant -65536 : i32
        %broadcast_in_dim3A_705 = vector.broadcast %broadcast_in_dim3A_704 : i32 to vector<16xi32>
        %shift_left3A_706 = arith.constant 16 : i32
        %shift_left3A_707 = vector.broadcast %shift_left3A_706 : i32 to vector<16xi32>
        %shift_left3A_708 = arith.shli %get3A_697, %shift_left3A_707 : vector<16xi32>
        %bitcast_convert_type3A_709 = tpu.bitcast %shift_left3A_708 : vector<16xi32> -> vector<16xf32>
        %and3A_710 = arith.andi %get3A_697, %broadcast_in_dim3A_705 : vector<16xi32>
        %bitcast_convert_type3A_711 = tpu.bitcast %and3A_710 : vector<16xi32> -> vector<16xf32>
        %broadcast_in_dim3A_712 = arith.constant -65536 : i32
        %broadcast_in_dim3A_713 = vector.broadcast %broadcast_in_dim3A_712 : i32 to vector<16xi32>
        %shift_left3A_714 = arith.constant 16 : i32
        %shift_left3A_715 = vector.broadcast %shift_left3A_714 : i32 to vector<16xi32>
        %shift_left3A_716 = arith.shli %get3A_703, %shift_left3A_715 : vector<16xi32>
        %bitcast_convert_type3A_717 = tpu.bitcast %shift_left3A_716 : vector<16xi32> -> vector<16xf32>
        %and3A_718 = arith.andi %get3A_703, %broadcast_in_dim3A_713 : vector<16xi32>
        %bitcast_convert_type3A_719 = tpu.bitcast %and3A_718 : vector<16xi32> -> vector<16xf32>
        %add3A_720 = arith.addf %add3A_686, %bitcast_convert_type3A_709 : vector<16xf32>
        %add3A_721 = arith.addf %add3A_687, %bitcast_convert_type3A_711 : vector<16xf32>
        %add3A_722 = arith.addf %add3A_688, %bitcast_convert_type3A_717 : vector<16xf32>
        %add3A_723 = arith.addf %add3A_689, %bitcast_convert_type3A_719 : vector<16xf32>
        scf.yield %add3A_720, %add3A_721, %add3A_722, %add3A_723 : vector<16xf32>, vector<16xf32>, vector<16xf32>, vector<16xf32>
      }
      %scan3A_146 = arith.constant 50 : i32
      %mul3A_147 = arith.constant 2 : i32
      %mul3A_148 = arith.muli %add3A_132, %mul3A_147 : i32
      %add3A_149 = arith.constant 0 : i32
      %add3A_150 = arith.addi %mul3A_148, %add3A_149 : i32
      %swap3A_151 = arith.index_cast %add3A_150 : i32 to index
      %swap3A_152 = arith.constant 0 : index
      %swap3A_153 = tpu.vector_load %arg11[%swap3A_151, %swap3A_152] {strides = array<i32>} : memref<128x64xf32, #tpu.memory_space<vmem>>, vector<1x16xf32>,
      %swap3A_154 = vector.shape_cast %swap3A_153 : vector<1x16xf32> to vector<16xf32>
      %swap3A_155 = vector.shape_cast %scan3A_145#0 : vector<16xf32> to vector<1x16xf32>
      tpu.vector_store %arg11[%swap3A_151, %swap3A_152], %swap3A_155 {strides = array<i32>} : memref<128x64xf32, #tpu.memory_space<vmem>>, vector<1x16xf32>,
      %swap3A_156 = arith.index_cast %add3A_150 : i32 to index
      %swap3A_157 = arith.constant 16 : index
      %swap3A_158 = tpu.vector_load %arg11[%swap3A_156, %swap3A_157] {strides = array<i32>} : memref<128x64xf32, #tpu.memory_space<vmem>>, vector<1x16xf32>,
      %swap3A_159 = vector.shape_cast %swap3A_158 : vector<1x16xf32> to vector<16xf32>
      %swap3A_160 = vector.shape_cast %scan3A_145#1 : vector<16xf32> to vector<1x16xf32>
      tpu.vector_store %arg11[%swap3A_156, %swap3A_157], %swap3A_160 {strides = array<i32>} : memref<128x64xf32, #tpu.memory_space<vmem>>, vector<1x16xf32>,
      %swap3A_161 = arith.index_cast %add3A_150 : i32 to index
      %swap3A_162 = arith.constant 32 : index
      %swap3A_163 = tpu.vector_load %arg11[%swap3A_161, %swap3A_162] {strides = array<i32>} : memref<128x64xf32, #tpu.memory_space<vmem>>, vector<1x16xf32>,
      %swap3A_164 = vector.shape_cast %swap3A_163 : vector<1x16xf32> to vector<16xf32>
      %swap3A_165 = vector.shape_cast %scan3A_145#2 : vector<16xf32> to vector<1x16xf32>
      tpu.vector_store %arg11[%swap3A_161, %swap3A_162], %swap3A_165 {strides = array<i32>} : memref<128x64xf32, #tpu.memory_space<vmem>>, vector<1x16xf32>,
      %swap3A_166 = arith.index_cast %add3A_150 : i32 to index
      %swap3A_167 = arith.constant 48 : index
      %swap3A_168 = tpu.vector_load %arg11[%swap3A_166, %swap3A_167] {strides = array<i32>} : memref<128x64xf32, #tpu.memory_space<vmem>>, vector<1x16xf32>,
      %swap3A_169 = vector.shape_cast %swap3A_168 : vector<1x16xf32> to vector<16xf32>
      %swap3A_170 = vector.shape_cast %scan3A_145#3 : vector<16xf32> to vector<1x16xf32>
      tpu.vector_store %arg11[%swap3A_166, %swap3A_167], %swap3A_170 {strides = array<i32>} : memref<128x64xf32, #tpu.memory_space<vmem>>, vector<1x16xf32>,
      %broadcast_in_dim3A_171 = arith.constant 0.000000e+00 : f32
      %broadcast_in_dim3A_172 = vector.broadcast %broadcast_in_dim3A_171 : f32 to vector<16xf32>
      %scan3A_173 = arith.constant 0 : i32
      %scan3A_174 = arith.constant 50 : i32
      %scan3A_175 = arith.addi %scan3A_173, %scan3A_174 : i32
      %scan3A_176 = arith.constant 10 : i32
      %scan3A_177:4 = scf.for %scan3A_384 = %scan3A_173 to %scan3A_175 step %scan3A_176 iter_args(%scan3A_385 = %broadcast_in_dim3A_172, %scan3A_386 = %broadcast_in_dim3A_172, %scan3A_387 = %broadcast_in_dim3A_172, %scan3A_388 = %broadcast_in_dim3A_172) -> (vector<16xf32>, vector<16xf32>, vector<16xf32>, vector<16xf32>)  : i32 {
        %add3A_389 = arith.constant 50 : i32
        %add3A_390 = arith.addi %add3A_389, %scan3A_384 : i32
        %get3A = arith.index_cast %add3A_390 : i32 to index
        %get3A_391 = arith.constant 0 : index
        %get3A_392 = tpu.vector_load %arg8[%get3A, %get3A_391] {strides = array<i32>} : memref<104x32xi32, #tpu.memory_space<vmem>>, vector<1x16xi32>,
        %get3A_393 = vector.shape_cast %get3A_392 : vector<1x16xi32> to vector<16xi32>
        %add3A_394 = arith.constant 50 : i32
        %add3A_395 = arith.addi %add3A_394, %scan3A_384 : i32
        %get3A_396 = arith.index_cast %add3A_395 : i32 to index
        %get3A_397 = arith.constant 16 : index
        %get3A_398 = tpu.vector_load %arg8[%get3A_396, %get3A_397] {strides = array<i32>} : memref<104x32xi32, #tpu.memory_space<vmem>>, vector<1x16xi32>,
        %get3A_399 = vector.shape_cast %get3A_398 : vector<1x16xi32> to vector<16xi32>
        %broadcast_in_dim3A_400 = arith.constant -65536 : i32
        %broadcast_in_dim3A_401 = vector.broadcast %broadcast_in_dim3A_400 : i32 to vector<16xi32>
        %shift_left3A = arith.constant 16 : i32
        %shift_left3A_402 = vector.broadcast %shift_left3A : i32 to vector<16xi32>
        %shift_left3A_403 = arith.shli %get3A_393, %shift_left3A_402 : vector<16xi32>
        %bitcast_convert_type3A = tpu.bitcast %shift_left3A_403 : vector<16xi32> -> vector<16xf32>
        %and3A_404 = arith.andi %get3A_393, %broadcast_in_dim3A_401 : vector<16xi32>
        %bitcast_convert_type3A_405 = tpu.bitcast %and3A_404 : vector<16xi32> -> vector<16xf32>
        %broadcast_in_dim3A_406 = arith.constant -65536 : i32
        %broadcast_in_dim3A_407 = vector.broadcast %broadcast_in_dim3A_406 : i32 to vector<16xi32>
        %shift_left3A_408 = arith.constant 16 : i32
        %shift_left3A_409 = vector.broadcast %shift_left3A_408 : i32 to vector<16xi32>
        %shift_left3A_410 = arith.shli %get3A_399, %shift_left3A_409 : vector<16xi32>
        %bitcast_convert_type3A_411 = tpu.bitcast %shift_left3A_410 : vector<16xi32> -> vector<16xf32>
        %and3A_412 = arith.andi %get3A_399, %broadcast_in_dim3A_407 : vector<16xi32>
        %bitcast_convert_type3A_413 = tpu.bitcast %and3A_412 : vector<16xi32> -> vector<16xf32>
        %add3A_414 = arith.addf %scan3A_385, %bitcast_convert_type3A : vector<16xf32>
        %add3A_415 = arith.addf %scan3A_386, %bitcast_convert_type3A_405 : vector<16xf32>
        %add3A_416 = arith.addf %scan3A_387, %bitcast_convert_type3A_411 : vector<16xf32>
        %add3A_417 = arith.addf %scan3A_388, %bitcast_convert_type3A_413 : vector<16xf32>
        %scan3A_418 = arith.constant 1 : i32
        %scan3A_419 = arith.addi %scan3A_384, %scan3A_418 : i32
        %add3A_420 = arith.constant 50 : i32
        %add3A_421 = arith.addi %add3A_420, %scan3A_419 : i32
        %get3A_422 = arith.index_cast %add3A_421 : i32 to index
        %get3A_423 = arith.constant 0 : index
        %get3A_424 = tpu.vector_load %arg8[%get3A_422, %get3A_423] {strides = array<i32>} : memref<104x32xi32, #tpu.memory_space<vmem>>, vector<1x16xi32>,
        %get3A_425 = vector.shape_cast %get3A_424 : vector<1x16xi32> to vector<16xi32>
        %add3A_426 = arith.constant 50 : i32
        %add3A_427 = arith.addi %add3A_426, %scan3A_419 : i32
        %get3A_428 = arith.index_cast %add3A_427 : i32 to index
        %get3A_429 = arith.constant 16 : index
        %get3A_430 = tpu.vector_load %arg8[%get3A_428, %get3A_429] {strides = array<i32>} : memref<104x32xi32, #tpu.memory_space<vmem>>, vector<1x16xi32>,
        %get3A_431 = vector.shape_cast %get3A_430 : vector<1x16xi32> to vector<16xi32>
        %broadcast_in_dim3A_432 = arith.constant -65536 : i32
        %broadcast_in_dim3A_433 = vector.broadcast %broadcast_in_dim3A_432 : i32 to vector<16xi32>
        %shift_left3A_434 = arith.constant 16 : i32
        %shift_left3A_435 = vector.broadcast %shift_left3A_434 : i32 to vector<16xi32>
        %shift_left3A_436 = arith.shli %get3A_425, %shift_left3A_435 : vector<16xi32>
        %bitcast_convert_type3A_437 = tpu.bitcast %shift_left3A_436 : vector<16xi32> -> vector<16xf32>
        %and3A_438 = arith.andi %get3A_425, %broadcast_in_dim3A_433 : vector<16xi32>
        %bitcast_convert_type3A_439 = tpu.bitcast %and3A_438 : vector<16xi32> -> vector<16xf32>
        %broadcast_in_dim3A_440 = arith.constant -65536 : i32
        %broadcast_in_dim3A_441 = vector.broadcast %broadcast_in_dim3A_440 : i32 to vector<16xi32>
        %shift_left3A_442 = arith.constant 16 : i32
        %shift_left3A_443 = vector.broadcast %shift_left3A_442 : i32 to vector<16xi32>
        %shift_left3A_444 = arith.shli %get3A_431, %shift_left3A_443 : vector<16xi32>
        %bitcast_convert_type3A_445 = tpu.bitcast %shift_left3A_444 : vector<16xi32> -> vector<16xf32>
        %and3A_446 = arith.andi %get3A_431, %broadcast_in_dim3A_441 : vector<16xi32>
        %bitcast_convert_type3A_447 = tpu.bitcast %and3A_446 : vector<16xi32> -> vector<16xf32>
        %add3A_448 = arith.addf %add3A_414, %bitcast_convert_type3A_437 : vector<16xf32>
        %add3A_449 = arith.addf %add3A_415, %bitcast_convert_type3A_439 : vector<16xf32>
        %add3A_450 = arith.addf %add3A_416, %bitcast_convert_type3A_445 : vector<16xf32>
        %add3A_451 = arith.addf %add3A_417, %bitcast_convert_type3A_447 : vector<16xf32>
        %scan3A_452 = arith.constant 2 : i32
        %scan3A_453 = arith.addi %scan3A_384, %scan3A_452 : i32
        %add3A_454 = arith.constant 50 : i32
        %add3A_455 = arith.addi %add3A_454, %scan3A_453 : i32
        %get3A_456 = arith.index_cast %add3A_455 : i32 to index
        %get3A_457 = arith.constant 0 : index
        %get3A_458 = tpu.vector_load %arg8[%get3A_456, %get3A_457] {strides = array<i32>} : memref<104x32xi32, #tpu.memory_space<vmem>>, vector<1x16xi32>,
        %get3A_459 = vector.shape_cast %get3A_458 : vector<1x16xi32> to vector<16xi32>
        %add3A_460 = arith.constant 50 : i32
        %add3A_461 = arith.addi %add3A_460, %scan3A_453 : i32
        %get3A_462 = arith.index_cast %add3A_461 : i32 to index
        %get3A_463 = arith.constant 16 : index
        %get3A_464 = tpu.vector_load %arg8[%get3A_462, %get3A_463] {strides = array<i32>} : memref<104x32xi32, #tpu.memory_space<vmem>>, vector<1x16xi32>,
        %get3A_465 = vector.shape_cast %get3A_464 : vector<1x16xi32> to vector<16xi32>
        %broadcast_in_dim3A_466 = arith.constant -65536 : i32
        %broadcast_in_dim3A_467 = vector.broadcast %broadcast_in_dim3A_466 : i32 to vector<16xi32>
        %shift_left3A_468 = arith.constant 16 : i32
        %shift_left3A_469 = vector.broadcast %shift_left3A_468 : i32 to vector<16xi32>
        %shift_left3A_470 = arith.shli %get3A_459, %shift_left3A_469 : vector<16xi32>
        %bitcast_convert_type3A_471 = tpu.bitcast %shift_left3A_470 : vector<16xi32> -> vector<16xf32>
        %and3A_472 = arith.andi %get3A_459, %broadcast_in_dim3A_467 : vector<16xi32>
        %bitcast_convert_type3A_473 = tpu.bitcast %and3A_472 : vector<16xi32> -> vector<16xf32>
        %broadcast_in_dim3A_474 = arith.constant -65536 : i32
        %broadcast_in_dim3A_475 = vector.broadcast %broadcast_in_dim3A_474 : i32 to vector<16xi32>
        %shift_left3A_476 = arith.constant 16 : i32
        %shift_left3A_477 = vector.broadcast %shift_left3A_476 : i32 to vector<16xi32>
        %shift_left3A_478 = arith.shli %get3A_465, %shift_left3A_477 : vector<16xi32>
        %bitcast_convert_type3A_479 = tpu.bitcast %shift_left3A_478 : vector<16xi32> -> vector<16xf32>
        %and3A_480 = arith.andi %get3A_465, %broadcast_in_dim3A_475 : vector<16xi32>
        %bitcast_convert_type3A_481 = tpu.bitcast %and3A_480 : vector<16xi32> -> vector<16xf32>
        %add3A_482 = arith.addf %add3A_448, %bitcast_convert_type3A_471 : vector<16xf32>
        %add3A_483 = arith.addf %add3A_449, %bitcast_convert_type3A_473 : vector<16xf32>
        %add3A_484 = arith.addf %add3A_450, %bitcast_convert_type3A_479 : vector<16xf32>
        %add3A_485 = arith.addf %add3A_451, %bitcast_convert_type3A_481 : vector<16xf32>
        %scan3A_486 = arith.constant 3 : i32
        %scan3A_487 = arith.addi %scan3A_384, %scan3A_486 : i32
        %add3A_488 = arith.constant 50 : i32
        %add3A_489 = arith.addi %add3A_488, %scan3A_487 : i32
        %get3A_490 = arith.index_cast %add3A_489 : i32 to index
        %get3A_491 = arith.constant 0 : index
        %get3A_492 = tpu.vector_load %arg8[%get3A_490, %get3A_491] {strides = array<i32>} : memref<104x32xi32, #tpu.memory_space<vmem>>, vector<1x16xi32>,
        %get3A_493 = vector.shape_cast %get3A_492 : vector<1x16xi32> to vector<16xi32>
        %add3A_494 = arith.constant 50 : i32
        %add3A_495 = arith.addi %add3A_494, %scan3A_487 : i32
        %get3A_496 = arith.index_cast %add3A_495 : i32 to index
        %get3A_497 = arith.constant 16 : index
        %get3A_498 = tpu.vector_load %arg8[%get3A_496, %get3A_497] {strides = array<i32>} : memref<104x32xi32, #tpu.memory_space<vmem>>, vector<1x16xi32>,
        %get3A_499 = vector.shape_cast %get3A_498 : vector<1x16xi32> to vector<16xi32>
        %broadcast_in_dim3A_500 = arith.constant -65536 : i32
        %broadcast_in_dim3A_501 = vector.broadcast %broadcast_in_dim3A_500 : i32 to vector<16xi32>
        %shift_left3A_502 = arith.constant 16 : i32
        %shift_left3A_503 = vector.broadcast %shift_left3A_502 : i32 to vector<16xi32>
        %shift_left3A_504 = arith.shli %get3A_493, %shift_left3A_503 : vector<16xi32>
        %bitcast_convert_type3A_505 = tpu.bitcast %shift_left3A_504 : vector<16xi32> -> vector<16xf32>
        %and3A_506 = arith.andi %get3A_493, %broadcast_in_dim3A_501 : vector<16xi32>
        %bitcast_convert_type3A_507 = tpu.bitcast %and3A_506 : vector<16xi32> -> vector<16xf32>
        %broadcast_in_dim3A_508 = arith.constant -65536 : i32
        %broadcast_in_dim3A_509 = vector.broadcast %broadcast_in_dim3A_508 : i32 to vector<16xi32>
        %shift_left3A_510 = arith.constant 16 : i32
        %shift_left3A_511 = vector.broadcast %shift_left3A_510 : i32 to vector<16xi32>
        %shift_left3A_512 = arith.shli %get3A_499, %shift_left3A_511 : vector<16xi32>
        %bitcast_convert_type3A_513 = tpu.bitcast %shift_left3A_512 : vector<16xi32> -> vector<16xf32>
        %and3A_514 = arith.andi %get3A_499, %broadcast_in_dim3A_509 : vector<16xi32>
        %bitcast_convert_type3A_515 = tpu.bitcast %and3A_514 : vector<16xi32> -> vector<16xf32>
        %add3A_516 = arith.addf %add3A_482, %bitcast_convert_type3A_505 : vector<16xf32>
        %add3A_517 = arith.addf %add3A_483, %bitcast_convert_type3A_507 : vector<16xf32>
        %add3A_518 = arith.addf %add3A_484, %bitcast_convert_type3A_513 : vector<16xf32>
        %add3A_519 = arith.addf %add3A_485, %bitcast_convert_type3A_515 : vector<16xf32>
        %scan3A_520 = arith.constant 4 : i32
        %scan3A_521 = arith.addi %scan3A_384, %scan3A_520 : i32
        %add3A_522 = arith.constant 50 : i32
        %add3A_523 = arith.addi %add3A_522, %scan3A_521 : i32
        %get3A_524 = arith.index_cast %add3A_523 : i32 to index
        %get3A_525 = arith.constant 0 : index
        %get3A_526 = tpu.vector_load %arg8[%get3A_524, %get3A_525] {strides = array<i32>} : memref<104x32xi32, #tpu.memory_space<vmem>>, vector<1x16xi32>,
        %get3A_527 = vector.shape_cast %get3A_526 : vector<1x16xi32> to vector<16xi32>
        %add3A_528 = arith.constant 50 : i32
        %add3A_529 = arith.addi %add3A_528, %scan3A_521 : i32
        %get3A_530 = arith.index_cast %add3A_529 : i32 to index
        %get3A_531 = arith.constant 16 : index
        %get3A_532 = tpu.vector_load %arg8[%get3A_530, %get3A_531] {strides = array<i32>} : memref<104x32xi32, #tpu.memory_space<vmem>>, vector<1x16xi32>,
        %get3A_533 = vector.shape_cast %get3A_532 : vector<1x16xi32> to vector<16xi32>
        %broadcast_in_dim3A_534 = arith.constant -65536 : i32
        %broadcast_in_dim3A_535 = vector.broadcast %broadcast_in_dim3A_534 : i32 to vector<16xi32>
        %shift_left3A_536 = arith.constant 16 : i32
        %shift_left3A_537 = vector.broadcast %shift_left3A_536 : i32 to vector<16xi32>
        %shift_left3A_538 = arith.shli %get3A_527, %shift_left3A_537 : vector<16xi32>
        %bitcast_convert_type3A_539 = tpu.bitcast %shift_left3A_538 : vector<16xi32> -> vector<16xf32>
        %and3A_540 = arith.andi %get3A_527, %broadcast_in_dim3A_535 : vector<16xi32>
        %bitcast_convert_type3A_541 = tpu.bitcast %and3A_540 : vector<16xi32> -> vector<16xf32>
        %broadcast_in_dim3A_542 = arith.constant -65536 : i32
        %broadcast_in_dim3A_543 = vector.broadcast %broadcast_in_dim3A_542 : i32 to vector<16xi32>
        %shift_left3A_544 = arith.constant 16 : i32
        %shift_left3A_545 = vector.broadcast %shift_left3A_544 : i32 to vector<16xi32>
        %shift_left3A_546 = arith.shli %get3A_533, %shift_left3A_545 : vector<16xi32>
        %bitcast_convert_type3A_547 = tpu.bitcast %shift_left3A_546 : vector<16xi32> -> vector<16xf32>
        %and3A_548 = arith.andi %get3A_533, %broadcast_in_dim3A_543 : vector<16xi32>
        %bitcast_convert_type3A_549 = tpu.bitcast %and3A_548 : vector<16xi32> -> vector<16xf32>
        %add3A_550 = arith.addf %add3A_516, %bitcast_convert_type3A_539 : vector<16xf32>
        %add3A_551 = arith.addf %add3A_517, %bitcast_convert_type3A_541 : vector<16xf32>
        %add3A_552 = arith.addf %add3A_518, %bitcast_convert_type3A_547 : vector<16xf32>
        %add3A_553 = arith.addf %add3A_519, %bitcast_convert_type3A_549 : vector<16xf32>
        %scan3A_554 = arith.constant 5 : i32
        %scan3A_555 = arith.addi %scan3A_384, %scan3A_554 : i32
        %add3A_556 = arith.constant 50 : i32
        %add3A_557 = arith.addi %add3A_556, %scan3A_555 : i32
        %get3A_558 = arith.index_cast %add3A_557 : i32 to index
        %get3A_559 = arith.constant 0 : index
        %get3A_560 = tpu.vector_load %arg8[%get3A_558, %get3A_559] {strides = array<i32>} : memref<104x32xi32, #tpu.memory_space<vmem>>, vector<1x16xi32>,
        %get3A_561 = vector.shape_cast %get3A_560 : vector<1x16xi32> to vector<16xi32>
        %add3A_562 = arith.constant 50 : i32
        %add3A_563 = arith.addi %add3A_562, %scan3A_555 : i32
        %get3A_564 = arith.index_cast %add3A_563 : i32 to index
        %get3A_565 = arith.constant 16 : index
        %get3A_566 = tpu.vector_load %arg8[%get3A_564, %get3A_565] {strides = array<i32>} : memref<104x32xi32, #tpu.memory_space<vmem>>, vector<1x16xi32>,
        %get3A_567 = vector.shape_cast %get3A_566 : vector<1x16xi32> to vector<16xi32>
        %broadcast_in_dim3A_568 = arith.constant -65536 : i32
        %broadcast_in_dim3A_569 = vector.broadcast %broadcast_in_dim3A_568 : i32 to vector<16xi32>
        %shift_left3A_570 = arith.constant 16 : i32
        %shift_left3A_571 = vector.broadcast %shift_left3A_570 : i32 to vector<16xi32>
        %shift_left3A_572 = arith.shli %get3A_561, %shift_left3A_571 : vector<16xi32>
        %bitcast_convert_type3A_573 = tpu.bitcast %shift_left3A_572 : vector<16xi32> -> vector<16xf32>
        %and3A_574 = arith.andi %get3A_561, %broadcast_in_dim3A_569 : vector<16xi32>
        %bitcast_convert_type3A_575 = tpu.bitcast %and3A_574 : vector<16xi32> -> vector<16xf32>
        %broadcast_in_dim3A_576 = arith.constant -65536 : i32
        %broadcast_in_dim3A_577 = vector.broadcast %broadcast_in_dim3A_576 : i32 to vector<16xi32>
        %shift_left3A_578 = arith.constant 16 : i32
        %shift_left3A_579 = vector.broadcast %shift_left3A_578 : i32 to vector<16xi32>
        %shift_left3A_580 = arith.shli %get3A_567, %shift_left3A_579 : vector<16xi32>
        %bitcast_convert_type3A_581 = tpu.bitcast %shift_left3A_580 : vector<16xi32> -> vector<16xf32>
        %and3A_582 = arith.andi %get3A_567, %broadcast_in_dim3A_577 : vector<16xi32>
        %bitcast_convert_type3A_583 = tpu.bitcast %and3A_582 : vector<16xi32> -> vector<16xf32>
        %add3A_584 = arith.addf %add3A_550, %bitcast_convert_type3A_573 : vector<16xf32>
        %add3A_585 = arith.addf %add3A_551, %bitcast_convert_type3A_575 : vector<16xf32>
        %add3A_586 = arith.addf %add3A_552, %bitcast_convert_type3A_581 : vector<16xf32>
        %add3A_587 = arith.addf %add3A_553, %bitcast_convert_type3A_583 : vector<16xf32>
        %scan3A_588 = arith.constant 6 : i32
        %scan3A_589 = arith.addi %scan3A_384, %scan3A_588 : i32
        %add3A_590 = arith.constant 50 : i32
        %add3A_591 = arith.addi %add3A_590, %scan3A_589 : i32
        %get3A_592 = arith.index_cast %add3A_591 : i32 to index
        %get3A_593 = arith.constant 0 : index
        %get3A_594 = tpu.vector_load %arg8[%get3A_592, %get3A_593] {strides = array<i32>} : memref<104x32xi32, #tpu.memory_space<vmem>>, vector<1x16xi32>,
        %get3A_595 = vector.shape_cast %get3A_594 : vector<1x16xi32> to vector<16xi32>
        %add3A_596 = arith.constant 50 : i32
        %add3A_597 = arith.addi %add3A_596, %scan3A_589 : i32
        %get3A_598 = arith.index_cast %add3A_597 : i32 to index
        %get3A_599 = arith.constant 16 : index
        %get3A_600 = tpu.vector_load %arg8[%get3A_598, %get3A_599] {strides = array<i32>} : memref<104x32xi32, #tpu.memory_space<vmem>>, vector<1x16xi32>,
        %get3A_601 = vector.shape_cast %get3A_600 : vector<1x16xi32> to vector<16xi32>
        %broadcast_in_dim3A_602 = arith.constant -65536 : i32
        %broadcast_in_dim3A_603 = vector.broadcast %broadcast_in_dim3A_602 : i32 to vector<16xi32>
        %shift_left3A_604 = arith.constant 16 : i32
        %shift_left3A_605 = vector.broadcast %shift_left3A_604 : i32 to vector<16xi32>
        %shift_left3A_606 = arith.shli %get3A_595, %shift_left3A_605 : vector<16xi32>
        %bitcast_convert_type3A_607 = tpu.bitcast %shift_left3A_606 : vector<16xi32> -> vector<16xf32>
        %and3A_608 = arith.andi %get3A_595, %broadcast_in_dim3A_603 : vector<16xi32>
        %bitcast_convert_type3A_609 = tpu.bitcast %and3A_608 : vector<16xi32> -> vector<16xf32>
        %broadcast_in_dim3A_610 = arith.constant -65536 : i32
        %broadcast_in_dim3A_611 = vector.broadcast %broadcast_in_dim3A_610 : i32 to vector<16xi32>
        %shift_left3A_612 = arith.constant 16 : i32
        %shift_left3A_613 = vector.broadcast %shift_left3A_612 : i32 to vector<16xi32>
        %shift_left3A_614 = arith.shli %get3A_601, %shift_left3A_613 : vector<16xi32>
        %bitcast_convert_type3A_615 = tpu.bitcast %shift_left3A_614 : vector<16xi32> -> vector<16xf32>
        %and3A_616 = arith.andi %get3A_601, %broadcast_in_dim3A_611 : vector<16xi32>
        %bitcast_convert_type3A_617 = tpu.bitcast %and3A_616 : vector<16xi32> -> vector<16xf32>
        %add3A_618 = arith.addf %add3A_584, %bitcast_convert_type3A_607 : vector<16xf32>
        %add3A_619 = arith.addf %add3A_585, %bitcast_convert_type3A_609 : vector<16xf32>
        %add3A_620 = arith.addf %add3A_586, %bitcast_convert_type3A_615 : vector<16xf32>
        %add3A_621 = arith.addf %add3A_587, %bitcast_convert_type3A_617 : vector<16xf32>
        %scan3A_622 = arith.constant 7 : i32
        %scan3A_623 = arith.addi %scan3A_384, %scan3A_622 : i32
        %add3A_624 = arith.constant 50 : i32
        %add3A_625 = arith.addi %add3A_624, %scan3A_623 : i32
        %get3A_626 = arith.index_cast %add3A_625 : i32 to index
        %get3A_627 = arith.constant 0 : index
        %get3A_628 = tpu.vector_load %arg8[%get3A_626, %get3A_627] {strides = array<i32>} : memref<104x32xi32, #tpu.memory_space<vmem>>, vector<1x16xi32>,
        %get3A_629 = vector.shape_cast %get3A_628 : vector<1x16xi32> to vector<16xi32>
        %add3A_630 = arith.constant 50 : i32
        %add3A_631 = arith.addi %add3A_630, %scan3A_623 : i32
        %get3A_632 = arith.index_cast %add3A_631 : i32 to index
        %get3A_633 = arith.constant 16 : index
        %get3A_634 = tpu.vector_load %arg8[%get3A_632, %get3A_633] {strides = array<i32>} : memref<104x32xi32, #tpu.memory_space<vmem>>, vector<1x16xi32>,
        %get3A_635 = vector.shape_cast %get3A_634 : vector<1x16xi32> to vector<16xi32>
        %broadcast_in_dim3A_636 = arith.constant -65536 : i32
        %broadcast_in_dim3A_637 = vector.broadcast %broadcast_in_dim3A_636 : i32 to vector<16xi32>
        %shift_left3A_638 = arith.constant 16 : i32
        %shift_left3A_639 = vector.broadcast %shift_left3A_638 : i32 to vector<16xi32>
        %shift_left3A_640 = arith.shli %get3A_629, %shift_left3A_639 : vector<16xi32>
        %bitcast_convert_type3A_641 = tpu.bitcast %shift_left3A_640 : vector<16xi32> -> vector<16xf32>
        %and3A_642 = arith.andi %get3A_629, %broadcast_in_dim3A_637 : vector<16xi32>
        %bitcast_convert_type3A_643 = tpu.bitcast %and3A_642 : vector<16xi32> -> vector<16xf32>
        %broadcast_in_dim3A_644 = arith.constant -65536 : i32
        %broadcast_in_dim3A_645 = vector.broadcast %broadcast_in_dim3A_644 : i32 to vector<16xi32>
        %shift_left3A_646 = arith.constant 16 : i32
        %shift_left3A_647 = vector.broadcast %shift_left3A_646 : i32 to vector<16xi32>
        %shift_left3A_648 = arith.shli %get3A_635, %shift_left3A_647 : vector<16xi32>
        %bitcast_convert_type3A_649 = tpu.bitcast %shift_left3A_648 : vector<16xi32> -> vector<16xf32>
        %and3A_650 = arith.andi %get3A_635, %broadcast_in_dim3A_645 : vector<16xi32>
        %bitcast_convert_type3A_651 = tpu.bitcast %and3A_650 : vector<16xi32> -> vector<16xf32>
        %add3A_652 = arith.addf %add3A_618, %bitcast_convert_type3A_641 : vector<16xf32>
        %add3A_653 = arith.addf %add3A_619, %bitcast_convert_type3A_643 : vector<16xf32>
        %add3A_654 = arith.addf %add3A_620, %bitcast_convert_type3A_649 : vector<16xf32>
        %add3A_655 = arith.addf %add3A_621, %bitcast_convert_type3A_651 : vector<16xf32>
        %scan3A_656 = arith.constant 8 : i32
        %scan3A_657 = arith.addi %scan3A_384, %scan3A_656 : i32
        %add3A_658 = arith.constant 50 : i32
        %add3A_659 = arith.addi %add3A_658, %scan3A_657 : i32
        %get3A_660 = arith.index_cast %add3A_659 : i32 to index
        %get3A_661 = arith.constant 0 : index
        %get3A_662 = tpu.vector_load %arg8[%get3A_660, %get3A_661] {strides = array<i32>} : memref<104x32xi32, #tpu.memory_space<vmem>>, vector<1x16xi32>,
        %get3A_663 = vector.shape_cast %get3A_662 : vector<1x16xi32> to vector<16xi32>
        %add3A_664 = arith.constant 50 : i32
        %add3A_665 = arith.addi %add3A_664, %scan3A_657 : i32
        %get3A_666 = arith.index_cast %add3A_665 : i32 to index
        %get3A_667 = arith.constant 16 : index
        %get3A_668 = tpu.vector_load %arg8[%get3A_666, %get3A_667] {strides = array<i32>} : memref<104x32xi32, #tpu.memory_space<vmem>>, vector<1x16xi32>,
        %get3A_669 = vector.shape_cast %get3A_668 : vector<1x16xi32> to vector<16xi32>
        %broadcast_in_dim3A_670 = arith.constant -65536 : i32
        %broadcast_in_dim3A_671 = vector.broadcast %broadcast_in_dim3A_670 : i32 to vector<16xi32>
        %shift_left3A_672 = arith.constant 16 : i32
        %shift_left3A_673 = vector.broadcast %shift_left3A_672 : i32 to vector<16xi32>
        %shift_left3A_674 = arith.shli %get3A_663, %shift_left3A_673 : vector<16xi32>
        %bitcast_convert_type3A_675 = tpu.bitcast %shift_left3A_674 : vector<16xi32> -> vector<16xf32>
        %and3A_676 = arith.andi %get3A_663, %broadcast_in_dim3A_671 : vector<16xi32>
        %bitcast_convert_type3A_677 = tpu.bitcast %and3A_676 : vector<16xi32> -> vector<16xf32>
        %broadcast_in_dim3A_678 = arith.constant -65536 : i32
        %broadcast_in_dim3A_679 = vector.broadcast %broadcast_in_dim3A_678 : i32 to vector<16xi32>
        %shift_left3A_680 = arith.constant 16 : i32
        %shift_left3A_681 = vector.broadcast %shift_left3A_680 : i32 to vector<16xi32>
        %shift_left3A_682 = arith.shli %get3A_669, %shift_left3A_681 : vector<16xi32>
        %bitcast_convert_type3A_683 = tpu.bitcast %shift_left3A_682 : vector<16xi32> -> vector<16xf32>
        %and3A_684 = arith.andi %get3A_669, %broadcast_in_dim3A_679 : vector<16xi32>
        %bitcast_convert_type3A_685 = tpu.bitcast %and3A_684 : vector<16xi32> -> vector<16xf32>
        %add3A_686 = arith.addf %add3A_652, %bitcast_convert_type3A_675 : vector<16xf32>
        %add3A_687 = arith.addf %add3A_653, %bitcast_convert_type3A_677 : vector<16xf32>
        %add3A_688 = arith.addf %add3A_654, %bitcast_convert_type3A_683 : vector<16xf32>
        %add3A_689 = arith.addf %add3A_655, %bitcast_convert_type3A_685 : vector<16xf32>
        %scan3A_690 = arith.constant 9 : i32
        %scan3A_691 = arith.addi %scan3A_384, %scan3A_690 : i32
        %add3A_692 = arith.constant 50 : i32
        %add3A_693 = arith.addi %add3A_692, %scan3A_691 : i32
        %get3A_694 = arith.index_cast %add3A_693 : i32 to index
        %get3A_695 = arith.constant 0 : index
        %get3A_696 = tpu.vector_load %arg8[%get3A_694, %get3A_695] {strides = array<i32>} : memref<104x32xi32, #tpu.memory_space<vmem>>, vector<1x16xi32>,
        %get3A_697 = vector.shape_cast %get3A_696 : vector<1x16xi32> to vector<16xi32>
        %add3A_698 = arith.constant 50 : i32
        %add3A_699 = arith.addi %add3A_698, %scan3A_691 : i32
        %get3A_700 = arith.index_cast %add3A_699 : i32 to index
        %get3A_701 = arith.constant 16 : index
        %get3A_702 = tpu.vector_load %arg8[%get3A_700, %get3A_701] {strides = array<i32>} : memref<104x32xi32, #tpu.memory_space<vmem>>, vector<1x16xi32>,
        %get3A_703 = vector.shape_cast %get3A_702 : vector<1x16xi32> to vector<16xi32>
        %broadcast_in_dim3A_704 = arith.constant -65536 : i32
        %broadcast_in_dim3A_705 = vector.broadcast %broadcast_in_dim3A_704 : i32 to vector<16xi32>
        %shift_left3A_706 = arith.constant 16 : i32
        %shift_left3A_707 = vector.broadcast %shift_left3A_706 : i32 to vector<16xi32>
        %shift_left3A_708 = arith.shli %get3A_697, %shift_left3A_707 : vector<16xi32>
        %bitcast_convert_type3A_709 = tpu.bitcast %shift_left3A_708 : vector<16xi32> -> vector<16xf32>
        %and3A_710 = arith.andi %get3A_697, %broadcast_in_dim3A_705 : vector<16xi32>
        %bitcast_convert_type3A_711 = tpu.bitcast %and3A_710 : vector<16xi32> -> vector<16xf32>
        %broadcast_in_dim3A_712 = arith.constant -65536 : i32
        %broadcast_in_dim3A_713 = vector.broadcast %broadcast_in_dim3A_712 : i32 to vector<16xi32>
        %shift_left3A_714 = arith.constant 16 : i32
        %shift_left3A_715 = vector.broadcast %shift_left3A_714 : i32 to vector<16xi32>
        %shift_left3A_716 = arith.shli %get3A_703, %shift_left3A_715 : vector<16xi32>
        %bitcast_convert_type3A_717 = tpu.bitcast %shift_left3A_716 : vector<16xi32> -> vector<16xf32>
        %and3A_718 = arith.andi %get3A_703, %broadcast_in_dim3A_713 : vector<16xi32>
        %bitcast_convert_type3A_719 = tpu.bitcast %and3A_718 : vector<16xi32> -> vector<16xf32>
        %add3A_720 = arith.addf %add3A_686, %bitcast_convert_type3A_709 : vector<16xf32>
        %add3A_721 = arith.addf %add3A_687, %bitcast_convert_type3A_711 : vector<16xf32>
        %add3A_722 = arith.addf %add3A_688, %bitcast_convert_type3A_717 : vector<16xf32>
        %add3A_723 = arith.addf %add3A_689, %bitcast_convert_type3A_719 : vector<16xf32>
        scf.yield %add3A_720, %add3A_721, %add3A_722, %add3A_723 : vector<16xf32>, vector<16xf32>, vector<16xf32>, vector<16xf32>
      }
      %scan3A_178 = arith.constant 50 : i32
      %mul3A_179 = arith.constant 2 : i32
      %mul3A_180 = arith.muli %add3A_132, %mul3A_179 : i32
      %add3A_181 = arith.constant 1 : i32
      %add3A_182 = arith.addi %mul3A_180, %add3A_181 : i32
      %swap3A_183 = arith.index_cast %add3A_182 : i32 to index
      %swap3A_184 = arith.constant 0 : index
      %swap3A_185 = tpu.vector_load %arg11[%swap3A_183, %swap3A_184] {strides = array<i32>} : memref<128x64xf32, #tpu.memory_space<vmem>>, vector<1x16xf32>,
      %swap3A_186 = vector.shape_cast %swap3A_185 : vector<1x16xf32> to vector<16xf32>
      %swap3A_187 = vector.shape_cast %scan3A_177#0 : vector<16xf32> to vector<1x16xf32>
      tpu.vector_store %arg11[%swap3A_183, %swap3A_184], %swap3A_187 {strides = array<i32>} : memref<128x64xf32, #tpu.memory_space<vmem>>, vector<1x16xf32>,
      %swap3A_188 = arith.index_cast %add3A_182 : i32 to index
      %swap3A_189 = arith.constant 16 : index
      %swap3A_190 = tpu.vector_load %arg11[%swap3A_188, %swap3A_189] {strides = array<i32>} : memref<128x64xf32, #tpu.memory_space<vmem>>, vector<1x16xf32>,
      %swap3A_191 = vector.shape_cast %swap3A_190 : vector<1x16xf32> to vector<16xf32>
      %swap3A_192 = vector.shape_cast %scan3A_177#1 : vector<16xf32> to vector<1x16xf32>
      tpu.vector_store %arg11[%swap3A_188, %swap3A_189], %swap3A_192 {strides = array<i32>} : memref<128x64xf32, #tpu.memory_space<vmem>>, vector<1x16xf32>,
      %swap3A_193 = arith.index_cast %add3A_182 : i32 to index
      %swap3A_194 = arith.constant 32 : index
      %swap3A_195 = tpu.vector_load %arg11[%swap3A_193, %swap3A_194] {strides = array<i32>} : memref<128x64xf32, #tpu.memory_space<vmem>>, vector<1x16xf32>,
      %swap3A_196 = vector.shape_cast %swap3A_195 : vector<1x16xf32> to vector<16xf32>
      %swap3A_197 = vector.shape_cast %scan3A_177#2 : vector<16xf32> to vector<1x16xf32>
      tpu.vector_store %arg11[%swap3A_193, %swap3A_194], %swap3A_197 {strides = array<i32>} : memref<128x64xf32, #tpu.memory_space<vmem>>, vector<1x16xf32>,
      %swap3A_198 = arith.index_cast %add3A_182 : i32 to index
      %swap3A_199 = arith.constant 48 : index
      %swap3A_200 = tpu.vector_load %arg11[%swap3A_198, %swap3A_199] {strides = array<i32>} : memref<128x64xf32, #tpu.memory_space<vmem>>, vector<1x16xf32>,
      %swap3A_201 = vector.shape_cast %swap3A_200 : vector<1x16xf32> to vector<16xf32>
      %swap3A_202 = vector.shape_cast %scan3A_177#3 : vector<16xf32> to vector<1x16xf32>
      tpu.vector_store %arg11[%swap3A_198, %swap3A_199], %swap3A_202 {strides = array<i32>} : memref<128x64xf32, #tpu.memory_space<vmem>>, vector<1x16xf32>,
      %add3A_203 = arith.constant 4 : i32
      %add3A_204 = arith.addi %add3A_132, %add3A_203 : i32
      %min3A_205 = arith.constant 63 : i32
      %min3A_206 = arith.minsi %add3A_204, %min3A_205 : i32
      %add3A_207 = arith.constant 4 : i32
      %add3A_208 = arith.addi %add3A_132, %add3A_207 : i32
      %lt3A_209 = arith.constant 64 : i32
      %lt3A_210 = arith.cmpi slt, %add3A_208, %lt3A_209 : i32
      %convert_element_type3A_211 = arith.extui %lt3A_210 : i1 to i32
      %cond3A_212 = arith.constant 0 : i32
      %cond3A_213 = arith.cmpi ne, %convert_element_type3A_211, %cond3A_212 : i32
      scf.if %cond3A_213 {
        %mul3A_384 = arith.constant 104 : i32
        %mul3A_385 = arith.muli %min3A_206, %mul3A_384 : i32
        %dma_start3A_386 = tpu.memref_slice %arg6[%mul3A_385] : memref<6672xi32, #tpu.memory_space<vmem>> -> memref<104xi32, #tpu.memory_space<vmem>>
        %dma_start3A_387 = arith.constant 0 : i32
        %dma_start3A_388 = arith.constant 0 : i32
        %dma_start3A_389 = tpu.memref_slice %arg3[%dma_start3A_387, %dma_start3A_388] : memref<100000x32xi32, #tpu.memory_space<hbm>> -> memref<100000x32xi32, #tpu.memory_space<hbm>>
        tpu.enqueue_indirect_dma source(%dma_start3A_389 : memref<100000x32xi32, #tpu.memory_space<hbm>>) target(%arg8 : memref<104x32xi32, #tpu.memory_space<vmem>>) offsets(%dma_start3A_386 : memref<104xi32, #tpu.memory_space<vmem>>) semaphore(%arg14 : memref<!tpu.dma_semaphore, #tpu.memory_space<semaphore_mem>>)
      } else {
      }
      %mul3A_214 = arith.constant 4 : i32
      %mul3A_215 = arith.muli %scan3A_49, %mul3A_214 : i32
      %add3A_216 = arith.constant 2 : i32
      %add3A_217 = arith.addi %mul3A_215, %add3A_216 : i32
      %mul3A_218 = arith.constant 104 : i32
      %mul3A_219 = arith.muli %add3A_217, %mul3A_218 : i32
      %dma_wait3A_220 = tpu.memref_slice %arg6[%mul3A_219] : memref<6672xi32, #tpu.memory_space<vmem>> -> memref<104xi32, #tpu.memory_space<vmem>>
      %dma_wait3A_221 = arith.constant 0 : i32
      %dma_wait3A_222 = arith.constant 0 : i32
      %dma_wait3A_223 = tpu.memref_slice %arg3[%dma_wait3A_221, %dma_wait3A_222] : memref<100000x32xi32, #tpu.memory_space<hbm>> -> memref<100000x32xi32, #tpu.memory_space<hbm>>
      tpu.wait_indirect_dma semaphore(%arg15 : memref<!tpu.dma_semaphore, #tpu.memory_space<semaphore_mem>>) src(%dma_wait3A_223 : memref<100000x32xi32, #tpu.memory_space<hbm>>) dst(%arg9 : memref<104x32xi32, #tpu.memory_space<vmem>>)
      %broadcast_in_dim3A_224 = arith.constant 0.000000e+00 : f32
      %broadcast_in_dim3A_225 = vector.broadcast %broadcast_in_dim3A_224 : f32 to vector<16xf32>
      %scan3A_226 = arith.constant 0 : i32
      %scan3A_227 = arith.constant 50 : i32
      %scan3A_228 = arith.addi %scan3A_226, %scan3A_227 : i32
      %scan3A_229 = arith.constant 10 : i32
      %scan3A_230:4 = scf.for %scan3A_384 = %scan3A_226 to %scan3A_228 step %scan3A_229 iter_args(%scan3A_385 = %broadcast_in_dim3A_225, %scan3A_386 = %broadcast_in_dim3A_225, %scan3A_387 = %broadcast_in_dim3A_225, %scan3A_388 = %broadcast_in_dim3A_225) -> (vector<16xf32>, vector<16xf32>, vector<16xf32>, vector<16xf32>)  : i32 {
        %add3A_389 = arith.constant 0 : i32
        %add3A_390 = arith.addi %add3A_389, %scan3A_384 : i32
        %get3A = arith.index_cast %add3A_390 : i32 to index
        %get3A_391 = arith.constant 0 : index
        %get3A_392 = tpu.vector_load %arg9[%get3A, %get3A_391] {strides = array<i32>} : memref<104x32xi32, #tpu.memory_space<vmem>>, vector<1x16xi32>,
        %get3A_393 = vector.shape_cast %get3A_392 : vector<1x16xi32> to vector<16xi32>
        %add3A_394 = arith.constant 0 : i32
        %add3A_395 = arith.addi %add3A_394, %scan3A_384 : i32
        %get3A_396 = arith.index_cast %add3A_395 : i32 to index
        %get3A_397 = arith.constant 16 : index
        %get3A_398 = tpu.vector_load %arg9[%get3A_396, %get3A_397] {strides = array<i32>} : memref<104x32xi32, #tpu.memory_space<vmem>>, vector<1x16xi32>,
        %get3A_399 = vector.shape_cast %get3A_398 : vector<1x16xi32> to vector<16xi32>
        %broadcast_in_dim3A_400 = arith.constant -65536 : i32
        %broadcast_in_dim3A_401 = vector.broadcast %broadcast_in_dim3A_400 : i32 to vector<16xi32>
        %shift_left3A = arith.constant 16 : i32
        %shift_left3A_402 = vector.broadcast %shift_left3A : i32 to vector<16xi32>
        %shift_left3A_403 = arith.shli %get3A_393, %shift_left3A_402 : vector<16xi32>
        %bitcast_convert_type3A = tpu.bitcast %shift_left3A_403 : vector<16xi32> -> vector<16xf32>
        %and3A_404 = arith.andi %get3A_393, %broadcast_in_dim3A_401 : vector<16xi32>
        %bitcast_convert_type3A_405 = tpu.bitcast %and3A_404 : vector<16xi32> -> vector<16xf32>
        %broadcast_in_dim3A_406 = arith.constant -65536 : i32
        %broadcast_in_dim3A_407 = vector.broadcast %broadcast_in_dim3A_406 : i32 to vector<16xi32>
        %shift_left3A_408 = arith.constant 16 : i32
        %shift_left3A_409 = vector.broadcast %shift_left3A_408 : i32 to vector<16xi32>
        %shift_left3A_410 = arith.shli %get3A_399, %shift_left3A_409 : vector<16xi32>
        %bitcast_convert_type3A_411 = tpu.bitcast %shift_left3A_410 : vector<16xi32> -> vector<16xf32>
        %and3A_412 = arith.andi %get3A_399, %broadcast_in_dim3A_407 : vector<16xi32>
        %bitcast_convert_type3A_413 = tpu.bitcast %and3A_412 : vector<16xi32> -> vector<16xf32>
        %add3A_414 = arith.addf %scan3A_385, %bitcast_convert_type3A : vector<16xf32>
        %add3A_415 = arith.addf %scan3A_386, %bitcast_convert_type3A_405 : vector<16xf32>
        %add3A_416 = arith.addf %scan3A_387, %bitcast_convert_type3A_411 : vector<16xf32>
        %add3A_417 = arith.addf %scan3A_388, %bitcast_convert_type3A_413 : vector<16xf32>
        %scan3A_418 = arith.constant 1 : i32
        %scan3A_419 = arith.addi %scan3A_384, %scan3A_418 : i32
        %add3A_420 = arith.constant 0 : i32
        %add3A_421 = arith.addi %add3A_420, %scan3A_419 : i32
        %get3A_422 = arith.index_cast %add3A_421 : i32 to index
        %get3A_423 = arith.constant 0 : index
        %get3A_424 = tpu.vector_load %arg9[%get3A_422, %get3A_423] {strides = array<i32>} : memref<104x32xi32, #tpu.memory_space<vmem>>, vector<1x16xi32>,
        %get3A_425 = vector.shape_cast %get3A_424 : vector<1x16xi32> to vector<16xi32>
        %add3A_426 = arith.constant 0 : i32
        %add3A_427 = arith.addi %add3A_426, %scan3A_419 : i32
        %get3A_428 = arith.index_cast %add3A_427 : i32 to index
        %get3A_429 = arith.constant 16 : index
        %get3A_430 = tpu.vector_load %arg9[%get3A_428, %get3A_429] {strides = array<i32>} : memref<104x32xi32, #tpu.memory_space<vmem>>, vector<1x16xi32>,
        %get3A_431 = vector.shape_cast %get3A_430 : vector<1x16xi32> to vector<16xi32>
        %broadcast_in_dim3A_432 = arith.constant -65536 : i32
        %broadcast_in_dim3A_433 = vector.broadcast %broadcast_in_dim3A_432 : i32 to vector<16xi32>
        %shift_left3A_434 = arith.constant 16 : i32
        %shift_left3A_435 = vector.broadcast %shift_left3A_434 : i32 to vector<16xi32>
        %shift_left3A_436 = arith.shli %get3A_425, %shift_left3A_435 : vector<16xi32>
        %bitcast_convert_type3A_437 = tpu.bitcast %shift_left3A_436 : vector<16xi32> -> vector<16xf32>
        %and3A_438 = arith.andi %get3A_425, %broadcast_in_dim3A_433 : vector<16xi32>
        %bitcast_convert_type3A_439 = tpu.bitcast %and3A_438 : vector<16xi32> -> vector<16xf32>
        %broadcast_in_dim3A_440 = arith.constant -65536 : i32
        %broadcast_in_dim3A_441 = vector.broadcast %broadcast_in_dim3A_440 : i32 to vector<16xi32>
        %shift_left3A_442 = arith.constant 16 : i32
        %shift_left3A_443 = vector.broadcast %shift_left3A_442 : i32 to vector<16xi32>
        %shift_left3A_444 = arith.shli %get3A_431, %shift_left3A_443 : vector<16xi32>
        %bitcast_convert_type3A_445 = tpu.bitcast %shift_left3A_444 : vector<16xi32> -> vector<16xf32>
        %and3A_446 = arith.andi %get3A_431, %broadcast_in_dim3A_441 : vector<16xi32>
        %bitcast_convert_type3A_447 = tpu.bitcast %and3A_446 : vector<16xi32> -> vector<16xf32>
        %add3A_448 = arith.addf %add3A_414, %bitcast_convert_type3A_437 : vector<16xf32>
        %add3A_449 = arith.addf %add3A_415, %bitcast_convert_type3A_439 : vector<16xf32>
        %add3A_450 = arith.addf %add3A_416, %bitcast_convert_type3A_445 : vector<16xf32>
        %add3A_451 = arith.addf %add3A_417, %bitcast_convert_type3A_447 : vector<16xf32>
        %scan3A_452 = arith.constant 2 : i32
        %scan3A_453 = arith.addi %scan3A_384, %scan3A_452 : i32
        %add3A_454 = arith.constant 0 : i32
        %add3A_455 = arith.addi %add3A_454, %scan3A_453 : i32
        %get3A_456 = arith.index_cast %add3A_455 : i32 to index
        %get3A_457 = arith.constant 0 : index
        %get3A_458 = tpu.vector_load %arg9[%get3A_456, %get3A_457] {strides = array<i32>} : memref<104x32xi32, #tpu.memory_space<vmem>>, vector<1x16xi32>,
        %get3A_459 = vector.shape_cast %get3A_458 : vector<1x16xi32> to vector<16xi32>
        %add3A_460 = arith.constant 0 : i32
        %add3A_461 = arith.addi %add3A_460, %scan3A_453 : i32
        %get3A_462 = arith.index_cast %add3A_461 : i32 to index
        %get3A_463 = arith.constant 16 : index
        %get3A_464 = tpu.vector_load %arg9[%get3A_462, %get3A_463] {strides = array<i32>} : memref<104x32xi32, #tpu.memory_space<vmem>>, vector<1x16xi32>,
        %get3A_465 = vector.shape_cast %get3A_464 : vector<1x16xi32> to vector<16xi32>
        %broadcast_in_dim3A_466 = arith.constant -65536 : i32
        %broadcast_in_dim3A_467 = vector.broadcast %broadcast_in_dim3A_466 : i32 to vector<16xi32>
        %shift_left3A_468 = arith.constant 16 : i32
        %shift_left3A_469 = vector.broadcast %shift_left3A_468 : i32 to vector<16xi32>
        %shift_left3A_470 = arith.shli %get3A_459, %shift_left3A_469 : vector<16xi32>
        %bitcast_convert_type3A_471 = tpu.bitcast %shift_left3A_470 : vector<16xi32> -> vector<16xf32>
        %and3A_472 = arith.andi %get3A_459, %broadcast_in_dim3A_467 : vector<16xi32>
        %bitcast_convert_type3A_473 = tpu.bitcast %and3A_472 : vector<16xi32> -> vector<16xf32>
        %broadcast_in_dim3A_474 = arith.constant -65536 : i32
        %broadcast_in_dim3A_475 = vector.broadcast %broadcast_in_dim3A_474 : i32 to vector<16xi32>
        %shift_left3A_476 = arith.constant 16 : i32
        %shift_left3A_477 = vector.broadcast %shift_left3A_476 : i32 to vector<16xi32>
        %shift_left3A_478 = arith.shli %get3A_465, %shift_left3A_477 : vector<16xi32>
        %bitcast_convert_type3A_479 = tpu.bitcast %shift_left3A_478 : vector<16xi32> -> vector<16xf32>
        %and3A_480 = arith.andi %get3A_465, %broadcast_in_dim3A_475 : vector<16xi32>
        %bitcast_convert_type3A_481 = tpu.bitcast %and3A_480 : vector<16xi32> -> vector<16xf32>
        %add3A_482 = arith.addf %add3A_448, %bitcast_convert_type3A_471 : vector<16xf32>
        %add3A_483 = arith.addf %add3A_449, %bitcast_convert_type3A_473 : vector<16xf32>
        %add3A_484 = arith.addf %add3A_450, %bitcast_convert_type3A_479 : vector<16xf32>
        %add3A_485 = arith.addf %add3A_451, %bitcast_convert_type3A_481 : vector<16xf32>
        %scan3A_486 = arith.constant 3 : i32
        %scan3A_487 = arith.addi %scan3A_384, %scan3A_486 : i32
        %add3A_488 = arith.constant 0 : i32
        %add3A_489 = arith.addi %add3A_488, %scan3A_487 : i32
        %get3A_490 = arith.index_cast %add3A_489 : i32 to index
        %get3A_491 = arith.constant 0 : index
        %get3A_492 = tpu.vector_load %arg9[%get3A_490, %get3A_491] {strides = array<i32>} : memref<104x32xi32, #tpu.memory_space<vmem>>, vector<1x16xi32>,
        %get3A_493 = vector.shape_cast %get3A_492 : vector<1x16xi32> to vector<16xi32>
        %add3A_494 = arith.constant 0 : i32
        %add3A_495 = arith.addi %add3A_494, %scan3A_487 : i32
        %get3A_496 = arith.index_cast %add3A_495 : i32 to index
        %get3A_497 = arith.constant 16 : index
        %get3A_498 = tpu.vector_load %arg9[%get3A_496, %get3A_497] {strides = array<i32>} : memref<104x32xi32, #tpu.memory_space<vmem>>, vector<1x16xi32>,
        %get3A_499 = vector.shape_cast %get3A_498 : vector<1x16xi32> to vector<16xi32>
        %broadcast_in_dim3A_500 = arith.constant -65536 : i32
        %broadcast_in_dim3A_501 = vector.broadcast %broadcast_in_dim3A_500 : i32 to vector<16xi32>
        %shift_left3A_502 = arith.constant 16 : i32
        %shift_left3A_503 = vector.broadcast %shift_left3A_502 : i32 to vector<16xi32>
        %shift_left3A_504 = arith.shli %get3A_493, %shift_left3A_503 : vector<16xi32>
        %bitcast_convert_type3A_505 = tpu.bitcast %shift_left3A_504 : vector<16xi32> -> vector<16xf32>
        %and3A_506 = arith.andi %get3A_493, %broadcast_in_dim3A_501 : vector<16xi32>
        %bitcast_convert_type3A_507 = tpu.bitcast %and3A_506 : vector<16xi32> -> vector<16xf32>
        %broadcast_in_dim3A_508 = arith.constant -65536 : i32
        %broadcast_in_dim3A_509 = vector.broadcast %broadcast_in_dim3A_508 : i32 to vector<16xi32>
        %shift_left3A_510 = arith.constant 16 : i32
        %shift_left3A_511 = vector.broadcast %shift_left3A_510 : i32 to vector<16xi32>
        %shift_left3A_512 = arith.shli %get3A_499, %shift_left3A_511 : vector<16xi32>
        %bitcast_convert_type3A_513 = tpu.bitcast %shift_left3A_512 : vector<16xi32> -> vector<16xf32>
        %and3A_514 = arith.andi %get3A_499, %broadcast_in_dim3A_509 : vector<16xi32>
        %bitcast_convert_type3A_515 = tpu.bitcast %and3A_514 : vector<16xi32> -> vector<16xf32>
        %add3A_516 = arith.addf %add3A_482, %bitcast_convert_type3A_505 : vector<16xf32>
        %add3A_517 = arith.addf %add3A_483, %bitcast_convert_type3A_507 : vector<16xf32>
        %add3A_518 = arith.addf %add3A_484, %bitcast_convert_type3A_513 : vector<16xf32>
        %add3A_519 = arith.addf %add3A_485, %bitcast_convert_type3A_515 : vector<16xf32>
        %scan3A_520 = arith.constant 4 : i32
        %scan3A_521 = arith.addi %scan3A_384, %scan3A_520 : i32
        %add3A_522 = arith.constant 0 : i32
        %add3A_523 = arith.addi %add3A_522, %scan3A_521 : i32
        %get3A_524 = arith.index_cast %add3A_523 : i32 to index
        %get3A_525 = arith.constant 0 : index
        %get3A_526 = tpu.vector_load %arg9[%get3A_524, %get3A_525] {strides = array<i32>} : memref<104x32xi32, #tpu.memory_space<vmem>>, vector<1x16xi32>,
        %get3A_527 = vector.shape_cast %get3A_526 : vector<1x16xi32> to vector<16xi32>
        %add3A_528 = arith.constant 0 : i32
        %add3A_529 = arith.addi %add3A_528, %scan3A_521 : i32
        %get3A_530 = arith.index_cast %add3A_529 : i32 to index
        %get3A_531 = arith.constant 16 : index
        %get3A_532 = tpu.vector_load %arg9[%get3A_530, %get3A_531] {strides = array<i32>} : memref<104x32xi32, #tpu.memory_space<vmem>>, vector<1x16xi32>,
        %get3A_533 = vector.shape_cast %get3A_532 : vector<1x16xi32> to vector<16xi32>
        %broadcast_in_dim3A_534 = arith.constant -65536 : i32
        %broadcast_in_dim3A_535 = vector.broadcast %broadcast_in_dim3A_534 : i32 to vector<16xi32>
        %shift_left3A_536 = arith.constant 16 : i32
        %shift_left3A_537 = vector.broadcast %shift_left3A_536 : i32 to vector<16xi32>
        %shift_left3A_538 = arith.shli %get3A_527, %shift_left3A_537 : vector<16xi32>
        %bitcast_convert_type3A_539 = tpu.bitcast %shift_left3A_538 : vector<16xi32> -> vector<16xf32>
        %and3A_540 = arith.andi %get3A_527, %broadcast_in_dim3A_535 : vector<16xi32>
        %bitcast_convert_type3A_541 = tpu.bitcast %and3A_540 : vector<16xi32> -> vector<16xf32>
        %broadcast_in_dim3A_542 = arith.constant -65536 : i32
        %broadcast_in_dim3A_543 = vector.broadcast %broadcast_in_dim3A_542 : i32 to vector<16xi32>
        %shift_left3A_544 = arith.constant 16 : i32
        %shift_left3A_545 = vector.broadcast %shift_left3A_544 : i32 to vector<16xi32>
        %shift_left3A_546 = arith.shli %get3A_533, %shift_left3A_545 : vector<16xi32>
        %bitcast_convert_type3A_547 = tpu.bitcast %shift_left3A_546 : vector<16xi32> -> vector<16xf32>
        %and3A_548 = arith.andi %get3A_533, %broadcast_in_dim3A_543 : vector<16xi32>
        %bitcast_convert_type3A_549 = tpu.bitcast %and3A_548 : vector<16xi32> -> vector<16xf32>
        %add3A_550 = arith.addf %add3A_516, %bitcast_convert_type3A_539 : vector<16xf32>
        %add3A_551 = arith.addf %add3A_517, %bitcast_convert_type3A_541 : vector<16xf32>
        %add3A_552 = arith.addf %add3A_518, %bitcast_convert_type3A_547 : vector<16xf32>
        %add3A_553 = arith.addf %add3A_519, %bitcast_convert_type3A_549 : vector<16xf32>
        %scan3A_554 = arith.constant 5 : i32
        %scan3A_555 = arith.addi %scan3A_384, %scan3A_554 : i32
        %add3A_556 = arith.constant 0 : i32
        %add3A_557 = arith.addi %add3A_556, %scan3A_555 : i32
        %get3A_558 = arith.index_cast %add3A_557 : i32 to index
        %get3A_559 = arith.constant 0 : index
        %get3A_560 = tpu.vector_load %arg9[%get3A_558, %get3A_559] {strides = array<i32>} : memref<104x32xi32, #tpu.memory_space<vmem>>, vector<1x16xi32>,
        %get3A_561 = vector.shape_cast %get3A_560 : vector<1x16xi32> to vector<16xi32>
        %add3A_562 = arith.constant 0 : i32
        %add3A_563 = arith.addi %add3A_562, %scan3A_555 : i32
        %get3A_564 = arith.index_cast %add3A_563 : i32 to index
        %get3A_565 = arith.constant 16 : index
        %get3A_566 = tpu.vector_load %arg9[%get3A_564, %get3A_565] {strides = array<i32>} : memref<104x32xi32, #tpu.memory_space<vmem>>, vector<1x16xi32>,
        %get3A_567 = vector.shape_cast %get3A_566 : vector<1x16xi32> to vector<16xi32>
        %broadcast_in_dim3A_568 = arith.constant -65536 : i32
        %broadcast_in_dim3A_569 = vector.broadcast %broadcast_in_dim3A_568 : i32 to vector<16xi32>
        %shift_left3A_570 = arith.constant 16 : i32
        %shift_left3A_571 = vector.broadcast %shift_left3A_570 : i32 to vector<16xi32>
        %shift_left3A_572 = arith.shli %get3A_561, %shift_left3A_571 : vector<16xi32>
        %bitcast_convert_type3A_573 = tpu.bitcast %shift_left3A_572 : vector<16xi32> -> vector<16xf32>
        %and3A_574 = arith.andi %get3A_561, %broadcast_in_dim3A_569 : vector<16xi32>
        %bitcast_convert_type3A_575 = tpu.bitcast %and3A_574 : vector<16xi32> -> vector<16xf32>
        %broadcast_in_dim3A_576 = arith.constant -65536 : i32
        %broadcast_in_dim3A_577 = vector.broadcast %broadcast_in_dim3A_576 : i32 to vector<16xi32>
        %shift_left3A_578 = arith.constant 16 : i32
        %shift_left3A_579 = vector.broadcast %shift_left3A_578 : i32 to vector<16xi32>
        %shift_left3A_580 = arith.shli %get3A_567, %shift_left3A_579 : vector<16xi32>
        %bitcast_convert_type3A_581 = tpu.bitcast %shift_left3A_580 : vector<16xi32> -> vector<16xf32>
        %and3A_582 = arith.andi %get3A_567, %broadcast_in_dim3A_577 : vector<16xi32>
        %bitcast_convert_type3A_583 = tpu.bitcast %and3A_582 : vector<16xi32> -> vector<16xf32>
        %add3A_584 = arith.addf %add3A_550, %bitcast_convert_type3A_573 : vector<16xf32>
        %add3A_585 = arith.addf %add3A_551, %bitcast_convert_type3A_575 : vector<16xf32>
        %add3A_586 = arith.addf %add3A_552, %bitcast_convert_type3A_581 : vector<16xf32>
        %add3A_587 = arith.addf %add3A_553, %bitcast_convert_type3A_583 : vector<16xf32>
        %scan3A_588 = arith.constant 6 : i32
        %scan3A_589 = arith.addi %scan3A_384, %scan3A_588 : i32
        %add3A_590 = arith.constant 0 : i32
        %add3A_591 = arith.addi %add3A_590, %scan3A_589 : i32
        %get3A_592 = arith.index_cast %add3A_591 : i32 to index
        %get3A_593 = arith.constant 0 : index
        %get3A_594 = tpu.vector_load %arg9[%get3A_592, %get3A_593] {strides = array<i32>} : memref<104x32xi32, #tpu.memory_space<vmem>>, vector<1x16xi32>,
        %get3A_595 = vector.shape_cast %get3A_594 : vector<1x16xi32> to vector<16xi32>
        %add3A_596 = arith.constant 0 : i32
        %add3A_597 = arith.addi %add3A_596, %scan3A_589 : i32
        %get3A_598 = arith.index_cast %add3A_597 : i32 to index
        %get3A_599 = arith.constant 16 : index
        %get3A_600 = tpu.vector_load %arg9[%get3A_598, %get3A_599] {strides = array<i32>} : memref<104x32xi32, #tpu.memory_space<vmem>>, vector<1x16xi32>,
        %get3A_601 = vector.shape_cast %get3A_600 : vector<1x16xi32> to vector<16xi32>
        %broadcast_in_dim3A_602 = arith.constant -65536 : i32
        %broadcast_in_dim3A_603 = vector.broadcast %broadcast_in_dim3A_602 : i32 to vector<16xi32>
        %shift_left3A_604 = arith.constant 16 : i32
        %shift_left3A_605 = vector.broadcast %shift_left3A_604 : i32 to vector<16xi32>
        %shift_left3A_606 = arith.shli %get3A_595, %shift_left3A_605 : vector<16xi32>
        %bitcast_convert_type3A_607 = tpu.bitcast %shift_left3A_606 : vector<16xi32> -> vector<16xf32>
        %and3A_608 = arith.andi %get3A_595, %broadcast_in_dim3A_603 : vector<16xi32>
        %bitcast_convert_type3A_609 = tpu.bitcast %and3A_608 : vector<16xi32> -> vector<16xf32>
        %broadcast_in_dim3A_610 = arith.constant -65536 : i32
        %broadcast_in_dim3A_611 = vector.broadcast %broadcast_in_dim3A_610 : i32 to vector<16xi32>
        %shift_left3A_612 = arith.constant 16 : i32
        %shift_left3A_613 = vector.broadcast %shift_left3A_612 : i32 to vector<16xi32>
        %shift_left3A_614 = arith.shli %get3A_601, %shift_left3A_613 : vector<16xi32>
        %bitcast_convert_type3A_615 = tpu.bitcast %shift_left3A_614 : vector<16xi32> -> vector<16xf32>
        %and3A_616 = arith.andi %get3A_601, %broadcast_in_dim3A_611 : vector<16xi32>
        %bitcast_convert_type3A_617 = tpu.bitcast %and3A_616 : vector<16xi32> -> vector<16xf32>
        %add3A_618 = arith.addf %add3A_584, %bitcast_convert_type3A_607 : vector<16xf32>
        %add3A_619 = arith.addf %add3A_585, %bitcast_convert_type3A_609 : vector<16xf32>
        %add3A_620 = arith.addf %add3A_586, %bitcast_convert_type3A_615 : vector<16xf32>
        %add3A_621 = arith.addf %add3A_587, %bitcast_convert_type3A_617 : vector<16xf32>
        %scan3A_622 = arith.constant 7 : i32
        %scan3A_623 = arith.addi %scan3A_384, %scan3A_622 : i32
        %add3A_624 = arith.constant 0 : i32
        %add3A_625 = arith.addi %add3A_624, %scan3A_623 : i32
        %get3A_626 = arith.index_cast %add3A_625 : i32 to index
        %get3A_627 = arith.constant 0 : index
        %get3A_628 = tpu.vector_load %arg9[%get3A_626, %get3A_627] {strides = array<i32>} : memref<104x32xi32, #tpu.memory_space<vmem>>, vector<1x16xi32>,
        %get3A_629 = vector.shape_cast %get3A_628 : vector<1x16xi32> to vector<16xi32>
        %add3A_630 = arith.constant 0 : i32
        %add3A_631 = arith.addi %add3A_630, %scan3A_623 : i32
        %get3A_632 = arith.index_cast %add3A_631 : i32 to index
        %get3A_633 = arith.constant 16 : index
        %get3A_634 = tpu.vector_load %arg9[%get3A_632, %get3A_633] {strides = array<i32>} : memref<104x32xi32, #tpu.memory_space<vmem>>, vector<1x16xi32>,
        %get3A_635 = vector.shape_cast %get3A_634 : vector<1x16xi32> to vector<16xi32>
        %broadcast_in_dim3A_636 = arith.constant -65536 : i32
        %broadcast_in_dim3A_637 = vector.broadcast %broadcast_in_dim3A_636 : i32 to vector<16xi32>
        %shift_left3A_638 = arith.constant 16 : i32
        %shift_left3A_639 = vector.broadcast %shift_left3A_638 : i32 to vector<16xi32>
        %shift_left3A_640 = arith.shli %get3A_629, %shift_left3A_639 : vector<16xi32>
        %bitcast_convert_type3A_641 = tpu.bitcast %shift_left3A_640 : vector<16xi32> -> vector<16xf32>
        %and3A_642 = arith.andi %get3A_629, %broadcast_in_dim3A_637 : vector<16xi32>
        %bitcast_convert_type3A_643 = tpu.bitcast %and3A_642 : vector<16xi32> -> vector<16xf32>
        %broadcast_in_dim3A_644 = arith.constant -65536 : i32
        %broadcast_in_dim3A_645 = vector.broadcast %broadcast_in_dim3A_644 : i32 to vector<16xi32>
        %shift_left3A_646 = arith.constant 16 : i32
        %shift_left3A_647 = vector.broadcast %shift_left3A_646 : i32 to vector<16xi32>
        %shift_left3A_648 = arith.shli %get3A_635, %shift_left3A_647 : vector<16xi32>
        %bitcast_convert_type3A_649 = tpu.bitcast %shift_left3A_648 : vector<16xi32> -> vector<16xf32>
        %and3A_650 = arith.andi %get3A_635, %broadcast_in_dim3A_645 : vector<16xi32>
        %bitcast_convert_type3A_651 = tpu.bitcast %and3A_650 : vector<16xi32> -> vector<16xf32>
        %add3A_652 = arith.addf %add3A_618, %bitcast_convert_type3A_641 : vector<16xf32>
        %add3A_653 = arith.addf %add3A_619, %bitcast_convert_type3A_643 : vector<16xf32>
        %add3A_654 = arith.addf %add3A_620, %bitcast_convert_type3A_649 : vector<16xf32>
        %add3A_655 = arith.addf %add3A_621, %bitcast_convert_type3A_651 : vector<16xf32>
        %scan3A_656 = arith.constant 8 : i32
        %scan3A_657 = arith.addi %scan3A_384, %scan3A_656 : i32
        %add3A_658 = arith.constant 0 : i32
        %add3A_659 = arith.addi %add3A_658, %scan3A_657 : i32
        %get3A_660 = arith.index_cast %add3A_659 : i32 to index
        %get3A_661 = arith.constant 0 : index
        %get3A_662 = tpu.vector_load %arg9[%get3A_660, %get3A_661] {strides = array<i32>} : memref<104x32xi32, #tpu.memory_space<vmem>>, vector<1x16xi32>,
        %get3A_663 = vector.shape_cast %get3A_662 : vector<1x16xi32> to vector<16xi32>
        %add3A_664 = arith.constant 0 : i32
        %add3A_665 = arith.addi %add3A_664, %scan3A_657 : i32
        %get3A_666 = arith.index_cast %add3A_665 : i32 to index
        %get3A_667 = arith.constant 16 : index
        %get3A_668 = tpu.vector_load %arg9[%get3A_666, %get3A_667] {strides = array<i32>} : memref<104x32xi32, #tpu.memory_space<vmem>>, vector<1x16xi32>,
        %get3A_669 = vector.shape_cast %get3A_668 : vector<1x16xi32> to vector<16xi32>
        %broadcast_in_dim3A_670 = arith.constant -65536 : i32
        %broadcast_in_dim3A_671 = vector.broadcast %broadcast_in_dim3A_670 : i32 to vector<16xi32>
        %shift_left3A_672 = arith.constant 16 : i32
        %shift_left3A_673 = vector.broadcast %shift_left3A_672 : i32 to vector<16xi32>
        %shift_left3A_674 = arith.shli %get3A_663, %shift_left3A_673 : vector<16xi32>
        %bitcast_convert_type3A_675 = tpu.bitcast %shift_left3A_674 : vector<16xi32> -> vector<16xf32>
        %and3A_676 = arith.andi %get3A_663, %broadcast_in_dim3A_671 : vector<16xi32>
        %bitcast_convert_type3A_677 = tpu.bitcast %and3A_676 : vector<16xi32> -> vector<16xf32>
        %broadcast_in_dim3A_678 = arith.constant -65536 : i32
        %broadcast_in_dim3A_679 = vector.broadcast %broadcast_in_dim3A_678 : i32 to vector<16xi32>
        %shift_left3A_680 = arith.constant 16 : i32
        %shift_left3A_681 = vector.broadcast %shift_left3A_680 : i32 to vector<16xi32>
        %shift_left3A_682 = arith.shli %get3A_669, %shift_left3A_681 : vector<16xi32>
        %bitcast_convert_type3A_683 = tpu.bitcast %shift_left3A_682 : vector<16xi32> -> vector<16xf32>
        %and3A_684 = arith.andi %get3A_669, %broadcast_in_dim3A_679 : vector<16xi32>
        %bitcast_convert_type3A_685 = tpu.bitcast %and3A_684 : vector<16xi32> -> vector<16xf32>
        %add3A_686 = arith.addf %add3A_652, %bitcast_convert_type3A_675 : vector<16xf32>
        %add3A_687 = arith.addf %add3A_653, %bitcast_convert_type3A_677 : vector<16xf32>
        %add3A_688 = arith.addf %add3A_654, %bitcast_convert_type3A_683 : vector<16xf32>
        %add3A_689 = arith.addf %add3A_655, %bitcast_convert_type3A_685 : vector<16xf32>
        %scan3A_690 = arith.constant 9 : i32
        %scan3A_691 = arith.addi %scan3A_384, %scan3A_690 : i32
        %add3A_692 = arith.constant 0 : i32
        %add3A_693 = arith.addi %add3A_692, %scan3A_691 : i32
        %get3A_694 = arith.index_cast %add3A_693 : i32 to index
        %get3A_695 = arith.constant 0 : index
        %get3A_696 = tpu.vector_load %arg9[%get3A_694, %get3A_695] {strides = array<i32>} : memref<104x32xi32, #tpu.memory_space<vmem>>, vector<1x16xi32>,
        %get3A_697 = vector.shape_cast %get3A_696 : vector<1x16xi32> to vector<16xi32>
        %add3A_698 = arith.constant 0 : i32
        %add3A_699 = arith.addi %add3A_698, %scan3A_691 : i32
        %get3A_700 = arith.index_cast %add3A_699 : i32 to index
        %get3A_701 = arith.constant 16 : index
        %get3A_702 = tpu.vector_load %arg9[%get3A_700, %get3A_701] {strides = array<i32>} : memref<104x32xi32, #tpu.memory_space<vmem>>, vector<1x16xi32>,
        %get3A_703 = vector.shape_cast %get3A_702 : vector<1x16xi32> to vector<16xi32>
        %broadcast_in_dim3A_704 = arith.constant -65536 : i32
        %broadcast_in_dim3A_705 = vector.broadcast %broadcast_in_dim3A_704 : i32 to vector<16xi32>
        %shift_left3A_706 = arith.constant 16 : i32
        %shift_left3A_707 = vector.broadcast %shift_left3A_706 : i32 to vector<16xi32>
        %shift_left3A_708 = arith.shli %get3A_697, %shift_left3A_707 : vector<16xi32>
        %bitcast_convert_type3A_709 = tpu.bitcast %shift_left3A_708 : vector<16xi32> -> vector<16xf32>
        %and3A_710 = arith.andi %get3A_697, %broadcast_in_dim3A_705 : vector<16xi32>
        %bitcast_convert_type3A_711 = tpu.bitcast %and3A_710 : vector<16xi32> -> vector<16xf32>
        %broadcast_in_dim3A_712 = arith.constant -65536 : i32
        %broadcast_in_dim3A_713 = vector.broadcast %broadcast_in_dim3A_712 : i32 to vector<16xi32>
        %shift_left3A_714 = arith.constant 16 : i32
        %shift_left3A_715 = vector.broadcast %shift_left3A_714 : i32 to vector<16xi32>
        %shift_left3A_716 = arith.shli %get3A_703, %shift_left3A_715 : vector<16xi32>
        %bitcast_convert_type3A_717 = tpu.bitcast %shift_left3A_716 : vector<16xi32> -> vector<16xf32>
        %and3A_718 = arith.andi %get3A_703, %broadcast_in_dim3A_713 : vector<16xi32>
        %bitcast_convert_type3A_719 = tpu.bitcast %and3A_718 : vector<16xi32> -> vector<16xf32>
        %add3A_720 = arith.addf %add3A_686, %bitcast_convert_type3A_709 : vector<16xf32>
        %add3A_721 = arith.addf %add3A_687, %bitcast_convert_type3A_711 : vector<16xf32>
        %add3A_722 = arith.addf %add3A_688, %bitcast_convert_type3A_717 : vector<16xf32>
        %add3A_723 = arith.addf %add3A_689, %bitcast_convert_type3A_719 : vector<16xf32>
        scf.yield %add3A_720, %add3A_721, %add3A_722, %add3A_723 : vector<16xf32>, vector<16xf32>, vector<16xf32>, vector<16xf32>
      }
      %scan3A_231 = arith.constant 50 : i32
      %mul3A_232 = arith.constant 2 : i32
      %mul3A_233 = arith.muli %add3A_217, %mul3A_232 : i32
      %add3A_234 = arith.constant 0 : i32
      %add3A_235 = arith.addi %mul3A_233, %add3A_234 : i32
      %swap3A_236 = arith.index_cast %add3A_235 : i32 to index
      %swap3A_237 = arith.constant 0 : index
      %swap3A_238 = tpu.vector_load %arg11[%swap3A_236, %swap3A_237] {strides = array<i32>} : memref<128x64xf32, #tpu.memory_space<vmem>>, vector<1x16xf32>,
      %swap3A_239 = vector.shape_cast %swap3A_238 : vector<1x16xf32> to vector<16xf32>
      %swap3A_240 = vector.shape_cast %scan3A_230#0 : vector<16xf32> to vector<1x16xf32>
      tpu.vector_store %arg11[%swap3A_236, %swap3A_237], %swap3A_240 {strides = array<i32>} : memref<128x64xf32, #tpu.memory_space<vmem>>, vector<1x16xf32>,
      %swap3A_241 = arith.index_cast %add3A_235 : i32 to index
      %swap3A_242 = arith.constant 16 : index
      %swap3A_243 = tpu.vector_load %arg11[%swap3A_241, %swap3A_242] {strides = array<i32>} : memref<128x64xf32, #tpu.memory_space<vmem>>, vector<1x16xf32>,
      %swap3A_244 = vector.shape_cast %swap3A_243 : vector<1x16xf32> to vector<16xf32>
      %swap3A_245 = vector.shape_cast %scan3A_230#1 : vector<16xf32> to vector<1x16xf32>
      tpu.vector_store %arg11[%swap3A_241, %swap3A_242], %swap3A_245 {strides = array<i32>} : memref<128x64xf32, #tpu.memory_space<vmem>>, vector<1x16xf32>,
      %swap3A_246 = arith.index_cast %add3A_235 : i32 to index
      %swap3A_247 = arith.constant 32 : index
      %swap3A_248 = tpu.vector_load %arg11[%swap3A_246, %swap3A_247] {strides = array<i32>} : memref<128x64xf32, #tpu.memory_space<vmem>>, vector<1x16xf32>,
      %swap3A_249 = vector.shape_cast %swap3A_248 : vector<1x16xf32> to vector<16xf32>
      %swap3A_250 = vector.shape_cast %scan3A_230#2 : vector<16xf32> to vector<1x16xf32>
      tpu.vector_store %arg11[%swap3A_246, %swap3A_247], %swap3A_250 {strides = array<i32>} : memref<128x64xf32, #tpu.memory_space<vmem>>, vector<1x16xf32>,
      %swap3A_251 = arith.index_cast %add3A_235 : i32 to index
      %swap3A_252 = arith.constant 48 : index
      %swap3A_253 = tpu.vector_load %arg11[%swap3A_251, %swap3A_252] {strides = array<i32>} : memref<128x64xf32, #tpu.memory_space<vmem>>, vector<1x16xf32>,
      %swap3A_254 = vector.shape_cast %swap3A_253 : vector<1x16xf32> to vector<16xf32>
      %swap3A_255 = vector.shape_cast %scan3A_230#3 : vector<16xf32> to vector<1x16xf32>
      tpu.vector_store %arg11[%swap3A_251, %swap3A_252], %swap3A_255 {strides = array<i32>} : memref<128x64xf32, #tpu.memory_space<vmem>>, vector<1x16xf32>,
      %broadcast_in_dim3A_256 = arith.constant 0.000000e+00 : f32
      %broadcast_in_dim3A_257 = vector.broadcast %broadcast_in_dim3A_256 : f32 to vector<16xf32>
      %scan3A_258 = arith.constant 0 : i32
      %scan3A_259 = arith.constant 50 : i32
      %scan3A_260 = arith.addi %scan3A_258, %scan3A_259 : i32
      %scan3A_261 = arith.constant 10 : i32
      %scan3A_262:4 = scf.for %scan3A_384 = %scan3A_258 to %scan3A_260 step %scan3A_261 iter_args(%scan3A_385 = %broadcast_in_dim3A_257, %scan3A_386 = %broadcast_in_dim3A_257, %scan3A_387 = %broadcast_in_dim3A_257, %scan3A_388 = %broadcast_in_dim3A_257) -> (vector<16xf32>, vector<16xf32>, vector<16xf32>, vector<16xf32>)  : i32 {
        %add3A_389 = arith.constant 50 : i32
        %add3A_390 = arith.addi %add3A_389, %scan3A_384 : i32
        %get3A = arith.index_cast %add3A_390 : i32 to index
        %get3A_391 = arith.constant 0 : index
        %get3A_392 = tpu.vector_load %arg9[%get3A, %get3A_391] {strides = array<i32>} : memref<104x32xi32, #tpu.memory_space<vmem>>, vector<1x16xi32>,
        %get3A_393 = vector.shape_cast %get3A_392 : vector<1x16xi32> to vector<16xi32>
        %add3A_394 = arith.constant 50 : i32
        %add3A_395 = arith.addi %add3A_394, %scan3A_384 : i32
        %get3A_396 = arith.index_cast %add3A_395 : i32 to index
        %get3A_397 = arith.constant 16 : index
        %get3A_398 = tpu.vector_load %arg9[%get3A_396, %get3A_397] {strides = array<i32>} : memref<104x32xi32, #tpu.memory_space<vmem>>, vector<1x16xi32>,
        %get3A_399 = vector.shape_cast %get3A_398 : vector<1x16xi32> to vector<16xi32>
        %broadcast_in_dim3A_400 = arith.constant -65536 : i32
        %broadcast_in_dim3A_401 = vector.broadcast %broadcast_in_dim3A_400 : i32 to vector<16xi32>
        %shift_left3A = arith.constant 16 : i32
        %shift_left3A_402 = vector.broadcast %shift_left3A : i32 to vector<16xi32>
        %shift_left3A_403 = arith.shli %get3A_393, %shift_left3A_402 : vector<16xi32>
        %bitcast_convert_type3A = tpu.bitcast %shift_left3A_403 : vector<16xi32> -> vector<16xf32>
        %and3A_404 = arith.andi %get3A_393, %broadcast_in_dim3A_401 : vector<16xi32>
        %bitcast_convert_type3A_405 = tpu.bitcast %and3A_404 : vector<16xi32> -> vector<16xf32>
        %broadcast_in_dim3A_406 = arith.constant -65536 : i32
        %broadcast_in_dim3A_407 = vector.broadcast %broadcast_in_dim3A_406 : i32 to vector<16xi32>
        %shift_left3A_408 = arith.constant 16 : i32
        %shift_left3A_409 = vector.broadcast %shift_left3A_408 : i32 to vector<16xi32>
        %shift_left3A_410 = arith.shli %get3A_399, %shift_left3A_409 : vector<16xi32>
        %bitcast_convert_type3A_411 = tpu.bitcast %shift_left3A_410 : vector<16xi32> -> vector<16xf32>
        %and3A_412 = arith.andi %get3A_399, %broadcast_in_dim3A_407 : vector<16xi32>
        %bitcast_convert_type3A_413 = tpu.bitcast %and3A_412 : vector<16xi32> -> vector<16xf32>
        %add3A_414 = arith.addf %scan3A_385, %bitcast_convert_type3A : vector<16xf32>
        %add3A_415 = arith.addf %scan3A_386, %bitcast_convert_type3A_405 : vector<16xf32>
        %add3A_416 = arith.addf %scan3A_387, %bitcast_convert_type3A_411 : vector<16xf32>
        %add3A_417 = arith.addf %scan3A_388, %bitcast_convert_type3A_413 : vector<16xf32>
        %scan3A_418 = arith.constant 1 : i32
        %scan3A_419 = arith.addi %scan3A_384, %scan3A_418 : i32
        %add3A_420 = arith.constant 50 : i32
        %add3A_421 = arith.addi %add3A_420, %scan3A_419 : i32
        %get3A_422 = arith.index_cast %add3A_421 : i32 to index
        %get3A_423 = arith.constant 0 : index
        %get3A_424 = tpu.vector_load %arg9[%get3A_422, %get3A_423] {strides = array<i32>} : memref<104x32xi32, #tpu.memory_space<vmem>>, vector<1x16xi32>,
        %get3A_425 = vector.shape_cast %get3A_424 : vector<1x16xi32> to vector<16xi32>
        %add3A_426 = arith.constant 50 : i32
        %add3A_427 = arith.addi %add3A_426, %scan3A_419 : i32
        %get3A_428 = arith.index_cast %add3A_427 : i32 to index
        %get3A_429 = arith.constant 16 : index
        %get3A_430 = tpu.vector_load %arg9[%get3A_428, %get3A_429] {strides = array<i32>} : memref<104x32xi32, #tpu.memory_space<vmem>>, vector<1x16xi32>,
        %get3A_431 = vector.shape_cast %get3A_430 : vector<1x16xi32> to vector<16xi32>
        %broadcast_in_dim3A_432 = arith.constant -65536 : i32
        %broadcast_in_dim3A_433 = vector.broadcast %broadcast_in_dim3A_432 : i32 to vector<16xi32>
        %shift_left3A_434 = arith.constant 16 : i32
        %shift_left3A_435 = vector.broadcast %shift_left3A_434 : i32 to vector<16xi32>
        %shift_left3A_436 = arith.shli %get3A_425, %shift_left3A_435 : vector<16xi32>
        %bitcast_convert_type3A_437 = tpu.bitcast %shift_left3A_436 : vector<16xi32> -> vector<16xf32>
        %and3A_438 = arith.andi %get3A_425, %broadcast_in_dim3A_433 : vector<16xi32>
        %bitcast_convert_type3A_439 = tpu.bitcast %and3A_438 : vector<16xi32> -> vector<16xf32>
        %broadcast_in_dim3A_440 = arith.constant -65536 : i32
        %broadcast_in_dim3A_441 = vector.broadcast %broadcast_in_dim3A_440 : i32 to vector<16xi32>
        %shift_left3A_442 = arith.constant 16 : i32
        %shift_left3A_443 = vector.broadcast %shift_left3A_442 : i32 to vector<16xi32>
        %shift_left3A_444 = arith.shli %get3A_431, %shift_left3A_443 : vector<16xi32>
        %bitcast_convert_type3A_445 = tpu.bitcast %shift_left3A_444 : vector<16xi32> -> vector<16xf32>
        %and3A_446 = arith.andi %get3A_431, %broadcast_in_dim3A_441 : vector<16xi32>
        %bitcast_convert_type3A_447 = tpu.bitcast %and3A_446 : vector<16xi32> -> vector<16xf32>
        %add3A_448 = arith.addf %add3A_414, %bitcast_convert_type3A_437 : vector<16xf32>
        %add3A_449 = arith.addf %add3A_415, %bitcast_convert_type3A_439 : vector<16xf32>
        %add3A_450 = arith.addf %add3A_416, %bitcast_convert_type3A_445 : vector<16xf32>
        %add3A_451 = arith.addf %add3A_417, %bitcast_convert_type3A_447 : vector<16xf32>
        %scan3A_452 = arith.constant 2 : i32
        %scan3A_453 = arith.addi %scan3A_384, %scan3A_452 : i32
        %add3A_454 = arith.constant 50 : i32
        %add3A_455 = arith.addi %add3A_454, %scan3A_453 : i32
        %get3A_456 = arith.index_cast %add3A_455 : i32 to index
        %get3A_457 = arith.constant 0 : index
        %get3A_458 = tpu.vector_load %arg9[%get3A_456, %get3A_457] {strides = array<i32>} : memref<104x32xi32, #tpu.memory_space<vmem>>, vector<1x16xi32>,
        %get3A_459 = vector.shape_cast %get3A_458 : vector<1x16xi32> to vector<16xi32>
        %add3A_460 = arith.constant 50 : i32
        %add3A_461 = arith.addi %add3A_460, %scan3A_453 : i32
        %get3A_462 = arith.index_cast %add3A_461 : i32 to index
        %get3A_463 = arith.constant 16 : index
        %get3A_464 = tpu.vector_load %arg9[%get3A_462, %get3A_463] {strides = array<i32>} : memref<104x32xi32, #tpu.memory_space<vmem>>, vector<1x16xi32>,
        %get3A_465 = vector.shape_cast %get3A_464 : vector<1x16xi32> to vector<16xi32>
        %broadcast_in_dim3A_466 = arith.constant -65536 : i32
        %broadcast_in_dim3A_467 = vector.broadcast %broadcast_in_dim3A_466 : i32 to vector<16xi32>
        %shift_left3A_468 = arith.constant 16 : i32
        %shift_left3A_469 = vector.broadcast %shift_left3A_468 : i32 to vector<16xi32>
        %shift_left3A_470 = arith.shli %get3A_459, %shift_left3A_469 : vector<16xi32>
        %bitcast_convert_type3A_471 = tpu.bitcast %shift_left3A_470 : vector<16xi32> -> vector<16xf32>
        %and3A_472 = arith.andi %get3A_459, %broadcast_in_dim3A_467 : vector<16xi32>
        %bitcast_convert_type3A_473 = tpu.bitcast %and3A_472 : vector<16xi32> -> vector<16xf32>
        %broadcast_in_dim3A_474 = arith.constant -65536 : i32
        %broadcast_in_dim3A_475 = vector.broadcast %broadcast_in_dim3A_474 : i32 to vector<16xi32>
        %shift_left3A_476 = arith.constant 16 : i32
        %shift_left3A_477 = vector.broadcast %shift_left3A_476 : i32 to vector<16xi32>
        %shift_left3A_478 = arith.shli %get3A_465, %shift_left3A_477 : vector<16xi32>
        %bitcast_convert_type3A_479 = tpu.bitcast %shift_left3A_478 : vector<16xi32> -> vector<16xf32>
        %and3A_480 = arith.andi %get3A_465, %broadcast_in_dim3A_475 : vector<16xi32>
        %bitcast_convert_type3A_481 = tpu.bitcast %and3A_480 : vector<16xi32> -> vector<16xf32>
        %add3A_482 = arith.addf %add3A_448, %bitcast_convert_type3A_471 : vector<16xf32>
        %add3A_483 = arith.addf %add3A_449, %bitcast_convert_type3A_473 : vector<16xf32>
        %add3A_484 = arith.addf %add3A_450, %bitcast_convert_type3A_479 : vector<16xf32>
        %add3A_485 = arith.addf %add3A_451, %bitcast_convert_type3A_481 : vector<16xf32>
        %scan3A_486 = arith.constant 3 : i32
        %scan3A_487 = arith.addi %scan3A_384, %scan3A_486 : i32
        %add3A_488 = arith.constant 50 : i32
        %add3A_489 = arith.addi %add3A_488, %scan3A_487 : i32
        %get3A_490 = arith.index_cast %add3A_489 : i32 to index
        %get3A_491 = arith.constant 0 : index
        %get3A_492 = tpu.vector_load %arg9[%get3A_490, %get3A_491] {strides = array<i32>} : memref<104x32xi32, #tpu.memory_space<vmem>>, vector<1x16xi32>,
        %get3A_493 = vector.shape_cast %get3A_492 : vector<1x16xi32> to vector<16xi32>
        %add3A_494 = arith.constant 50 : i32
        %add3A_495 = arith.addi %add3A_494, %scan3A_487 : i32
        %get3A_496 = arith.index_cast %add3A_495 : i32 to index
        %get3A_497 = arith.constant 16 : index
        %get3A_498 = tpu.vector_load %arg9[%get3A_496, %get3A_497] {strides = array<i32>} : memref<104x32xi32, #tpu.memory_space<vmem>>, vector<1x16xi32>,
        %get3A_499 = vector.shape_cast %get3A_498 : vector<1x16xi32> to vector<16xi32>
        %broadcast_in_dim3A_500 = arith.constant -65536 : i32
        %broadcast_in_dim3A_501 = vector.broadcast %broadcast_in_dim3A_500 : i32 to vector<16xi32>
        %shift_left3A_502 = arith.constant 16 : i32
        %shift_left3A_503 = vector.broadcast %shift_left3A_502 : i32 to vector<16xi32>
        %shift_left3A_504 = arith.shli %get3A_493, %shift_left3A_503 : vector<16xi32>
        %bitcast_convert_type3A_505 = tpu.bitcast %shift_left3A_504 : vector<16xi32> -> vector<16xf32>
        %and3A_506 = arith.andi %get3A_493, %broadcast_in_dim3A_501 : vector<16xi32>
        %bitcast_convert_type3A_507 = tpu.bitcast %and3A_506 : vector<16xi32> -> vector<16xf32>
        %broadcast_in_dim3A_508 = arith.constant -65536 : i32
        %broadcast_in_dim3A_509 = vector.broadcast %broadcast_in_dim3A_508 : i32 to vector<16xi32>
        %shift_left3A_510 = arith.constant 16 : i32
        %shift_left3A_511 = vector.broadcast %shift_left3A_510 : i32 to vector<16xi32>
        %shift_left3A_512 = arith.shli %get3A_499, %shift_left3A_511 : vector<16xi32>
        %bitcast_convert_type3A_513 = tpu.bitcast %shift_left3A_512 : vector<16xi32> -> vector<16xf32>
        %and3A_514 = arith.andi %get3A_499, %broadcast_in_dim3A_509 : vector<16xi32>
        %bitcast_convert_type3A_515 = tpu.bitcast %and3A_514 : vector<16xi32> -> vector<16xf32>
        %add3A_516 = arith.addf %add3A_482, %bitcast_convert_type3A_505 : vector<16xf32>
        %add3A_517 = arith.addf %add3A_483, %bitcast_convert_type3A_507 : vector<16xf32>
        %add3A_518 = arith.addf %add3A_484, %bitcast_convert_type3A_513 : vector<16xf32>
        %add3A_519 = arith.addf %add3A_485, %bitcast_convert_type3A_515 : vector<16xf32>
        %scan3A_520 = arith.constant 4 : i32
        %scan3A_521 = arith.addi %scan3A_384, %scan3A_520 : i32
        %add3A_522 = arith.constant 50 : i32
        %add3A_523 = arith.addi %add3A_522, %scan3A_521 : i32
        %get3A_524 = arith.index_cast %add3A_523 : i32 to index
        %get3A_525 = arith.constant 0 : index
        %get3A_526 = tpu.vector_load %arg9[%get3A_524, %get3A_525] {strides = array<i32>} : memref<104x32xi32, #tpu.memory_space<vmem>>, vector<1x16xi32>,
        %get3A_527 = vector.shape_cast %get3A_526 : vector<1x16xi32> to vector<16xi32>
        %add3A_528 = arith.constant 50 : i32
        %add3A_529 = arith.addi %add3A_528, %scan3A_521 : i32
        %get3A_530 = arith.index_cast %add3A_529 : i32 to index
        %get3A_531 = arith.constant 16 : index
        %get3A_532 = tpu.vector_load %arg9[%get3A_530, %get3A_531] {strides = array<i32>} : memref<104x32xi32, #tpu.memory_space<vmem>>, vector<1x16xi32>,
        %get3A_533 = vector.shape_cast %get3A_532 : vector<1x16xi32> to vector<16xi32>
        %broadcast_in_dim3A_534 = arith.constant -65536 : i32
        %broadcast_in_dim3A_535 = vector.broadcast %broadcast_in_dim3A_534 : i32 to vector<16xi32>
        %shift_left3A_536 = arith.constant 16 : i32
        %shift_left3A_537 = vector.broadcast %shift_left3A_536 : i32 to vector<16xi32>
        %shift_left3A_538 = arith.shli %get3A_527, %shift_left3A_537 : vector<16xi32>
        %bitcast_convert_type3A_539 = tpu.bitcast %shift_left3A_538 : vector<16xi32> -> vector<16xf32>
        %and3A_540 = arith.andi %get3A_527, %broadcast_in_dim3A_535 : vector<16xi32>
        %bitcast_convert_type3A_541 = tpu.bitcast %and3A_540 : vector<16xi32> -> vector<16xf32>
        %broadcast_in_dim3A_542 = arith.constant -65536 : i32
        %broadcast_in_dim3A_543 = vector.broadcast %broadcast_in_dim3A_542 : i32 to vector<16xi32>
        %shift_left3A_544 = arith.constant 16 : i32
        %shift_left3A_545 = vector.broadcast %shift_left3A_544 : i32 to vector<16xi32>
        %shift_left3A_546 = arith.shli %get3A_533, %shift_left3A_545 : vector<16xi32>
        %bitcast_convert_type3A_547 = tpu.bitcast %shift_left3A_546 : vector<16xi32> -> vector<16xf32>
        %and3A_548 = arith.andi %get3A_533, %broadcast_in_dim3A_543 : vector<16xi32>
        %bitcast_convert_type3A_549 = tpu.bitcast %and3A_548 : vector<16xi32> -> vector<16xf32>
        %add3A_550 = arith.addf %add3A_516, %bitcast_convert_type3A_539 : vector<16xf32>
        %add3A_551 = arith.addf %add3A_517, %bitcast_convert_type3A_541 : vector<16xf32>
        %add3A_552 = arith.addf %add3A_518, %bitcast_convert_type3A_547 : vector<16xf32>
        %add3A_553 = arith.addf %add3A_519, %bitcast_convert_type3A_549 : vector<16xf32>
        %scan3A_554 = arith.constant 5 : i32
        %scan3A_555 = arith.addi %scan3A_384, %scan3A_554 : i32
        %add3A_556 = arith.constant 50 : i32
        %add3A_557 = arith.addi %add3A_556, %scan3A_555 : i32
        %get3A_558 = arith.index_cast %add3A_557 : i32 to index
        %get3A_559 = arith.constant 0 : index
        %get3A_560 = tpu.vector_load %arg9[%get3A_558, %get3A_559] {strides = array<i32>} : memref<104x32xi32, #tpu.memory_space<vmem>>, vector<1x16xi32>,
        %get3A_561 = vector.shape_cast %get3A_560 : vector<1x16xi32> to vector<16xi32>
        %add3A_562 = arith.constant 50 : i32
        %add3A_563 = arith.addi %add3A_562, %scan3A_555 : i32
        %get3A_564 = arith.index_cast %add3A_563 : i32 to index
        %get3A_565 = arith.constant 16 : index
        %get3A_566 = tpu.vector_load %arg9[%get3A_564, %get3A_565] {strides = array<i32>} : memref<104x32xi32, #tpu.memory_space<vmem>>, vector<1x16xi32>,
        %get3A_567 = vector.shape_cast %get3A_566 : vector<1x16xi32> to vector<16xi32>
        %broadcast_in_dim3A_568 = arith.constant -65536 : i32
        %broadcast_in_dim3A_569 = vector.broadcast %broadcast_in_dim3A_568 : i32 to vector<16xi32>
        %shift_left3A_570 = arith.constant 16 : i32
        %shift_left3A_571 = vector.broadcast %shift_left3A_570 : i32 to vector<16xi32>
        %shift_left3A_572 = arith.shli %get3A_561, %shift_left3A_571 : vector<16xi32>
        %bitcast_convert_type3A_573 = tpu.bitcast %shift_left3A_572 : vector<16xi32> -> vector<16xf32>
        %and3A_574 = arith.andi %get3A_561, %broadcast_in_dim3A_569 : vector<16xi32>
        %bitcast_convert_type3A_575 = tpu.bitcast %and3A_574 : vector<16xi32> -> vector<16xf32>
        %broadcast_in_dim3A_576 = arith.constant -65536 : i32
        %broadcast_in_dim3A_577 = vector.broadcast %broadcast_in_dim3A_576 : i32 to vector<16xi32>
        %shift_left3A_578 = arith.constant 16 : i32
        %shift_left3A_579 = vector.broadcast %shift_left3A_578 : i32 to vector<16xi32>
        %shift_left3A_580 = arith.shli %get3A_567, %shift_left3A_579 : vector<16xi32>
        %bitcast_convert_type3A_581 = tpu.bitcast %shift_left3A_580 : vector<16xi32> -> vector<16xf32>
        %and3A_582 = arith.andi %get3A_567, %broadcast_in_dim3A_577 : vector<16xi32>
        %bitcast_convert_type3A_583 = tpu.bitcast %and3A_582 : vector<16xi32> -> vector<16xf32>
        %add3A_584 = arith.addf %add3A_550, %bitcast_convert_type3A_573 : vector<16xf32>
        %add3A_585 = arith.addf %add3A_551, %bitcast_convert_type3A_575 : vector<16xf32>
        %add3A_586 = arith.addf %add3A_552, %bitcast_convert_type3A_581 : vector<16xf32>
        %add3A_587 = arith.addf %add3A_553, %bitcast_convert_type3A_583 : vector<16xf32>
        %scan3A_588 = arith.constant 6 : i32
        %scan3A_589 = arith.addi %scan3A_384, %scan3A_588 : i32
        %add3A_590 = arith.constant 50 : i32
        %add3A_591 = arith.addi %add3A_590, %scan3A_589 : i32
        %get3A_592 = arith.index_cast %add3A_591 : i32 to index
        %get3A_593 = arith.constant 0 : index
        %get3A_594 = tpu.vector_load %arg9[%get3A_592, %get3A_593] {strides = array<i32>} : memref<104x32xi32, #tpu.memory_space<vmem>>, vector<1x16xi32>,
        %get3A_595 = vector.shape_cast %get3A_594 : vector<1x16xi32> to vector<16xi32>
        %add3A_596 = arith.constant 50 : i32
        %add3A_597 = arith.addi %add3A_596, %scan3A_589 : i32
        %get3A_598 = arith.index_cast %add3A_597 : i32 to index
        %get3A_599 = arith.constant 16 : index
        %get3A_600 = tpu.vector_load %arg9[%get3A_598, %get3A_599] {strides = array<i32>} : memref<104x32xi32, #tpu.memory_space<vmem>>, vector<1x16xi32>,
        %get3A_601 = vector.shape_cast %get3A_600 : vector<1x16xi32> to vector<16xi32>
        %broadcast_in_dim3A_602 = arith.constant -65536 : i32
        %broadcast_in_dim3A_603 = vector.broadcast %broadcast_in_dim3A_602 : i32 to vector<16xi32>
        %shift_left3A_604 = arith.constant 16 : i32
        %shift_left3A_605 = vector.broadcast %shift_left3A_604 : i32 to vector<16xi32>
        %shift_left3A_606 = arith.shli %get3A_595, %shift_left3A_605 : vector<16xi32>
        %bitcast_convert_type3A_607 = tpu.bitcast %shift_left3A_606 : vector<16xi32> -> vector<16xf32>
        %and3A_608 = arith.andi %get3A_595, %broadcast_in_dim3A_603 : vector<16xi32>
        %bitcast_convert_type3A_609 = tpu.bitcast %and3A_608 : vector<16xi32> -> vector<16xf32>
        %broadcast_in_dim3A_610 = arith.constant -65536 : i32
        %broadcast_in_dim3A_611 = vector.broadcast %broadcast_in_dim3A_610 : i32 to vector<16xi32>
        %shift_left3A_612 = arith.constant 16 : i32
        %shift_left3A_613 = vector.broadcast %shift_left3A_612 : i32 to vector<16xi32>
        %shift_left3A_614 = arith.shli %get3A_601, %shift_left3A_613 : vector<16xi32>
        %bitcast_convert_type3A_615 = tpu.bitcast %shift_left3A_614 : vector<16xi32> -> vector<16xf32>
        %and3A_616 = arith.andi %get3A_601, %broadcast_in_dim3A_611 : vector<16xi32>
        %bitcast_convert_type3A_617 = tpu.bitcast %and3A_616 : vector<16xi32> -> vector<16xf32>
        %add3A_618 = arith.addf %add3A_584, %bitcast_convert_type3A_607 : vector<16xf32>
        %add3A_619 = arith.addf %add3A_585, %bitcast_convert_type3A_609 : vector<16xf32>
        %add3A_620 = arith.addf %add3A_586, %bitcast_convert_type3A_615 : vector<16xf32>
        %add3A_621 = arith.addf %add3A_587, %bitcast_convert_type3A_617 : vector<16xf32>
        %scan3A_622 = arith.constant 7 : i32
        %scan3A_623 = arith.addi %scan3A_384, %scan3A_622 : i32
        %add3A_624 = arith.constant 50 : i32
        %add3A_625 = arith.addi %add3A_624, %scan3A_623 : i32
        %get3A_626 = arith.index_cast %add3A_625 : i32 to index
        %get3A_627 = arith.constant 0 : index
        %get3A_628 = tpu.vector_load %arg9[%get3A_626, %get3A_627] {strides = array<i32>} : memref<104x32xi32, #tpu.memory_space<vmem>>, vector<1x16xi32>,
        %get3A_629 = vector.shape_cast %get3A_628 : vector<1x16xi32> to vector<16xi32>
        %add3A_630 = arith.constant 50 : i32
        %add3A_631 = arith.addi %add3A_630, %scan3A_623 : i32
        %get3A_632 = arith.index_cast %add3A_631 : i32 to index
        %get3A_633 = arith.constant 16 : index
        %get3A_634 = tpu.vector_load %arg9[%get3A_632, %get3A_633] {strides = array<i32>} : memref<104x32xi32, #tpu.memory_space<vmem>>, vector<1x16xi32>,
        %get3A_635 = vector.shape_cast %get3A_634 : vector<1x16xi32> to vector<16xi32>
        %broadcast_in_dim3A_636 = arith.constant -65536 : i32
        %broadcast_in_dim3A_637 = vector.broadcast %broadcast_in_dim3A_636 : i32 to vector<16xi32>
        %shift_left3A_638 = arith.constant 16 : i32
        %shift_left3A_639 = vector.broadcast %shift_left3A_638 : i32 to vector<16xi32>
        %shift_left3A_640 = arith.shli %get3A_629, %shift_left3A_639 : vector<16xi32>
        %bitcast_convert_type3A_641 = tpu.bitcast %shift_left3A_640 : vector<16xi32> -> vector<16xf32>
        %and3A_642 = arith.andi %get3A_629, %broadcast_in_dim3A_637 : vector<16xi32>
        %bitcast_convert_type3A_643 = tpu.bitcast %and3A_642 : vector<16xi32> -> vector<16xf32>
        %broadcast_in_dim3A_644 = arith.constant -65536 : i32
        %broadcast_in_dim3A_645 = vector.broadcast %broadcast_in_dim3A_644 : i32 to vector<16xi32>
        %shift_left3A_646 = arith.constant 16 : i32
        %shift_left3A_647 = vector.broadcast %shift_left3A_646 : i32 to vector<16xi32>
        %shift_left3A_648 = arith.shli %get3A_635, %shift_left3A_647 : vector<16xi32>
        %bitcast_convert_type3A_649 = tpu.bitcast %shift_left3A_648 : vector<16xi32> -> vector<16xf32>
        %and3A_650 = arith.andi %get3A_635, %broadcast_in_dim3A_645 : vector<16xi32>
        %bitcast_convert_type3A_651 = tpu.bitcast %and3A_650 : vector<16xi32> -> vector<16xf32>
        %add3A_652 = arith.addf %add3A_618, %bitcast_convert_type3A_641 : vector<16xf32>
        %add3A_653 = arith.addf %add3A_619, %bitcast_convert_type3A_643 : vector<16xf32>
        %add3A_654 = arith.addf %add3A_620, %bitcast_convert_type3A_649 : vector<16xf32>
        %add3A_655 = arith.addf %add3A_621, %bitcast_convert_type3A_651 : vector<16xf32>
        %scan3A_656 = arith.constant 8 : i32
        %scan3A_657 = arith.addi %scan3A_384, %scan3A_656 : i32
        %add3A_658 = arith.constant 50 : i32
        %add3A_659 = arith.addi %add3A_658, %scan3A_657 : i32
        %get3A_660 = arith.index_cast %add3A_659 : i32 to index
        %get3A_661 = arith.constant 0 : index
        %get3A_662 = tpu.vector_load %arg9[%get3A_660, %get3A_661] {strides = array<i32>} : memref<104x32xi32, #tpu.memory_space<vmem>>, vector<1x16xi32>,
        %get3A_663 = vector.shape_cast %get3A_662 : vector<1x16xi32> to vector<16xi32>
        %add3A_664 = arith.constant 50 : i32
        %add3A_665 = arith.addi %add3A_664, %scan3A_657 : i32
        %get3A_666 = arith.index_cast %add3A_665 : i32 to index
        %get3A_667 = arith.constant 16 : index
        %get3A_668 = tpu.vector_load %arg9[%get3A_666, %get3A_667] {strides = array<i32>} : memref<104x32xi32, #tpu.memory_space<vmem>>, vector<1x16xi32>,
        %get3A_669 = vector.shape_cast %get3A_668 : vector<1x16xi32> to vector<16xi32>
        %broadcast_in_dim3A_670 = arith.constant -65536 : i32
        %broadcast_in_dim3A_671 = vector.broadcast %broadcast_in_dim3A_670 : i32 to vector<16xi32>
        %shift_left3A_672 = arith.constant 16 : i32
        %shift_left3A_673 = vector.broadcast %shift_left3A_672 : i32 to vector<16xi32>
        %shift_left3A_674 = arith.shli %get3A_663, %shift_left3A_673 : vector<16xi32>
        %bitcast_convert_type3A_675 = tpu.bitcast %shift_left3A_674 : vector<16xi32> -> vector<16xf32>
        %and3A_676 = arith.andi %get3A_663, %broadcast_in_dim3A_671 : vector<16xi32>
        %bitcast_convert_type3A_677 = tpu.bitcast %and3A_676 : vector<16xi32> -> vector<16xf32>
        %broadcast_in_dim3A_678 = arith.constant -65536 : i32
        %broadcast_in_dim3A_679 = vector.broadcast %broadcast_in_dim3A_678 : i32 to vector<16xi32>
        %shift_left3A_680 = arith.constant 16 : i32
        %shift_left3A_681 = vector.broadcast %shift_left3A_680 : i32 to vector<16xi32>
        %shift_left3A_682 = arith.shli %get3A_669, %shift_left3A_681 : vector<16xi32>
        %bitcast_convert_type3A_683 = tpu.bitcast %shift_left3A_682 : vector<16xi32> -> vector<16xf32>
        %and3A_684 = arith.andi %get3A_669, %broadcast_in_dim3A_679 : vector<16xi32>
        %bitcast_convert_type3A_685 = tpu.bitcast %and3A_684 : vector<16xi32> -> vector<16xf32>
        %add3A_686 = arith.addf %add3A_652, %bitcast_convert_type3A_675 : vector<16xf32>
        %add3A_687 = arith.addf %add3A_653, %bitcast_convert_type3A_677 : vector<16xf32>
        %add3A_688 = arith.addf %add3A_654, %bitcast_convert_type3A_683 : vector<16xf32>
        %add3A_689 = arith.addf %add3A_655, %bitcast_convert_type3A_685 : vector<16xf32>
        %scan3A_690 = arith.constant 9 : i32
        %scan3A_691 = arith.addi %scan3A_384, %scan3A_690 : i32
        %add3A_692 = arith.constant 50 : i32
        %add3A_693 = arith.addi %add3A_692, %scan3A_691 : i32
        %get3A_694 = arith.index_cast %add3A_693 : i32 to index
        %get3A_695 = arith.constant 0 : index
        %get3A_696 = tpu.vector_load %arg9[%get3A_694, %get3A_695] {strides = array<i32>} : memref<104x32xi32, #tpu.memory_space<vmem>>, vector<1x16xi32>,
        %get3A_697 = vector.shape_cast %get3A_696 : vector<1x16xi32> to vector<16xi32>
        %add3A_698 = arith.constant 50 : i32
        %add3A_699 = arith.addi %add3A_698, %scan3A_691 : i32
        %get3A_700 = arith.index_cast %add3A_699 : i32 to index
        %get3A_701 = arith.constant 16 : index
        %get3A_702 = tpu.vector_load %arg9[%get3A_700, %get3A_701] {strides = array<i32>} : memref<104x32xi32, #tpu.memory_space<vmem>>, vector<1x16xi32>,
        %get3A_703 = vector.shape_cast %get3A_702 : vector<1x16xi32> to vector<16xi32>
        %broadcast_in_dim3A_704 = arith.constant -65536 : i32
        %broadcast_in_dim3A_705 = vector.broadcast %broadcast_in_dim3A_704 : i32 to vector<16xi32>
        %shift_left3A_706 = arith.constant 16 : i32
        %shift_left3A_707 = vector.broadcast %shift_left3A_706 : i32 to vector<16xi32>
        %shift_left3A_708 = arith.shli %get3A_697, %shift_left3A_707 : vector<16xi32>
        %bitcast_convert_type3A_709 = tpu.bitcast %shift_left3A_708 : vector<16xi32> -> vector<16xf32>
        %and3A_710 = arith.andi %get3A_697, %broadcast_in_dim3A_705 : vector<16xi32>
        %bitcast_convert_type3A_711 = tpu.bitcast %and3A_710 : vector<16xi32> -> vector<16xf32>
        %broadcast_in_dim3A_712 = arith.constant -65536 : i32
        %broadcast_in_dim3A_713 = vector.broadcast %broadcast_in_dim3A_712 : i32 to vector<16xi32>
        %shift_left3A_714 = arith.constant 16 : i32
        %shift_left3A_715 = vector.broadcast %shift_left3A_714 : i32 to vector<16xi32>
        %shift_left3A_716 = arith.shli %get3A_703, %shift_left3A_715 : vector<16xi32>
        %bitcast_convert_type3A_717 = tpu.bitcast %shift_left3A_716 : vector<16xi32> -> vector<16xf32>
        %and3A_718 = arith.andi %get3A_703, %broadcast_in_dim3A_713 : vector<16xi32>
        %bitcast_convert_type3A_719 = tpu.bitcast %and3A_718 : vector<16xi32> -> vector<16xf32>
        %add3A_720 = arith.addf %add3A_686, %bitcast_convert_type3A_709 : vector<16xf32>
        %add3A_721 = arith.addf %add3A_687, %bitcast_convert_type3A_711 : vector<16xf32>
        %add3A_722 = arith.addf %add3A_688, %bitcast_convert_type3A_717 : vector<16xf32>
        %add3A_723 = arith.addf %add3A_689, %bitcast_convert_type3A_719 : vector<16xf32>
        scf.yield %add3A_720, %add3A_721, %add3A_722, %add3A_723 : vector<16xf32>, vector<16xf32>, vector<16xf32>, vector<16xf32>
      }
      %scan3A_263 = arith.constant 50 : i32
      %mul3A_264 = arith.constant 2 : i32
      %mul3A_265 = arith.muli %add3A_217, %mul3A_264 : i32
      %add3A_266 = arith.constant 1 : i32
      %add3A_267 = arith.addi %mul3A_265, %add3A_266 : i32
      %swap3A_268 = arith.index_cast %add3A_267 : i32 to index
      %swap3A_269 = arith.constant 0 : index
      %swap3A_270 = tpu.vector_load %arg11[%swap3A_268, %swap3A_269] {strides = array<i32>} : memref<128x64xf32, #tpu.memory_space<vmem>>, vector<1x16xf32>,
      %swap3A_271 = vector.shape_cast %swap3A_270 : vector<1x16xf32> to vector<16xf32>
      %swap3A_272 = vector.shape_cast %scan3A_262#0 : vector<16xf32> to vector<1x16xf32>
      tpu.vector_store %arg11[%swap3A_268, %swap3A_269], %swap3A_272 {strides = array<i32>} : memref<128x64xf32, #tpu.memory_space<vmem>>, vector<1x16xf32>,
      %swap3A_273 = arith.index_cast %add3A_267 : i32 to index
      %swap3A_274 = arith.constant 16 : index
      %swap3A_275 = tpu.vector_load %arg11[%swap3A_273, %swap3A_274] {strides = array<i32>} : memref<128x64xf32, #tpu.memory_space<vmem>>, vector<1x16xf32>,
      %swap3A_276 = vector.shape_cast %swap3A_275 : vector<1x16xf32> to vector<16xf32>
      %swap3A_277 = vector.shape_cast %scan3A_262#1 : vector<16xf32> to vector<1x16xf32>
      tpu.vector_store %arg11[%swap3A_273, %swap3A_274], %swap3A_277 {strides = array<i32>} : memref<128x64xf32, #tpu.memory_space<vmem>>, vector<1x16xf32>,
      %swap3A_278 = arith.index_cast %add3A_267 : i32 to index
      %swap3A_279 = arith.constant 32 : index
      %swap3A_280 = tpu.vector_load %arg11[%swap3A_278, %swap3A_279] {strides = array<i32>} : memref<128x64xf32, #tpu.memory_space<vmem>>, vector<1x16xf32>,
      %swap3A_281 = vector.shape_cast %swap3A_280 : vector<1x16xf32> to vector<16xf32>
      %swap3A_282 = vector.shape_cast %scan3A_262#2 : vector<16xf32> to vector<1x16xf32>
      tpu.vector_store %arg11[%swap3A_278, %swap3A_279], %swap3A_282 {strides = array<i32>} : memref<128x64xf32, #tpu.memory_space<vmem>>, vector<1x16xf32>,
      %swap3A_283 = arith.index_cast %add3A_267 : i32 to index
      %swap3A_284 = arith.constant 48 : index
      %swap3A_285 = tpu.vector_load %arg11[%swap3A_283, %swap3A_284] {strides = array<i32>} : memref<128x64xf32, #tpu.memory_space<vmem>>, vector<1x16xf32>,
      %swap3A_286 = vector.shape_cast %swap3A_285 : vector<1x16xf32> to vector<16xf32>
      %swap3A_287 = vector.shape_cast %scan3A_262#3 : vector<16xf32> to vector<1x16xf32>
      tpu.vector_store %arg11[%swap3A_283, %swap3A_284], %swap3A_287 {strides = array<i32>} : memref<128x64xf32, #tpu.memory_space<vmem>>, vector<1x16xf32>,
      %add3A_288 = arith.constant 4 : i32
      %add3A_289 = arith.addi %add3A_217, %add3A_288 : i32
      %min3A_290 = arith.constant 63 : i32
      %min3A_291 = arith.minsi %add3A_289, %min3A_290 : i32
      %add3A_292 = arith.constant 4 : i32
      %add3A_293 = arith.addi %add3A_217, %add3A_292 : i32
      %lt3A_294 = arith.constant 64 : i32
      %lt3A_295 = arith.cmpi slt, %add3A_293, %lt3A_294 : i32
      %convert_element_type3A_296 = arith.extui %lt3A_295 : i1 to i32
      %cond3A_297 = arith.constant 0 : i32
      %cond3A_298 = arith.cmpi ne, %convert_element_type3A_296, %cond3A_297 : i32
      scf.if %cond3A_298 {
        %mul3A_384 = arith.constant 104 : i32
        %mul3A_385 = arith.muli %min3A_291, %mul3A_384 : i32
        %dma_start3A_386 = tpu.memref_slice %arg6[%mul3A_385] : memref<6672xi32, #tpu.memory_space<vmem>> -> memref<104xi32, #tpu.memory_space<vmem>>
        %dma_start3A_387 = arith.constant 0 : i32
        %dma_start3A_388 = arith.constant 0 : i32
        %dma_start3A_389 = tpu.memref_slice %arg3[%dma_start3A_387, %dma_start3A_388] : memref<100000x32xi32, #tpu.memory_space<hbm>> -> memref<100000x32xi32, #tpu.memory_space<hbm>>
        tpu.enqueue_indirect_dma source(%dma_start3A_389 : memref<100000x32xi32, #tpu.memory_space<hbm>>) target(%arg9 : memref<104x32xi32, #tpu.memory_space<vmem>>) offsets(%dma_start3A_386 : memref<104xi32, #tpu.memory_space<vmem>>) semaphore(%arg15 : memref<!tpu.dma_semaphore, #tpu.memory_space<semaphore_mem>>)
      } else {
      }
      %mul3A_299 = arith.constant 4 : i32
      %mul3A_300 = arith.muli %scan3A_49, %mul3A_299 : i32
      %add3A_301 = arith.constant 3 : i32
      %add3A_302 = arith.addi %mul3A_300, %add3A_301 : i32
      %mul3A_303 = arith.constant 104 : i32
      %mul3A_304 = arith.muli %add3A_302, %mul3A_303 : i32
      %dma_wait3A_305 = tpu.memref_slice %arg6[%mul3A_304] : memref<6672xi32, #tpu.memory_space<vmem>> -> memref<104xi32, #tpu.memory_space<vmem>>
      %dma_wait3A_306 = arith.constant 0 : i32
      %dma_wait3A_307 = arith.constant 0 : i32
      %dma_wait3A_308 = tpu.memref_slice %arg3[%dma_wait3A_306, %dma_wait3A_307] : memref<100000x32xi32, #tpu.memory_space<hbm>> -> memref<100000x32xi32, #tpu.memory_space<hbm>>
      tpu.wait_indirect_dma semaphore(%arg16 : memref<!tpu.dma_semaphore, #tpu.memory_space<semaphore_mem>>) src(%dma_wait3A_308 : memref<100000x32xi32, #tpu.memory_space<hbm>>) dst(%arg10 : memref<104x32xi32, #tpu.memory_space<vmem>>)
      %broadcast_in_dim3A_309 = arith.constant 0.000000e+00 : f32
      %broadcast_in_dim3A_310 = vector.broadcast %broadcast_in_dim3A_309 : f32 to vector<16xf32>
      %scan3A_311 = arith.constant 0 : i32
      %scan3A_312 = arith.constant 50 : i32
      %scan3A_313 = arith.addi %scan3A_311, %scan3A_312 : i32
      %scan3A_314 = arith.constant 10 : i32
      %scan3A_315:4 = scf.for %scan3A_384 = %scan3A_311 to %scan3A_313 step %scan3A_314 iter_args(%scan3A_385 = %broadcast_in_dim3A_310, %scan3A_386 = %broadcast_in_dim3A_310, %scan3A_387 = %broadcast_in_dim3A_310, %scan3A_388 = %broadcast_in_dim3A_310) -> (vector<16xf32>, vector<16xf32>, vector<16xf32>, vector<16xf32>)  : i32 {
        %add3A_389 = arith.constant 0 : i32
        %add3A_390 = arith.addi %add3A_389, %scan3A_384 : i32
        %get3A = arith.index_cast %add3A_390 : i32 to index
        %get3A_391 = arith.constant 0 : index
        %get3A_392 = tpu.vector_load %arg10[%get3A, %get3A_391] {strides = array<i32>} : memref<104x32xi32, #tpu.memory_space<vmem>>, vector<1x16xi32>,
        %get3A_393 = vector.shape_cast %get3A_392 : vector<1x16xi32> to vector<16xi32>
        %add3A_394 = arith.constant 0 : i32
        %add3A_395 = arith.addi %add3A_394, %scan3A_384 : i32
        %get3A_396 = arith.index_cast %add3A_395 : i32 to index
        %get3A_397 = arith.constant 16 : index
        %get3A_398 = tpu.vector_load %arg10[%get3A_396, %get3A_397] {strides = array<i32>} : memref<104x32xi32, #tpu.memory_space<vmem>>, vector<1x16xi32>,
        %get3A_399 = vector.shape_cast %get3A_398 : vector<1x16xi32> to vector<16xi32>
        %broadcast_in_dim3A_400 = arith.constant -65536 : i32
        %broadcast_in_dim3A_401 = vector.broadcast %broadcast_in_dim3A_400 : i32 to vector<16xi32>
        %shift_left3A = arith.constant 16 : i32
        %shift_left3A_402 = vector.broadcast %shift_left3A : i32 to vector<16xi32>
        %shift_left3A_403 = arith.shli %get3A_393, %shift_left3A_402 : vector<16xi32>
        %bitcast_convert_type3A = tpu.bitcast %shift_left3A_403 : vector<16xi32> -> vector<16xf32>
        %and3A_404 = arith.andi %get3A_393, %broadcast_in_dim3A_401 : vector<16xi32>
        %bitcast_convert_type3A_405 = tpu.bitcast %and3A_404 : vector<16xi32> -> vector<16xf32>
        %broadcast_in_dim3A_406 = arith.constant -65536 : i32
        %broadcast_in_dim3A_407 = vector.broadcast %broadcast_in_dim3A_406 : i32 to vector<16xi32>
        %shift_left3A_408 = arith.constant 16 : i32
        %shift_left3A_409 = vector.broadcast %shift_left3A_408 : i32 to vector<16xi32>
        %shift_left3A_410 = arith.shli %get3A_399, %shift_left3A_409 : vector<16xi32>
        %bitcast_convert_type3A_411 = tpu.bitcast %shift_left3A_410 : vector<16xi32> -> vector<16xf32>
        %and3A_412 = arith.andi %get3A_399, %broadcast_in_dim3A_407 : vector<16xi32>
        %bitcast_convert_type3A_413 = tpu.bitcast %and3A_412 : vector<16xi32> -> vector<16xf32>
        %add3A_414 = arith.addf %scan3A_385, %bitcast_convert_type3A : vector<16xf32>
        %add3A_415 = arith.addf %scan3A_386, %bitcast_convert_type3A_405 : vector<16xf32>
        %add3A_416 = arith.addf %scan3A_387, %bitcast_convert_type3A_411 : vector<16xf32>
        %add3A_417 = arith.addf %scan3A_388, %bitcast_convert_type3A_413 : vector<16xf32>
        %scan3A_418 = arith.constant 1 : i32
        %scan3A_419 = arith.addi %scan3A_384, %scan3A_418 : i32
        %add3A_420 = arith.constant 0 : i32
        %add3A_421 = arith.addi %add3A_420, %scan3A_419 : i32
        %get3A_422 = arith.index_cast %add3A_421 : i32 to index
        %get3A_423 = arith.constant 0 : index
        %get3A_424 = tpu.vector_load %arg10[%get3A_422, %get3A_423] {strides = array<i32>} : memref<104x32xi32, #tpu.memory_space<vmem>>, vector<1x16xi32>,
        %get3A_425 = vector.shape_cast %get3A_424 : vector<1x16xi32> to vector<16xi32>
        %add3A_426 = arith.constant 0 : i32
        %add3A_427 = arith.addi %add3A_426, %scan3A_419 : i32
        %get3A_428 = arith.index_cast %add3A_427 : i32 to index
        %get3A_429 = arith.constant 16 : index
        %get3A_430 = tpu.vector_load %arg10[%get3A_428, %get3A_429] {strides = array<i32>} : memref<104x32xi32, #tpu.memory_space<vmem>>, vector<1x16xi32>,
        %get3A_431 = vector.shape_cast %get3A_430 : vector<1x16xi32> to vector<16xi32>
        %broadcast_in_dim3A_432 = arith.constant -65536 : i32
        %broadcast_in_dim3A_433 = vector.broadcast %broadcast_in_dim3A_432 : i32 to vector<16xi32>
        %shift_left3A_434 = arith.constant 16 : i32
        %shift_left3A_435 = vector.broadcast %shift_left3A_434 : i32 to vector<16xi32>
        %shift_left3A_436 = arith.shli %get3A_425, %shift_left3A_435 : vector<16xi32>
        %bitcast_convert_type3A_437 = tpu.bitcast %shift_left3A_436 : vector<16xi32> -> vector<16xf32>
        %and3A_438 = arith.andi %get3A_425, %broadcast_in_dim3A_433 : vector<16xi32>
        %bitcast_convert_type3A_439 = tpu.bitcast %and3A_438 : vector<16xi32> -> vector<16xf32>
        %broadcast_in_dim3A_440 = arith.constant -65536 : i32
        %broadcast_in_dim3A_441 = vector.broadcast %broadcast_in_dim3A_440 : i32 to vector<16xi32>
        %shift_left3A_442 = arith.constant 16 : i32
        %shift_left3A_443 = vector.broadcast %shift_left3A_442 : i32 to vector<16xi32>
        %shift_left3A_444 = arith.shli %get3A_431, %shift_left3A_443 : vector<16xi32>
        %bitcast_convert_type3A_445 = tpu.bitcast %shift_left3A_444 : vector<16xi32> -> vector<16xf32>
        %and3A_446 = arith.andi %get3A_431, %broadcast_in_dim3A_441 : vector<16xi32>
        %bitcast_convert_type3A_447 = tpu.bitcast %and3A_446 : vector<16xi32> -> vector<16xf32>
        %add3A_448 = arith.addf %add3A_414, %bitcast_convert_type3A_437 : vector<16xf32>
        %add3A_449 = arith.addf %add3A_415, %bitcast_convert_type3A_439 : vector<16xf32>
        %add3A_450 = arith.addf %add3A_416, %bitcast_convert_type3A_445 : vector<16xf32>
        %add3A_451 = arith.addf %add3A_417, %bitcast_convert_type3A_447 : vector<16xf32>
        %scan3A_452 = arith.constant 2 : i32
        %scan3A_453 = arith.addi %scan3A_384, %scan3A_452 : i32
        %add3A_454 = arith.constant 0 : i32
        %add3A_455 = arith.addi %add3A_454, %scan3A_453 : i32
        %get3A_456 = arith.index_cast %add3A_455 : i32 to index
        %get3A_457 = arith.constant 0 : index
        %get3A_458 = tpu.vector_load %arg10[%get3A_456, %get3A_457] {strides = array<i32>} : memref<104x32xi32, #tpu.memory_space<vmem>>, vector<1x16xi32>,
        %get3A_459 = vector.shape_cast %get3A_458 : vector<1x16xi32> to vector<16xi32>
        %add3A_460 = arith.constant 0 : i32
        %add3A_461 = arith.addi %add3A_460, %scan3A_453 : i32
        %get3A_462 = arith.index_cast %add3A_461 : i32 to index
        %get3A_463 = arith.constant 16 : index
        %get3A_464 = tpu.vector_load %arg10[%get3A_462, %get3A_463] {strides = array<i32>} : memref<104x32xi32, #tpu.memory_space<vmem>>, vector<1x16xi32>,
        %get3A_465 = vector.shape_cast %get3A_464 : vector<1x16xi32> to vector<16xi32>
        %broadcast_in_dim3A_466 = arith.constant -65536 : i32
        %broadcast_in_dim3A_467 = vector.broadcast %broadcast_in_dim3A_466 : i32 to vector<16xi32>
        %shift_left3A_468 = arith.constant 16 : i32
        %shift_left3A_469 = vector.broadcast %shift_left3A_468 : i32 to vector<16xi32>
        %shift_left3A_470 = arith.shli %get3A_459, %shift_left3A_469 : vector<16xi32>
        %bitcast_convert_type3A_471 = tpu.bitcast %shift_left3A_470 : vector<16xi32> -> vector<16xf32>
        %and3A_472 = arith.andi %get3A_459, %broadcast_in_dim3A_467 : vector<16xi32>
        %bitcast_convert_type3A_473 = tpu.bitcast %and3A_472 : vector<16xi32> -> vector<16xf32>
        %broadcast_in_dim3A_474 = arith.constant -65536 : i32
        %broadcast_in_dim3A_475 = vector.broadcast %broadcast_in_dim3A_474 : i32 to vector<16xi32>
        %shift_left3A_476 = arith.constant 16 : i32
        %shift_left3A_477 = vector.broadcast %shift_left3A_476 : i32 to vector<16xi32>
        %shift_left3A_478 = arith.shli %get3A_465, %shift_left3A_477 : vector<16xi32>
        %bitcast_convert_type3A_479 = tpu.bitcast %shift_left3A_478 : vector<16xi32> -> vector<16xf32>
        %and3A_480 = arith.andi %get3A_465, %broadcast_in_dim3A_475 : vector<16xi32>
        %bitcast_convert_type3A_481 = tpu.bitcast %and3A_480 : vector<16xi32> -> vector<16xf32>
        %add3A_482 = arith.addf %add3A_448, %bitcast_convert_type3A_471 : vector<16xf32>
        %add3A_483 = arith.addf %add3A_449, %bitcast_convert_type3A_473 : vector<16xf32>
        %add3A_484 = arith.addf %add3A_450, %bitcast_convert_type3A_479 : vector<16xf32>
        %add3A_485 = arith.addf %add3A_451, %bitcast_convert_type3A_481 : vector<16xf32>
        %scan3A_486 = arith.constant 3 : i32
        %scan3A_487 = arith.addi %scan3A_384, %scan3A_486 : i32
        %add3A_488 = arith.constant 0 : i32
        %add3A_489 = arith.addi %add3A_488, %scan3A_487 : i32
        %get3A_490 = arith.index_cast %add3A_489 : i32 to index
        %get3A_491 = arith.constant 0 : index
        %get3A_492 = tpu.vector_load %arg10[%get3A_490, %get3A_491] {strides = array<i32>} : memref<104x32xi32, #tpu.memory_space<vmem>>, vector<1x16xi32>,
        %get3A_493 = vector.shape_cast %get3A_492 : vector<1x16xi32> to vector<16xi32>
        %add3A_494 = arith.constant 0 : i32
        %add3A_495 = arith.addi %add3A_494, %scan3A_487 : i32
        %get3A_496 = arith.index_cast %add3A_495 : i32 to index
        %get3A_497 = arith.constant 16 : index
        %get3A_498 = tpu.vector_load %arg10[%get3A_496, %get3A_497] {strides = array<i32>} : memref<104x32xi32, #tpu.memory_space<vmem>>, vector<1x16xi32>,
        %get3A_499 = vector.shape_cast %get3A_498 : vector<1x16xi32> to vector<16xi32>
        %broadcast_in_dim3A_500 = arith.constant -65536 : i32
        %broadcast_in_dim3A_501 = vector.broadcast %broadcast_in_dim3A_500 : i32 to vector<16xi32>
        %shift_left3A_502 = arith.constant 16 : i32
        %shift_left3A_503 = vector.broadcast %shift_left3A_502 : i32 to vector<16xi32>
        %shift_left3A_504 = arith.shli %get3A_493, %shift_left3A_503 : vector<16xi32>
        %bitcast_convert_type3A_505 = tpu.bitcast %shift_left3A_504 : vector<16xi32> -> vector<16xf32>
        %and3A_506 = arith.andi %get3A_493, %broadcast_in_dim3A_501 : vector<16xi32>
        %bitcast_convert_type3A_507 = tpu.bitcast %and3A_506 : vector<16xi32> -> vector<16xf32>
        %broadcast_in_dim3A_508 = arith.constant -65536 : i32
        %broadcast_in_dim3A_509 = vector.broadcast %broadcast_in_dim3A_508 : i32 to vector<16xi32>
        %shift_left3A_510 = arith.constant 16 : i32
        %shift_left3A_511 = vector.broadcast %shift_left3A_510 : i32 to vector<16xi32>
        %shift_left3A_512 = arith.shli %get3A_499, %shift_left3A_511 : vector<16xi32>
        %bitcast_convert_type3A_513 = tpu.bitcast %shift_left3A_512 : vector<16xi32> -> vector<16xf32>
        %and3A_514 = arith.andi %get3A_499, %broadcast_in_dim3A_509 : vector<16xi32>
        %bitcast_convert_type3A_515 = tpu.bitcast %and3A_514 : vector<16xi32> -> vector<16xf32>
        %add3A_516 = arith.addf %add3A_482, %bitcast_convert_type3A_505 : vector<16xf32>
        %add3A_517 = arith.addf %add3A_483, %bitcast_convert_type3A_507 : vector<16xf32>
        %add3A_518 = arith.addf %add3A_484, %bitcast_convert_type3A_513 : vector<16xf32>
        %add3A_519 = arith.addf %add3A_485, %bitcast_convert_type3A_515 : vector<16xf32>
        %scan3A_520 = arith.constant 4 : i32
        %scan3A_521 = arith.addi %scan3A_384, %scan3A_520 : i32
        %add3A_522 = arith.constant 0 : i32
        %add3A_523 = arith.addi %add3A_522, %scan3A_521 : i32
        %get3A_524 = arith.index_cast %add3A_523 : i32 to index
        %get3A_525 = arith.constant 0 : index
        %get3A_526 = tpu.vector_load %arg10[%get3A_524, %get3A_525] {strides = array<i32>} : memref<104x32xi32, #tpu.memory_space<vmem>>, vector<1x16xi32>,
        %get3A_527 = vector.shape_cast %get3A_526 : vector<1x16xi32> to vector<16xi32>
        %add3A_528 = arith.constant 0 : i32
        %add3A_529 = arith.addi %add3A_528, %scan3A_521 : i32
        %get3A_530 = arith.index_cast %add3A_529 : i32 to index
        %get3A_531 = arith.constant 16 : index
        %get3A_532 = tpu.vector_load %arg10[%get3A_530, %get3A_531] {strides = array<i32>} : memref<104x32xi32, #tpu.memory_space<vmem>>, vector<1x16xi32>,
        %get3A_533 = vector.shape_cast %get3A_532 : vector<1x16xi32> to vector<16xi32>
        %broadcast_in_dim3A_534 = arith.constant -65536 : i32
        %broadcast_in_dim3A_535 = vector.broadcast %broadcast_in_dim3A_534 : i32 to vector<16xi32>
        %shift_left3A_536 = arith.constant 16 : i32
        %shift_left3A_537 = vector.broadcast %shift_left3A_536 : i32 to vector<16xi32>
        %shift_left3A_538 = arith.shli %get3A_527, %shift_left3A_537 : vector<16xi32>
        %bitcast_convert_type3A_539 = tpu.bitcast %shift_left3A_538 : vector<16xi32> -> vector<16xf32>
        %and3A_540 = arith.andi %get3A_527, %broadcast_in_dim3A_535 : vector<16xi32>
        %bitcast_convert_type3A_541 = tpu.bitcast %and3A_540 : vector<16xi32> -> vector<16xf32>
        %broadcast_in_dim3A_542 = arith.constant -65536 : i32
        %broadcast_in_dim3A_543 = vector.broadcast %broadcast_in_dim3A_542 : i32 to vector<16xi32>
        %shift_left3A_544 = arith.constant 16 : i32
        %shift_left3A_545 = vector.broadcast %shift_left3A_544 : i32 to vector<16xi32>
        %shift_left3A_546 = arith.shli %get3A_533, %shift_left3A_545 : vector<16xi32>
        %bitcast_convert_type3A_547 = tpu.bitcast %shift_left3A_546 : vector<16xi32> -> vector<16xf32>
        %and3A_548 = arith.andi %get3A_533, %broadcast_in_dim3A_543 : vector<16xi32>
        %bitcast_convert_type3A_549 = tpu.bitcast %and3A_548 : vector<16xi32> -> vector<16xf32>
        %add3A_550 = arith.addf %add3A_516, %bitcast_convert_type3A_539 : vector<16xf32>
        %add3A_551 = arith.addf %add3A_517, %bitcast_convert_type3A_541 : vector<16xf32>
        %add3A_552 = arith.addf %add3A_518, %bitcast_convert_type3A_547 : vector<16xf32>
        %add3A_553 = arith.addf %add3A_519, %bitcast_convert_type3A_549 : vector<16xf32>
        %scan3A_554 = arith.constant 5 : i32
        %scan3A_555 = arith.addi %scan3A_384, %scan3A_554 : i32
        %add3A_556 = arith.constant 0 : i32
        %add3A_557 = arith.addi %add3A_556, %scan3A_555 : i32
        %get3A_558 = arith.index_cast %add3A_557 : i32 to index
        %get3A_559 = arith.constant 0 : index
        %get3A_560 = tpu.vector_load %arg10[%get3A_558, %get3A_559] {strides = array<i32>} : memref<104x32xi32, #tpu.memory_space<vmem>>, vector<1x16xi32>,
        %get3A_561 = vector.shape_cast %get3A_560 : vector<1x16xi32> to vector<16xi32>
        %add3A_562 = arith.constant 0 : i32
        %add3A_563 = arith.addi %add3A_562, %scan3A_555 : i32
        %get3A_564 = arith.index_cast %add3A_563 : i32 to index
        %get3A_565 = arith.constant 16 : index
        %get3A_566 = tpu.vector_load %arg10[%get3A_564, %get3A_565] {strides = array<i32>} : memref<104x32xi32, #tpu.memory_space<vmem>>, vector<1x16xi32>,
        %get3A_567 = vector.shape_cast %get3A_566 : vector<1x16xi32> to vector<16xi32>
        %broadcast_in_dim3A_568 = arith.constant -65536 : i32
        %broadcast_in_dim3A_569 = vector.broadcast %broadcast_in_dim3A_568 : i32 to vector<16xi32>
        %shift_left3A_570 = arith.constant 16 : i32
        %shift_left3A_571 = vector.broadcast %shift_left3A_570 : i32 to vector<16xi32>
        %shift_left3A_572 = arith.shli %get3A_561, %shift_left3A_571 : vector<16xi32>
        %bitcast_convert_type3A_573 = tpu.bitcast %shift_left3A_572 : vector<16xi32> -> vector<16xf32>
        %and3A_574 = arith.andi %get3A_561, %broadcast_in_dim3A_569 : vector<16xi32>
        %bitcast_convert_type3A_575 = tpu.bitcast %and3A_574 : vector<16xi32> -> vector<16xf32>
        %broadcast_in_dim3A_576 = arith.constant -65536 : i32
        %broadcast_in_dim3A_577 = vector.broadcast %broadcast_in_dim3A_576 : i32 to vector<16xi32>
        %shift_left3A_578 = arith.constant 16 : i32
        %shift_left3A_579 = vector.broadcast %shift_left3A_578 : i32 to vector<16xi32>
        %shift_left3A_580 = arith.shli %get3A_567, %shift_left3A_579 : vector<16xi32>
        %bitcast_convert_type3A_581 = tpu.bitcast %shift_left3A_580 : vector<16xi32> -> vector<16xf32>
        %and3A_582 = arith.andi %get3A_567, %broadcast_in_dim3A_577 : vector<16xi32>
        %bitcast_convert_type3A_583 = tpu.bitcast %and3A_582 : vector<16xi32> -> vector<16xf32>
        %add3A_584 = arith.addf %add3A_550, %bitcast_convert_type3A_573 : vector<16xf32>
        %add3A_585 = arith.addf %add3A_551, %bitcast_convert_type3A_575 : vector<16xf32>
        %add3A_586 = arith.addf %add3A_552, %bitcast_convert_type3A_581 : vector<16xf32>
        %add3A_587 = arith.addf %add3A_553, %bitcast_convert_type3A_583 : vector<16xf32>
        %scan3A_588 = arith.constant 6 : i32
        %scan3A_589 = arith.addi %scan3A_384, %scan3A_588 : i32
        %add3A_590 = arith.constant 0 : i32
        %add3A_591 = arith.addi %add3A_590, %scan3A_589 : i32
        %get3A_592 = arith.index_cast %add3A_591 : i32 to index
        %get3A_593 = arith.constant 0 : index
        %get3A_594 = tpu.vector_load %arg10[%get3A_592, %get3A_593] {strides = array<i32>} : memref<104x32xi32, #tpu.memory_space<vmem>>, vector<1x16xi32>,
        %get3A_595 = vector.shape_cast %get3A_594 : vector<1x16xi32> to vector<16xi32>
        %add3A_596 = arith.constant 0 : i32
        %add3A_597 = arith.addi %add3A_596, %scan3A_589 : i32
        %get3A_598 = arith.index_cast %add3A_597 : i32 to index
        %get3A_599 = arith.constant 16 : index
        %get3A_600 = tpu.vector_load %arg10[%get3A_598, %get3A_599] {strides = array<i32>} : memref<104x32xi32, #tpu.memory_space<vmem>>, vector<1x16xi32>,
        %get3A_601 = vector.shape_cast %get3A_600 : vector<1x16xi32> to vector<16xi32>
        %broadcast_in_dim3A_602 = arith.constant -65536 : i32
        %broadcast_in_dim3A_603 = vector.broadcast %broadcast_in_dim3A_602 : i32 to vector<16xi32>
        %shift_left3A_604 = arith.constant 16 : i32
        %shift_left3A_605 = vector.broadcast %shift_left3A_604 : i32 to vector<16xi32>
        %shift_left3A_606 = arith.shli %get3A_595, %shift_left3A_605 : vector<16xi32>
        %bitcast_convert_type3A_607 = tpu.bitcast %shift_left3A_606 : vector<16xi32> -> vector<16xf32>
        %and3A_608 = arith.andi %get3A_595, %broadcast_in_dim3A_603 : vector<16xi32>
        %bitcast_convert_type3A_609 = tpu.bitcast %and3A_608 : vector<16xi32> -> vector<16xf32>
        %broadcast_in_dim3A_610 = arith.constant -65536 : i32
        %broadcast_in_dim3A_611 = vector.broadcast %broadcast_in_dim3A_610 : i32 to vector<16xi32>
        %shift_left3A_612 = arith.constant 16 : i32
        %shift_left3A_613 = vector.broadcast %shift_left3A_612 : i32 to vector<16xi32>
        %shift_left3A_614 = arith.shli %get3A_601, %shift_left3A_613 : vector<16xi32>
        %bitcast_convert_type3A_615 = tpu.bitcast %shift_left3A_614 : vector<16xi32> -> vector<16xf32>
        %and3A_616 = arith.andi %get3A_601, %broadcast_in_dim3A_611 : vector<16xi32>
        %bitcast_convert_type3A_617 = tpu.bitcast %and3A_616 : vector<16xi32> -> vector<16xf32>
        %add3A_618 = arith.addf %add3A_584, %bitcast_convert_type3A_607 : vector<16xf32>
        %add3A_619 = arith.addf %add3A_585, %bitcast_convert_type3A_609 : vector<16xf32>
        %add3A_620 = arith.addf %add3A_586, %bitcast_convert_type3A_615 : vector<16xf32>
        %add3A_621 = arith.addf %add3A_587, %bitcast_convert_type3A_617 : vector<16xf32>
        %scan3A_622 = arith.constant 7 : i32
        %scan3A_623 = arith.addi %scan3A_384, %scan3A_622 : i32
        %add3A_624 = arith.constant 0 : i32
        %add3A_625 = arith.addi %add3A_624, %scan3A_623 : i32
        %get3A_626 = arith.index_cast %add3A_625 : i32 to index
        %get3A_627 = arith.constant 0 : index
        %get3A_628 = tpu.vector_load %arg10[%get3A_626, %get3A_627] {strides = array<i32>} : memref<104x32xi32, #tpu.memory_space<vmem>>, vector<1x16xi32>,
        %get3A_629 = vector.shape_cast %get3A_628 : vector<1x16xi32> to vector<16xi32>
        %add3A_630 = arith.constant 0 : i32
        %add3A_631 = arith.addi %add3A_630, %scan3A_623 : i32
        %get3A_632 = arith.index_cast %add3A_631 : i32 to index
        %get3A_633 = arith.constant 16 : index
        %get3A_634 = tpu.vector_load %arg10[%get3A_632, %get3A_633] {strides = array<i32>} : memref<104x32xi32, #tpu.memory_space<vmem>>, vector<1x16xi32>,
        %get3A_635 = vector.shape_cast %get3A_634 : vector<1x16xi32> to vector<16xi32>
        %broadcast_in_dim3A_636 = arith.constant -65536 : i32
        %broadcast_in_dim3A_637 = vector.broadcast %broadcast_in_dim3A_636 : i32 to vector<16xi32>
        %shift_left3A_638 = arith.constant 16 : i32
        %shift_left3A_639 = vector.broadcast %shift_left3A_638 : i32 to vector<16xi32>
        %shift_left3A_640 = arith.shli %get3A_629, %shift_left3A_639 : vector<16xi32>
        %bitcast_convert_type3A_641 = tpu.bitcast %shift_left3A_640 : vector<16xi32> -> vector<16xf32>
        %and3A_642 = arith.andi %get3A_629, %broadcast_in_dim3A_637 : vector<16xi32>
        %bitcast_convert_type3A_643 = tpu.bitcast %and3A_642 : vector<16xi32> -> vector<16xf32>
        %broadcast_in_dim3A_644 = arith.constant -65536 : i32
        %broadcast_in_dim3A_645 = vector.broadcast %broadcast_in_dim3A_644 : i32 to vector<16xi32>
        %shift_left3A_646 = arith.constant 16 : i32
        %shift_left3A_647 = vector.broadcast %shift_left3A_646 : i32 to vector<16xi32>
        %shift_left3A_648 = arith.shli %get3A_635, %shift_left3A_647 : vector<16xi32>
        %bitcast_convert_type3A_649 = tpu.bitcast %shift_left3A_648 : vector<16xi32> -> vector<16xf32>
        %and3A_650 = arith.andi %get3A_635, %broadcast_in_dim3A_645 : vector<16xi32>
        %bitcast_convert_type3A_651 = tpu.bitcast %and3A_650 : vector<16xi32> -> vector<16xf32>
        %add3A_652 = arith.addf %add3A_618, %bitcast_convert_type3A_641 : vector<16xf32>
        %add3A_653 = arith.addf %add3A_619, %bitcast_convert_type3A_643 : vector<16xf32>
        %add3A_654 = arith.addf %add3A_620, %bitcast_convert_type3A_649 : vector<16xf32>
        %add3A_655 = arith.addf %add3A_621, %bitcast_convert_type3A_651 : vector<16xf32>
        %scan3A_656 = arith.constant 8 : i32
        %scan3A_657 = arith.addi %scan3A_384, %scan3A_656 : i32
        %add3A_658 = arith.constant 0 : i32
        %add3A_659 = arith.addi %add3A_658, %scan3A_657 : i32
        %get3A_660 = arith.index_cast %add3A_659 : i32 to index
        %get3A_661 = arith.constant 0 : index
        %get3A_662 = tpu.vector_load %arg10[%get3A_660, %get3A_661] {strides = array<i32>} : memref<104x32xi32, #tpu.memory_space<vmem>>, vector<1x16xi32>,
        %get3A_663 = vector.shape_cast %get3A_662 : vector<1x16xi32> to vector<16xi32>
        %add3A_664 = arith.constant 0 : i32
        %add3A_665 = arith.addi %add3A_664, %scan3A_657 : i32
        %get3A_666 = arith.index_cast %add3A_665 : i32 to index
        %get3A_667 = arith.constant 16 : index
        %get3A_668 = tpu.vector_load %arg10[%get3A_666, %get3A_667] {strides = array<i32>} : memref<104x32xi32, #tpu.memory_space<vmem>>, vector<1x16xi32>,
        %get3A_669 = vector.shape_cast %get3A_668 : vector<1x16xi32> to vector<16xi32>
        %broadcast_in_dim3A_670 = arith.constant -65536 : i32
        %broadcast_in_dim3A_671 = vector.broadcast %broadcast_in_dim3A_670 : i32 to vector<16xi32>
        %shift_left3A_672 = arith.constant 16 : i32
        %shift_left3A_673 = vector.broadcast %shift_left3A_672 : i32 to vector<16xi32>
        %shift_left3A_674 = arith.shli %get3A_663, %shift_left3A_673 : vector<16xi32>
        %bitcast_convert_type3A_675 = tpu.bitcast %shift_left3A_674 : vector<16xi32> -> vector<16xf32>
        %and3A_676 = arith.andi %get3A_663, %broadcast_in_dim3A_671 : vector<16xi32>
        %bitcast_convert_type3A_677 = tpu.bitcast %and3A_676 : vector<16xi32> -> vector<16xf32>
        %broadcast_in_dim3A_678 = arith.constant -65536 : i32
        %broadcast_in_dim3A_679 = vector.broadcast %broadcast_in_dim3A_678 : i32 to vector<16xi32>
        %shift_left3A_680 = arith.constant 16 : i32
        %shift_left3A_681 = vector.broadcast %shift_left3A_680 : i32 to vector<16xi32>
        %shift_left3A_682 = arith.shli %get3A_669, %shift_left3A_681 : vector<16xi32>
        %bitcast_convert_type3A_683 = tpu.bitcast %shift_left3A_682 : vector<16xi32> -> vector<16xf32>
        %and3A_684 = arith.andi %get3A_669, %broadcast_in_dim3A_679 : vector<16xi32>
        %bitcast_convert_type3A_685 = tpu.bitcast %and3A_684 : vector<16xi32> -> vector<16xf32>
        %add3A_686 = arith.addf %add3A_652, %bitcast_convert_type3A_675 : vector<16xf32>
        %add3A_687 = arith.addf %add3A_653, %bitcast_convert_type3A_677 : vector<16xf32>
        %add3A_688 = arith.addf %add3A_654, %bitcast_convert_type3A_683 : vector<16xf32>
        %add3A_689 = arith.addf %add3A_655, %bitcast_convert_type3A_685 : vector<16xf32>
        %scan3A_690 = arith.constant 9 : i32
        %scan3A_691 = arith.addi %scan3A_384, %scan3A_690 : i32
        %add3A_692 = arith.constant 0 : i32
        %add3A_693 = arith.addi %add3A_692, %scan3A_691 : i32
        %get3A_694 = arith.index_cast %add3A_693 : i32 to index
        %get3A_695 = arith.constant 0 : index
        %get3A_696 = tpu.vector_load %arg10[%get3A_694, %get3A_695] {strides = array<i32>} : memref<104x32xi32, #tpu.memory_space<vmem>>, vector<1x16xi32>,
        %get3A_697 = vector.shape_cast %get3A_696 : vector<1x16xi32> to vector<16xi32>
        %add3A_698 = arith.constant 0 : i32
        %add3A_699 = arith.addi %add3A_698, %scan3A_691 : i32
        %get3A_700 = arith.index_cast %add3A_699 : i32 to index
        %get3A_701 = arith.constant 16 : index
        %get3A_702 = tpu.vector_load %arg10[%get3A_700, %get3A_701] {strides = array<i32>} : memref<104x32xi32, #tpu.memory_space<vmem>>, vector<1x16xi32>,
        %get3A_703 = vector.shape_cast %get3A_702 : vector<1x16xi32> to vector<16xi32>
        %broadcast_in_dim3A_704 = arith.constant -65536 : i32
        %broadcast_in_dim3A_705 = vector.broadcast %broadcast_in_dim3A_704 : i32 to vector<16xi32>
        %shift_left3A_706 = arith.constant 16 : i32
        %shift_left3A_707 = vector.broadcast %shift_left3A_706 : i32 to vector<16xi32>
        %shift_left3A_708 = arith.shli %get3A_697, %shift_left3A_707 : vector<16xi32>
        %bitcast_convert_type3A_709 = tpu.bitcast %shift_left3A_708 : vector<16xi32> -> vector<16xf32>
        %and3A_710 = arith.andi %get3A_697, %broadcast_in_dim3A_705 : vector<16xi32>
        %bitcast_convert_type3A_711 = tpu.bitcast %and3A_710 : vector<16xi32> -> vector<16xf32>
        %broadcast_in_dim3A_712 = arith.constant -65536 : i32
        %broadcast_in_dim3A_713 = vector.broadcast %broadcast_in_dim3A_712 : i32 to vector<16xi32>
        %shift_left3A_714 = arith.constant 16 : i32
        %shift_left3A_715 = vector.broadcast %shift_left3A_714 : i32 to vector<16xi32>
        %shift_left3A_716 = arith.shli %get3A_703, %shift_left3A_715 : vector<16xi32>
        %bitcast_convert_type3A_717 = tpu.bitcast %shift_left3A_716 : vector<16xi32> -> vector<16xf32>
        %and3A_718 = arith.andi %get3A_703, %broadcast_in_dim3A_713 : vector<16xi32>
        %bitcast_convert_type3A_719 = tpu.bitcast %and3A_718 : vector<16xi32> -> vector<16xf32>
        %add3A_720 = arith.addf %add3A_686, %bitcast_convert_type3A_709 : vector<16xf32>
        %add3A_721 = arith.addf %add3A_687, %bitcast_convert_type3A_711 : vector<16xf32>
        %add3A_722 = arith.addf %add3A_688, %bitcast_convert_type3A_717 : vector<16xf32>
        %add3A_723 = arith.addf %add3A_689, %bitcast_convert_type3A_719 : vector<16xf32>
        scf.yield %add3A_720, %add3A_721, %add3A_722, %add3A_723 : vector<16xf32>, vector<16xf32>, vector<16xf32>, vector<16xf32>
      }
      %scan3A_316 = arith.constant 50 : i32
      %mul3A_317 = arith.constant 2 : i32
      %mul3A_318 = arith.muli %add3A_302, %mul3A_317 : i32
      %add3A_319 = arith.constant 0 : i32
      %add3A_320 = arith.addi %mul3A_318, %add3A_319 : i32
      %swap3A_321 = arith.index_cast %add3A_320 : i32 to index
      %swap3A_322 = arith.constant 0 : index
      %swap3A_323 = tpu.vector_load %arg11[%swap3A_321, %swap3A_322] {strides = array<i32>} : memref<128x64xf32, #tpu.memory_space<vmem>>, vector<1x16xf32>,
      %swap3A_324 = vector.shape_cast %swap3A_323 : vector<1x16xf32> to vector<16xf32>
      %swap3A_325 = vector.shape_cast %scan3A_315#0 : vector<16xf32> to vector<1x16xf32>
      tpu.vector_store %arg11[%swap3A_321, %swap3A_322], %swap3A_325 {strides = array<i32>} : memref<128x64xf32, #tpu.memory_space<vmem>>, vector<1x16xf32>,
      %swap3A_326 = arith.index_cast %add3A_320 : i32 to index
      %swap3A_327 = arith.constant 16 : index
      %swap3A_328 = tpu.vector_load %arg11[%swap3A_326, %swap3A_327] {strides = array<i32>} : memref<128x64xf32, #tpu.memory_space<vmem>>, vector<1x16xf32>,
      %swap3A_329 = vector.shape_cast %swap3A_328 : vector<1x16xf32> to vector<16xf32>
      %swap3A_330 = vector.shape_cast %scan3A_315#1 : vector<16xf32> to vector<1x16xf32>
      tpu.vector_store %arg11[%swap3A_326, %swap3A_327], %swap3A_330 {strides = array<i32>} : memref<128x64xf32, #tpu.memory_space<vmem>>, vector<1x16xf32>,
      %swap3A_331 = arith.index_cast %add3A_320 : i32 to index
      %swap3A_332 = arith.constant 32 : index
      %swap3A_333 = tpu.vector_load %arg11[%swap3A_331, %swap3A_332] {strides = array<i32>} : memref<128x64xf32, #tpu.memory_space<vmem>>, vector<1x16xf32>,
      %swap3A_334 = vector.shape_cast %swap3A_333 : vector<1x16xf32> to vector<16xf32>
      %swap3A_335 = vector.shape_cast %scan3A_315#2 : vector<16xf32> to vector<1x16xf32>
      tpu.vector_store %arg11[%swap3A_331, %swap3A_332], %swap3A_335 {strides = array<i32>} : memref<128x64xf32, #tpu.memory_space<vmem>>, vector<1x16xf32>,
      %swap3A_336 = arith.index_cast %add3A_320 : i32 to index
      %swap3A_337 = arith.constant 48 : index
      %swap3A_338 = tpu.vector_load %arg11[%swap3A_336, %swap3A_337] {strides = array<i32>} : memref<128x64xf32, #tpu.memory_space<vmem>>, vector<1x16xf32>,
      %swap3A_339 = vector.shape_cast %swap3A_338 : vector<1x16xf32> to vector<16xf32>
      %swap3A_340 = vector.shape_cast %scan3A_315#3 : vector<16xf32> to vector<1x16xf32>
      tpu.vector_store %arg11[%swap3A_336, %swap3A_337], %swap3A_340 {strides = array<i32>} : memref<128x64xf32, #tpu.memory_space<vmem>>, vector<1x16xf32>,
      %broadcast_in_dim3A_341 = arith.constant 0.000000e+00 : f32
      %broadcast_in_dim3A_342 = vector.broadcast %broadcast_in_dim3A_341 : f32 to vector<16xf32>
      %scan3A_343 = arith.constant 0 : i32
      %scan3A_344 = arith.constant 50 : i32
      %scan3A_345 = arith.addi %scan3A_343, %scan3A_344 : i32
      %scan3A_346 = arith.constant 10 : i32
      %scan3A_347:4 = scf.for %scan3A_384 = %scan3A_343 to %scan3A_345 step %scan3A_346 iter_args(%scan3A_385 = %broadcast_in_dim3A_342, %scan3A_386 = %broadcast_in_dim3A_342, %scan3A_387 = %broadcast_in_dim3A_342, %scan3A_388 = %broadcast_in_dim3A_342) -> (vector<16xf32>, vector<16xf32>, vector<16xf32>, vector<16xf32>)  : i32 {
        %add3A_389 = arith.constant 50 : i32
        %add3A_390 = arith.addi %add3A_389, %scan3A_384 : i32
        %get3A = arith.index_cast %add3A_390 : i32 to index
        %get3A_391 = arith.constant 0 : index
        %get3A_392 = tpu.vector_load %arg10[%get3A, %get3A_391] {strides = array<i32>} : memref<104x32xi32, #tpu.memory_space<vmem>>, vector<1x16xi32>,
        %get3A_393 = vector.shape_cast %get3A_392 : vector<1x16xi32> to vector<16xi32>
        %add3A_394 = arith.constant 50 : i32
        %add3A_395 = arith.addi %add3A_394, %scan3A_384 : i32
        %get3A_396 = arith.index_cast %add3A_395 : i32 to index
        %get3A_397 = arith.constant 16 : index
        %get3A_398 = tpu.vector_load %arg10[%get3A_396, %get3A_397] {strides = array<i32>} : memref<104x32xi32, #tpu.memory_space<vmem>>, vector<1x16xi32>,
        %get3A_399 = vector.shape_cast %get3A_398 : vector<1x16xi32> to vector<16xi32>
        %broadcast_in_dim3A_400 = arith.constant -65536 : i32
        %broadcast_in_dim3A_401 = vector.broadcast %broadcast_in_dim3A_400 : i32 to vector<16xi32>
        %shift_left3A = arith.constant 16 : i32
        %shift_left3A_402 = vector.broadcast %shift_left3A : i32 to vector<16xi32>
        %shift_left3A_403 = arith.shli %get3A_393, %shift_left3A_402 : vector<16xi32>
        %bitcast_convert_type3A = tpu.bitcast %shift_left3A_403 : vector<16xi32> -> vector<16xf32>
        %and3A_404 = arith.andi %get3A_393, %broadcast_in_dim3A_401 : vector<16xi32>
        %bitcast_convert_type3A_405 = tpu.bitcast %and3A_404 : vector<16xi32> -> vector<16xf32>
        %broadcast_in_dim3A_406 = arith.constant -65536 : i32
        %broadcast_in_dim3A_407 = vector.broadcast %broadcast_in_dim3A_406 : i32 to vector<16xi32>
        %shift_left3A_408 = arith.constant 16 : i32
        %shift_left3A_409 = vector.broadcast %shift_left3A_408 : i32 to vector<16xi32>
        %shift_left3A_410 = arith.shli %get3A_399, %shift_left3A_409 : vector<16xi32>
        %bitcast_convert_type3A_411 = tpu.bitcast %shift_left3A_410 : vector<16xi32> -> vector<16xf32>
        %and3A_412 = arith.andi %get3A_399, %broadcast_in_dim3A_407 : vector<16xi32>
        %bitcast_convert_type3A_413 = tpu.bitcast %and3A_412 : vector<16xi32> -> vector<16xf32>
        %add3A_414 = arith.addf %scan3A_385, %bitcast_convert_type3A : vector<16xf32>
        %add3A_415 = arith.addf %scan3A_386, %bitcast_convert_type3A_405 : vector<16xf32>
        %add3A_416 = arith.addf %scan3A_387, %bitcast_convert_type3A_411 : vector<16xf32>
        %add3A_417 = arith.addf %scan3A_388, %bitcast_convert_type3A_413 : vector<16xf32>
        %scan3A_418 = arith.constant 1 : i32
        %scan3A_419 = arith.addi %scan3A_384, %scan3A_418 : i32
        %add3A_420 = arith.constant 50 : i32
        %add3A_421 = arith.addi %add3A_420, %scan3A_419 : i32
        %get3A_422 = arith.index_cast %add3A_421 : i32 to index
        %get3A_423 = arith.constant 0 : index
        %get3A_424 = tpu.vector_load %arg10[%get3A_422, %get3A_423] {strides = array<i32>} : memref<104x32xi32, #tpu.memory_space<vmem>>, vector<1x16xi32>,
        %get3A_425 = vector.shape_cast %get3A_424 : vector<1x16xi32> to vector<16xi32>
        %add3A_426 = arith.constant 50 : i32
        %add3A_427 = arith.addi %add3A_426, %scan3A_419 : i32
        %get3A_428 = arith.index_cast %add3A_427 : i32 to index
        %get3A_429 = arith.constant 16 : index
        %get3A_430 = tpu.vector_load %arg10[%get3A_428, %get3A_429] {strides = array<i32>} : memref<104x32xi32, #tpu.memory_space<vmem>>, vector<1x16xi32>,
        %get3A_431 = vector.shape_cast %get3A_430 : vector<1x16xi32> to vector<16xi32>
        %broadcast_in_dim3A_432 = arith.constant -65536 : i32
        %broadcast_in_dim3A_433 = vector.broadcast %broadcast_in_dim3A_432 : i32 to vector<16xi32>
        %shift_left3A_434 = arith.constant 16 : i32
        %shift_left3A_435 = vector.broadcast %shift_left3A_434 : i32 to vector<16xi32>
        %shift_left3A_436 = arith.shli %get3A_425, %shift_left3A_435 : vector<16xi32>
        %bitcast_convert_type3A_437 = tpu.bitcast %shift_left3A_436 : vector<16xi32> -> vector<16xf32>
        %and3A_438 = arith.andi %get3A_425, %broadcast_in_dim3A_433 : vector<16xi32>
        %bitcast_convert_type3A_439 = tpu.bitcast %and3A_438 : vector<16xi32> -> vector<16xf32>
        %broadcast_in_dim3A_440 = arith.constant -65536 : i32
        %broadcast_in_dim3A_441 = vector.broadcast %broadcast_in_dim3A_440 : i32 to vector<16xi32>
        %shift_left3A_442 = arith.constant 16 : i32
        %shift_left3A_443 = vector.broadcast %shift_left3A_442 : i32 to vector<16xi32>
        %shift_left3A_444 = arith.shli %get3A_431, %shift_left3A_443 : vector<16xi32>
        %bitcast_convert_type3A_445 = tpu.bitcast %shift_left3A_444 : vector<16xi32> -> vector<16xf32>
        %and3A_446 = arith.andi %get3A_431, %broadcast_in_dim3A_441 : vector<16xi32>
        %bitcast_convert_type3A_447 = tpu.bitcast %and3A_446 : vector<16xi32> -> vector<16xf32>
        %add3A_448 = arith.addf %add3A_414, %bitcast_convert_type3A_437 : vector<16xf32>
        %add3A_449 = arith.addf %add3A_415, %bitcast_convert_type3A_439 : vector<16xf32>
        %add3A_450 = arith.addf %add3A_416, %bitcast_convert_type3A_445 : vector<16xf32>
        %add3A_451 = arith.addf %add3A_417, %bitcast_convert_type3A_447 : vector<16xf32>
        %scan3A_452 = arith.constant 2 : i32
        %scan3A_453 = arith.addi %scan3A_384, %scan3A_452 : i32
        %add3A_454 = arith.constant 50 : i32
        %add3A_455 = arith.addi %add3A_454, %scan3A_453 : i32
        %get3A_456 = arith.index_cast %add3A_455 : i32 to index
        %get3A_457 = arith.constant 0 : index
        %get3A_458 = tpu.vector_load %arg10[%get3A_456, %get3A_457] {strides = array<i32>} : memref<104x32xi32, #tpu.memory_space<vmem>>, vector<1x16xi32>,
        %get3A_459 = vector.shape_cast %get3A_458 : vector<1x16xi32> to vector<16xi32>
        %add3A_460 = arith.constant 50 : i32
        %add3A_461 = arith.addi %add3A_460, %scan3A_453 : i32
        %get3A_462 = arith.index_cast %add3A_461 : i32 to index
        %get3A_463 = arith.constant 16 : index
        %get3A_464 = tpu.vector_load %arg10[%get3A_462, %get3A_463] {strides = array<i32>} : memref<104x32xi32, #tpu.memory_space<vmem>>, vector<1x16xi32>,
        %get3A_465 = vector.shape_cast %get3A_464 : vector<1x16xi32> to vector<16xi32>
        %broadcast_in_dim3A_466 = arith.constant -65536 : i32
        %broadcast_in_dim3A_467 = vector.broadcast %broadcast_in_dim3A_466 : i32 to vector<16xi32>
        %shift_left3A_468 = arith.constant 16 : i32
        %shift_left3A_469 = vector.broadcast %shift_left3A_468 : i32 to vector<16xi32>
        %shift_left3A_470 = arith.shli %get3A_459, %shift_left3A_469 : vector<16xi32>
        %bitcast_convert_type3A_471 = tpu.bitcast %shift_left3A_470 : vector<16xi32> -> vector<16xf32>
        %and3A_472 = arith.andi %get3A_459, %broadcast_in_dim3A_467 : vector<16xi32>
        %bitcast_convert_type3A_473 = tpu.bitcast %and3A_472 : vector<16xi32> -> vector<16xf32>
        %broadcast_in_dim3A_474 = arith.constant -65536 : i32
        %broadcast_in_dim3A_475 = vector.broadcast %broadcast_in_dim3A_474 : i32 to vector<16xi32>
        %shift_left3A_476 = arith.constant 16 : i32
        %shift_left3A_477 = vector.broadcast %shift_left3A_476 : i32 to vector<16xi32>
        %shift_left3A_478 = arith.shli %get3A_465, %shift_left3A_477 : vector<16xi32>
        %bitcast_convert_type3A_479 = tpu.bitcast %shift_left3A_478 : vector<16xi32> -> vector<16xf32>
        %and3A_480 = arith.andi %get3A_465, %broadcast_in_dim3A_475 : vector<16xi32>
        %bitcast_convert_type3A_481 = tpu.bitcast %and3A_480 : vector<16xi32> -> vector<16xf32>
        %add3A_482 = arith.addf %add3A_448, %bitcast_convert_type3A_471 : vector<16xf32>
        %add3A_483 = arith.addf %add3A_449, %bitcast_convert_type3A_473 : vector<16xf32>
        %add3A_484 = arith.addf %add3A_450, %bitcast_convert_type3A_479 : vector<16xf32>
        %add3A_485 = arith.addf %add3A_451, %bitcast_convert_type3A_481 : vector<16xf32>
        %scan3A_486 = arith.constant 3 : i32
        %scan3A_487 = arith.addi %scan3A_384, %scan3A_486 : i32
        %add3A_488 = arith.constant 50 : i32
        %add3A_489 = arith.addi %add3A_488, %scan3A_487 : i32
        %get3A_490 = arith.index_cast %add3A_489 : i32 to index
        %get3A_491 = arith.constant 0 : index
        %get3A_492 = tpu.vector_load %arg10[%get3A_490, %get3A_491] {strides = array<i32>} : memref<104x32xi32, #tpu.memory_space<vmem>>, vector<1x16xi32>,
        %get3A_493 = vector.shape_cast %get3A_492 : vector<1x16xi32> to vector<16xi32>
        %add3A_494 = arith.constant 50 : i32
        %add3A_495 = arith.addi %add3A_494, %scan3A_487 : i32
        %get3A_496 = arith.index_cast %add3A_495 : i32 to index
        %get3A_497 = arith.constant 16 : index
        %get3A_498 = tpu.vector_load %arg10[%get3A_496, %get3A_497] {strides = array<i32>} : memref<104x32xi32, #tpu.memory_space<vmem>>, vector<1x16xi32>,
        %get3A_499 = vector.shape_cast %get3A_498 : vector<1x16xi32> to vector<16xi32>
        %broadcast_in_dim3A_500 = arith.constant -65536 : i32
        %broadcast_in_dim3A_501 = vector.broadcast %broadcast_in_dim3A_500 : i32 to vector<16xi32>
        %shift_left3A_502 = arith.constant 16 : i32
        %shift_left3A_503 = vector.broadcast %shift_left3A_502 : i32 to vector<16xi32>
        %shift_left3A_504 = arith.shli %get3A_493, %shift_left3A_503 : vector<16xi32>
        %bitcast_convert_type3A_505 = tpu.bitcast %shift_left3A_504 : vector<16xi32> -> vector<16xf32>
        %and3A_506 = arith.andi %get3A_493, %broadcast_in_dim3A_501 : vector<16xi32>
        %bitcast_convert_type3A_507 = tpu.bitcast %and3A_506 : vector<16xi32> -> vector<16xf32>
        %broadcast_in_dim3A_508 = arith.constant -65536 : i32
        %broadcast_in_dim3A_509 = vector.broadcast %broadcast_in_dim3A_508 : i32 to vector<16xi32>
        %shift_left3A_510 = arith.constant 16 : i32
        %shift_left3A_511 = vector.broadcast %shift_left3A_510 : i32 to vector<16xi32>
        %shift_left3A_512 = arith.shli %get3A_499, %shift_left3A_511 : vector<16xi32>
        %bitcast_convert_type3A_513 = tpu.bitcast %shift_left3A_512 : vector<16xi32> -> vector<16xf32>
        %and3A_514 = arith.andi %get3A_499, %broadcast_in_dim3A_509 : vector<16xi32>
        %bitcast_convert_type3A_515 = tpu.bitcast %and3A_514 : vector<16xi32> -> vector<16xf32>
        %add3A_516 = arith.addf %add3A_482, %bitcast_convert_type3A_505 : vector<16xf32>
        %add3A_517 = arith.addf %add3A_483, %bitcast_convert_type3A_507 : vector<16xf32>
        %add3A_518 = arith.addf %add3A_484, %bitcast_convert_type3A_513 : vector<16xf32>
        %add3A_519 = arith.addf %add3A_485, %bitcast_convert_type3A_515 : vector<16xf32>
        %scan3A_520 = arith.constant 4 : i32
        %scan3A_521 = arith.addi %scan3A_384, %scan3A_520 : i32
        %add3A_522 = arith.constant 50 : i32
        %add3A_523 = arith.addi %add3A_522, %scan3A_521 : i32
        %get3A_524 = arith.index_cast %add3A_523 : i32 to index
        %get3A_525 = arith.constant 0 : index
        %get3A_526 = tpu.vector_load %arg10[%get3A_524, %get3A_525] {strides = array<i32>} : memref<104x32xi32, #tpu.memory_space<vmem>>, vector<1x16xi32>,
        %get3A_527 = vector.shape_cast %get3A_526 : vector<1x16xi32> to vector<16xi32>
        %add3A_528 = arith.constant 50 : i32
        %add3A_529 = arith.addi %add3A_528, %scan3A_521 : i32
        %get3A_530 = arith.index_cast %add3A_529 : i32 to index
        %get3A_531 = arith.constant 16 : index
        %get3A_532 = tpu.vector_load %arg10[%get3A_530, %get3A_531] {strides = array<i32>} : memref<104x32xi32, #tpu.memory_space<vmem>>, vector<1x16xi32>,
        %get3A_533 = vector.shape_cast %get3A_532 : vector<1x16xi32> to vector<16xi32>
        %broadcast_in_dim3A_534 = arith.constant -65536 : i32
        %broadcast_in_dim3A_535 = vector.broadcast %broadcast_in_dim3A_534 : i32 to vector<16xi32>
        %shift_left3A_536 = arith.constant 16 : i32
        %shift_left3A_537 = vector.broadcast %shift_left3A_536 : i32 to vector<16xi32>
        %shift_left3A_538 = arith.shli %get3A_527, %shift_left3A_537 : vector<16xi32>
        %bitcast_convert_type3A_539 = tpu.bitcast %shift_left3A_538 : vector<16xi32> -> vector<16xf32>
        %and3A_540 = arith.andi %get3A_527, %broadcast_in_dim3A_535 : vector<16xi32>
        %bitcast_convert_type3A_541 = tpu.bitcast %and3A_540 : vector<16xi32> -> vector<16xf32>
        %broadcast_in_dim3A_542 = arith.constant -65536 : i32
        %broadcast_in_dim3A_543 = vector.broadcast %broadcast_in_dim3A_542 : i32 to vector<16xi32>
        %shift_left3A_544 = arith.constant 16 : i32
        %shift_left3A_545 = vector.broadcast %shift_left3A_544 : i32 to vector<16xi32>
        %shift_left3A_546 = arith.shli %get3A_533, %shift_left3A_545 : vector<16xi32>
        %bitcast_convert_type3A_547 = tpu.bitcast %shift_left3A_546 : vector<16xi32> -> vector<16xf32>
        %and3A_548 = arith.andi %get3A_533, %broadcast_in_dim3A_543 : vector<16xi32>
        %bitcast_convert_type3A_549 = tpu.bitcast %and3A_548 : vector<16xi32> -> vector<16xf32>
        %add3A_550 = arith.addf %add3A_516, %bitcast_convert_type3A_539 : vector<16xf32>
        %add3A_551 = arith.addf %add3A_517, %bitcast_convert_type3A_541 : vector<16xf32>
        %add3A_552 = arith.addf %add3A_518, %bitcast_convert_type3A_547 : vector<16xf32>
        %add3A_553 = arith.addf %add3A_519, %bitcast_convert_type3A_549 : vector<16xf32>
        %scan3A_554 = arith.constant 5 : i32
        %scan3A_555 = arith.addi %scan3A_384, %scan3A_554 : i32
        %add3A_556 = arith.constant 50 : i32
        %add3A_557 = arith.addi %add3A_556, %scan3A_555 : i32
        %get3A_558 = arith.index_cast %add3A_557 : i32 to index
        %get3A_559 = arith.constant 0 : index
        %get3A_560 = tpu.vector_load %arg10[%get3A_558, %get3A_559] {strides = array<i32>} : memref<104x32xi32, #tpu.memory_space<vmem>>, vector<1x16xi32>,
        %get3A_561 = vector.shape_cast %get3A_560 : vector<1x16xi32> to vector<16xi32>
        %add3A_562 = arith.constant 50 : i32
        %add3A_563 = arith.addi %add3A_562, %scan3A_555 : i32
        %get3A_564 = arith.index_cast %add3A_563 : i32 to index
        %get3A_565 = arith.constant 16 : index
        %get3A_566 = tpu.vector_load %arg10[%get3A_564, %get3A_565] {strides = array<i32>} : memref<104x32xi32, #tpu.memory_space<vmem>>, vector<1x16xi32>,
        %get3A_567 = vector.shape_cast %get3A_566 : vector<1x16xi32> to vector<16xi32>
        %broadcast_in_dim3A_568 = arith.constant -65536 : i32
        %broadcast_in_dim3A_569 = vector.broadcast %broadcast_in_dim3A_568 : i32 to vector<16xi32>
        %shift_left3A_570 = arith.constant 16 : i32
        %shift_left3A_571 = vector.broadcast %shift_left3A_570 : i32 to vector<16xi32>
        %shift_left3A_572 = arith.shli %get3A_561, %shift_left3A_571 : vector<16xi32>
        %bitcast_convert_type3A_573 = tpu.bitcast %shift_left3A_572 : vector<16xi32> -> vector<16xf32>
        %and3A_574 = arith.andi %get3A_561, %broadcast_in_dim3A_569 : vector<16xi32>
        %bitcast_convert_type3A_575 = tpu.bitcast %and3A_574 : vector<16xi32> -> vector<16xf32>
        %broadcast_in_dim3A_576 = arith.constant -65536 : i32
        %broadcast_in_dim3A_577 = vector.broadcast %broadcast_in_dim3A_576 : i32 to vector<16xi32>
        %shift_left3A_578 = arith.constant 16 : i32
        %shift_left3A_579 = vector.broadcast %shift_left3A_578 : i32 to vector<16xi32>
        %shift_left3A_580 = arith.shli %get3A_567, %shift_left3A_579 : vector<16xi32>
        %bitcast_convert_type3A_581 = tpu.bitcast %shift_left3A_580 : vector<16xi32> -> vector<16xf32>
        %and3A_582 = arith.andi %get3A_567, %broadcast_in_dim3A_577 : vector<16xi32>
        %bitcast_convert_type3A_583 = tpu.bitcast %and3A_582 : vector<16xi32> -> vector<16xf32>
        %add3A_584 = arith.addf %add3A_550, %bitcast_convert_type3A_573 : vector<16xf32>
        %add3A_585 = arith.addf %add3A_551, %bitcast_convert_type3A_575 : vector<16xf32>
        %add3A_586 = arith.addf %add3A_552, %bitcast_convert_type3A_581 : vector<16xf32>
        %add3A_587 = arith.addf %add3A_553, %bitcast_convert_type3A_583 : vector<16xf32>
        %scan3A_588 = arith.constant 6 : i32
        %scan3A_589 = arith.addi %scan3A_384, %scan3A_588 : i32
        %add3A_590 = arith.constant 50 : i32
        %add3A_591 = arith.addi %add3A_590, %scan3A_589 : i32
        %get3A_592 = arith.index_cast %add3A_591 : i32 to index
        %get3A_593 = arith.constant 0 : index
        %get3A_594 = tpu.vector_load %arg10[%get3A_592, %get3A_593] {strides = array<i32>} : memref<104x32xi32, #tpu.memory_space<vmem>>, vector<1x16xi32>,
        %get3A_595 = vector.shape_cast %get3A_594 : vector<1x16xi32> to vector<16xi32>
        %add3A_596 = arith.constant 50 : i32
        %add3A_597 = arith.addi %add3A_596, %scan3A_589 : i32
        %get3A_598 = arith.index_cast %add3A_597 : i32 to index
        %get3A_599 = arith.constant 16 : index
        %get3A_600 = tpu.vector_load %arg10[%get3A_598, %get3A_599] {strides = array<i32>} : memref<104x32xi32, #tpu.memory_space<vmem>>, vector<1x16xi32>,
        %get3A_601 = vector.shape_cast %get3A_600 : vector<1x16xi32> to vector<16xi32>
        %broadcast_in_dim3A_602 = arith.constant -65536 : i32
        %broadcast_in_dim3A_603 = vector.broadcast %broadcast_in_dim3A_602 : i32 to vector<16xi32>
        %shift_left3A_604 = arith.constant 16 : i32
        %shift_left3A_605 = vector.broadcast %shift_left3A_604 : i32 to vector<16xi32>
        %shift_left3A_606 = arith.shli %get3A_595, %shift_left3A_605 : vector<16xi32>
        %bitcast_convert_type3A_607 = tpu.bitcast %shift_left3A_606 : vector<16xi32> -> vector<16xf32>
        %and3A_608 = arith.andi %get3A_595, %broadcast_in_dim3A_603 : vector<16xi32>
        %bitcast_convert_type3A_609 = tpu.bitcast %and3A_608 : vector<16xi32> -> vector<16xf32>
        %broadcast_in_dim3A_610 = arith.constant -65536 : i32
        %broadcast_in_dim3A_611 = vector.broadcast %broadcast_in_dim3A_610 : i32 to vector<16xi32>
        %shift_left3A_612 = arith.constant 16 : i32
        %shift_left3A_613 = vector.broadcast %shift_left3A_612 : i32 to vector<16xi32>
        %shift_left3A_614 = arith.shli %get3A_601, %shift_left3A_613 : vector<16xi32>
        %bitcast_convert_type3A_615 = tpu.bitcast %shift_left3A_614 : vector<16xi32> -> vector<16xf32>
        %and3A_616 = arith.andi %get3A_601, %broadcast_in_dim3A_611 : vector<16xi32>
        %bitcast_convert_type3A_617 = tpu.bitcast %and3A_616 : vector<16xi32> -> vector<16xf32>
        %add3A_618 = arith.addf %add3A_584, %bitcast_convert_type3A_607 : vector<16xf32>
        %add3A_619 = arith.addf %add3A_585, %bitcast_convert_type3A_609 : vector<16xf32>
        %add3A_620 = arith.addf %add3A_586, %bitcast_convert_type3A_615 : vector<16xf32>
        %add3A_621 = arith.addf %add3A_587, %bitcast_convert_type3A_617 : vector<16xf32>
        %scan3A_622 = arith.constant 7 : i32
        %scan3A_623 = arith.addi %scan3A_384, %scan3A_622 : i32
        %add3A_624 = arith.constant 50 : i32
        %add3A_625 = arith.addi %add3A_624, %scan3A_623 : i32
        %get3A_626 = arith.index_cast %add3A_625 : i32 to index
        %get3A_627 = arith.constant 0 : index
        %get3A_628 = tpu.vector_load %arg10[%get3A_626, %get3A_627] {strides = array<i32>} : memref<104x32xi32, #tpu.memory_space<vmem>>, vector<1x16xi32>,
        %get3A_629 = vector.shape_cast %get3A_628 : vector<1x16xi32> to vector<16xi32>
        %add3A_630 = arith.constant 50 : i32
        %add3A_631 = arith.addi %add3A_630, %scan3A_623 : i32
        %get3A_632 = arith.index_cast %add3A_631 : i32 to index
        %get3A_633 = arith.constant 16 : index
        %get3A_634 = tpu.vector_load %arg10[%get3A_632, %get3A_633] {strides = array<i32>} : memref<104x32xi32, #tpu.memory_space<vmem>>, vector<1x16xi32>,
        %get3A_635 = vector.shape_cast %get3A_634 : vector<1x16xi32> to vector<16xi32>
        %broadcast_in_dim3A_636 = arith.constant -65536 : i32
        %broadcast_in_dim3A_637 = vector.broadcast %broadcast_in_dim3A_636 : i32 to vector<16xi32>
        %shift_left3A_638 = arith.constant 16 : i32
        %shift_left3A_639 = vector.broadcast %shift_left3A_638 : i32 to vector<16xi32>
        %shift_left3A_640 = arith.shli %get3A_629, %shift_left3A_639 : vector<16xi32>
        %bitcast_convert_type3A_641 = tpu.bitcast %shift_left3A_640 : vector<16xi32> -> vector<16xf32>
        %and3A_642 = arith.andi %get3A_629, %broadcast_in_dim3A_637 : vector<16xi32>
        %bitcast_convert_type3A_643 = tpu.bitcast %and3A_642 : vector<16xi32> -> vector<16xf32>
        %broadcast_in_dim3A_644 = arith.constant -65536 : i32
        %broadcast_in_dim3A_645 = vector.broadcast %broadcast_in_dim3A_644 : i32 to vector<16xi32>
        %shift_left3A_646 = arith.constant 16 : i32
        %shift_left3A_647 = vector.broadcast %shift_left3A_646 : i32 to vector<16xi32>
        %shift_left3A_648 = arith.shli %get3A_635, %shift_left3A_647 : vector<16xi32>
        %bitcast_convert_type3A_649 = tpu.bitcast %shift_left3A_648 : vector<16xi32> -> vector<16xf32>
        %and3A_650 = arith.andi %get3A_635, %broadcast_in_dim3A_645 : vector<16xi32>
        %bitcast_convert_type3A_651 = tpu.bitcast %and3A_650 : vector<16xi32> -> vector<16xf32>
        %add3A_652 = arith.addf %add3A_618, %bitcast_convert_type3A_641 : vector<16xf32>
        %add3A_653 = arith.addf %add3A_619, %bitcast_convert_type3A_643 : vector<16xf32>
        %add3A_654 = arith.addf %add3A_620, %bitcast_convert_type3A_649 : vector<16xf32>
        %add3A_655 = arith.addf %add3A_621, %bitcast_convert_type3A_651 : vector<16xf32>
        %scan3A_656 = arith.constant 8 : i32
        %scan3A_657 = arith.addi %scan3A_384, %scan3A_656 : i32
        %add3A_658 = arith.constant 50 : i32
        %add3A_659 = arith.addi %add3A_658, %scan3A_657 : i32
        %get3A_660 = arith.index_cast %add3A_659 : i32 to index
        %get3A_661 = arith.constant 0 : index
        %get3A_662 = tpu.vector_load %arg10[%get3A_660, %get3A_661] {strides = array<i32>} : memref<104x32xi32, #tpu.memory_space<vmem>>, vector<1x16xi32>,
        %get3A_663 = vector.shape_cast %get3A_662 : vector<1x16xi32> to vector<16xi32>
        %add3A_664 = arith.constant 50 : i32
        %add3A_665 = arith.addi %add3A_664, %scan3A_657 : i32
        %get3A_666 = arith.index_cast %add3A_665 : i32 to index
        %get3A_667 = arith.constant 16 : index
        %get3A_668 = tpu.vector_load %arg10[%get3A_666, %get3A_667] {strides = array<i32>} : memref<104x32xi32, #tpu.memory_space<vmem>>, vector<1x16xi32>,
        %get3A_669 = vector.shape_cast %get3A_668 : vector<1x16xi32> to vector<16xi32>
        %broadcast_in_dim3A_670 = arith.constant -65536 : i32
        %broadcast_in_dim3A_671 = vector.broadcast %broadcast_in_dim3A_670 : i32 to vector<16xi32>
        %shift_left3A_672 = arith.constant 16 : i32
        %shift_left3A_673 = vector.broadcast %shift_left3A_672 : i32 to vector<16xi32>
        %shift_left3A_674 = arith.shli %get3A_663, %shift_left3A_673 : vector<16xi32>
        %bitcast_convert_type3A_675 = tpu.bitcast %shift_left3A_674 : vector<16xi32> -> vector<16xf32>
        %and3A_676 = arith.andi %get3A_663, %broadcast_in_dim3A_671 : vector<16xi32>
        %bitcast_convert_type3A_677 = tpu.bitcast %and3A_676 : vector<16xi32> -> vector<16xf32>
        %broadcast_in_dim3A_678 = arith.constant -65536 : i32
        %broadcast_in_dim3A_679 = vector.broadcast %broadcast_in_dim3A_678 : i32 to vector<16xi32>
        %shift_left3A_680 = arith.constant 16 : i32
        %shift_left3A_681 = vector.broadcast %shift_left3A_680 : i32 to vector<16xi32>
        %shift_left3A_682 = arith.shli %get3A_669, %shift_left3A_681 : vector<16xi32>
        %bitcast_convert_type3A_683 = tpu.bitcast %shift_left3A_682 : vector<16xi32> -> vector<16xf32>
        %and3A_684 = arith.andi %get3A_669, %broadcast_in_dim3A_679 : vector<16xi32>
        %bitcast_convert_type3A_685 = tpu.bitcast %and3A_684 : vector<16xi32> -> vector<16xf32>
        %add3A_686 = arith.addf %add3A_652, %bitcast_convert_type3A_675 : vector<16xf32>
        %add3A_687 = arith.addf %add3A_653, %bitcast_convert_type3A_677 : vector<16xf32>
        %add3A_688 = arith.addf %add3A_654, %bitcast_convert_type3A_683 : vector<16xf32>
        %add3A_689 = arith.addf %add3A_655, %bitcast_convert_type3A_685 : vector<16xf32>
        %scan3A_690 = arith.constant 9 : i32
        %scan3A_691 = arith.addi %scan3A_384, %scan3A_690 : i32
        %add3A_692 = arith.constant 50 : i32
        %add3A_693 = arith.addi %add3A_692, %scan3A_691 : i32
        %get3A_694 = arith.index_cast %add3A_693 : i32 to index
        %get3A_695 = arith.constant 0 : index
        %get3A_696 = tpu.vector_load %arg10[%get3A_694, %get3A_695] {strides = array<i32>} : memref<104x32xi32, #tpu.memory_space<vmem>>, vector<1x16xi32>,
        %get3A_697 = vector.shape_cast %get3A_696 : vector<1x16xi32> to vector<16xi32>
        %add3A_698 = arith.constant 50 : i32
        %add3A_699 = arith.addi %add3A_698, %scan3A_691 : i32
        %get3A_700 = arith.index_cast %add3A_699 : i32 to index
        %get3A_701 = arith.constant 16 : index
        %get3A_702 = tpu.vector_load %arg10[%get3A_700, %get3A_701] {strides = array<i32>} : memref<104x32xi32, #tpu.memory_space<vmem>>, vector<1x16xi32>,
        %get3A_703 = vector.shape_cast %get3A_702 : vector<1x16xi32> to vector<16xi32>
        %broadcast_in_dim3A_704 = arith.constant -65536 : i32
        %broadcast_in_dim3A_705 = vector.broadcast %broadcast_in_dim3A_704 : i32 to vector<16xi32>
        %shift_left3A_706 = arith.constant 16 : i32
        %shift_left3A_707 = vector.broadcast %shift_left3A_706 : i32 to vector<16xi32>
        %shift_left3A_708 = arith.shli %get3A_697, %shift_left3A_707 : vector<16xi32>
        %bitcast_convert_type3A_709 = tpu.bitcast %shift_left3A_708 : vector<16xi32> -> vector<16xf32>
        %and3A_710 = arith.andi %get3A_697, %broadcast_in_dim3A_705 : vector<16xi32>
        %bitcast_convert_type3A_711 = tpu.bitcast %and3A_710 : vector<16xi32> -> vector<16xf32>
        %broadcast_in_dim3A_712 = arith.constant -65536 : i32
        %broadcast_in_dim3A_713 = vector.broadcast %broadcast_in_dim3A_712 : i32 to vector<16xi32>
        %shift_left3A_714 = arith.constant 16 : i32
        %shift_left3A_715 = vector.broadcast %shift_left3A_714 : i32 to vector<16xi32>
        %shift_left3A_716 = arith.shli %get3A_703, %shift_left3A_715 : vector<16xi32>
        %bitcast_convert_type3A_717 = tpu.bitcast %shift_left3A_716 : vector<16xi32> -> vector<16xf32>
        %and3A_718 = arith.andi %get3A_703, %broadcast_in_dim3A_713 : vector<16xi32>
        %bitcast_convert_type3A_719 = tpu.bitcast %and3A_718 : vector<16xi32> -> vector<16xf32>
        %add3A_720 = arith.addf %add3A_686, %bitcast_convert_type3A_709 : vector<16xf32>
        %add3A_721 = arith.addf %add3A_687, %bitcast_convert_type3A_711 : vector<16xf32>
        %add3A_722 = arith.addf %add3A_688, %bitcast_convert_type3A_717 : vector<16xf32>
        %add3A_723 = arith.addf %add3A_689, %bitcast_convert_type3A_719 : vector<16xf32>
        scf.yield %add3A_720, %add3A_721, %add3A_722, %add3A_723 : vector<16xf32>, vector<16xf32>, vector<16xf32>, vector<16xf32>
      }
      %scan3A_348 = arith.constant 50 : i32
      %mul3A_349 = arith.constant 2 : i32
      %mul3A_350 = arith.muli %add3A_302, %mul3A_349 : i32
      %add3A_351 = arith.constant 1 : i32
      %add3A_352 = arith.addi %mul3A_350, %add3A_351 : i32
      %swap3A_353 = arith.index_cast %add3A_352 : i32 to index
      %swap3A_354 = arith.constant 0 : index
      %swap3A_355 = tpu.vector_load %arg11[%swap3A_353, %swap3A_354] {strides = array<i32>} : memref<128x64xf32, #tpu.memory_space<vmem>>, vector<1x16xf32>,
      %swap3A_356 = vector.shape_cast %swap3A_355 : vector<1x16xf32> to vector<16xf32>
      %swap3A_357 = vector.shape_cast %scan3A_347#0 : vector<16xf32> to vector<1x16xf32>
      tpu.vector_store %arg11[%swap3A_353, %swap3A_354], %swap3A_357 {strides = array<i32>} : memref<128x64xf32, #tpu.memory_space<vmem>>, vector<1x16xf32>,
      %swap3A_358 = arith.index_cast %add3A_352 : i32 to index
      %swap3A_359 = arith.constant 16 : index
      %swap3A_360 = tpu.vector_load %arg11[%swap3A_358, %swap3A_359] {strides = array<i32>} : memref<128x64xf32, #tpu.memory_space<vmem>>, vector<1x16xf32>,
      %swap3A_361 = vector.shape_cast %swap3A_360 : vector<1x16xf32> to vector<16xf32>
      %swap3A_362 = vector.shape_cast %scan3A_347#1 : vector<16xf32> to vector<1x16xf32>
      tpu.vector_store %arg11[%swap3A_358, %swap3A_359], %swap3A_362 {strides = array<i32>} : memref<128x64xf32, #tpu.memory_space<vmem>>, vector<1x16xf32>,
      %swap3A_363 = arith.index_cast %add3A_352 : i32 to index
      %swap3A_364 = arith.constant 32 : index
      %swap3A_365 = tpu.vector_load %arg11[%swap3A_363, %swap3A_364] {strides = array<i32>} : memref<128x64xf32, #tpu.memory_space<vmem>>, vector<1x16xf32>,
      %swap3A_366 = vector.shape_cast %swap3A_365 : vector<1x16xf32> to vector<16xf32>
      %swap3A_367 = vector.shape_cast %scan3A_347#2 : vector<16xf32> to vector<1x16xf32>
      tpu.vector_store %arg11[%swap3A_363, %swap3A_364], %swap3A_367 {strides = array<i32>} : memref<128x64xf32, #tpu.memory_space<vmem>>, vector<1x16xf32>,
      %swap3A_368 = arith.index_cast %add3A_352 : i32 to index
      %swap3A_369 = arith.constant 48 : index
      %swap3A_370 = tpu.vector_load %arg11[%swap3A_368, %swap3A_369] {strides = array<i32>} : memref<128x64xf32, #tpu.memory_space<vmem>>, vector<1x16xf32>,
      %swap3A_371 = vector.shape_cast %swap3A_370 : vector<1x16xf32> to vector<16xf32>
      %swap3A_372 = vector.shape_cast %scan3A_347#3 : vector<16xf32> to vector<1x16xf32>
      tpu.vector_store %arg11[%swap3A_368, %swap3A_369], %swap3A_372 {strides = array<i32>} : memref<128x64xf32, #tpu.memory_space<vmem>>, vector<1x16xf32>,
      %add3A_373 = arith.constant 4 : i32
      %add3A_374 = arith.addi %add3A_302, %add3A_373 : i32
      %min3A_375 = arith.constant 63 : i32
      %min3A_376 = arith.minsi %add3A_374, %min3A_375 : i32
      %add3A_377 = arith.constant 4 : i32
      %add3A_378 = arith.addi %add3A_302, %add3A_377 : i32
      %lt3A_379 = arith.constant 64 : i32
      %lt3A_380 = arith.cmpi slt, %add3A_378, %lt3A_379 : i32
      %convert_element_type3A_381 = arith.extui %lt3A_380 : i1 to i32
      %cond3A_382 = arith.constant 0 : i32
      %cond3A_383 = arith.cmpi ne, %convert_element_type3A_381, %cond3A_382 : i32
      scf.if %cond3A_383 {
        %mul3A_384 = arith.constant 104 : i32
        %mul3A_385 = arith.muli %min3A_376, %mul3A_384 : i32
        %dma_start3A_386 = tpu.memref_slice %arg6[%mul3A_385] : memref<6672xi32, #tpu.memory_space<vmem>> -> memref<104xi32, #tpu.memory_space<vmem>>
        %dma_start3A_387 = arith.constant 0 : i32
        %dma_start3A_388 = arith.constant 0 : i32
        %dma_start3A_389 = tpu.memref_slice %arg3[%dma_start3A_387, %dma_start3A_388] : memref<100000x32xi32, #tpu.memory_space<hbm>> -> memref<100000x32xi32, #tpu.memory_space<hbm>>
        tpu.enqueue_indirect_dma source(%dma_start3A_389 : memref<100000x32xi32, #tpu.memory_space<hbm>>) target(%arg10 : memref<104x32xi32, #tpu.memory_space<vmem>>) offsets(%dma_start3A_386 : memref<104xi32, #tpu.memory_space<vmem>>) semaphore(%arg16 : memref<!tpu.dma_semaphore, #tpu.memory_space<semaphore_mem>>)
      } else {
      }
    }
    %scan3A_31 = arith.constant 16 : i32
    %iota3A = tpu.iota {dimensions = array<i32: 0>} : vector<16xi32>
    %shift_right_logical3A = arith.constant 1 : i32
    %shift_right_logical3A_32 = vector.broadcast %shift_right_logical3A : i32 to vector<16xi32>
    %shift_right_logical3A_33 = arith.shrui %iota3A, %shift_right_logical3A_32 : vector<16xi32>
    %add3A_34 = arith.constant 8 : i32
    %add3A_35 = vector.broadcast %add3A_34 : i32 to vector<16xi32>
    %add3A_36 = arith.addi %shift_right_logical3A_33, %add3A_35 : vector<16xi32>
    %and3A = arith.constant 1 : i32
    %and3A_37 = vector.broadcast %and3A : i32 to vector<16xi32>
    %and3A_38 = arith.andi %iota3A, %and3A_37 : vector<16xi32>
    %eq3A = arith.constant 0 : i32
    %eq3A_39 = vector.broadcast %eq3A : i32 to vector<16xi32>
    %eq3A_40 = arith.cmpi eq, %and3A_38, %eq3A_39 : vector<16xi32>
    %scan3A_41 = arith.constant 0 : i32
    %scan3A_42 = arith.constant 0 : i32
    %scan3A_43 = arith.constant 128 : i32
    %scan3A_44 = arith.addi %scan3A_42, %scan3A_43 : i32
    %scan3A_45 = arith.constant 1 : i32
    scf.for %scan3A_49 = %scan3A_42 to %scan3A_44 step %scan3A_45  : i32 {
      %get3A = arith.index_cast %scan3A_49 : i32 to index
      %get3A_50 = arith.constant 0 : index
      %get3A_51 = tpu.vector_load %arg11[%get3A, %get3A_50] {strides = array<i32>} : memref<128x64xf32, #tpu.memory_space<vmem>>, vector<1x16xf32>,
      %get3A_52 = vector.shape_cast %get3A_51 : vector<1x16xf32> to vector<16xf32>
      %get3A_53 = arith.index_cast %scan3A_49 : i32 to index
      %get3A_54 = arith.constant 16 : index
      %get3A_55 = tpu.vector_load %arg11[%get3A_53, %get3A_54] {strides = array<i32>} : memref<128x64xf32, #tpu.memory_space<vmem>>, vector<1x16xf32>,
      %get3A_56 = vector.shape_cast %get3A_55 : vector<1x16xf32> to vector<16xf32>
      %get3A_57 = arith.index_cast %scan3A_49 : i32 to index
      %get3A_58 = arith.constant 32 : index
      %get3A_59 = tpu.vector_load %arg11[%get3A_57, %get3A_58] {strides = array<i32>} : memref<128x64xf32, #tpu.memory_space<vmem>>, vector<1x16xf32>,
      %get3A_60 = vector.shape_cast %get3A_59 : vector<1x16xf32> to vector<16xf32>
      %get3A_61 = arith.index_cast %scan3A_49 : i32 to index
      %get3A_62 = arith.constant 48 : index
      %get3A_63 = tpu.vector_load %arg11[%get3A_61, %get3A_62] {strides = array<i32>} : memref<128x64xf32, #tpu.memory_space<vmem>>, vector<1x16xf32>,
      %get3A_64 = vector.shape_cast %get3A_63 : vector<1x16xf32> to vector<16xf32>
      %mul3A_65 = arith.mulf %get3A_52, %get3A_52 : vector<16xf32>
      %mul3A_66 = arith.mulf %get3A_56, %get3A_56 : vector<16xf32>
      %add3A_67 = arith.addf %mul3A_65, %mul3A_66 : vector<16xf32>
      %mul3A_68 = arith.mulf %get3A_60, %get3A_60 : vector<16xf32>
      %add3A_69 = arith.addf %add3A_67, %mul3A_68 : vector<16xf32>
      %mul3A_70 = arith.mulf %get3A_64, %get3A_64 : vector<16xf32>
      %add3A_71 = arith.addf %add3A_69, %mul3A_70 : vector<16xf32>
      %iota3A_72 = tpu.iota {dimensions = array<i32: 0>} : vector<16xi32>
      %xor3A = arith.constant 1 : i32
      %xor3A_73 = vector.broadcast %xor3A : i32 to vector<16xi32>
      %xor3A_74 = arith.xori %iota3A_72, %xor3A_73 : vector<16xi32>
      %broadcast_in_dim3A_75 = vector.shape_cast %xor3A_74 : vector<16xi32> to vector<16x1xi32>
      %gather3A = vector.shape_cast %broadcast_in_dim3A_75 : vector<16x1xi32> to vector<16xi32>
      %gather3A_76 = tpu.dynamic_gather %add3A_71[%gather3A] in [0] : vector<16xf32>, vector<16xi32> -> vector<16xf32>
      %add3A_77 = arith.addf %add3A_71, %gather3A_76 : vector<16xf32>
      %xor3A_78 = arith.constant 2 : i32
      %xor3A_79 = vector.broadcast %xor3A_78 : i32 to vector<16xi32>
      %xor3A_80 = arith.xori %iota3A_72, %xor3A_79 : vector<16xi32>
      %broadcast_in_dim3A_81 = vector.shape_cast %xor3A_80 : vector<16xi32> to vector<16x1xi32>
      %gather3A_82 = vector.shape_cast %broadcast_in_dim3A_81 : vector<16x1xi32> to vector<16xi32>
      %gather3A_83 = tpu.dynamic_gather %add3A_77[%gather3A_82] in [0] : vector<16xf32>, vector<16xi32> -> vector<16xf32>
      %add3A_84 = arith.addf %add3A_77, %gather3A_83 : vector<16xf32>
      %xor3A_85 = arith.constant 4 : i32
      %xor3A_86 = vector.broadcast %xor3A_85 : i32 to vector<16xi32>
      %xor3A_87 = arith.xori %iota3A_72, %xor3A_86 : vector<16xi32>
      %broadcast_in_dim3A_88 = vector.shape_cast %xor3A_87 : vector<16xi32> to vector<16x1xi32>
      %gather3A_89 = vector.shape_cast %broadcast_in_dim3A_88 : vector<16x1xi32> to vector<16xi32>
      %gather3A_90 = tpu.dynamic_gather %add3A_84[%gather3A_89] in [0] : vector<16xf32>, vector<16xi32> -> vector<16xf32>
      %add3A_91 = arith.addf %add3A_84, %gather3A_90 : vector<16xf32>
      %xor3A_92 = arith.constant 8 : i32
      %xor3A_93 = vector.broadcast %xor3A_92 : i32 to vector<16xi32>
      %xor3A_94 = arith.xori %iota3A_72, %xor3A_93 : vector<16xi32>
      %broadcast_in_dim3A_95 = vector.shape_cast %xor3A_94 : vector<16xi32> to vector<16x1xi32>
      %gather3A_96 = vector.shape_cast %broadcast_in_dim3A_95 : vector<16x1xi32> to vector<16xi32>
      %gather3A_97 = tpu.dynamic_gather %add3A_91[%gather3A_96] in [0] : vector<16xf32>, vector<16xi32> -> vector<16xf32>
      %add3A_98 = arith.addf %add3A_91, %gather3A_97 : vector<16xf32>
      %max3A = arith.constant 1.000000e-24 : f32
      %max3A_99 = vector.broadcast %max3A : f32 to vector<16xf32>
      %max3A_100 = arith.maximumf %add3A_98, %max3A_99 : vector<16xf32>
      %broadcast_in_dim3A_101 = arith.constant 1597463007 : i32
      %broadcast_in_dim3A_102 = vector.broadcast %broadcast_in_dim3A_101 : i32 to vector<16xi32>
      %bitcast_convert_type3A = tpu.bitcast %max3A_100 : vector<16xf32> -> vector<16xi32>
      %shift_right_logical3A_103 = arith.constant 1 : i32
      %shift_right_logical3A_104 = vector.broadcast %shift_right_logical3A_103 : i32 to vector<16xi32>
      %shift_right_logical3A_105 = arith.shrui %bitcast_convert_type3A, %shift_right_logical3A_104 : vector<16xi32>
      %sub3A = arith.subi %broadcast_in_dim3A_102, %shift_right_logical3A_105 : vector<16xi32>
      %bitcast_convert_type3A_106 = tpu.bitcast %sub3A : vector<16xi32> -> vector<16xf32>
      %mul3A_107 = arith.constant 5.000000e-01 : f32
      %mul3A_108 = vector.broadcast %mul3A_107 : f32 to vector<16xf32>
      %mul3A_109 = arith.mulf %max3A_100, %mul3A_108 : vector<16xf32>
      %mul3A_110 = arith.mulf %mul3A_109, %bitcast_convert_type3A_106 : vector<16xf32>
      %mul3A_111 = arith.mulf %mul3A_110, %bitcast_convert_type3A_106 : vector<16xf32>
      %sub3A_112 = arith.constant 1.500000e+00 : f32
      %sub3A_113 = vector.broadcast %sub3A_112 : f32 to vector<16xf32>
      %sub3A_114 = arith.subf %sub3A_113, %mul3A_111 : vector<16xf32>
      %mul3A_115 = arith.mulf %bitcast_convert_type3A_106, %sub3A_114 : vector<16xf32>
      %mul3A_116 = arith.mulf %mul3A_109, %mul3A_115 : vector<16xf32>
      %mul3A_117 = arith.mulf %mul3A_116, %mul3A_115 : vector<16xf32>
      %sub3A_118 = arith.constant 1.500000e+00 : f32
      %sub3A_119 = vector.broadcast %sub3A_118 : f32 to vector<16xf32>
      %sub3A_120 = arith.subf %sub3A_119, %mul3A_117 : vector<16xf32>
      %mul3A_121 = arith.mulf %mul3A_115, %sub3A_120 : vector<16xf32>
      %mul3A_122 = arith.mulf %mul3A_109, %mul3A_121 : vector<16xf32>
      %mul3A_123 = arith.mulf %mul3A_122, %mul3A_121 : vector<16xf32>
      %sub3A_124 = arith.constant 1.500000e+00 : f32
      %sub3A_125 = vector.broadcast %sub3A_124 : f32 to vector<16xf32>
      %sub3A_126 = arith.subf %sub3A_125, %mul3A_123 : vector<16xf32>
      %mul3A_127 = arith.mulf %mul3A_121, %sub3A_126 : vector<16xf32>
      %mul3A_128 = arith.mulf %get3A_52, %mul3A_127 : vector<16xf32>
      %mul3A_129 = arith.mulf %get3A_56, %mul3A_127 : vector<16xf32>
      %mul3A_130 = arith.mulf %get3A_60, %mul3A_127 : vector<16xf32>
      %mul3A_131 = arith.mulf %get3A_64, %mul3A_127 : vector<16xf32>
      %broadcast_in_dim3A_132 = vector.shape_cast %shift_right_logical3A_33 : vector<16xi32> to vector<16x1xi32>
      %gather3A_133 = vector.shape_cast %broadcast_in_dim3A_132 : vector<16x1xi32> to vector<16xi32>
      %gather3A_134 = tpu.dynamic_gather %mul3A_128[%gather3A_133] in [0] : vector<16xf32>, vector<16xi32> -> vector<16xf32>
      %broadcast_in_dim3A_135 = vector.shape_cast %shift_right_logical3A_33 : vector<16xi32> to vector<16x1xi32>
      %gather3A_136 = vector.shape_cast %broadcast_in_dim3A_135 : vector<16x1xi32> to vector<16xi32>
      %gather3A_137 = tpu.dynamic_gather %mul3A_129[%gather3A_136] in [0] : vector<16xf32>, vector<16xi32> -> vector<16xf32>
      %select_n3A = arith.select %eq3A_40, %gather3A_134, %gather3A_137 : vector<16xi1>, vector<16xf32>
      %swap3A = arith.index_cast %scan3A_49 : i32 to index
      %swap3A_138 = arith.constant 0 : index
      %swap3A_139 = tpu.vector_load %arg12[%swap3A, %swap3A_138] {strides = array<i32>} : memref<128x64xf32, #tpu.memory_space<vmem>>, vector<1x16xf32>,
      %swap3A_140 = vector.shape_cast %swap3A_139 : vector<1x16xf32> to vector<16xf32>
      %swap3A_141 = vector.shape_cast %select_n3A : vector<16xf32> to vector<1x16xf32>
      tpu.vector_store %arg12[%swap3A, %swap3A_138], %swap3A_141 {strides = array<i32>} : memref<128x64xf32, #tpu.memory_space<vmem>>, vector<1x16xf32>,
      %broadcast_in_dim3A_142 = vector.shape_cast %add3A_36 : vector<16xi32> to vector<16x1xi32>
      %gather3A_143 = vector.shape_cast %broadcast_in_dim3A_142 : vector<16x1xi32> to vector<16xi32>
      %gather3A_144 = tpu.dynamic_gather %mul3A_128[%gather3A_143] in [0] : vector<16xf32>, vector<16xi32> -> vector<16xf32>
      %broadcast_in_dim3A_145 = vector.shape_cast %add3A_36 : vector<16xi32> to vector<16x1xi32>
      %gather3A_146 = vector.shape_cast %broadcast_in_dim3A_145 : vector<16x1xi32> to vector<16xi32>
      %gather3A_147 = tpu.dynamic_gather %mul3A_129[%gather3A_146] in [0] : vector<16xf32>, vector<16xi32> -> vector<16xf32>
      %select_n3A_148 = arith.select %eq3A_40, %gather3A_144, %gather3A_147 : vector<16xi1>, vector<16xf32>
      %swap3A_149 = arith.index_cast %scan3A_49 : i32 to index
      %swap3A_150 = arith.constant 16 : index
      %swap3A_151 = tpu.vector_load %arg12[%swap3A_149, %swap3A_150] {strides = array<i32>} : memref<128x64xf32, #tpu.memory_space<vmem>>, vector<1x16xf32>,
      %swap3A_152 = vector.shape_cast %swap3A_151 : vector<1x16xf32> to vector<16xf32>
      %swap3A_153 = vector.shape_cast %select_n3A_148 : vector<16xf32> to vector<1x16xf32>
      tpu.vector_store %arg12[%swap3A_149, %swap3A_150], %swap3A_153 {strides = array<i32>} : memref<128x64xf32, #tpu.memory_space<vmem>>, vector<1x16xf32>,
      %broadcast_in_dim3A_154 = vector.shape_cast %shift_right_logical3A_33 : vector<16xi32> to vector<16x1xi32>
      %gather3A_155 = vector.shape_cast %broadcast_in_dim3A_154 : vector<16x1xi32> to vector<16xi32>
      %gather3A_156 = tpu.dynamic_gather %mul3A_130[%gather3A_155] in [0] : vector<16xf32>, vector<16xi32> -> vector<16xf32>
      %broadcast_in_dim3A_157 = vector.shape_cast %shift_right_logical3A_33 : vector<16xi32> to vector<16x1xi32>
      %gather3A_158 = vector.shape_cast %broadcast_in_dim3A_157 : vector<16x1xi32> to vector<16xi32>
      %gather3A_159 = tpu.dynamic_gather %mul3A_131[%gather3A_158] in [0] : vector<16xf32>, vector<16xi32> -> vector<16xf32>
      %select_n3A_160 = arith.select %eq3A_40, %gather3A_156, %gather3A_159 : vector<16xi1>, vector<16xf32>
      %swap3A_161 = arith.index_cast %scan3A_49 : i32 to index
      %swap3A_162 = arith.constant 32 : index
      %swap3A_163 = tpu.vector_load %arg12[%swap3A_161, %swap3A_162] {strides = array<i32>} : memref<128x64xf32, #tpu.memory_space<vmem>>, vector<1x16xf32>,
      %swap3A_164 = vector.shape_cast %swap3A_163 : vector<1x16xf32> to vector<16xf32>
      %swap3A_165 = vector.shape_cast %select_n3A_160 : vector<16xf32> to vector<1x16xf32>
      tpu.vector_store %arg12[%swap3A_161, %swap3A_162], %swap3A_165 {strides = array<i32>} : memref<128x64xf32, #tpu.memory_space<vmem>>, vector<1x16xf32>,
      %broadcast_in_dim3A_166 = vector.shape_cast %add3A_36 : vector<16xi32> to vector<16x1xi32>
      %gather3A_167 = vector.shape_cast %broadcast_in_dim3A_166 : vector<16x1xi32> to vector<16xi32>
      %gather3A_168 = tpu.dynamic_gather %mul3A_130[%gather3A_167] in [0] : vector<16xf32>, vector<16xi32> -> vector<16xf32>
      %broadcast_in_dim3A_169 = vector.shape_cast %add3A_36 : vector<16xi32> to vector<16x1xi32>
      %gather3A_170 = vector.shape_cast %broadcast_in_dim3A_169 : vector<16x1xi32> to vector<16xi32>
      %gather3A_171 = tpu.dynamic_gather %mul3A_131[%gather3A_170] in [0] : vector<16xf32>, vector<16xi32> -> vector<16xf32>
      %select_n3A_172 = arith.select %eq3A_40, %gather3A_168, %gather3A_171 : vector<16xi1>, vector<16xf32>
      %swap3A_173 = arith.index_cast %scan3A_49 : i32 to index
      %swap3A_174 = arith.constant 48 : index
      %swap3A_175 = tpu.vector_load %arg12[%swap3A_173, %swap3A_174] {strides = array<i32>} : memref<128x64xf32, #tpu.memory_space<vmem>>, vector<1x16xf32>,
      %swap3A_176 = vector.shape_cast %swap3A_175 : vector<1x16xf32> to vector<16xf32>
      %swap3A_177 = vector.shape_cast %select_n3A_172 : vector<16xf32> to vector<1x16xf32>
      tpu.vector_store %arg12[%swap3A_173, %swap3A_174], %swap3A_177 {strides = array<i32>} : memref<128x64xf32, #tpu.memory_space<vmem>>, vector<1x16xf32>,
    }
    %scan3A_46 = arith.constant 128 : i32
    %mul3A_47 = arith.constant 128 : i32
    %mul3A_48 = arith.muli %add3A, %mul3A_47 : i32
    "tpu.region"() ({
      %run_scoped3A = tpu.sem_alloc : memref<!tpu.dma_semaphore, #tpu.memory_space<semaphore_mem>>
      %dma_start3A_49 = arith.constant 0 : i32
      %dma_start3A_50 = tpu.memref_slice %arg4[%mul3A_48, %dma_start3A_49] : memref<4096x64xf32, #tpu.memory_space<hbm>> -> memref<128x64xf32, #tpu.memory_space<hbm>>
      %dma_start3A_51 = arith.constant 0 : i32
      %dma_start3A_52 = tpu.memref_slice %arg4[%mul3A_48, %dma_start3A_51] : memref<4096x64xf32, #tpu.memory_space<hbm>> -> memref<128x64xf32, #tpu.memory_space<hbm>>
      tpu.enqueue_dma source(%arg12 : memref<128x64xf32, #tpu.memory_space<vmem>>) target(%dma_start3A_52 : memref<128x64xf32, #tpu.memory_space<hbm>>) target_semaphore(%run_scoped3A : memref<!tpu.dma_semaphore, #tpu.memory_space<semaphore_mem>>)
      %dma_wait3A = arith.constant 0 : i32
      %dma_wait3A_53 = tpu.memref_slice %arg4[%mul3A_48, %dma_wait3A] : memref<4096x64xf32, #tpu.memory_space<hbm>> -> memref<128x64xf32, #tpu.memory_space<hbm>>
      %dma_wait3A_54 = arith.constant 0 : i32
      %dma_wait3A_55 = tpu.memref_slice %arg4[%mul3A_48, %dma_wait3A_54] : memref<4096x64xf32, #tpu.memory_space<hbm>> -> memref<128x64xf32, #tpu.memory_space<hbm>>
      tpu.wait_dma2 semaphore(%run_scoped3A : memref<!tpu.dma_semaphore, #tpu.memory_space<semaphore_mem>>) src(%arg12 : memref<128x64xf32, #tpu.memory_space<vmem>>) dst(%dma_wait3A_55 : memref<128x64xf32, #tpu.memory_space<hbm>>)
      tpu.yield
    }) : () -> ()
    return
  }
}

</mosaic_0001>

<sc_bundles>
// kernel: _mean_embed.3.cloned.1.call-start
scs
__scs_entry_jumppad:
0x0: {  	(pc) =	sbr.rel $0x88, $3  }
0x1: {  	(tag) =	ssettag $0x0;
	lr =	simm.s32 $0x1  }
0x2: {  	[smem:$0x3F9F] =	sst lr;
	_ =	strace $0xD0000000  }
0x3: {  	_ = 	snop  }
0x4: {  	_ = 	snop  }
0x5: {  	_ = 	snop  }
0x6: {  	_ = 	snop  }
0x7: {  	_ = 	snop  }
__scs_overlays_trampoline_lowered:
0x8: {  	[smem:$0x3FAE] =	sst s0  }
0x9: {  	[smem:$0x3FAF] =	sst s1  }
0xa: {  	[smem:$0x3FB0] =	sst s2  }
0xb: {  	[smem:$0x3FB1] =	sst s3  }
0xc: {  	[smem:$0x3FB2] =	sst s4  }
0xd: {  	[smem:$0x3FB3] =	sst s5  }
0xe: {  	[smem:$0x3FB4] =	sst s6  }
0xf: {  	[smem:$0x3FB5] =	sst s7  }
0x10: {  	[smem:$0x3FB6] =	sst s8  }
0x11: {  	[smem:$0x3FB7] =	sst s9;
	s0 =	simm.s32 @!p0 $0x0  }
0x12: {  	s1 =	sld [smem:$0x3F9D];
	s0 =	simm.s32 @p0 $0x1  }
0x13: {  	[smem:$0x3FB8] =	sst s0;
	s0 =	simm.s32 @!p1 $0x0  }
0x14: {  	s2 =	sld [smem:$0x3F9C];
	s0 =	simm.s32 @p1 $0x1  }
0x15: {  	[smem:$0x3FB9] =	sst s0;
	s0 =	simm.s32 @!p2 $0x0  }
0x16: {  	s3 =	sld [smem:$0x3FDB];
	s0 =	simm.s32 @p2 $0x1  }
0x17: {  	s4 =	simm.s32 $0x1BF5;
	[smem:$0x3FBB] =	sst s0  }
0x18: {  	s0 =	sld [smem:$0x3F9E];
	_ =	swait.ge [sflag:s4], $0x0  }
0x19: {  	s7 =	sld [smem:$0x3F9F]  }
0x1a: {  	s8 =	sadd.s32 $0xFFFFE003, lr  }
0x1b: {  	s9 =	sadd.s32 $0xFFFFFEF7, lr;
	s5 =	simm.s32 $0xFFFFFFFF;
	p2 =	slt.u32 s8, $0xFFFFF086  }
0x1c: {  	p1 =	slt.u32 s9, $0xF7A;
	s5 =	simm.s32 @!p2 $0x0  }
0x1d: {  	s5 =	simm.s32 @p1 $0x1;
	p0 =	seq.s32 s7, s2  }
0x1e: {  	s7 =	smul.u32 @!p0 $0xF7A, s2;
	p2 =	seq.s32 @!p0 s5, $0x0  }
0x1f: {  	s9 =	smul.u32 $0xF7A, s1;
	s8 =	simm.s32 @!p0 $0x1BF5;
	p2 =	por !p2, p0  }
0x20: {  	[sflag:s8] =	ssyncset.s32 @!p0 $0xFFFFF086;
	s6 =	sadd.s32 @!p0 s3, s7;
	s7 =	simm.s32 @!p0 $0x108  }
0x21: {  	s3 =	sadd.s32 s3, s9;
	s6 =	sadd.s32 @!p0 $0x88, s6;
	s7 =	simm.s32 @p2 $0x1082  }
0x22: {  	[simem:s7], [sflag:s8] =	dma.local @!p0 [hbm:s6], $0xF7A  }
0x23: {  	s9 =	sor.u32 $0xD0000000, s2;
	s6 =	simm.s32 $0x108;
	_ =	swait.ge @!p0 [sflag:s8], $0x0  }
0x24: {  	s3 =	sadd.s32 $0x88, s3;
	s6 =	simm.s32 @!p1 $0x1082;
	[sflag:s4] =	ssyncset.s32 $0xFFFFF086  }
0x25: {  	[simem:s6], [sflag:s4] =	dma.local [hbm:s3], $0xF7A  }
0x26: {  	[smem:$0x3F9F] =	sst s1;
	(tag) =	ssettag s2;
	_ =	strace s9  }
0x27: {  	s1 =	sld [smem:$0x3FAF]  }
0x28: {  	s2 =	sld [smem:$0x3FB0]  }
0x29: {  	s4 =	sld [smem:$0x3FB2]  }
0x2a: {  	p0 =	seq.s32 s5, $0x0;
	s5 =	sld [smem:$0x3FB3]  }
0x2b: {  	s6 =	sld [smem:$0x3FB4]  }
0x2c: {  	s7 =	sld [smem:$0x3FB5]  }
0x2d: {  	s3 =	simm.s32 $0x108;
	s8 =	sld [smem:$0x3FB6]  }
0x2e: {  	s3 =	simm.s32 @!p0 $0x1082;
	s9 =	sld [smem:$0x3FB7]  }
0x2f: {  	lr =	sadd.s32 s0, s3;
	s0 =	sld [smem:$0x3FAE]  }
0x30: {  	s3 =	sld [smem:$0x3FB1]  }
0x31: {  	[smem:$0x3FBA] =	sst s10  }
0x32: {  	s10 =	sld [smem:$0x3FB8];
	_ =	sdelay $0x3  }
0x33: {  	p0 =	seq.s32 s10, $0x1;
	s10 =	sld [smem:$0x3FBA];
	_ =	sdelay $0x3  }
0x34: {  	[smem:$0x3FBA] =	sst s10  }
0x35: {  	s10 =	sld [smem:$0x3FB9];
	_ =	sdelay $0x3  }
0x36: {  	p1 =	seq.s32 s10, $0x1;
	s10 =	sld [smem:$0x3FBA];
	_ =	sdelay $0x3  }
0x37: {  	[smem:$0x3FBA] =	sst s10  }
0x38: {  	s10 =	sld [smem:$0x3FBB]  }
0x39: {  	_ = 	snop;
	(pc) =	sbr.ind lr, $3  }
0x3a: {  	_ = 	snop  }
0x3b: {  	_ = 	snop  }
0x3c: {  	p2 =	seq.s32 s10, $0x1;
	s10 =	sld [smem:$0x3FBA]  }
0x3d: {  	_ =	shalt  }
0x3e: {  	_ =	shalt  }
0x3f: {  	_ =	shalt  }
0x40: {  	_ =	shalt  }
0x41: {  	_ =	shalt  }
0x42: {  	_ =	shalt  }
0x43: {  	_ =	shalt  }
0x44: {  	_ =	shalt  }
0x45: {  	_ =	shalt  }
0x46: {  	_ =	shalt  }
0x47: {  	_ =	shalt  }
0x48: {  	_ =	shalt  }
0x49: {  	_ =	shalt  }
0x4a: {  	_ =	shalt  }
0x4b: {  	_ =	shalt  }
0x4c: {  	_ =	shalt  }
0x4d: {  	_ =	shalt  }
0x4e: {  	_ =	shalt  }
0x4f: {  	_ =	shalt  }
0x50: {  	_ =	shalt  }
0x51: {  	_ =	shalt  }
0x52: {  	_ =	shalt  }
0x53: {  	_ =	shalt  }
0x54: {  	_ =	shalt  }
0x55: {  	_ =	shalt  }
0x56: {  	_ =	shalt  }
0x57: {  	_ =	shalt  }
0x58: {  	_ =	shalt  }
0x59: {  	_ =	shalt  }
0x5a: {  	_ =	shalt  }
0x5b: {  	_ =	shalt  }
0x5c: {  	_ =	shalt  }
0x5d: {  	_ =	shalt  }
0x5e: {  	_ =	shalt  }
0x5f: {  	_ =	shalt  }
0x60: {  	_ =	shalt  }
0x61: {  	_ =	shalt  }
0x62: {  	_ =	shalt  }
0x63: {  	_ =	shalt  }
0x64: {  	_ =	shalt  }
0x65: {  	_ =	shalt  }
0x66: {  	_ =	shalt  }
0x67: {  	_ =	shalt  }
0x68: {  	_ =	shalt  }
0x69: {  	_ =	shalt  }
0x6a: {  	_ =	shalt  }
0x6b: {  	_ =	shalt  }
0x6c: {  	_ =	shalt  }
0x6d: {  	_ =	shalt  }
0x6e: {  	_ =	shalt  }
0x6f: {  	_ =	shalt  }
0x70: {  	_ =	shalt  }
0x71: {  	_ =	shalt  }
0x72: {  	_ =	shalt  }
0x73: {  	_ =	shalt  }
0x74: {  	_ =	shalt  }
0x75: {  	_ =	shalt  }
0x76: {  	_ =	shalt  }
0x77: {  	_ =	shalt  }
0x78: {  	_ =	shalt  }
0x79: {  	_ =	shalt  }
0x7a: {  	_ =	shalt  }
0x7b: {  	_ =	shalt  }
0x7c: {  	_ =	shalt  }
0x7d: {  	_ =	shalt  }
0x7e: {  	_ =	shalt  }
0x7f: {  	_ =	shalt  }
0x80: {  	_ =	shalt  }
0x81: {  	_ =	shalt  }
0x82: {  	_ =	shalt  }
0x83: {  	_ =	shalt  }
0x84: {  	_ =	shalt  }
0x85: {  	_ =	shalt  }
0x86: {  	_ =	shalt  }
0x87: {  	_ =	shalt  }
.Lfunc_end0:
.L_simem_size_0:
called_computation_lowered:
.L_overlay_start_0:
0x88: {  	s2 =	sld [smem:$0x3FD9]  }
0x89: {  	s3 =	sld [smem:$0x3FFE];
	_ =	sdelay $0x1  }
0x8a: {  	s1 =	srdreg.scid  }
0x8b: {  	s0 =	sand.u32 $0x1, s1  }
0x8c: {  	s17 =	sshll.u32 s0, $0xA;
	s2 =	sadd.s32 s3, s2  }
0x8d: {  	s2 =	sadd.s32 s2, s17  }
0x8e: {  	[smem:$0x3FC6] =	sst s2  }
0x8f: {  	_ = 	snop  }
0x90: {  	s2 =	sld [smem:$0x3FD0];
	(tm) =	ssettm $0x1  }
0x91: {  	s18 =	sld [smem:$0x3FFB];
	_ =	sdelay $0x3  }
0x92: {  	_ =	strace s18  }
0x93: {  	s3 =	sld [smem:$0x3FFC];
	_ =	sdelay $0x3  }
0x94: {  	_ =	strace s3  }
0x95: {  	s3 =	sld [smem:$0x3FFD];
	_ =	sdelay $0x3  }
0x96: {  	_ =	strace s3  }
0x97: {  	_ =	strace $0x8FFFFFFF  }
0x98: {  	s19 =	sld [smem:$0x3FDB];
	_ =	sdelay $0x1  }
0x99: {  	s4 =	simm.s32 $_scs_section_size  }
0x9a: {  	s5 =	simm.s32 $_size__tile_overlayer_lowered;
	s6 =	simm.s32 $_tile_overlayer_lowered  }
0x9b: {  	s22 =	simm.s32 $0x1BFF;
	s21 =	sshll.u32 s6, $0x1;
	s3 =	sadd.s32 s4, s19  }
0x9c: {  	s7 =	simm.s32 $0x0;
	s20 =	sshll.u32 s5, $0x1;
	s5 =	sadd.s32 s21, s3  }
0x9d: {  	[timem:s7], [sflag:s22] =	dma.local [hbm:s5], s20  }
0x9e: {  	_ =	swait.ge [sflag:s22], s20  }
0x9f: {  	s4 =	ssub.s32 $0x0, s20;
	[sflag:s22] =	ssyncset.done $0x0  }
0xa0: {  	[sflag:s22] =	ssyncadd.s32 s4;
	_ =	sdelay $0x1  }
0xa1: {  	s23 =	simm.s32 $0x1B8B  }
0xa2: {  	_ =	swait.ge [sflag:s23], $0x1  }
0xa3: {  	[sflag:s23] =	ssyncset.done $0x0  }
0xa4: {  	s25 =	simm.s32 $0x1B8E;
	s24 =	sld [smem:$0x3FFE];
	[sflag:s23] =	ssyncadd.s32 $0xFFFFFFFF  }
0xa5: {  	s26 =	simm.s32 $execute0_lowered;
	[smem:$0x3FD2] =	sst s25  }
0xa6: {  	s5 =	sshll.u32 s26, $0x1;
	_ =	strace $0x80000046;
	[dreg:$0x1] =	wrdreg $0xFFFFFFFF  }
0xa7: {  	s28 =	simm.s32 $_size_execute0_lowered;
	s3 =	sadd.s32 s3, s5;
	[dreg:$0x0] =	wrdreg $0x0  }
0xa8: {  	s5 =	sshll.u32 s28, $0x1;
	[dreg:$0x2] =	wrdreg s3  }
0xa9: {  	[dreg:$0x3] =	wrdreg s5  }
0xaa: {  	[dreg:$0x4] =	wrdreg $0xC0  }
0xab: {  	_ =	task [dreg:s7], $0x5FFFF  }
0xac: {  	[dreg:$0x1] =	wrdreg $0xFFFFFFFF  }
0xad: {  	[dreg:$0x0] =	wrdreg $0x60  }
0xae: {  	[dreg:$0x2] =	wrdreg s24  }
0xaf: {  	[dreg:$0x3] =	wrdreg s2  }
0xb0: {  	[dreg:$0x4] =	wrdreg $0x9  }
0xb1: {  	_ =	task.clear_ibuf [dreg:s7], $0x5FFFF;
	_ =	strace $0x90000046  }
0xb2: {  	s29 =	simm.s32 $0x9;
	_ =	strace $0x80000048  }
0xb3: {  	_ =	swait.ge [sflag:s29], $0x1  }
0xb4: {  	[sflag:s29] =	ssyncadd.s32 $0xFFFFFFFF  }
0xb5: {  	_ =	strace $0x90000048  }
0xb6: {  	_ =	sfence  }
0xb7: {  	s30 =	sld [smem:$0x0];
	_ =	sdelay $0x2  }
0xb8: {  	s31 =	sshll.u32 s1, $0xD;
	s1 =	sshrl.u32 s1, $0x2  }
0xb9: {  	s3 =	sand.u32 $0x4000, s31;
	s1 =	sadd.s32 s1, s30  }
0xba: {  	s0 =	sor.u32 s3, s0;
	s1 =	sshll.u32 s1, $0x11  }
0xbb: {  	s0 =	sor.u32 s1, s0  }
0xbc: {  	s0 =	sadd.s32 $0x8F2B, s0  }
0xbd: {  	[sflag:s0] =	ssyncadd.remote.s32 $0x1  }
0xbe: {  	_ =	sfence.sel $0xFFFF  }
0xbf: {  	[dreg:$0x0] =	wrdreg $0xFFFFFFFF;
	(pc) =	sbr.abs _section_cstart, $3  }
0xc0: {  	[dreg:$0x1] =	wrdreg $0xFFFFFFFF  }
0xc1: {  	_ =	task.clear_ibuf [dreg:s7], $0x2FFFF;
	_ =	strace $0x9FFFFFFF  }
0xc2: {  	(tm) =	ssettm $0x7FFFFFFF  }
0xc3: {  	_ =	shalt  }
tec
execute0_lowered:
.L_overlay_start_1:
0x0: {  	(tag) =	ssettag $0x1  }
0x1: {  	v0 =	vimm.s32 $0xEFCDAB89;
	v1 =	vimm.s32 $0x67452301;
	v2 =	vimm.s32 $0xDCFE98BA  }
0x2: {  	v3 =	vimm.s32 $0x54761032;
	v4 =	vimm.s32 $0xBA98FEDC;
	v5 =	vimm.s32 $0x32107654  }
0x3: {  	vm0 =	vcmask $0xB08;
	vm1 =	vcmask $0x300;
	v0 =	vunpack.c.l.s4.s8 v0  }
0x4: {  	s3 =	rddreg [dreg:$0x0];
	s1 =	srdreg.scid;
	v1 =	vunpack.c.l.s4.s8 v1;
	v2 =	vunpack.c.l.s4.s8 v2;
	v3 =	vunpack.c.l.s4.s8 v3  }
0x5: {  	s0 =	stileid.u32;
	s5 =	rddreg [dreg:$0x1];
	v4 =	vunpack.c.l.s4.s8 v4;
	vm0 =	vmor vm1, vm0;
	vm1 =	vcmask $0x1310  }
0x6: {  	s2 =	simm.s32 $0x0;
	s9 =	simm.s32 $0x1900;
	s10 =	simm.s32 $0x3310;
	v5 =	vunpack.c.l.s4.s8 v5;
	vm0 =	vmor vm0, vm1;
	vm1 =	vcmask $0x1B18  }
0x7: {  	s11 =	simm.s32 $0x1968;
	s12 =	simm.s32 $0x4010;
	s13 =	simm.s32 $0x19D0;
	v0 =	vunpack.c.0.s8.s32 v0;
	v1 =	vunpack.c.0.s8.s32 v1;
	v2 =	vunpack.c.0.s8.s32 v2  }
0x8: {  	s14 =	simm.s32 $0x4D10;
	s15 =	simm.s32 $0x1A38;
	s16 =	simm.s32 $0x5A10;
	v3 =	vunpack.c.0.s8.s32 v3;
	v4 =	vunpack.c.0.s8.s32 v4;
	v5 =	vunpack.c.0.s8.s32 v5  }
0x9: {  	s17 =	simm.s32 $0x1;
	s18 =	simm.s32 $0x2;
	s19 =	simm.s32 $0x3;
	vm0 =	vmor vm0, vm1;
	v0 =	vcombine.low v1, v0  }
0xa: {  	s20 =	simm.s32 $0x4;
	s21 =	simm.s32 $0x8710;
	s22 =	simm.s32 $0x0;
	v1 =	vcombine.low v3, v2;
	v2 =	vcombine.low v5, v4;
	v4 =	vimm.s32 $0xFEDCBA98  }
0xb: {  	s4 =	sand.u32 $0x1, s1;
	s6 =	sshll.u32 s0, $0x1;
	s1 =	rddreg [dreg:$0x2];
	vm1 =	vcmask $0x2320;
	v3 =	vimm.s32 $0x76543210;
	v4 =	vunpack.c.l.s4.s8 v4  }
0xc: {  	[smem:$0x7FF] =	sst s2;
	s6 =	sor.u32 s4, s6;
	s4 =	ssub.s32 $0x2, s4;
	vm0 =	vmor vm0, vm1;
	vm1 =	vcmask $0x2B28;
	v3 =	vunpack.c.l.s4.s8 v3  }
0xd: {  	s7 =	smul.u32 $0x320, s6;
	s8 =	sshrl.u32 s4, $0x1;
	s6 =	sshll.u32 s6, $0xA;
	vm0 =	vmor vm0, vm1;
	vm1 =	vcmask $0x3330;
	v4 =	vunpack.c.0.s8.s32 v4  }
0xe: {  	_ =	strace $0x80000047;
	s8 =	ssub.s32 s4, s8;
	s5 =	sadd.s32 s5, s6;
	v5 =	vlaneseq.u32;
	vm0 =	vmor vm0, vm1;
	v3 =	vunpack.c.0.s8.s32 v3  }
0xf: {  	s7 =	sadd.s32 s7, s3;
	s3 =	sadd.s32 $0x187000, s3;
	s6 =	smax.u32 s8, $0x1;
	vm1 =	vcmask $0x3B38;
	v5 =	vshrl.u32 v5, $0x1;
	v4 =	vand.u32 $0xF, v4  }
0x10: {  	s8 =	simm.s32 $0x68;
	s4 =	sadd.s32 $0x600, s7;
	s7 =	simm.s32 $0x5;
	vm0 =	vmor vm0, vm1;
	v3 =	vcombine.low v4, v3;
	v4 =	vimm.s32 $0x0  }
.LBB2_1:
0x11: {  	[tilespmem:s2], [sflag:$0x5] =	stream.linear.gather [hbm4b:s4+s2], $0x1900, $0x38;
	[tilespmem:$0xA710] =	vst v63  }
0x12: {  	_ =	swait.ge [sflag:s7], $0x1900  }
0x13: {  	[sflag:s7] =	ssyncset.done $0x0  }
0x14: {  	s23 =	simm.s32 $0x1930;
	[sflag:s7] =	ssyncadd.s32 $0xFFFFE700  }
0x15: {  	s26 =	simm.s32 $0x64;
	s24 =	simm.s32 $0x0;
	s25 =	simm.s32 $0x0;
	[tilespmem:s23+$0x30] =	vst v4  }
.LBB2_2:
0x16: {  	p0 =	sne.s32 s26, $0x189C;
	v6 =	vld [tilespmem:s24+$0x0];
	_ =	sdelay $0x4  }
0x17: {  	s28 =	sand.u32 $0x1FFC, s25;
	s25 =	smov.u32 s26;
	[tilespmem:s23+$0xFFFFFFD0] =	vst v6  }
0x18: {  	v6 =	vld [tilespmem:s28+$0x10];
	_ =	sdelay $0x4  }
0x19: {  	[tilespmem:s23+$0xFFFFFFE0] =	vst v6  }
0x1a: {  	v6 =	vld [tilespmem:s28+$0x20];
	_ =	sdelay $0x4  }
0x1b: {  	[tilespmem:s23+$0xFFFFFFF0] =	vst v6  }
0x1c: {  	v6 =	vld [tilespmem:s28+$0x30];
	_ =	sdelay $0x4  }
0x1d: {  	[tilespmem:s23+$0x0] =	vst v6  }
0x1e: {  	v6 =	vld [tilespmem:s28+$0x40];
	_ =	sdelay $0x4  }
0x1f: {  	[tilespmem:s23+$0x10] =	vst v6  }
0x20: {  	v6 =	vld [tilespmem:s28+$0x50];
	_ =	sdelay $0x4  }
0x21: {  	[tilespmem:s23+$0x20] =	vst v6  }
0x22: {  	v6 =	vld [tilespmem:s24+$0x54];
	_ =	sdelay $0x1  }
.Ltmp0:
0x23: {  	(pc) =	sbr.rel @p0 .LBB2_2-.Ltmp0, $3  }
0x24: {  	_ =	sdelay $0x1  }
0x25: {  	[tilespmem:s23+$0x24] =	vst v6;
	s23 =	sadd.s32 $0x68, s23  }
0x26: {  	s26 =	sadd.s32 $0x64, s26;
	s24 =	sadd.s32 $0x64, s24;
	[tilespmem:s23+$0x30] =	vst v4  }
0x27: {  	v6 =	vld [tilespmem:s24+$0x0];
	_ =	sdelay $0x4  }
0x28: {  	s25 =	sand.u32 $0x1FFC, s25;
	[tilespmem:s23+$0xFFFFFFD0] =	vst v6  }
0x29: {  	v6 =	vld [tilespmem:s25+$0x10];
	_ =	sdelay $0x4  }
0x2a: {  	[tilespmem:s23+$0xFFFFFFE0] =	vst v6  }
0x2b: {  	v6 =	vld [tilespmem:s25+$0x20];
	_ =	sdelay $0x4  }
0x2c: {  	[tilespmem:s23+$0xFFFFFFF0] =	vst v6  }
0x2d: {  	v6 =	vld [tilespmem:s25+$0x30];
	_ =	sdelay $0x4  }
0x2e: {  	[tilespmem:s23+$0x0] =	vst v6  }
0x2f: {  	v6 =	vld [tilespmem:s25+$0x40];
	_ =	sdelay $0x4  }
0x30: {  	[tilespmem:s23+$0x10] =	vst v6  }
0x31: {  	v6 =	vld [tilespmem:s25+$0x50];
	_ =	sdelay $0x4  }
0x32: {  	[tilespmem:s23+$0x20] =	vst v6  }
0x33: {  	v6 =	vld [tilespmem:s24+$0x54];
	_ =	sdelay $0x4  }
0x34: {  	[tilespmem:s23+$0x24] =	vst v6  }
0x35: {  	[tilespmem:s10], [sflag:$0x1] =	stream.indirect.gather [hbm4b:s3+s8], $0x20, s9, s8, $0xb8;
	[tilespmem:$0xA710] =	vst v63  }
0x36: {  	_ = 	snop  }
0x37: {  	[tilespmem:s12], [sflag:$0x2] =	stream.indirect.gather [hbm4b:s3+s8], $0x20, s11, s8, $0xb8;
	[tilespmem:$0xA710] =	vst v63  }
0x38: {  	_ = 	snop  }
0x39: {  	[tilespmem:s14], [sflag:$0x3] =	stream.indirect.gather [hbm4b:s3+s8], $0x20, s13, s8, $0xb8;
	[tilespmem:$0xA710] =	vst v63  }
0x3a: {  	s23 =	simm.s32 $0x0  }
0x3b: {  	[tilespmem:s16], [sflag:$0x4] =	stream.indirect.gather [hbm4b:s3+s8], $0x20, s15, s8, $0xb8;
	[tilespmem:$0xA710] =	vst v63  }
.LBB2_4:
0x3c: {  	_ =	swait.ge [sflag:s17], $0xD00  }
0x3d: {  	[sflag:s17] =	ssyncset.done $0x0  }
0x3e: {  	s24 =	simm.s32 $0x33B0;
	[sflag:s17] =	ssyncadd.s32 $0xFFFFF300  }
0x3f: {  	v6 =	vld [tilespmem:s24+$0x80]  }
0x40: {  	v9 =	vld [tilespmem:s24+$0x60]  }
0x41: {  	v10 =	vld [tilespmem:s24+$0x40]  }
0x42: {  	v12 =	vld [tilespmem:s24+$0x20]  }
0x43: {  	v15 =	vld [tilespmem:s24+$0x0]  }
0x44: {  	v16 =	vld [tilespmem:s24+$0xFFFFFFE0]  }
0x45: {  	v17 =	vld [tilespmem:s24+$0xFFFFFFC0]  }
0x46: {  	v18 =	vld [tilespmem:s24+$0xFFFFFFA0]  }
0x47: {  	v19 =	vimm.f32 $0.0e+00;
	v20 =	vld [tilespmem:s24+$0xFFFFFF80]  }
0x48: {  	v21 =	vld [tilespmem:s24+$0xFFFFFF60];
	v8 =	vshll.u32 v9, $0x10;
	v7 =	vshll.u32 v6, $0x10;
	v6 =	vand.u32 $0xFFFF0000, v6  }
0x49: {  	v22 =	vld [tilespmem:s24+$0xFFFFFF70];
	v11 =	vshll.u32 v10, $0x10;
	v10 =	vand.u32 $0xFFFF0000, v10;
	v9 =	vand.u32 $0xFFFF0000, v9  }
0x4a: {  	v14 =	vshll.u32 v15, $0x10;
	v13 =	vshll.u32 v12, $0x10;
	v12 =	vand.u32 $0xFFFF0000, v12  }
0x4b: {  	v23 =	vld [tilespmem:s24+$0xFFFFFF90];
	v25 =	vshll.u32 v16, $0x10;
	v26 =	vand.u32 $0xFFFF0000, v16;
	v15 =	vand.u32 $0xFFFF0000, v15  }
0x4c: {  	v16 =	vshll.u32 v18, $0x10;
	v24 =	vshll.u32 v17, $0x10;
	v17 =	vand.u32 $0xFFFF0000, v17  }
0x4d: {  	v28 =	vld [tilespmem:s24+$0xFFFFFFB0];
	v27 =	vshll.u32 v20, $0x10;
	v20 =	vand.u32 $0xFFFF0000, v20;
	v18 =	vand.u32 $0xFFFF0000, v18  }
0x4e: {  	v29 =	vshll.u32 v21, $0x10;
	v21 =	vand.u32 $0xFFFF0000, v21;
	v30 =	vshll.u32 v22, $0x10  }
0x4f: {  	v31 =	vld [tilespmem:s24+$0xFFFFFFD0];
	v22 =	vand.u32 $0xFFFF0000, v22;
	v29 =	vadd.f32 v29, v19;
	v21 =	vadd.f32 v21, v19  }
0x50: {  	v30 =	vadd.f32 v30, v19;
	v19 =	vadd.f32 v22, v19;
	v22 =	vshll.u32 v23, $0x10  }
0x51: {  	v23 =	vand.u32 $0xFFFF0000, v23;
	v27 =	vadd.f32 v27, v29;
	v20 =	vadd.f32 v20, v21;
	v21 =	vld [tilespmem:s24+$0xFFFFFFF0]  }
0x52: {  	v22 =	vadd.f32 v22, v30;
	v19 =	vadd.f32 v23, v19;
	v23 =	vshll.u32 v28, $0x10  }
0x53: {  	v28 =	vand.u32 $0xFFFF0000, v28;
	v16 =	vadd.f32 v16, v27;
	v20 =	vadd.f32 v18, v20;
	v18 =	vld [tilespmem:s24+$0x10]  }
0x54: {  	v22 =	vadd.f32 v23, v22;
	v19 =	vadd.f32 v28, v19;
	v23 =	vshll.u32 v31, $0x10  }
0x55: {  	v27 =	vand.u32 $0xFFFF0000, v31;
	v63 =	vadd.f32 v24, v16;
	v17 =	vadd.f32 v17, v20;
	v16 =	vld [tilespmem:s24+$0x30]  }
0x56: {  	v20 =	vadd.f32 v23, v22;
	v19 =	vadd.f32 v27, v19;
	v22 =	vshll.u32 v21, $0x10  }
0x57: {  	s25 =	simm.s32 $0x0;
	s26 =	simm.s32 $0x34F0;
	v24 =	vand.u32 $0xFFFF0000, v21;
	v23 =	vadd.f32 v25, v63;
	v21 =	vadd.f32 v26, v17;
	v17 =	vld [tilespmem:s24+$0x50]  }
.LBB2_5:
0x58: {  	v25 =	vld [tilespmem:s26+$0x80];
	v20 =	vadd.f32 v22, v20;
	v19 =	vadd.f32 v24, v19;
	v22 =	vshll.u32 v18, $0x10  }
0x59: {  	v18 =	vand.u32 $0xFFFF0000, v18;
	v14 =	vadd.f32 v14, v23;
	v15 =	vadd.f32 v15, v21;
	v21 =	vld [tilespmem:s24+$0x70]  }
0x5a: {  	v20 =	vadd.f32 v22, v20;
	v18 =	vadd.f32 v18, v19;
	v19 =	vshll.u32 v16, $0x10;
	v22 =	vld [tilespmem:s24+$0x90];
	s24 =	smov.u32 s26  }
0x5b: {  	v16 =	vand.u32 $0xFFFF0000, v16;
	v23 =	vld [tilespmem:s26+$0x60];
	v13 =	vadd.f32 v13, v14;
	v12 =	vadd.f32 v12, v15  }
0x5c: {  	v14 =	vld [tilespmem:s26+$0x40];
	v15 =	vadd.f32 v19, v20;
	v16 =	vadd.f32 v16, v18;
	v18 =	vshll.u32 v17, $0x10  }
0x5d: {  	v17 =	vand.u32 $0xFFFF0000, v17;
	v19 =	vld [tilespmem:s26+$0x20];
	v11 =	vadd.f32 v11, v13;
	v10 =	vadd.f32 v10, v12  }
0x5e: {  	v20 =	vld [tilespmem:s26+$0x0];
	v12 =	vadd.f32 v18, v15;
	v13 =	vadd.f32 v17, v16;
	v15 =	vshll.u32 v21, $0x10  }
0x5f: {  	v17 =	vand.u32 $0xFFFF0000, v21;
	v16 =	vld [tilespmem:s26+$0xFFFFFFE0];
	v8 =	vadd.f32 v8, v11;
	v9 =	vadd.f32 v9, v10  }
0x60: {  	v18 =	vld [tilespmem:s26+$0xFFFFFFC0];
	v10 =	vadd.f32 v15, v12;
	v11 =	vadd.f32 v17, v13;
	v12 =	vshll.u32 v22, $0x10  }
0x61: {  	v13 =	vand.u32 $0xFFFF0000, v22;
	v17 =	vld [tilespmem:s26+$0xFFFFFFA0];
	v21 =	vadd.f32 v7, v8;
	v22 =	vadd.f32 v6, v9  }
0x62: {  	v24 =	vld [tilespmem:s26+$0xFFFFFF80];
	v26 =	vadd.f32 v12, v10;
	v27 =	vadd.f32 v13, v11  }
0x63: {  	v8 =	vshll.u32 v23, $0x10;
	v7 =	vshll.u32 v25, $0x10;
	v6 =	vand.u32 $0xFFFF0000, v25;
	v28 =	vld [tilespmem:s26+$0xFFFFFF60]  }
0x64: {  	v9 =	vand.u32 $0xFFFF0000, v23;
	v11 =	vshll.u32 v14, $0x10;
	v10 =	vand.u32 $0xFFFF0000, v14;
	v25 =	vld [tilespmem:s26+$0xFFFFFF70]  }
0x65: {  	s25 =	sadd.s32 $0xA, s25;
	v13 =	vshll.u32 v19, $0x10;
	v12 =	vand.u32 $0xFFFF0000, v19;
	v14 =	vshll.u32 v20, $0x10  }
0x66: {  	p0 =	slt.u32 s25, $0x28;
	v15 =	vand.u32 $0xFFFF0000, v20;
	v23 =	vshll.u32 v16, $0x10;
	v29 =	vand.u32 $0xFFFF0000, v16;
	v19 =	vld [tilespmem:s26+$0xFFFFFF90]  }
0x67: {  	v20 =	vshll.u32 v18, $0x10;
	v30 =	vand.u32 $0xFFFF0000, v18;
	v16 =	vshll.u32 v17, $0x10  }
0x68: {  	v17 =	vand.u32 $0xFFFF0000, v17;
	v18 =	vshll.u32 v24, $0x10;
	v24 =	vand.u32 $0xFFFF0000, v24;
	v31 =	vld [tilespmem:s26+$0xFFFFFFB0]  }
0x69: {  	v32 =	vshll.u32 v28, $0x10;
	v28 =	vand.u32 $0xFFFF0000, v28;
	v33 =	vshll.u32 v25, $0x10  }
0x6a: {  	v25 =	vand.u32 $0xFFFF0000, v25;
	v21 =	vadd.f32 v32, v21;
	v22 =	vadd.f32 v28, v22;
	v28 =	vld [tilespmem:s26+$0xFFFFFFD0]  }
0x6b: {  	v26 =	vadd.f32 v33, v26;
	v25 =	vadd.f32 v25, v27;
	v27 =	vshll.u32 v19, $0x10  }
0x6c: {  	v19 =	vand.u32 $0xFFFF0000, v19;
	v18 =	vadd.f32 v18, v21;
	v21 =	vadd.f32 v24, v22;
	v24 =	vld [tilespmem:s26+$0xFFFFFFF0]  }
0x6d: {  	v22 =	vadd.f32 v27, v26;
	v19 =	vadd.f32 v19, v25;
	v25 =	vshll.u32 v31, $0x10  }
.Ltmp1:
0x6e: {  	v26 =	vand.u32 $0xFFFF0000, v31;
	v16 =	vadd.f32 v16, v18;
	v17 =	vadd.f32 v17, v21;
	v18 =	vld [tilespmem:s26+$0x10];
	(pc) =	sbr.rel @p0 .LBB2_5-.Ltmp1, $4  }
0x6f: {  	v21 =	vadd.f32 v25, v22;
	v19 =	vadd.f32 v26, v19;
	v22 =	vshll.u32 v28, $0x10  }
0x70: {  	v25 =	vand.u32 $0xFFFF0000, v28;
	v26 =	vadd.f32 v20, v16;
	v17 =	vadd.f32 v30, v17;
	v16 =	vld [tilespmem:s26+$0x30]  }
0x71: {  	v20 =	vadd.f32 v22, v21;
	v19 =	vadd.f32 v25, v19;
	v22 =	vshll.u32 v24, $0x10  }
0x72: {  	s26 =	sadd.s32 $0x140, s26;
	v24 =	vand.u32 $0xFFFF0000, v24;
	v23 =	vadd.f32 v23, v26;
	v21 =	vadd.f32 v29, v17;
	v17 =	vld [tilespmem:s24+$0x50]  }
0x73: {  	_ = 	snop  }
0x74: {  	v20 =	vadd.f32 v22, v20;
	v14 =	vadd.f32 v14, v23  }
0x75: {  	v19 =	vadd.f32 v24, v19;
	v22 =	vshll.u32 v18, $0x10;
	v15 =	vadd.f32 v15, v21  }
0x76: {  	v18 =	vand.u32 $0xFFFF0000, v18;
	v21 =	vld [tilespmem:s24+$0x70];
	v20 =	vadd.f32 v22, v20;
	v13 =	vadd.f32 v13, v14  }
0x77: {  	v14 =	vadd.f32 v18, v19;
	v18 =	vshll.u32 v16, $0x10;
	v12 =	vadd.f32 v12, v15  }
0x78: {  	v15 =	vld [tilespmem:s24+$0x90];
	v16 =	vand.u32 $0xFFFF0000, v16;
	v18 =	vadd.f32 v18, v20;
	v11 =	vadd.f32 v11, v13  }
0x79: {  	v13 =	vadd.f32 v16, v14;
	v14 =	vshll.u32 v17, $0x10;
	v10 =	vadd.f32 v10, v12  }
0x7a: {  	v12 =	vand.u32 $0xFFFF0000, v17;
	v14 =	vadd.f32 v14, v18;
	v8 =	vadd.f32 v8, v11  }
0x7b: {  	v11 =	vadd.f32 v12, v13;
	v12 =	vshll.u32 v21, $0x10;
	v9 =	vadd.f32 v9, v10  }
0x7c: {  	s31 =	sshll.u32 s23, $0xB;
	v10 =	vand.u32 $0xFFFF0000, v21;
	v12 =	vadd.f32 v12, v14;
	v7 =	vadd.f32 v7, v8  }
0x7d: {  	s24 =	sshra.s32 s31, $0x2;
	v8 =	vadd.f32 v10, v11;
	v10 =	vshll.u32 v15, $0x10;
	v6 =	vadd.f32 v6, v9  }
0x7e: {  	v9 =	vand.u32 $0xFFFF0000, v15;
	v10 =	vadd.f32 v10, v12;
	[tilespmem:s24+$0x6710] =	vst v7  }
0x7f: {  	v7 =	vadd.f32 v9, v8;
	[tilespmem:s24+$0x6720] =	vst v6  }
0x80: {  	[tilespmem:s24+$0x6730] =	vst v10  }
0x81: {  	s25 =	simm.s32 $0x3A80;
	[tilespmem:s24+$0x6740] =	vst v7  }
0x82: {  	v6 =	vld [tilespmem:s25+$0xFFFFFFF0]  }
0x83: {  	v9 =	vld [tilespmem:s25+$0xFFFFFFD0]  }
0x84: {  	v10 =	vld [tilespmem:s25+$0xFFFFFFB0]  }
0x85: {  	v12 =	vld [tilespmem:s25+$0xFFFFFF90]  }
0x86: {  	v15 =	vld [tilespmem:s25+$0xFFFFFF70]  }
0x87: {  	v16 =	vld [tilespmem:s25+$0xFFFFFF50]  }
0x88: {  	v17 =	vld [tilespmem:s25+$0xFFFFFF30]  }
0x89: {  	v18 =	vld [tilespmem:s25+$0xFFFFFF10]  }
0x8a: {  	v19 =	vimm.f32 $0.0e+00;
	v20 =	vld [tilespmem:s25+$0xFFFFFEF0]  }
0x8b: {  	v21 =	vld [tilespmem:s25+$0xFFFFFED0];
	v8 =	vshll.u32 v9, $0x10;
	v7 =	vshll.u32 v6, $0x10;
	v6 =	vand.u32 $0xFFFF0000, v6  }
0x8c: {  	v22 =	vld [tilespmem:s25+$0xFFFFFEE0];
	v11 =	vshll.u32 v10, $0x10;
	v10 =	vand.u32 $0xFFFF0000, v10;
	v9 =	vand.u32 $0xFFFF0000, v9  }
0x8d: {  	v14 =	vshll.u32 v15, $0x10;
	v13 =	vshll.u32 v12, $0x10;
	v12 =	vand.u32 $0xFFFF0000, v12  }
0x8e: {  	v23 =	vld [tilespmem:s25+$0xFFFFFF00];
	v25 =	vshll.u32 v16, $0x10;
	v26 =	vand.u32 $0xFFFF0000, v16;
	v15 =	vand.u32 $0xFFFF0000, v15  }
0x8f: {  	v16 =	vshll.u32 v18, $0x10;
	v24 =	vshll.u32 v17, $0x10;
	v17 =	vand.u32 $0xFFFF0000, v17  }
0x90: {  	v28 =	vld [tilespmem:s25+$0xFFFFFF20];
	v27 =	vshll.u32 v20, $0x10;
	v20 =	vand.u32 $0xFFFF0000, v20;
	v18 =	vand.u32 $0xFFFF0000, v18  }
0x91: {  	v29 =	vshll.u32 v21, $0x10;
	v21 =	vand.u32 $0xFFFF0000, v21;
	v30 =	vshll.u32 v22, $0x10  }
0x92: {  	v31 =	vld [tilespmem:s25+$0xFFFFFF40];
	v22 =	vand.u32 $0xFFFF0000, v22;
	v29 =	vadd.f32 v29, v19;
	v21 =	vadd.f32 v21, v19  }
0x93: {  	v30 =	vadd.f32 v30, v19;
	v19 =	vadd.f32 v22, v19;
	v22 =	vshll.u32 v23, $0x10  }
0x94: {  	v23 =	vand.u32 $0xFFFF0000, v23;
	v27 =	vadd.f32 v27, v29;
	v20 =	vadd.f32 v20, v21;
	v21 =	vld [tilespmem:s25+$0xFFFFFF60]  }
0x95: {  	v22 =	vadd.f32 v22, v30;
	v19 =	vadd.f32 v23, v19;
	v23 =	vshll.u32 v28, $0x10  }
0x96: {  	v28 =	vand.u32 $0xFFFF0000, v28;
	v16 =	vadd.f32 v16, v27;
	v20 =	vadd.f32 v18, v20;
	v18 =	vld [tilespmem:s25+$0xFFFFFF80]  }
0x97: {  	v22 =	vadd.f32 v23, v22;
	v19 =	vadd.f32 v28, v19;
	v23 =	vshll.u32 v31, $0x10  }
0x98: {  	v27 =	vand.u32 $0xFFFF0000, v31;
	v63 =	vadd.f32 v24, v16;
	v17 =	vadd.f32 v17, v20;
	v16 =	vld [tilespmem:s25+$0xFFFFFFA0]  }
0x99: {  	v20 =	vadd.f32 v23, v22;
	v19 =	vadd.f32 v27, v19;
	v22 =	vshll.u32 v21, $0x10  }
0x9a: {  	s26 =	simm.s32 $0x0;
	s28 =	simm.s32 $0x3BC0;
	v24 =	vand.u32 $0xFFFF0000, v21;
	v23 =	vadd.f32 v25, v63;
	v21 =	vadd.f32 v26, v17;
	v17 =	vld [tilespmem:s25+$0xFFFFFFC0]  }
.LBB2_7:
0x9b: {  	v25 =	vld [tilespmem:s28+$0xFFFFFFF0];
	v20 =	vadd.f32 v22, v20;
	v19 =	vadd.f32 v24, v19;
	v22 =	vshll.u32 v18, $0x10  }
0x9c: {  	v18 =	vand.u32 $0xFFFF0000, v18;
	v14 =	vadd.f32 v14, v23;
	v15 =	vadd.f32 v15, v21;
	v21 =	vld [tilespmem:s25+$0xFFFFFFE0]  }
0x9d: {  	v20 =	vadd.f32 v22, v20;
	v18 =	vadd.f32 v18, v19;
	v19 =	vshll.u32 v16, $0x10;
	v22 =	vld [tilespmem:s25+$0x0];
	s25 =	smov.u32 s28  }
0x9e: {  	v16 =	vand.u32 $0xFFFF0000, v16;
	v23 =	vld [tilespmem:s28+$0xFFFFFFD0];
	v13 =	vadd.f32 v13, v14;
	v12 =	vadd.f32 v12, v15  }
0x9f: {  	v14 =	vld [tilespmem:s28+$0xFFFFFFB0];
	v15 =	vadd.f32 v19, v20;
	v16 =	vadd.f32 v16, v18;
	v18 =	vshll.u32 v17, $0x10  }
0xa0: {  	v17 =	vand.u32 $0xFFFF0000, v17;
	v19 =	vld [tilespmem:s28+$0xFFFFFF90];
	v11 =	vadd.f32 v11, v13;
	v10 =	vadd.f32 v10, v12  }
0xa1: {  	v20 =	vld [tilespmem:s28+$0xFFFFFF70];
	v12 =	vadd.f32 v18, v15;
	v13 =	vadd.f32 v17, v16;
	v15 =	vshll.u32 v21, $0x10  }
0xa2: {  	v17 =	vand.u32 $0xFFFF0000, v21;
	v16 =	vld [tilespmem:s28+$0xFFFFFF50];
	v8 =	vadd.f32 v8, v11;
	v9 =	vadd.f32 v9, v10  }
0xa3: {  	v18 =	vld [tilespmem:s28+$0xFFFFFF30];
	v10 =	vadd.f32 v15, v12;
	v11 =	vadd.f32 v17, v13;
	v12 =	vshll.u32 v22, $0x10  }
0xa4: {  	v13 =	vand.u32 $0xFFFF0000, v22;
	v17 =	vld [tilespmem:s28+$0xFFFFFF10];
	v21 =	vadd.f32 v7, v8;
	v22 =	vadd.f32 v6, v9  }
0xa5: {  	v24 =	vld [tilespmem:s28+$0xFFFFFEF0];
	v26 =	vadd.f32 v12, v10;
	v27 =	vadd.f32 v13, v11  }
0xa6: {  	v8 =	vshll.u32 v23, $0x10;
	v7 =	vshll.u32 v25, $0x10;
	v6 =	vand.u32 $0xFFFF0000, v25;
	v28 =	vld [tilespmem:s28+$0xFFFFFED0]  }
0xa7: {  	v9 =	vand.u32 $0xFFFF0000, v23;
	v11 =	vshll.u32 v14, $0x10;
	v10 =	vand.u32 $0xFFFF0000, v14;
	v25 =	vld [tilespmem:s28+$0xFFFFFEE0]  }
0xa8: {  	s26 =	sadd.s32 $0xA, s26;
	v13 =	vshll.u32 v19, $0x10;
	v12 =	vand.u32 $0xFFFF0000, v19;
	v14 =	vshll.u32 v20, $0x10  }
0xa9: {  	p0 =	slt.u32 s26, $0x28;
	v15 =	vand.u32 $0xFFFF0000, v20;
	v23 =	vshll.u32 v16, $0x10;
	v29 =	vand.u32 $0xFFFF0000, v16;
	v19 =	vld [tilespmem:s28+$0xFFFFFF00]  }
0xaa: {  	v20 =	vshll.u32 v18, $0x10;
	v30 =	vand.u32 $0xFFFF0000, v18;
	v16 =	vshll.u32 v17, $0x10  }
0xab: {  	v17 =	vand.u32 $0xFFFF0000, v17;
	v18 =	vshll.u32 v24, $0x10;
	v24 =	vand.u32 $0xFFFF0000, v24;
	v31 =	vld [tilespmem:s28+$0xFFFFFF20]  }
0xac: {  	v32 =	vshll.u32 v28, $0x10;
	v28 =	vand.u32 $0xFFFF0000, v28;
	v33 =	vshll.u32 v25, $0x10  }
0xad: {  	v25 =	vand.u32 $0xFFFF0000, v25;
	v21 =	vadd.f32 v32, v21;
	v22 =	vadd.f32 v28, v22;
	v28 =	vld [tilespmem:s28+$0xFFFFFF40]  }
0xae: {  	v26 =	vadd.f32 v33, v26;
	v25 =	vadd.f32 v25, v27;
	v27 =	vshll.u32 v19, $0x10  }
0xaf: {  	v19 =	vand.u32 $0xFFFF0000, v19;
	v18 =	vadd.f32 v18, v21;
	v21 =	vadd.f32 v24, v22;
	v24 =	vld [tilespmem:s28+$0xFFFFFF60]  }
0xb0: {  	v22 =	vadd.f32 v27, v26;
	v19 =	vadd.f32 v19, v25;
	v25 =	vshll.u32 v31, $0x10  }
.Ltmp2:
0xb1: {  	v26 =	vand.u32 $0xFFFF0000, v31;
	v16 =	vadd.f32 v16, v18;
	v17 =	vadd.f32 v17, v21;
	v18 =	vld [tilespmem:s28+$0xFFFFFF80];
	(pc) =	sbr.rel @p0 .LBB2_7-.Ltmp2, $4  }
0xb2: {  	v21 =	vadd.f32 v25, v22;
	v19 =	vadd.f32 v26, v19;
	v22 =	vshll.u32 v28, $0x10  }
0xb3: {  	v25 =	vand.u32 $0xFFFF0000, v28;
	v26 =	vadd.f32 v20, v16;
	v17 =	vadd.f32 v30, v17;
	v16 =	vld [tilespmem:s28+$0xFFFFFFA0]  }
0xb4: {  	v20 =	vadd.f32 v22, v21;
	v19 =	vadd.f32 v25, v19;
	v22 =	vshll.u32 v24, $0x10  }
0xb5: {  	s28 =	sadd.s32 $0x140, s28;
	v24 =	vand.u32 $0xFFFF0000, v24;
	v23 =	vadd.f32 v23, v26;
	v21 =	vadd.f32 v29, v17;
	v17 =	vld [tilespmem:s25+$0xFFFFFFC0]  }
0xb6: {  	_ = 	snop  }
0xb7: {  	v20 =	vadd.f32 v22, v20;
	v14 =	vadd.f32 v14, v23  }
0xb8: {  	v19 =	vadd.f32 v24, v19;
	v22 =	vshll.u32 v18, $0x10;
	v15 =	vadd.f32 v15, v21  }
0xb9: {  	v18 =	vand.u32 $0xFFFF0000, v18;
	v21 =	vld [tilespmem:s25+$0xFFFFFFE0];
	v20 =	vadd.f32 v22, v20;
	v13 =	vadd.f32 v13, v14  }
0xba: {  	v14 =	vadd.f32 v18, v19;
	v18 =	vshll.u32 v16, $0x10;
	v12 =	vadd.f32 v12, v15  }
0xbb: {  	v15 =	vld [tilespmem:s25+$0x0];
	v16 =	vand.u32 $0xFFFF0000, v16;
	v18 =	vadd.f32 v18, v20;
	v11 =	vadd.f32 v11, v13  }
0xbc: {  	v13 =	vadd.f32 v16, v14;
	v14 =	vshll.u32 v17, $0x10;
	v10 =	vadd.f32 v10, v12  }
0xbd: {  	v12 =	vand.u32 $0xFFFF0000, v17;
	v14 =	vadd.f32 v14, v18;
	v8 =	vadd.f32 v8, v11  }
0xbe: {  	v11 =	vadd.f32 v12, v13;
	v12 =	vshll.u32 v21, $0x10;
	v9 =	vadd.f32 v9, v10  }
0xbf: {  	v10 =	vand.u32 $0xFFFF0000, v21;
	v12 =	vadd.f32 v12, v14;
	v7 =	vadd.f32 v7, v8  }
0xc0: {  	p0 =	seq.s32 s23, $0xF;
	v8 =	vadd.f32 v10, v11;
	v10 =	vshll.u32 v15, $0x10;
	v6 =	vadd.f32 v6, v9  }
0xc1: {  	s25 =	smul.u32 @!p0 $0x680, s23;
	v9 =	vand.u32 $0xFFFF0000, v15;
	v10 =	vadd.f32 v10, v12;
	[tilespmem:s24+$0x6750] =	vst v7  }
0xc2: {  	v7 =	vadd.f32 v9, v8;
	[tilespmem:s24+$0x6760] =	vst v6  }
0xc3: {  	s25 =	sshra.s32 @!p0 s25, $0x2;
	[tilespmem:s24+$0x6770] =	vst v10  }
0xc4: {  	s28 =	simm.s32 @!p0 $0x68;
	s29 =	simm.s32 @!p0 $0x3310;
	s26 =	sadd.s32 @!p0 $0x1AA0, s25;
	[tilespmem:s24+$0x6780] =	vst v7  }
0xc5: {  	[tilespmem:s29], [sflag:$0x1] =	stream.indirect.gather @!p0 [hbm4b:s3+s28], $0x20, s26, s28, $0xb8;
	[tilespmem:$0xA710] =	vst v63  }
0xc6: {  	_ =	swait.ge [sflag:s18], $0xD00  }
0xc7: {  	[sflag:s18] =	ssyncset.done $0x0  }
0xc8: {  	s26 =	simm.s32 $0x40B0;
	[sflag:s18] =	ssyncadd.s32 $0xFFFFF300  }
0xc9: {  	v6 =	vld [tilespmem:s26+$0x80]  }
0xca: {  	v9 =	vld [tilespmem:s26+$0x60]  }
0xcb: {  	v10 =	vld [tilespmem:s26+$0x40]  }
0xcc: {  	v12 =	vld [tilespmem:s26+$0x20]  }
0xcd: {  	v15 =	vld [tilespmem:s26+$0x0]  }
0xce: {  	v16 =	vld [tilespmem:s26+$0xFFFFFFE0]  }
0xcf: {  	v17 =	vld [tilespmem:s26+$0xFFFFFFC0]  }
0xd0: {  	v18 =	vld [tilespmem:s26+$0xFFFFFFA0]  }
0xd1: {  	v19 =	vimm.f32 $0.0e+00;
	v20 =	vld [tilespmem:s26+$0xFFFFFF80]  }
0xd2: {  	v21 =	vld [tilespmem:s26+$0xFFFFFF60];
	v8 =	vshll.u32 v9, $0x10;
	v7 =	vshll.u32 v6, $0x10;
	v6 =	vand.u32 $0xFFFF0000, v6  }
0xd3: {  	v22 =	vld [tilespmem:s26+$0xFFFFFF70];
	v11 =	vshll.u32 v10, $0x10;
	v10 =	vand.u32 $0xFFFF0000, v10;
	v9 =	vand.u32 $0xFFFF0000, v9  }
0xd4: {  	v14 =	vshll.u32 v15, $0x10;
	v13 =	vshll.u32 v12, $0x10;
	v12 =	vand.u32 $0xFFFF0000, v12  }
0xd5: {  	v23 =	vld [tilespmem:s26+$0xFFFFFF90];
	v25 =	vshll.u32 v16, $0x10;
	v26 =	vand.u32 $0xFFFF0000, v16;
	v15 =	vand.u32 $0xFFFF0000, v15  }
0xd6: {  	v16 =	vshll.u32 v18, $0x10;
	v24 =	vshll.u32 v17, $0x10;
	v17 =	vand.u32 $0xFFFF0000, v17  }
0xd7: {  	v28 =	vld [tilespmem:s26+$0xFFFFFFB0];
	v27 =	vshll.u32 v20, $0x10;
	v20 =	vand.u32 $0xFFFF0000, v20;
	v18 =	vand.u32 $0xFFFF0000, v18  }
0xd8: {  	v29 =	vshll.u32 v21, $0x10;
	v21 =	vand.u32 $0xFFFF0000, v21;
	v30 =	vshll.u32 v22, $0x10  }
0xd9: {  	v31 =	vld [tilespmem:s26+$0xFFFFFFD0];
	v22 =	vand.u32 $0xFFFF0000, v22;
	v29 =	vadd.f32 v29, v19;
	v21 =	vadd.f32 v21, v19  }
0xda: {  	v30 =	vadd.f32 v30, v19;
	v19 =	vadd.f32 v22, v19;
	v22 =	vshll.u32 v23, $0x10  }
0xdb: {  	v23 =	vand.u32 $0xFFFF0000, v23;
	v27 =	vadd.f32 v27, v29;
	v20 =	vadd.f32 v20, v21;
	v21 =	vld [tilespmem:s26+$0xFFFFFFF0]  }
0xdc: {  	v22 =	vadd.f32 v22, v30;
	v19 =	vadd.f32 v23, v19;
	v23 =	vshll.u32 v28, $0x10  }
0xdd: {  	v28 =	vand.u32 $0xFFFF0000, v28;
	v16 =	vadd.f32 v16, v27;
	v20 =	vadd.f32 v18, v20;
	v18 =	vld [tilespmem:s26+$0x10]  }
0xde: {  	v22 =	vadd.f32 v23, v22;
	v19 =	vadd.f32 v28, v19;
	v23 =	vshll.u32 v31, $0x10  }
0xdf: {  	v27 =	vand.u32 $0xFFFF0000, v31;
	v63 =	vadd.f32 v24, v16;
	v17 =	vadd.f32 v17, v20;
	v16 =	vld [tilespmem:s26+$0x30]  }
0xe0: {  	v20 =	vadd.f32 v23, v22;
	v19 =	vadd.f32 v27, v19;
	v22 =	vshll.u32 v21, $0x10  }
0xe1: {  	s28 =	simm.s32 $0x0;
	s29 =	simm.s32 $0x41F0;
	v24 =	vand.u32 $0xFFFF0000, v21;
	v23 =	vadd.f32 v25, v63;
	v21 =	vadd.f32 v26, v17;
	v17 =	vld [tilespmem:s26+$0x50]  }
.LBB2_9:
0xe2: {  	v25 =	vld [tilespmem:s29+$0x80];
	v20 =	vadd.f32 v22, v20;
	v19 =	vadd.f32 v24, v19;
	v22 =	vshll.u32 v18, $0x10  }
0xe3: {  	v18 =	vand.u32 $0xFFFF0000, v18;
	v14 =	vadd.f32 v14, v23;
	v15 =	vadd.f32 v15, v21;
	v21 =	vld [tilespmem:s26+$0x70]  }
0xe4: {  	v20 =	vadd.f32 v22, v20;
	v18 =	vadd.f32 v18, v19;
	v19 =	vshll.u32 v16, $0x10;
	v22 =	vld [tilespmem:s26+$0x90];
	s26 =	smov.u32 s29  }
0xe5: {  	v16 =	vand.u32 $0xFFFF0000, v16;
	v23 =	vld [tilespmem:s29+$0x60];
	v13 =	vadd.f32 v13, v14;
	v12 =	vadd.f32 v12, v15  }
0xe6: {  	v14 =	vld [tilespmem:s29+$0x40];
	v15 =	vadd.f32 v19, v20;
	v16 =	vadd.f32 v16, v18;
	v18 =	vshll.u32 v17, $0x10  }
0xe7: {  	v17 =	vand.u32 $0xFFFF0000, v17;
	v19 =	vld [tilespmem:s29+$0x20];
	v11 =	vadd.f32 v11, v13;
	v10 =	vadd.f32 v10, v12  }
0xe8: {  	v20 =	vld [tilespmem:s29+$0x0];
	v12 =	vadd.f32 v18, v15;
	v13 =	vadd.f32 v17, v16;
	v15 =	vshll.u32 v21, $0x10  }
0xe9: {  	v17 =	vand.u32 $0xFFFF0000, v21;
	v16 =	vld [tilespmem:s29+$0xFFFFFFE0];
	v8 =	vadd.f32 v8, v11;
	v9 =	vadd.f32 v9, v10  }
0xea: {  	v18 =	vld [tilespmem:s29+$0xFFFFFFC0];
	v10 =	vadd.f32 v15, v12;
	v11 =	vadd.f32 v17, v13;
	v12 =	vshll.u32 v22, $0x10  }
0xeb: {  	v13 =	vand.u32 $0xFFFF0000, v22;
	v17 =	vld [tilespmem:s29+$0xFFFFFFA0];
	v21 =	vadd.f32 v7, v8;
	v22 =	vadd.f32 v6, v9  }
0xec: {  	v24 =	vld [tilespmem:s29+$0xFFFFFF80];
	v26 =	vadd.f32 v12, v10;
	v27 =	vadd.f32 v13, v11  }
0xed: {  	v8 =	vshll.u32 v23, $0x10;
	v7 =	vshll.u32 v25, $0x10;
	v6 =	vand.u32 $0xFFFF0000, v25;
	v28 =	vld [tilespmem:s29+$0xFFFFFF60]  }
0xee: {  	v9 =	vand.u32 $0xFFFF0000, v23;
	v11 =	vshll.u32 v14, $0x10;
	v10 =	vand.u32 $0xFFFF0000, v14;
	v25 =	vld [tilespmem:s29+$0xFFFFFF70]  }
0xef: {  	s28 =	sadd.s32 $0xA, s28;
	v13 =	vshll.u32 v19, $0x10;
	v12 =	vand.u32 $0xFFFF0000, v19;
	v14 =	vshll.u32 v20, $0x10  }
0xf0: {  	p1 =	slt.u32 s28, $0x28;
	v15 =	vand.u32 $0xFFFF0000, v20;
	v23 =	vshll.u32 v16, $0x10;
	v29 =	vand.u32 $0xFFFF0000, v16;
	v19 =	vld [tilespmem:s29+$0xFFFFFF90]  }
0xf1: {  	v20 =	vshll.u32 v18, $0x10;
	v30 =	vand.u32 $0xFFFF0000, v18;
	v16 =	vshll.u32 v17, $0x10  }
0xf2: {  	v17 =	vand.u32 $0xFFFF0000, v17;
	v18 =	vshll.u32 v24, $0x10;
	v24 =	vand.u32 $0xFFFF0000, v24;
	v31 =	vld [tilespmem:s29+$0xFFFFFFB0]  }
0xf3: {  	v32 =	vshll.u32 v28, $0x10;
	v28 =	vand.u32 $0xFFFF0000, v28;
	v33 =	vshll.u32 v25, $0x10  }
0xf4: {  	v25 =	vand.u32 $0xFFFF0000, v25;
	v21 =	vadd.f32 v32, v21;
	v22 =	vadd.f32 v28, v22;
	v28 =	vld [tilespmem:s29+$0xFFFFFFD0]  }
0xf5: {  	v26 =	vadd.f32 v33, v26;
	v25 =	vadd.f32 v25, v27;
	v27 =	vshll.u32 v19, $0x10  }
0xf6: {  	v19 =	vand.u32 $0xFFFF0000, v19;
	v18 =	vadd.f32 v18, v21;
	v21 =	vadd.f32 v24, v22;
	v24 =	vld [tilespmem:s29+$0xFFFFFFF0]  }
0xf7: {  	v22 =	vadd.f32 v27, v26;
	v19 =	vadd.f32 v19, v25;
	v25 =	vshll.u32 v31, $0x10  }
.Ltmp3:
0xf8: {  	v26 =	vand.u32 $0xFFFF0000, v31;
	v16 =	vadd.f32 v16, v18;
	v17 =	vadd.f32 v17, v21;
	v18 =	vld [tilespmem:s29+$0x10];
	(pc) =	sbr.rel @p1 .LBB2_9-.Ltmp3, $4  }
0xf9: {  	v21 =	vadd.f32 v25, v22;
	v19 =	vadd.f32 v26, v19;
	v22 =	vshll.u32 v28, $0x10  }
0xfa: {  	v25 =	vand.u32 $0xFFFF0000, v28;
	v26 =	vadd.f32 v20, v16;
	v17 =	vadd.f32 v30, v17;
	v16 =	vld [tilespmem:s29+$0x30]  }
0xfb: {  	v20 =	vadd.f32 v22, v21;
	v19 =	vadd.f32 v25, v19;
	v22 =	vshll.u32 v24, $0x10  }
0xfc: {  	s29 =	sadd.s32 $0x140, s29;
	v24 =	vand.u32 $0xFFFF0000, v24;
	v23 =	vadd.f32 v23, v26;
	v21 =	vadd.f32 v29, v17;
	v17 =	vld [tilespmem:s26+$0x50]  }
0xfd: {  	_ = 	snop  }
0xfe: {  	v20 =	vadd.f32 v22, v20;
	v14 =	vadd.f32 v14, v23  }
0xff: {  	v19 =	vadd.f32 v24, v19;
	v22 =	vshll.u32 v18, $0x10;
	v15 =	vadd.f32 v15, v21  }
0x100: {  	v18 =	vand.u32 $0xFFFF0000, v18;
	v21 =	vld [tilespmem:s26+$0x70];
	v20 =	vadd.f32 v22, v20;
	v13 =	vadd.f32 v13, v14  }
0x101: {  	v14 =	vadd.f32 v18, v19;
	v18 =	vshll.u32 v16, $0x10;
	v12 =	vadd.f32 v12, v15  }
0x102: {  	v15 =	vld [tilespmem:s26+$0x90];
	v16 =	vand.u32 $0xFFFF0000, v16;
	v18 =	vadd.f32 v18, v20;
	v11 =	vadd.f32 v11, v13  }
0x103: {  	v13 =	vadd.f32 v16, v14;
	v14 =	vshll.u32 v17, $0x10;
	v10 =	vadd.f32 v10, v12  }
0x104: {  	v12 =	vand.u32 $0xFFFF0000, v17;
	v14 =	vadd.f32 v14, v18;
	v8 =	vadd.f32 v8, v11  }
0x105: {  	v11 =	vadd.f32 v12, v13;
	v12 =	vshll.u32 v21, $0x10;
	v9 =	vadd.f32 v9, v10  }
0x106: {  	v10 =	vand.u32 $0xFFFF0000, v21;
	v12 =	vadd.f32 v12, v14;
	v7 =	vadd.f32 v7, v8  }
0x107: {  	v8 =	vadd.f32 v10, v11;
	v10 =	vshll.u32 v15, $0x10;
	v6 =	vadd.f32 v6, v9  }
0x108: {  	v9 =	vand.u32 $0xFFFF0000, v15;
	v10 =	vadd.f32 v10, v12;
	[tilespmem:s24+$0x6790] =	vst v7  }
0x109: {  	v7 =	vadd.f32 v9, v8;
	[tilespmem:s24+$0x67A0] =	vst v6  }
0x10a: {  	[tilespmem:s24+$0x67B0] =	vst v10  }
0x10b: {  	s26 =	simm.s32 $0x4780;
	[tilespmem:s24+$0x67C0] =	vst v7  }
0x10c: {  	v6 =	vld [tilespmem:s26+$0xFFFFFFF0]  }
0x10d: {  	v9 =	vld [tilespmem:s26+$0xFFFFFFD0]  }
0x10e: {  	v10 =	vld [tilespmem:s26+$0xFFFFFFB0]  }
0x10f: {  	v12 =	vld [tilespmem:s26+$0xFFFFFF90]  }
0x110: {  	v15 =	vld [tilespmem:s26+$0xFFFFFF70]  }
0x111: {  	v16 =	vld [tilespmem:s26+$0xFFFFFF50]  }
0x112: {  	v17 =	vld [tilespmem:s26+$0xFFFFFF30]  }
0x113: {  	v18 =	vld [tilespmem:s26+$0xFFFFFF10]  }
0x114: {  	v19 =	vimm.f32 $0.0e+00;
	v20 =	vld [tilespmem:s26+$0xFFFFFEF0]  }
0x115: {  	v21 =	vld [tilespmem:s26+$0xFFFFFED0];
	v8 =	vshll.u32 v9, $0x10;
	v7 =	vshll.u32 v6, $0x10;
	v6 =	vand.u32 $0xFFFF0000, v6  }
0x116: {  	v22 =	vld [tilespmem:s26+$0xFFFFFEE0];
	v11 =	vshll.u32 v10, $0x10;
	v10 =	vand.u32 $0xFFFF0000, v10;
	v9 =	vand.u32 $0xFFFF0000, v9  }
0x117: {  	v14 =	vshll.u32 v15, $0x10;
	v13 =	vshll.u32 v12, $0x10;
	v12 =	vand.u32 $0xFFFF0000, v12  }
0x118: {  	v23 =	vld [tilespmem:s26+$0xFFFFFF00];
	v25 =	vshll.u32 v16, $0x10;
	v26 =	vand.u32 $0xFFFF0000, v16;
	v15 =	vand.u32 $0xFFFF0000, v15  }
0x119: {  	v16 =	vshll.u32 v18, $0x10;
	v24 =	vshll.u32 v17, $0x10;
	v17 =	vand.u32 $0xFFFF0000, v17  }
0x11a: {  	v28 =	vld [tilespmem:s26+$0xFFFFFF20];
	v27 =	vshll.u32 v20, $0x10;
	v20 =	vand.u32 $0xFFFF0000, v20;
	v18 =	vand.u32 $0xFFFF0000, v18  }
0x11b: {  	v29 =	vshll.u32 v21, $0x10;
	v21 =	vand.u32 $0xFFFF0000, v21;
	v30 =	vshll.u32 v22, $0x10  }
0x11c: {  	v31 =	vld [tilespmem:s26+$0xFFFFFF40];
	v22 =	vand.u32 $0xFFFF0000, v22;
	v29 =	vadd.f32 v29, v19;
	v21 =	vadd.f32 v21, v19  }
0x11d: {  	v30 =	vadd.f32 v30, v19;
	v19 =	vadd.f32 v22, v19;
	v22 =	vshll.u32 v23, $0x10  }
0x11e: {  	v23 =	vand.u32 $0xFFFF0000, v23;
	v27 =	vadd.f32 v27, v29;
	v20 =	vadd.f32 v20, v21;
	v21 =	vld [tilespmem:s26+$0xFFFFFF60]  }
0x11f: {  	v22 =	vadd.f32 v22, v30;
	v19 =	vadd.f32 v23, v19;
	v23 =	vshll.u32 v28, $0x10  }
0x120: {  	v28 =	vand.u32 $0xFFFF0000, v28;
	v16 =	vadd.f32 v16, v27;
	v20 =	vadd.f32 v18, v20;
	v18 =	vld [tilespmem:s26+$0xFFFFFF80]  }
0x121: {  	v22 =	vadd.f32 v23, v22;
	v19 =	vadd.f32 v28, v19;
	v23 =	vshll.u32 v31, $0x10  }
0x122: {  	v27 =	vand.u32 $0xFFFF0000, v31;
	v63 =	vadd.f32 v24, v16;
	v17 =	vadd.f32 v17, v20;
	v16 =	vld [tilespmem:s26+$0xFFFFFFA0]  }
0x123: {  	v20 =	vadd.f32 v23, v22;
	v19 =	vadd.f32 v27, v19;
	v22 =	vshll.u32 v21, $0x10  }
0x124: {  	s28 =	simm.s32 $0x0;
	s29 =	simm.s32 $0x48C0;
	v24 =	vand.u32 $0xFFFF0000, v21;
	v23 =	vadd.f32 v25, v63;
	v21 =	vadd.f32 v26, v17;
	v17 =	vld [tilespmem:s26+$0xFFFFFFC0]  }
.LBB2_11:
0x125: {  	v25 =	vld [tilespmem:s29+$0xFFFFFFF0];
	v20 =	vadd.f32 v22, v20;
	v19 =	vadd.f32 v24, v19;
	v22 =	vshll.u32 v18, $0x10  }
0x126: {  	v18 =	vand.u32 $0xFFFF0000, v18;
	v14 =	vadd.f32 v14, v23;
	v15 =	vadd.f32 v15, v21;
	v21 =	vld [tilespmem:s26+$0xFFFFFFE0]  }
0x127: {  	v20 =	vadd.f32 v22, v20;
	v18 =	vadd.f32 v18, v19;
	v19 =	vshll.u32 v16, $0x10;
	v22 =	vld [tilespmem:s26+$0x0];
	s26 =	smov.u32 s29  }
0x128: {  	v16 =	vand.u32 $0xFFFF0000, v16;
	v23 =	vld [tilespmem:s29+$0xFFFFFFD0];
	v13 =	vadd.f32 v13, v14;
	v12 =	vadd.f32 v12, v15  }
0x129: {  	v14 =	vld [tilespmem:s29+$0xFFFFFFB0];
	v15 =	vadd.f32 v19, v20;
	v16 =	vadd.f32 v16, v18;
	v18 =	vshll.u32 v17, $0x10  }
0x12a: {  	v17 =	vand.u32 $0xFFFF0000, v17;
	v19 =	vld [tilespmem:s29+$0xFFFFFF90];
	v11 =	vadd.f32 v11, v13;
	v10 =	vadd.f32 v10, v12  }
0x12b: {  	v20 =	vld [tilespmem:s29+$0xFFFFFF70];
	v12 =	vadd.f32 v18, v15;
	v13 =	vadd.f32 v17, v16;
	v15 =	vshll.u32 v21, $0x10  }
0x12c: {  	v17 =	vand.u32 $0xFFFF0000, v21;
	v16 =	vld [tilespmem:s29+$0xFFFFFF50];
	v8 =	vadd.f32 v8, v11;
	v9 =	vadd.f32 v9, v10  }
0x12d: {  	v18 =	vld [tilespmem:s29+$0xFFFFFF30];
	v10 =	vadd.f32 v15, v12;
	v11 =	vadd.f32 v17, v13;
	v12 =	vshll.u32 v22, $0x10  }
0x12e: {  	v13 =	vand.u32 $0xFFFF0000, v22;
	v17 =	vld [tilespmem:s29+$0xFFFFFF10];
	v21 =	vadd.f32 v7, v8;
	v22 =	vadd.f32 v6, v9  }
0x12f: {  	v24 =	vld [tilespmem:s29+$0xFFFFFEF0];
	v26 =	vadd.f32 v12, v10;
	v27 =	vadd.f32 v13, v11  }
0x130: {  	v8 =	vshll.u32 v23, $0x10;
	v7 =	vshll.u32 v25, $0x10;
	v6 =	vand.u32 $0xFFFF0000, v25;
	v28 =	vld [tilespmem:s29+$0xFFFFFED0]  }
0x131: {  	v9 =	vand.u32 $0xFFFF0000, v23;
	v11 =	vshll.u32 v14, $0x10;
	v10 =	vand.u32 $0xFFFF0000, v14;
	v25 =	vld [tilespmem:s29+$0xFFFFFEE0]  }
0x132: {  	s28 =	sadd.s32 $0xA, s28;
	v13 =	vshll.u32 v19, $0x10;
	v12 =	vand.u32 $0xFFFF0000, v19;
	v14 =	vshll.u32 v20, $0x10  }
0x133: {  	p1 =	slt.u32 s28, $0x28;
	v15 =	vand.u32 $0xFFFF0000, v20;
	v23 =	vshll.u32 v16, $0x10;
	v29 =	vand.u32 $0xFFFF0000, v16;
	v19 =	vld [tilespmem:s29+$0xFFFFFF00]  }
0x134: {  	v20 =	vshll.u32 v18, $0x10;
	v30 =	vand.u32 $0xFFFF0000, v18;
	v16 =	vshll.u32 v17, $0x10  }
0x135: {  	v17 =	vand.u32 $0xFFFF0000, v17;
	v18 =	vshll.u32 v24, $0x10;
	v24 =	vand.u32 $0xFFFF0000, v24;
	v31 =	vld [tilespmem:s29+$0xFFFFFF20]  }
0x136: {  	v32 =	vshll.u32 v28, $0x10;
	v28 =	vand.u32 $0xFFFF0000, v28;
	v33 =	vshll.u32 v25, $0x10  }
0x137: {  	v25 =	vand.u32 $0xFFFF0000, v25;
	v21 =	vadd.f32 v32, v21;
	v22 =	vadd.f32 v28, v22;
	v28 =	vld [tilespmem:s29+$0xFFFFFF40]  }
0x138: {  	v26 =	vadd.f32 v33, v26;
	v25 =	vadd.f32 v25, v27;
	v27 =	vshll.u32 v19, $0x10  }
0x139: {  	v19 =	vand.u32 $0xFFFF0000, v19;
	v18 =	vadd.f32 v18, v21;
	v21 =	vadd.f32 v24, v22;
	v24 =	vld [tilespmem:s29+$0xFFFFFF60]  }
0x13a: {  	v22 =	vadd.f32 v27, v26;
	v19 =	vadd.f32 v19, v25;
	v25 =	vshll.u32 v31, $0x10  }
.Ltmp4:
0x13b: {  	v26 =	vand.u32 $0xFFFF0000, v31;
	v16 =	vadd.f32 v16, v18;
	v17 =	vadd.f32 v17, v21;
	v18 =	vld [tilespmem:s29+$0xFFFFFF80];
	(pc) =	sbr.rel @p1 .LBB2_11-.Ltmp4, $4  }
0x13c: {  	v21 =	vadd.f32 v25, v22;
	v19 =	vadd.f32 v26, v19;
	v22 =	vshll.u32 v28, $0x10  }
0x13d: {  	v25 =	vand.u32 $0xFFFF0000, v28;
	v26 =	vadd.f32 v20, v16;
	v17 =	vadd.f32 v30, v17;
	v16 =	vld [tilespmem:s29+$0xFFFFFFA0]  }
0x13e: {  	v20 =	vadd.f32 v22, v21;
	v19 =	vadd.f32 v25, v19;
	v22 =	vshll.u32 v24, $0x10  }
0x13f: {  	s29 =	sadd.s32 $0x140, s29;
	v24 =	vand.u32 $0xFFFF0000, v24;
	v23 =	vadd.f32 v23, v26;
	v21 =	vadd.f32 v29, v17;
	v17 =	vld [tilespmem:s26+$0xFFFFFFC0]  }
0x140: {  	_ = 	snop  }
0x141: {  	v20 =	vadd.f32 v22, v20;
	v14 =	vadd.f32 v14, v23  }
0x142: {  	v19 =	vadd.f32 v24, v19;
	v22 =	vshll.u32 v18, $0x10;
	v15 =	vadd.f32 v15, v21  }
0x143: {  	v18 =	vand.u32 $0xFFFF0000, v18;
	v21 =	vld [tilespmem:s26+$0xFFFFFFE0];
	v20 =	vadd.f32 v22, v20;
	v13 =	vadd.f32 v13, v14  }
0x144: {  	v14 =	vadd.f32 v18, v19;
	v18 =	vshll.u32 v16, $0x10;
	v12 =	vadd.f32 v12, v15  }
0x145: {  	v15 =	vld [tilespmem:s26+$0x0];
	v16 =	vand.u32 $0xFFFF0000, v16;
	v18 =	vadd.f32 v18, v20;
	v11 =	vadd.f32 v11, v13  }
0x146: {  	v13 =	vadd.f32 v16, v14;
	v14 =	vshll.u32 v17, $0x10;
	v10 =	vadd.f32 v10, v12  }
0x147: {  	v12 =	vand.u32 $0xFFFF0000, v17;
	v14 =	vadd.f32 v14, v18;
	v8 =	vadd.f32 v8, v11  }
0x148: {  	v11 =	vadd.f32 v12, v13;
	v12 =	vshll.u32 v21, $0x10;
	v9 =	vadd.f32 v9, v10  }
0x149: {  	v10 =	vand.u32 $0xFFFF0000, v21;
	v12 =	vadd.f32 v12, v14;
	v7 =	vadd.f32 v7, v8  }
0x14a: {  	v8 =	vadd.f32 v10, v11;
	v10 =	vshll.u32 v15, $0x10;
	v6 =	vadd.f32 v6, v9  }
0x14b: {  	v9 =	vand.u32 $0xFFFF0000, v15;
	v10 =	vadd.f32 v10, v12;
	[tilespmem:s24+$0x67D0] =	vst v7  }
0x14c: {  	v7 =	vadd.f32 v9, v8;
	[tilespmem:s24+$0x67E0] =	vst v6  }
0x14d: {  	[tilespmem:s24+$0x67F0] =	vst v10  }
0x14e: {  	s28 =	simm.s32 @!p0 $0x68;
	s29 =	simm.s32 @!p0 $0x4010;
	s26 =	sadd.s32 @!p0 $0x1B08, s25;
	[tilespmem:s24+$0x6800] =	vst v7  }
0x14f: {  	[tilespmem:s29], [sflag:$0x2] =	stream.indirect.gather @!p0 [hbm4b:s3+s28], $0x20, s26, s28, $0xb8;
	[tilespmem:$0xA710] =	vst v63  }
0x150: {  	_ =	swait.ge [sflag:s19], $0xD00  }
0x151: {  	[sflag:s19] =	ssyncset.done $0x0  }
0x152: {  	s26 =	simm.s32 $0x4DB0;
	[sflag:s19] =	ssyncadd.s32 $0xFFFFF300  }
0x153: {  	v6 =	vld [tilespmem:s26+$0x80]  }
0x154: {  	v9 =	vld [tilespmem:s26+$0x60]  }
0x155: {  	v10 =	vld [tilespmem:s26+$0x40]  }
0x156: {  	v12 =	vld [tilespmem:s26+$0x20]  }
0x157: {  	v15 =	vld [tilespmem:s26+$0x0]  }
0x158: {  	v16 =	vld [tilespmem:s26+$0xFFFFFFE0]  }
0x159: {  	v17 =	vld [tilespmem:s26+$0xFFFFFFC0]  }
0x15a: {  	v18 =	vld [tilespmem:s26+$0xFFFFFFA0]  }
0x15b: {  	v19 =	vimm.f32 $0.0e+00;
	v20 =	vld [tilespmem:s26+$0xFFFFFF80]  }
0x15c: {  	v21 =	vld [tilespmem:s26+$0xFFFFFF60];
	v8 =	vshll.u32 v9, $0x10;
	v7 =	vshll.u32 v6, $0x10;
	v6 =	vand.u32 $0xFFFF0000, v6  }
0x15d: {  	v22 =	vld [tilespmem:s26+$0xFFFFFF70];
	v11 =	vshll.u32 v10, $0x10;
	v10 =	vand.u32 $0xFFFF0000, v10;
	v9 =	vand.u32 $0xFFFF0000, v9  }
0x15e: {  	v14 =	vshll.u32 v15, $0x10;
	v13 =	vshll.u32 v12, $0x10;
	v12 =	vand.u32 $0xFFFF0000, v12  }
0x15f: {  	v23 =	vld [tilespmem:s26+$0xFFFFFF90];
	v25 =	vshll.u32 v16, $0x10;
	v26 =	vand.u32 $0xFFFF0000, v16;
	v15 =	vand.u32 $0xFFFF0000, v15  }
0x160: {  	v16 =	vshll.u32 v18, $0x10;
	v24 =	vshll.u32 v17, $0x10;
	v17 =	vand.u32 $0xFFFF0000, v17  }
0x161: {  	v28 =	vld [tilespmem:s26+$0xFFFFFFB0];
	v27 =	vshll.u32 v20, $0x10;
	v20 =	vand.u32 $0xFFFF0000, v20;
	v18 =	vand.u32 $0xFFFF0000, v18  }
0x162: {  	v29 =	vshll.u32 v21, $0x10;
	v21 =	vand.u32 $0xFFFF0000, v21;
	v30 =	vshll.u32 v22, $0x10  }
0x163: {  	v31 =	vld [tilespmem:s26+$0xFFFFFFD0];
	v22 =	vand.u32 $0xFFFF0000, v22;
	v29 =	vadd.f32 v29, v19;
	v21 =	vadd.f32 v21, v19  }
0x164: {  	v30 =	vadd.f32 v30, v19;
	v19 =	vadd.f32 v22, v19;
	v22 =	vshll.u32 v23, $0x10  }
0x165: {  	v23 =	vand.u32 $0xFFFF0000, v23;
	v27 =	vadd.f32 v27, v29;
	v20 =	vadd.f32 v20, v21;
	v21 =	vld [tilespmem:s26+$0xFFFFFFF0]  }
0x166: {  	v22 =	vadd.f32 v22, v30;
	v19 =	vadd.f32 v23, v19;
	v23 =	vshll.u32 v28, $0x10  }
0x167: {  	v28 =	vand.u32 $0xFFFF0000, v28;
	v16 =	vadd.f32 v16, v27;
	v20 =	vadd.f32 v18, v20;
	v18 =	vld [tilespmem:s26+$0x10]  }
0x168: {  	v22 =	vadd.f32 v23, v22;
	v19 =	vadd.f32 v28, v19;
	v23 =	vshll.u32 v31, $0x10  }
0x169: {  	v27 =	vand.u32 $0xFFFF0000, v31;
	v63 =	vadd.f32 v24, v16;
	v17 =	vadd.f32 v17, v20;
	v16 =	vld [tilespmem:s26+$0x30]  }
0x16a: {  	v20 =	vadd.f32 v23, v22;
	v19 =	vadd.f32 v27, v19;
	v22 =	vshll.u32 v21, $0x10  }
0x16b: {  	s28 =	simm.s32 $0x0;
	s29 =	simm.s32 $0x4EF0;
	v24 =	vand.u32 $0xFFFF0000, v21;
	v23 =	vadd.f32 v25, v63;
	v21 =	vadd.f32 v26, v17;
	v17 =	vld [tilespmem:s26+$0x50]  }
.LBB2_13:
0x16c: {  	v25 =	vld [tilespmem:s29+$0x80];
	v20 =	vadd.f32 v22, v20;
	v19 =	vadd.f32 v24, v19;
	v22 =	vshll.u32 v18, $0x10  }
0x16d: {  	v18 =	vand.u32 $0xFFFF0000, v18;
	v14 =	vadd.f32 v14, v23;
	v15 =	vadd.f32 v15, v21;
	v21 =	vld [tilespmem:s26+$0x70]  }
0x16e: {  	v20 =	vadd.f32 v22, v20;
	v18 =	vadd.f32 v18, v19;
	v19 =	vshll.u32 v16, $0x10;
	v22 =	vld [tilespmem:s26+$0x90];
	s26 =	smov.u32 s29  }
0x16f: {  	v16 =	vand.u32 $0xFFFF0000, v16;
	v23 =	vld [tilespmem:s29+$0x60];
	v13 =	vadd.f32 v13, v14;
	v12 =	vadd.f32 v12, v15  }
0x170: {  	v14 =	vld [tilespmem:s29+$0x40];
	v15 =	vadd.f32 v19, v20;
	v16 =	vadd.f32 v16, v18;
	v18 =	vshll.u32 v17, $0x10  }
0x171: {  	v17 =	vand.u32 $0xFFFF0000, v17;
	v19 =	vld [tilespmem:s29+$0x20];
	v11 =	vadd.f32 v11, v13;
	v10 =	vadd.f32 v10, v12  }
0x172: {  	v20 =	vld [tilespmem:s29+$0x0];
	v12 =	vadd.f32 v18, v15;
	v13 =	vadd.f32 v17, v16;
	v15 =	vshll.u32 v21, $0x10  }
0x173: {  	v17 =	vand.u32 $0xFFFF0000, v21;
	v16 =	vld [tilespmem:s29+$0xFFFFFFE0];
	v8 =	vadd.f32 v8, v11;
	v9 =	vadd.f32 v9, v10  }
0x174: {  	v18 =	vld [tilespmem:s29+$0xFFFFFFC0];
	v10 =	vadd.f32 v15, v12;
	v11 =	vadd.f32 v17, v13;
	v12 =	vshll.u32 v22, $0x10  }
0x175: {  	v13 =	vand.u32 $0xFFFF0000, v22;
	v17 =	vld [tilespmem:s29+$0xFFFFFFA0];
	v21 =	vadd.f32 v7, v8;
	v22 =	vadd.f32 v6, v9  }
0x176: {  	v24 =	vld [tilespmem:s29+$0xFFFFFF80];
	v26 =	vadd.f32 v12, v10;
	v27 =	vadd.f32 v13, v11  }
0x177: {  	v8 =	vshll.u32 v23, $0x10;
	v7 =	vshll.u32 v25, $0x10;
	v6 =	vand.u32 $0xFFFF0000, v25;
	v28 =	vld [tilespmem:s29+$0xFFFFFF60]  }
0x178: {  	v9 =	vand.u32 $0xFFFF0000, v23;
	v11 =	vshll.u32 v14, $0x10;
	v10 =	vand.u32 $0xFFFF0000, v14;
	v25 =	vld [tilespmem:s29+$0xFFFFFF70]  }
0x179: {  	s28 =	sadd.s32 $0xA, s28;
	v13 =	vshll.u32 v19, $0x10;
	v12 =	vand.u32 $0xFFFF0000, v19;
	v14 =	vshll.u32 v20, $0x10  }
0x17a: {  	p1 =	slt.u32 s28, $0x28;
	v15 =	vand.u32 $0xFFFF0000, v20;
	v23 =	vshll.u32 v16, $0x10;
	v29 =	vand.u32 $0xFFFF0000, v16;
	v19 =	vld [tilespmem:s29+$0xFFFFFF90]  }
0x17b: {  	v20 =	vshll.u32 v18, $0x10;
	v30 =	vand.u32 $0xFFFF0000, v18;
	v16 =	vshll.u32 v17, $0x10  }
0x17c: {  	v17 =	vand.u32 $0xFFFF0000, v17;
	v18 =	vshll.u32 v24, $0x10;
	v24 =	vand.u32 $0xFFFF0000, v24;
	v31 =	vld [tilespmem:s29+$0xFFFFFFB0]  }
0x17d: {  	v32 =	vshll.u32 v28, $0x10;
	v28 =	vand.u32 $0xFFFF0000, v28;
	v33 =	vshll.u32 v25, $0x10  }
0x17e: {  	v25 =	vand.u32 $0xFFFF0000, v25;
	v21 =	vadd.f32 v32, v21;
	v22 =	vadd.f32 v28, v22;
	v28 =	vld [tilespmem:s29+$0xFFFFFFD0]  }
0x17f: {  	v26 =	vadd.f32 v33, v26;
	v25 =	vadd.f32 v25, v27;
	v27 =	vshll.u32 v19, $0x10  }
0x180: {  	v19 =	vand.u32 $0xFFFF0000, v19;
	v18 =	vadd.f32 v18, v21;
	v21 =	vadd.f32 v24, v22;
	v24 =	vld [tilespmem:s29+$0xFFFFFFF0]  }
0x181: {  	v22 =	vadd.f32 v27, v26;
	v19 =	vadd.f32 v19, v25;
	v25 =	vshll.u32 v31, $0x10  }
.Ltmp5:
0x182: {  	v26 =	vand.u32 $0xFFFF0000, v31;
	v16 =	vadd.f32 v16, v18;
	v17 =	vadd.f32 v17, v21;
	v18 =	vld [tilespmem:s29+$0x10];
	(pc) =	sbr.rel @p1 .LBB2_13-.Ltmp5, $4  }
0x183: {  	v21 =	vadd.f32 v25, v22;
	v19 =	vadd.f32 v26, v19;
	v22 =	vshll.u32 v28, $0x10  }
0x184: {  	v25 =	vand.u32 $0xFFFF0000, v28;
	v26 =	vadd.f32 v20, v16;
	v17 =	vadd.f32 v30, v17;
	v16 =	vld [tilespmem:s29+$0x30]  }
0x185: {  	v20 =	vadd.f32 v22, v21;
	v19 =	vadd.f32 v25, v19;
	v22 =	vshll.u32 v24, $0x10  }
0x186: {  	s29 =	sadd.s32 $0x140, s29;
	v24 =	vand.u32 $0xFFFF0000, v24;
	v23 =	vadd.f32 v23, v26;
	v21 =	vadd.f32 v29, v17;
	v17 =	vld [tilespmem:s26+$0x50]  }
0x187: {  	_ = 	snop  }
0x188: {  	v20 =	vadd.f32 v22, v20;
	v14 =	vadd.f32 v14, v23  }
0x189: {  	v19 =	vadd.f32 v24, v19;
	v22 =	vshll.u32 v18, $0x10;
	v15 =	vadd.f32 v15, v21  }
0x18a: {  	v18 =	vand.u32 $0xFFFF0000, v18;
	v21 =	vld [tilespmem:s26+$0x70];
	v20 =	vadd.f32 v22, v20;
	v13 =	vadd.f32 v13, v14  }
0x18b: {  	v14 =	vadd.f32 v18, v19;
	v18 =	vshll.u32 v16, $0x10;
	v12 =	vadd.f32 v12, v15  }
0x18c: {  	v15 =	vld [tilespmem:s26+$0x90];
	v16 =	vand.u32 $0xFFFF0000, v16;
	v18 =	vadd.f32 v18, v20;
	v11 =	vadd.f32 v11, v13  }
0x18d: {  	v13 =	vadd.f32 v16, v14;
	v14 =	vshll.u32 v17, $0x10;
	v10 =	vadd.f32 v10, v12  }
0x18e: {  	v12 =	vand.u32 $0xFFFF0000, v17;
	v14 =	vadd.f32 v14, v18;
	v8 =	vadd.f32 v8, v11  }
0x18f: {  	v11 =	vadd.f32 v12, v13;
	v12 =	vshll.u32 v21, $0x10;
	v9 =	vadd.f32 v9, v10  }
0x190: {  	v10 =	vand.u32 $0xFFFF0000, v21;
	v12 =	vadd.f32 v12, v14;
	v7 =	vadd.f32 v7, v8  }
0x191: {  	v8 =	vadd.f32 v10, v11;
	v10 =	vshll.u32 v15, $0x10;
	v6 =	vadd.f32 v6, v9  }
0x192: {  	v9 =	vand.u32 $0xFFFF0000, v15;
	v10 =	vadd.f32 v10, v12;
	[tilespmem:s24+$0x6810] =	vst v7  }
0x193: {  	v7 =	vadd.f32 v9, v8;
	[tilespmem:s24+$0x6820] =	vst v6  }
0x194: {  	[tilespmem:s24+$0x6830] =	vst v10  }
0x195: {  	s26 =	simm.s32 $0x5480;
	[tilespmem:s24+$0x6840] =	vst v7  }
0x196: {  	v6 =	vld [tilespmem:s26+$0xFFFFFFF0]  }
0x197: {  	v9 =	vld [tilespmem:s26+$0xFFFFFFD0]  }
0x198: {  	v10 =	vld [tilespmem:s26+$0xFFFFFFB0]  }
0x199: {  	v12 =	vld [tilespmem:s26+$0xFFFFFF90]  }
0x19a: {  	v15 =	vld [tilespmem:s26+$0xFFFFFF70]  }
0x19b: {  	v16 =	vld [tilespmem:s26+$0xFFFFFF50]  }
0x19c: {  	v17 =	vld [tilespmem:s26+$0xFFFFFF30]  }
0x19d: {  	v18 =	vld [tilespmem:s26+$0xFFFFFF10]  }
0x19e: {  	v19 =	vimm.f32 $0.0e+00;
	v20 =	vld [tilespmem:s26+$0xFFFFFEF0]  }
0x19f: {  	v21 =	vld [tilespmem:s26+$0xFFFFFED0];
	v8 =	vshll.u32 v9, $0x10;
	v7 =	vshll.u32 v6, $0x10;
	v6 =	vand.u32 $0xFFFF0000, v6  }
0x1a0: {  	v22 =	vld [tilespmem:s26+$0xFFFFFEE0];
	v11 =	vshll.u32 v10, $0x10;
	v10 =	vand.u32 $0xFFFF0000, v10;
	v9 =	vand.u32 $0xFFFF0000, v9  }
0x1a1: {  	v14 =	vshll.u32 v15, $0x10;
	v13 =	vshll.u32 v12, $0x10;
	v12 =	vand.u32 $0xFFFF0000, v12  }
0x1a2: {  	v23 =	vld [tilespmem:s26+$0xFFFFFF00];
	v25 =	vshll.u32 v16, $0x10;
	v26 =	vand.u32 $0xFFFF0000, v16;
	v15 =	vand.u32 $0xFFFF0000, v15  }
0x1a3: {  	v16 =	vshll.u32 v18, $0x10;
	v24 =	vshll.u32 v17, $0x10;
	v17 =	vand.u32 $0xFFFF0000, v17  }
0x1a4: {  	v28 =	vld [tilespmem:s26+$0xFFFFFF20];
	v27 =	vshll.u32 v20, $0x10;
	v20 =	vand.u32 $0xFFFF0000, v20;
	v18 =	vand.u32 $0xFFFF0000, v18  }
0x1a5: {  	v29 =	vshll.u32 v21, $0x10;
	v21 =	vand.u32 $0xFFFF0000, v21;
	v30 =	vshll.u32 v22, $0x10  }
0x1a6: {  	v31 =	vld [tilespmem:s26+$0xFFFFFF40];
	v22 =	vand.u32 $0xFFFF0000, v22;
	v29 =	vadd.f32 v29, v19;
	v21 =	vadd.f32 v21, v19  }
0x1a7: {  	v30 =	vadd.f32 v30, v19;
	v19 =	vadd.f32 v22, v19;
	v22 =	vshll.u32 v23, $0x10  }
0x1a8: {  	v23 =	vand.u32 $0xFFFF0000, v23;
	v27 =	vadd.f32 v27, v29;
	v20 =	vadd.f32 v20, v21;
	v21 =	vld [tilespmem:s26+$0xFFFFFF60]  }
0x1a9: {  	v22 =	vadd.f32 v22, v30;
	v19 =	vadd.f32 v23, v19;
	v23 =	vshll.u32 v28, $0x10  }
0x1aa: {  	v28 =	vand.u32 $0xFFFF0000, v28;
	v16 =	vadd.f32 v16, v27;
	v20 =	vadd.f32 v18, v20;
	v18 =	vld [tilespmem:s26+$0xFFFFFF80]  }
0x1ab: {  	v22 =	vadd.f32 v23, v22;
	v19 =	vadd.f32 v28, v19;
	v23 =	vshll.u32 v31, $0x10  }
0x1ac: {  	v27 =	vand.u32 $0xFFFF0000, v31;
	v63 =	vadd.f32 v24, v16;
	v17 =	vadd.f32 v17, v20;
	v16 =	vld [tilespmem:s26+$0xFFFFFFA0]  }
0x1ad: {  	v20 =	vadd.f32 v23, v22;
	v19 =	vadd.f32 v27, v19;
	v22 =	vshll.u32 v21, $0x10  }
0x1ae: {  	s28 =	simm.s32 $0x0;
	s29 =	simm.s32 $0x55C0;
	v24 =	vand.u32 $0xFFFF0000, v21;
	v23 =	vadd.f32 v25, v63;
	v21 =	vadd.f32 v26, v17;
	v17 =	vld [tilespmem:s26+$0xFFFFFFC0]  }
.LBB2_15:
0x1af: {  	v25 =	vld [tilespmem:s29+$0xFFFFFFF0];
	v20 =	vadd.f32 v22, v20;
	v19 =	vadd.f32 v24, v19;
	v22 =	vshll.u32 v18, $0x10  }
0x1b0: {  	v18 =	vand.u32 $0xFFFF0000, v18;
	v14 =	vadd.f32 v14, v23;
	v15 =	vadd.f32 v15, v21;
	v21 =	vld [tilespmem:s26+$0xFFFFFFE0]  }
0x1b1: {  	v20 =	vadd.f32 v22, v20;
	v18 =	vadd.f32 v18, v19;
	v19 =	vshll.u32 v16, $0x10;
	v22 =	vld [tilespmem:s26+$0x0];
	s26 =	smov.u32 s29  }
0x1b2: {  	v16 =	vand.u32 $0xFFFF0000, v16;
	v23 =	vld [tilespmem:s29+$0xFFFFFFD0];
	v13 =	vadd.f32 v13, v14;
	v12 =	vadd.f32 v12, v15  }
0x1b3: {  	v14 =	vld [tilespmem:s29+$0xFFFFFFB0];
	v15 =	vadd.f32 v19, v20;
	v16 =	vadd.f32 v16, v18;
	v18 =	vshll.u32 v17, $0x10  }
0x1b4: {  	v17 =	vand.u32 $0xFFFF0000, v17;
	v19 =	vld [tilespmem:s29+$0xFFFFFF90];
	v11 =	vadd.f32 v11, v13;
	v10 =	vadd.f32 v10, v12  }
0x1b5: {  	v20 =	vld [tilespmem:s29+$0xFFFFFF70];
	v12 =	vadd.f32 v18, v15;
	v13 =	vadd.f32 v17, v16;
	v15 =	vshll.u32 v21, $0x10  }
0x1b6: {  	v17 =	vand.u32 $0xFFFF0000, v21;
	v16 =	vld [tilespmem:s29+$0xFFFFFF50];
	v8 =	vadd.f32 v8, v11;
	v9 =	vadd.f32 v9, v10  }
0x1b7: {  	v18 =	vld [tilespmem:s29+$0xFFFFFF30];
	v10 =	vadd.f32 v15, v12;
	v11 =	vadd.f32 v17, v13;
	v12 =	vshll.u32 v22, $0x10  }
0x1b8: {  	v13 =	vand.u32 $0xFFFF0000, v22;
	v17 =	vld [tilespmem:s29+$0xFFFFFF10];
	v21 =	vadd.f32 v7, v8;
	v22 =	vadd.f32 v6, v9  }
0x1b9: {  	v24 =	vld [tilespmem:s29+$0xFFFFFEF0];
	v26 =	vadd.f32 v12, v10;
	v27 =	vadd.f32 v13, v11  }
0x1ba: {  	v8 =	vshll.u32 v23, $0x10;
	v7 =	vshll.u32 v25, $0x10;
	v6 =	vand.u32 $0xFFFF0000, v25;
	v28 =	vld [tilespmem:s29+$0xFFFFFED0]  }
0x1bb: {  	v9 =	vand.u32 $0xFFFF0000, v23;
	v11 =	vshll.u32 v14, $0x10;
	v10 =	vand.u32 $0xFFFF0000, v14;
	v25 =	vld [tilespmem:s29+$0xFFFFFEE0]  }
0x1bc: {  	s28 =	sadd.s32 $0xA, s28;
	v13 =	vshll.u32 v19, $0x10;
	v12 =	vand.u32 $0xFFFF0000, v19;
	v14 =	vshll.u32 v20, $0x10  }
0x1bd: {  	p1 =	slt.u32 s28, $0x28;
	v15 =	vand.u32 $0xFFFF0000, v20;
	v23 =	vshll.u32 v16, $0x10;
	v29 =	vand.u32 $0xFFFF0000, v16;
	v19 =	vld [tilespmem:s29+$0xFFFFFF00]  }
0x1be: {  	v20 =	vshll.u32 v18, $0x10;
	v30 =	vand.u32 $0xFFFF0000, v18;
	v16 =	vshll.u32 v17, $0x10  }
0x1bf: {  	v17 =	vand.u32 $0xFFFF0000, v17;
	v18 =	vshll.u32 v24, $0x10;
	v24 =	vand.u32 $0xFFFF0000, v24;
	v31 =	vld [tilespmem:s29+$0xFFFFFF20]  }
0x1c0: {  	v32 =	vshll.u32 v28, $0x10;
	v28 =	vand.u32 $0xFFFF0000, v28;
	v33 =	vshll.u32 v25, $0x10  }
0x1c1: {  	v25 =	vand.u32 $0xFFFF0000, v25;
	v21 =	vadd.f32 v32, v21;
	v22 =	vadd.f32 v28, v22;
	v28 =	vld [tilespmem:s29+$0xFFFFFF40]  }
0x1c2: {  	v26 =	vadd.f32 v33, v26;
	v25 =	vadd.f32 v25, v27;
	v27 =	vshll.u32 v19, $0x10  }
0x1c3: {  	v19 =	vand.u32 $0xFFFF0000, v19;
	v18 =	vadd.f32 v18, v21;
	v21 =	vadd.f32 v24, v22;
	v24 =	vld [tilespmem:s29+$0xFFFFFF60]  }
0x1c4: {  	v22 =	vadd.f32 v27, v26;
	v19 =	vadd.f32 v19, v25;
	v25 =	vshll.u32 v31, $0x10  }
.Ltmp6:
0x1c5: {  	v26 =	vand.u32 $0xFFFF0000, v31;
	v16 =	vadd.f32 v16, v18;
	v17 =	vadd.f32 v17, v21;
	v18 =	vld [tilespmem:s29+$0xFFFFFF80];
	(pc) =	sbr.rel @p1 .LBB2_15-.Ltmp6, $4  }
0x1c6: {  	v21 =	vadd.f32 v25, v22;
	v19 =	vadd.f32 v26, v19;
	v22 =	vshll.u32 v28, $0x10  }
0x1c7: {  	v25 =	vand.u32 $0xFFFF0000, v28;
	v26 =	vadd.f32 v20, v16;
	v17 =	vadd.f32 v30, v17;
	v16 =	vld [tilespmem:s29+$0xFFFFFFA0]  }
0x1c8: {  	v20 =	vadd.f32 v22, v21;
	v19 =	vadd.f32 v25, v19;
	v22 =	vshll.u32 v24, $0x10  }
0x1c9: {  	s29 =	sadd.s32 $0x140, s29;
	v24 =	vand.u32 $0xFFFF0000, v24;
	v23 =	vadd.f32 v23, v26;
	v21 =	vadd.f32 v29, v17;
	v17 =	vld [tilespmem:s26+$0xFFFFFFC0]  }
0x1ca: {  	_ = 	snop  }
0x1cb: {  	v20 =	vadd.f32 v22, v20;
	v14 =	vadd.f32 v14, v23  }
0x1cc: {  	v19 =	vadd.f32 v24, v19;
	v22 =	vshll.u32 v18, $0x10;
	v15 =	vadd.f32 v15, v21  }
0x1cd: {  	v18 =	vand.u32 $0xFFFF0000, v18;
	v21 =	vld [tilespmem:s26+$0xFFFFFFE0];
	v20 =	vadd.f32 v22, v20;
	v13 =	vadd.f32 v13, v14  }
0x1ce: {  	v14 =	vadd.f32 v18, v19;
	v18 =	vshll.u32 v16, $0x10;
	v12 =	vadd.f32 v12, v15  }
0x1cf: {  	v15 =	vld [tilespmem:s26+$0x0];
	v16 =	vand.u32 $0xFFFF0000, v16;
	v18 =	vadd.f32 v18, v20;
	v11 =	vadd.f32 v11, v13  }
0x1d0: {  	v13 =	vadd.f32 v16, v14;
	v14 =	vshll.u32 v17, $0x10;
	v10 =	vadd.f32 v10, v12  }
0x1d1: {  	v12 =	vand.u32 $0xFFFF0000, v17;
	v14 =	vadd.f32 v14, v18;
	v8 =	vadd.f32 v8, v11  }
0x1d2: {  	v11 =	vadd.f32 v12, v13;
	v12 =	vshll.u32 v21, $0x10;
	v9 =	vadd.f32 v9, v10  }
0x1d3: {  	v10 =	vand.u32 $0xFFFF0000, v21;
	v12 =	vadd.f32 v12, v14;
	v7 =	vadd.f32 v7, v8  }
0x1d4: {  	v8 =	vadd.f32 v10, v11;
	v10 =	vshll.u32 v15, $0x10;
	v6 =	vadd.f32 v6, v9  }
0x1d5: {  	v9 =	vand.u32 $0xFFFF0000, v15;
	v10 =	vadd.f32 v10, v12;
	[tilespmem:s24+$0x6850] =	vst v7  }
0x1d6: {  	v7 =	vadd.f32 v9, v8;
	[tilespmem:s24+$0x6860] =	vst v6  }
0x1d7: {  	[tilespmem:s24+$0x6870] =	vst v10  }
0x1d8: {  	s25 =	sadd.s32 @!p0 $0x1B70, s25;
	s28 =	simm.s32 @!p0 $0x4D10;
	s26 =	simm.s32 @!p0 $0x68;
	[tilespmem:s24+$0x6880] =	vst v7  }
0x1d9: {  	[tilespmem:s28], [sflag:$0x3] =	stream.indirect.gather @!p0 [hbm4b:s3+s26], $0x20, s25, s26, $0xb8;
	[tilespmem:$0xA710] =	vst v63  }
0x1da: {  	_ =	swait.ge [sflag:s20], $0xD00  }
0x1db: {  	[sflag:s20] =	ssyncset.done $0x0  }
0x1dc: {  	s25 =	simm.s32 $0x5AB0;
	[sflag:s20] =	ssyncadd.s32 $0xFFFFF300  }
0x1dd: {  	v6 =	vld [tilespmem:s25+$0x80]  }
0x1de: {  	v9 =	vld [tilespmem:s25+$0x60]  }
0x1df: {  	v10 =	vld [tilespmem:s25+$0x40]  }
0x1e0: {  	v12 =	vld [tilespmem:s25+$0x20]  }
0x1e1: {  	v15 =	vld [tilespmem:s25+$0x0]  }
0x1e2: {  	v16 =	vld [tilespmem:s25+$0xFFFFFFE0]  }
0x1e3: {  	v17 =	vld [tilespmem:s25+$0xFFFFFFC0]  }
0x1e4: {  	v18 =	vld [tilespmem:s25+$0xFFFFFFA0]  }
0x1e5: {  	v19 =	vimm.f32 $0.0e+00;
	v20 =	vld [tilespmem:s25+$0xFFFFFF80]  }
0x1e6: {  	v21 =	vld [tilespmem:s25+$0xFFFFFF60];
	v8 =	vshll.u32 v9, $0x10;
	v7 =	vshll.u32 v6, $0x10;
	v6 =	vand.u32 $0xFFFF0000, v6  }
0x1e7: {  	v22 =	vld [tilespmem:s25+$0xFFFFFF70];
	v11 =	vshll.u32 v10, $0x10;
	v10 =	vand.u32 $0xFFFF0000, v10;
	v9 =	vand.u32 $0xFFFF0000, v9  }
0x1e8: {  	v14 =	vshll.u32 v15, $0x10;
	v13 =	vshll.u32 v12, $0x10;
	v12 =	vand.u32 $0xFFFF0000, v12  }
0x1e9: {  	v23 =	vld [tilespmem:s25+$0xFFFFFF90];
	v25 =	vshll.u32 v16, $0x10;
	v26 =	vand.u32 $0xFFFF0000, v16;
	v15 =	vand.u32 $0xFFFF0000, v15  }
0x1ea: {  	v16 =	vshll.u32 v18, $0x10;
	v24 =	vshll.u32 v17, $0x10;
	v17 =	vand.u32 $0xFFFF0000, v17  }
0x1eb: {  	v28 =	vld [tilespmem:s25+$0xFFFFFFB0];
	v27 =	vshll.u32 v20, $0x10;
	v20 =	vand.u32 $0xFFFF0000, v20;
	v18 =	vand.u32 $0xFFFF0000, v18  }
0x1ec: {  	v29 =	vshll.u32 v21, $0x10;
	v21 =	vand.u32 $0xFFFF0000, v21;
	v30 =	vshll.u32 v22, $0x10  }
0x1ed: {  	v31 =	vld [tilespmem:s25+$0xFFFFFFD0];
	v22 =	vand.u32 $0xFFFF0000, v22;
	v29 =	vadd.f32 v29, v19;
	v21 =	vadd.f32 v21, v19  }
0x1ee: {  	v30 =	vadd.f32 v30, v19;
	v19 =	vadd.f32 v22, v19;
	v22 =	vshll.u32 v23, $0x10  }
0x1ef: {  	v23 =	vand.u32 $0xFFFF0000, v23;
	v27 =	vadd.f32 v27, v29;
	v20 =	vadd.f32 v20, v21;
	v21 =	vld [tilespmem:s25+$0xFFFFFFF0]  }
0x1f0: {  	v22 =	vadd.f32 v22, v30;
	v19 =	vadd.f32 v23, v19;
	v23 =	vshll.u32 v28, $0x10  }
0x1f1: {  	v28 =	vand.u32 $0xFFFF0000, v28;
	v16 =	vadd.f32 v16, v27;
	v20 =	vadd.f32 v18, v20;
	v18 =	vld [tilespmem:s25+$0x10]  }
0x1f2: {  	v22 =	vadd.f32 v23, v22;
	v19 =	vadd.f32 v28, v19;
	v23 =	vshll.u32 v31, $0x10  }
0x1f3: {  	v27 =	vand.u32 $0xFFFF0000, v31;
	v63 =	vadd.f32 v24, v16;
	v17 =	vadd.f32 v17, v20;
	v16 =	vld [tilespmem:s25+$0x30]  }
0x1f4: {  	v20 =	vadd.f32 v23, v22;
	v19 =	vadd.f32 v27, v19;
	v22 =	vshll.u32 v21, $0x10  }
0x1f5: {  	s26 =	simm.s32 $0x0;
	s28 =	simm.s32 $0x5BF0;
	v24 =	vand.u32 $0xFFFF0000, v21;
	v23 =	vadd.f32 v25, v63;
	v21 =	vadd.f32 v26, v17;
	v17 =	vld [tilespmem:s25+$0x50]  }
.LBB2_17:
0x1f6: {  	v25 =	vld [tilespmem:s28+$0x80];
	v20 =	vadd.f32 v22, v20;
	v19 =	vadd.f32 v24, v19;
	v22 =	vshll.u32 v18, $0x10  }
0x1f7: {  	v18 =	vand.u32 $0xFFFF0000, v18;
	v14 =	vadd.f32 v14, v23;
	v15 =	vadd.f32 v15, v21;
	v21 =	vld [tilespmem:s25+$0x70]  }
0x1f8: {  	v20 =	vadd.f32 v22, v20;
	v18 =	vadd.f32 v18, v19;
	v19 =	vshll.u32 v16, $0x10;
	v22 =	vld [tilespmem:s25+$0x90];
	s25 =	smov.u32 s28  }
0x1f9: {  	v16 =	vand.u32 $0xFFFF0000, v16;
	v23 =	vld [tilespmem:s28+$0x60];
	v13 =	vadd.f32 v13, v14;
	v12 =	vadd.f32 v12, v15  }
0x1fa: {  	v14 =	vld [tilespmem:s28+$0x40];
	v15 =	vadd.f32 v19, v20;
	v16 =	vadd.f32 v16, v18;
	v18 =	vshll.u32 v17, $0x10  }
0x1fb: {  	v17 =	vand.u32 $0xFFFF0000, v17;
	v19 =	vld [tilespmem:s28+$0x20];
	v11 =	vadd.f32 v11, v13;
	v10 =	vadd.f32 v10, v12  }
0x1fc: {  	v20 =	vld [tilespmem:s28+$0x0];
	v12 =	vadd.f32 v18, v15;
	v13 =	vadd.f32 v17, v16;
	v15 =	vshll.u32 v21, $0x10  }
0x1fd: {  	v17 =	vand.u32 $0xFFFF0000, v21;
	v16 =	vld [tilespmem:s28+$0xFFFFFFE0];
	v8 =	vadd.f32 v8, v11;
	v9 =	vadd.f32 v9, v10  }
0x1fe: {  	v18 =	vld [tilespmem:s28+$0xFFFFFFC0];
	v10 =	vadd.f32 v15, v12;
	v11 =	vadd.f32 v17, v13;
	v12 =	vshll.u32 v22, $0x10  }
0x1ff: {  	v13 =	vand.u32 $0xFFFF0000, v22;
	v17 =	vld [tilespmem:s28+$0xFFFFFFA0];
	v21 =	vadd.f32 v7, v8;
	v22 =	vadd.f32 v6, v9  }
0x200: {  	v24 =	vld [tilespmem:s28+$0xFFFFFF80];
	v26 =	vadd.f32 v12, v10;
	v27 =	vadd.f32 v13, v11  }
0x201: {  	v8 =	vshll.u32 v23, $0x10;
	v7 =	vshll.u32 v25, $0x10;
	v6 =	vand.u32 $0xFFFF0000, v25;
	v28 =	vld [tilespmem:s28+$0xFFFFFF60]  }
0x202: {  	v9 =	vand.u32 $0xFFFF0000, v23;
	v11 =	vshll.u32 v14, $0x10;
	v10 =	vand.u32 $0xFFFF0000, v14;
	v25 =	vld [tilespmem:s28+$0xFFFFFF70]  }
0x203: {  	s26 =	sadd.s32 $0xA, s26;
	v13 =	vshll.u32 v19, $0x10;
	v12 =	vand.u32 $0xFFFF0000, v19;
	v14 =	vshll.u32 v20, $0x10  }
0x204: {  	p1 =	slt.u32 s26, $0x28;
	v15 =	vand.u32 $0xFFFF0000, v20;
	v23 =	vshll.u32 v16, $0x10;
	v29 =	vand.u32 $0xFFFF0000, v16;
	v19 =	vld [tilespmem:s28+$0xFFFFFF90]  }
0x205: {  	v20 =	vshll.u32 v18, $0x10;
	v30 =	vand.u32 $0xFFFF0000, v18;
	v16 =	vshll.u32 v17, $0x10  }
0x206: {  	v17 =	vand.u32 $0xFFFF0000, v17;
	v18 =	vshll.u32 v24, $0x10;
	v24 =	vand.u32 $0xFFFF0000, v24;
	v31 =	vld [tilespmem:s28+$0xFFFFFFB0]  }
0x207: {  	v32 =	vshll.u32 v28, $0x10;
	v28 =	vand.u32 $0xFFFF0000, v28;
	v33 =	vshll.u32 v25, $0x10  }
0x208: {  	v25 =	vand.u32 $0xFFFF0000, v25;
	v21 =	vadd.f32 v32, v21;
	v22 =	vadd.f32 v28, v22;
	v28 =	vld [tilespmem:s28+$0xFFFFFFD0]  }
0x209: {  	v26 =	vadd.f32 v33, v26;
	v25 =	vadd.f32 v25, v27;
	v27 =	vshll.u32 v19, $0x10  }
0x20a: {  	v19 =	vand.u32 $0xFFFF0000, v19;
	v18 =	vadd.f32 v18, v21;
	v21 =	vadd.f32 v24, v22;
	v24 =	vld [tilespmem:s28+$0xFFFFFFF0]  }
0x20b: {  	v22 =	vadd.f32 v27, v26;
	v19 =	vadd.f32 v19, v25;
	v25 =	vshll.u32 v31, $0x10  }
.Ltmp7:
0x20c: {  	v26 =	vand.u32 $0xFFFF0000, v31;
	v16 =	vadd.f32 v16, v18;
	v17 =	vadd.f32 v17, v21;
	v18 =	vld [tilespmem:s28+$0x10];
	(pc) =	sbr.rel @p1 .LBB2_17-.Ltmp7, $4  }
0x20d: {  	v21 =	vadd.f32 v25, v22;
	v19 =	vadd.f32 v26, v19;
	v22 =	vshll.u32 v28, $0x10  }
0x20e: {  	v25 =	vand.u32 $0xFFFF0000, v28;
	v26 =	vadd.f32 v20, v16;
	v17 =	vadd.f32 v30, v17;
	v16 =	vld [tilespmem:s28+$0x30]  }
0x20f: {  	v20 =	vadd.f32 v22, v21;
	v19 =	vadd.f32 v25, v19;
	v22 =	vshll.u32 v24, $0x10  }
0x210: {  	s28 =	sadd.s32 $0x140, s28;
	v24 =	vand.u32 $0xFFFF0000, v24;
	v23 =	vadd.f32 v23, v26;
	v21 =	vadd.f32 v29, v17;
	v17 =	vld [tilespmem:s25+$0x50]  }
0x211: {  	_ = 	snop  }
0x212: {  	v20 =	vadd.f32 v22, v20;
	v14 =	vadd.f32 v14, v23  }
0x213: {  	v19 =	vadd.f32 v24, v19;
	v22 =	vshll.u32 v18, $0x10;
	v15 =	vadd.f32 v15, v21  }
0x214: {  	v18 =	vand.u32 $0xFFFF0000, v18;
	v21 =	vld [tilespmem:s25+$0x70];
	v20 =	vadd.f32 v22, v20;
	v13 =	vadd.f32 v13, v14  }
0x215: {  	v14 =	vadd.f32 v18, v19;
	v18 =	vshll.u32 v16, $0x10;
	v12 =	vadd.f32 v12, v15  }
0x216: {  	v15 =	vld [tilespmem:s25+$0x90];
	v16 =	vand.u32 $0xFFFF0000, v16;
	v18 =	vadd.f32 v18, v20;
	v11 =	vadd.f32 v11, v13  }
0x217: {  	v13 =	vadd.f32 v16, v14;
	v14 =	vshll.u32 v17, $0x10;
	v10 =	vadd.f32 v10, v12  }
0x218: {  	v12 =	vand.u32 $0xFFFF0000, v17;
	v14 =	vadd.f32 v14, v18;
	v8 =	vadd.f32 v8, v11  }
0x219: {  	v11 =	vadd.f32 v12, v13;
	v12 =	vshll.u32 v21, $0x10;
	v9 =	vadd.f32 v9, v10  }
0x21a: {  	v10 =	vand.u32 $0xFFFF0000, v21;
	v12 =	vadd.f32 v12, v14;
	v7 =	vadd.f32 v7, v8  }
0x21b: {  	v8 =	vadd.f32 v10, v11;
	v10 =	vshll.u32 v15, $0x10;
	v6 =	vadd.f32 v6, v9  }
0x21c: {  	v9 =	vand.u32 $0xFFFF0000, v15;
	v10 =	vadd.f32 v10, v12;
	[tilespmem:s24+$0x6890] =	vst v7  }
0x21d: {  	v7 =	vadd.f32 v9, v8;
	[tilespmem:s24+$0x68A0] =	vst v6  }
0x21e: {  	[tilespmem:s24+$0x68B0] =	vst v10  }
0x21f: {  	s25 =	simm.s32 $0x6180;
	[tilespmem:s24+$0x68C0] =	vst v7  }
0x220: {  	v6 =	vld [tilespmem:s25+$0xFFFFFFF0]  }
0x221: {  	v9 =	vld [tilespmem:s25+$0xFFFFFFD0]  }
0x222: {  	v10 =	vld [tilespmem:s25+$0xFFFFFFB0]  }
0x223: {  	v12 =	vld [tilespmem:s25+$0xFFFFFF90]  }
0x224: {  	v15 =	vld [tilespmem:s25+$0xFFFFFF70]  }
0x225: {  	v16 =	vld [tilespmem:s25+$0xFFFFFF50]  }
0x226: {  	v17 =	vld [tilespmem:s25+$0xFFFFFF30]  }
0x227: {  	v18 =	vld [tilespmem:s25+$0xFFFFFF10]  }
0x228: {  	v19 =	vimm.f32 $0.0e+00;
	v20 =	vld [tilespmem:s25+$0xFFFFFEF0]  }
0x229: {  	v21 =	vld [tilespmem:s25+$0xFFFFFED0];
	v8 =	vshll.u32 v9, $0x10;
	v7 =	vshll.u32 v6, $0x10;
	v6 =	vand.u32 $0xFFFF0000, v6  }
0x22a: {  	v22 =	vld [tilespmem:s25+$0xFFFFFEE0];
	v11 =	vshll.u32 v10, $0x10;
	v10 =	vand.u32 $0xFFFF0000, v10;
	v9 =	vand.u32 $0xFFFF0000, v9  }
0x22b: {  	v14 =	vshll.u32 v15, $0x10;
	v13 =	vshll.u32 v12, $0x10;
	v12 =	vand.u32 $0xFFFF0000, v12  }
0x22c: {  	v23 =	vld [tilespmem:s25+$0xFFFFFF00];
	v25 =	vshll.u32 v16, $0x10;
	v26 =	vand.u32 $0xFFFF0000, v16;
	v15 =	vand.u32 $0xFFFF0000, v15  }
0x22d: {  	v16 =	vshll.u32 v18, $0x10;
	v24 =	vshll.u32 v17, $0x10;
	v17 =	vand.u32 $0xFFFF0000, v17  }
0x22e: {  	v28 =	vld [tilespmem:s25+$0xFFFFFF20];
	v27 =	vshll.u32 v20, $0x10;
	v20 =	vand.u32 $0xFFFF0000, v20;
	v18 =	vand.u32 $0xFFFF0000, v18  }
0x22f: {  	v29 =	vshll.u32 v21, $0x10;
	v21 =	vand.u32 $0xFFFF0000, v21;
	v30 =	vshll.u32 v22, $0x10  }
0x230: {  	v31 =	vld [tilespmem:s25+$0xFFFFFF40];
	v22 =	vand.u32 $0xFFFF0000, v22;
	v29 =	vadd.f32 v29, v19;
	v21 =	vadd.f32 v21, v19  }
0x231: {  	v30 =	vadd.f32 v30, v19;
	v19 =	vadd.f32 v22, v19;
	v22 =	vshll.u32 v23, $0x10  }
0x232: {  	v23 =	vand.u32 $0xFFFF0000, v23;
	v27 =	vadd.f32 v27, v29;
	v20 =	vadd.f32 v20, v21;
	v21 =	vld [tilespmem:s25+$0xFFFFFF60]  }
0x233: {  	v22 =	vadd.f32 v22, v30;
	v19 =	vadd.f32 v23, v19;
	v23 =	vshll.u32 v28, $0x10  }
0x234: {  	v28 =	vand.u32 $0xFFFF0000, v28;
	v16 =	vadd.f32 v16, v27;
	v20 =	vadd.f32 v18, v20;
	v18 =	vld [tilespmem:s25+$0xFFFFFF80]  }
0x235: {  	v22 =	vadd.f32 v23, v22;
	v19 =	vadd.f32 v28, v19;
	v23 =	vshll.u32 v31, $0x10  }
0x236: {  	v27 =	vand.u32 $0xFFFF0000, v31;
	v63 =	vadd.f32 v24, v16;
	v17 =	vadd.f32 v17, v20;
	v16 =	vld [tilespmem:s25+$0xFFFFFFA0]  }
0x237: {  	v20 =	vadd.f32 v23, v22;
	v19 =	vadd.f32 v27, v19;
	v22 =	vshll.u32 v21, $0x10  }
0x238: {  	s26 =	simm.s32 $0x0;
	s28 =	simm.s32 $0x62C0;
	v24 =	vand.u32 $0xFFFF0000, v21;
	v23 =	vadd.f32 v25, v63;
	v21 =	vadd.f32 v26, v17;
	v17 =	vld [tilespmem:s25+$0xFFFFFFC0]  }
.LBB2_19:
0x239: {  	v25 =	vld [tilespmem:s28+$0xFFFFFFF0];
	v20 =	vadd.f32 v22, v20;
	v19 =	vadd.f32 v24, v19;
	v22 =	vshll.u32 v18, $0x10  }
0x23a: {  	v18 =	vand.u32 $0xFFFF0000, v18;
	v14 =	vadd.f32 v14, v23;
	v15 =	vadd.f32 v15, v21;
	v21 =	vld [tilespmem:s25+$0xFFFFFFE0]  }
0x23b: {  	v20 =	vadd.f32 v22, v20;
	v18 =	vadd.f32 v18, v19;
	v19 =	vshll.u32 v16, $0x10;
	v22 =	vld [tilespmem:s25+$0x0];
	s25 =	smov.u32 s28  }
0x23c: {  	v16 =	vand.u32 $0xFFFF0000, v16;
	v23 =	vld [tilespmem:s28+$0xFFFFFFD0];
	v13 =	vadd.f32 v13, v14;
	v12 =	vadd.f32 v12, v15  }
0x23d: {  	v14 =	vld [tilespmem:s28+$0xFFFFFFB0];
	v15 =	vadd.f32 v19, v20;
	v16 =	vadd.f32 v16, v18;
	v18 =	vshll.u32 v17, $0x10  }
0x23e: {  	v17 =	vand.u32 $0xFFFF0000, v17;
	v19 =	vld [tilespmem:s28+$0xFFFFFF90];
	v11 =	vadd.f32 v11, v13;
	v10 =	vadd.f32 v10, v12  }
0x23f: {  	v20 =	vld [tilespmem:s28+$0xFFFFFF70];
	v12 =	vadd.f32 v18, v15;
	v13 =	vadd.f32 v17, v16;
	v15 =	vshll.u32 v21, $0x10  }
0x240: {  	v17 =	vand.u32 $0xFFFF0000, v21;
	v16 =	vld [tilespmem:s28+$0xFFFFFF50];
	v8 =	vadd.f32 v8, v11;
	v9 =	vadd.f32 v9, v10  }
0x241: {  	v18 =	vld [tilespmem:s28+$0xFFFFFF30];
	v10 =	vadd.f32 v15, v12;
	v11 =	vadd.f32 v17, v13;
	v12 =	vshll.u32 v22, $0x10  }
0x242: {  	v13 =	vand.u32 $0xFFFF0000, v22;
	v17 =	vld [tilespmem:s28+$0xFFFFFF10];
	v21 =	vadd.f32 v7, v8;
	v22 =	vadd.f32 v6, v9  }
0x243: {  	v24 =	vld [tilespmem:s28+$0xFFFFFEF0];
	v26 =	vadd.f32 v12, v10;
	v27 =	vadd.f32 v13, v11  }
0x244: {  	v8 =	vshll.u32 v23, $0x10;
	v7 =	vshll.u32 v25, $0x10;
	v6 =	vand.u32 $0xFFFF0000, v25;
	v28 =	vld [tilespmem:s28+$0xFFFFFED0]  }
0x245: {  	v9 =	vand.u32 $0xFFFF0000, v23;
	v11 =	vshll.u32 v14, $0x10;
	v10 =	vand.u32 $0xFFFF0000, v14;
	v25 =	vld [tilespmem:s28+$0xFFFFFEE0]  }
0x246: {  	s26 =	sadd.s32 $0xA, s26;
	v13 =	vshll.u32 v19, $0x10;
	v12 =	vand.u32 $0xFFFF0000, v19;
	v14 =	vshll.u32 v20, $0x10  }
0x247: {  	p1 =	slt.u32 s26, $0x28;
	v15 =	vand.u32 $0xFFFF0000, v20;
	v23 =	vshll.u32 v16, $0x10;
	v29 =	vand.u32 $0xFFFF0000, v16;
	v19 =	vld [tilespmem:s28+$0xFFFFFF00]  }
0x248: {  	v20 =	vshll.u32 v18, $0x10;
	v30 =	vand.u32 $0xFFFF0000, v18;
	v16 =	vshll.u32 v17, $0x10  }
0x249: {  	v17 =	vand.u32 $0xFFFF0000, v17;
	v18 =	vshll.u32 v24, $0x10;
	v24 =	vand.u32 $0xFFFF0000, v24;
	v31 =	vld [tilespmem:s28+$0xFFFFFF20]  }
0x24a: {  	v32 =	vshll.u32 v28, $0x10;
	v28 =	vand.u32 $0xFFFF0000, v28;
	v33 =	vshll.u32 v25, $0x10  }
0x24b: {  	v25 =	vand.u32 $0xFFFF0000, v25;
	v21 =	vadd.f32 v32, v21;
	v22 =	vadd.f32 v28, v22;
	v28 =	vld [tilespmem:s28+$0xFFFFFF40]  }
0x24c: {  	v26 =	vadd.f32 v33, v26;
	v25 =	vadd.f32 v25, v27;
	v27 =	vshll.u32 v19, $0x10  }
0x24d: {  	v19 =	vand.u32 $0xFFFF0000, v19;
	v18 =	vadd.f32 v18, v21;
	v21 =	vadd.f32 v24, v22;
	v24 =	vld [tilespmem:s28+$0xFFFFFF60]  }
0x24e: {  	v22 =	vadd.f32 v27, v26;
	v19 =	vadd.f32 v19, v25;
	v25 =	vshll.u32 v31, $0x10  }
.Ltmp8:
0x24f: {  	v26 =	vand.u32 $0xFFFF0000, v31;
	v16 =	vadd.f32 v16, v18;
	v17 =	vadd.f32 v17, v21;
	v18 =	vld [tilespmem:s28+$0xFFFFFF80];
	(pc) =	sbr.rel @p1 .LBB2_19-.Ltmp8, $4  }
0x250: {  	v21 =	vadd.f32 v25, v22;
	v19 =	vadd.f32 v26, v19;
	v22 =	vshll.u32 v28, $0x10  }
0x251: {  	v25 =	vand.u32 $0xFFFF0000, v28;
	v26 =	vadd.f32 v20, v16;
	v17 =	vadd.f32 v30, v17;
	v16 =	vld [tilespmem:s28+$0xFFFFFFA0]  }
0x252: {  	v20 =	vadd.f32 v22, v21;
	v19 =	vadd.f32 v25, v19;
	v22 =	vshll.u32 v24, $0x10  }
0x253: {  	s28 =	sadd.s32 $0x140, s28;
	v24 =	vand.u32 $0xFFFF0000, v24;
	v23 =	vadd.f32 v23, v26;
	v21 =	vadd.f32 v29, v17;
	v17 =	vld [tilespmem:s25+$0xFFFFFFC0]  }
0x254: {  	_ = 	snop  }
0x255: {  	v20 =	vadd.f32 v22, v20;
	v14 =	vadd.f32 v14, v23  }
0x256: {  	v19 =	vadd.f32 v24, v19;
	v48 =	vshll.u32 v18, $0x10;
	v15 =	vadd.f32 v15, v21  }
0x257: {  	v49 =	vand.u32 $0xFFFF0000, v18;
	v50 =	vld [tilespmem:s25+$0xFFFFFFE0];
	v20 =	vadd.f32 v48, v20;
	v13 =	vadd.f32 v13, v14  }
0x258: {  	v51 =	vadd.f32 v49, v19;
	v52 =	vshll.u32 v16, $0x10;
	v12 =	vadd.f32 v12, v15  }
0x259: {  	v53 =	vld [tilespmem:s25+$0x0];
	v54 =	vand.u32 $0xFFFF0000, v16;
	v18 =	vadd.f32 v52, v20;
	v11 =	vadd.f32 v11, v13  }
0x25a: {  	v55 =	vadd.f32 v54, v51;
	v56 =	vshll.u32 v17, $0x10;
	v10 =	vadd.f32 v10, v12  }
0x25b: {  	v57 =	vand.u32 $0xFFFF0000, v17;
	v14 =	vadd.f32 v56, v18;
	v8 =	vadd.f32 v8, v11  }
0x25c: {  	v59 =	vshll.u32 v50, $0x10;
	v58 =	vadd.f32 v57, v55;
	v9 =	vadd.f32 v9, v10  }
0x25d: {  	v60 =	vand.u32 $0xFFFF0000, v50;
	v12 =	vadd.f32 v59, v14;
	v7 =	vadd.f32 v7, v8  }
.Ltmp9:
0x25e: {  	v62 =	vshll.u32 v53, $0x10;
	v61 =	vadd.f32 v60, v58;
	v6 =	vadd.f32 v6, v9;
	(pc) =	sbr.rel @p0 .LBB2_22-.Ltmp9, $4  }
0x25f: {  	v63 =	vand.u32 $0xFFFF0000, v53;
	v10 =	vadd.f32 v62, v12;
	[tilespmem:s24+$0x68D0] =	vst v7  }
0x260: {  	v7 =	vadd.f32 v63, v61;
	[tilespmem:s24+$0x68E0] =	vst v6  }
0x261: {  	[tilespmem:s24+$0x68F0] =	vst v10  }
0x262: {  	[tilespmem:s24+$0x6900] =	vst v7  }
0x263: {  	s24 =	smul.u32 $0x680, s23  }
.Ltmp10:
0x264: {  	_ = 	snop;
	(pc) =	sbr.rel .LBB2_4-.Ltmp10, $4  }
0x265: {  	_ = 	snop  }
0x266: {  	s24 =	sshra.s32 s24, $0x2  }
0x267: {  	s23 =	sadd.s32 $0x1, s23;
	s24 =	sadd.s32 $0x1BD8, s24  }
0x268: {  	[tilespmem:s16], [sflag:$0x4] =	stream.indirect.gather [hbm4b:s3+s8], $0x20, s24, s8, $0xb8;
	[tilespmem:$0xA710] =	vst v63  }
.LBB2_22:
0x269: {  	s24 =	simm.s32 $0x0  }
0x26a: {  	v19 =	vld [tilespmem:s24+$0x6710]  }
0x26b: {  	v20 =	vld [tilespmem:s24+$0x6720];
	_ =	sdelay $0x1  }
0x26c: {  	v6 =	vld [tilespmem:s24+$0x6730];
	_ =	sdelay $0x1  }
0x26d: {  	v21 =	vld [tilespmem:s24+$0x6740]  }
0x26e: {  	v7 =	vmul.f32 v19, v19;
	v8 =	vmul.f32 v20, v20;
	_ =	sdelay $0x1  }
0x26f: {  	v9 =	vmul.f32 v6, v6;
	v7 =	vadd.f32 v8, v7;
	_ =	sdelay $0x1  }
0x270: {  	v8 =	vmul.f32 v21, v21;
	v7 =	vadd.f32 v9, v7;
	_ =	sdelay $0x1  }
0x271: {  	v7 =	vadd.f32 v8, v7;
	_ =	sdelay $0x1  }
0x272: {  	v8 =	vperm.xlane v7, v0;
	_ =	sdelay $0x1  }
0x273: {  	s23 =	simm.s32 $0x40;
	v8 =	vadd.f32 v7, v8  }
0x274: {  	v10 =	vld [tilespmem:s23+$0x6720]  }
0x275: {  	v7 =	vld [tilespmem:s23+$0x6710];
	v9 =	vperm.xlane v8, v1;
	_ =	sdelay $0x1  }
0x276: {  	v15 =	vld [tilespmem:s23+$0x6730];
	v8 =	vadd.f32 v8, v9;
	_ =	sdelay $0x1  }
0x277: {  	v18 =	vld [tilespmem:s23+$0x6740];
	v9 =	vperm.xlane v8, v2  }
0x278: {  	v12 =	vmul.f32 v10, v10;
	v11 =	vmul.f32 v7, v7  }
0x279: {  	v8 =	vadd.f32 v8, v9  }
0x27a: {  	v11 =	vadd.f32 v12, v11;
	v9 =	vmul.f32 v15, v15  }
0x27b: {  	v12 =	vperm.xlane v8, v3  }
0x27c: {  	v9 =	vadd.f32 v9, v11;
	v11 =	vmul.f32 v18, v18  }
0x27d: {  	v8 =	vadd.f32 v8, v12  }
0x27e: {  	v9 =	vadd.f32 v11, v9  }
0x27f: {  	v8 =	vmax.f32 v8, $1.000000020e-24  }
0x280: {  	v11 =	vperm.xlane v9, v0;
	v12 =	vshrl.u32 v8, $0x1;
	v8 =	vmul.f32 $5.000000000e-01, v8  }
0x281: {  	v16 =	vsub.s32 $0x5F3759DF, v12  }
0x282: {  	s25 =	simm.s32 $0x80;
	v11 =	vadd.f32 v9, v11;
	v13 =	vmul.f32 v16, v8  }
0x283: {  	v9 =	vld [tilespmem:s25+$0x6710]  }
0x284: {  	v12 =	vld [tilespmem:s25+$0x6720];
	v14 =	vperm.xlane v11, v1;
	v17 =	vmul.f32 v16, v13;
	_ =	sdelay $0x1  }
0x285: {  	v13 =	vld [tilespmem:s25+$0x6730];
	v11 =	vadd.f32 v11, v14;
	v17 =	vsub.f32 $1.500000000e+00, v17;
	_ =	sdelay $0x1  }
0x286: {  	v14 =	vld [tilespmem:s25+$0x6740];
	v22 =	vperm.xlane v11, v2;
	v16 =	vmul.f32 v16, v17  }
0x287: {  	v23 =	vmul.f32 v12, v12;
	v17 =	vmul.f32 v9, v9  }
0x288: {  	v11 =	vadd.f32 v11, v22;
	v22 =	vmul.f32 v16, v8  }
0x289: {  	v24 =	vmul.f32 v13, v13;
	v17 =	vadd.f32 v23, v17  }
0x28a: {  	v23 =	vperm.xlane v11, v3;
	v22 =	vmul.f32 v22, v16  }
0x28b: {  	v17 =	vadd.f32 v24, v17;
	v24 =	vmul.f32 v14, v14  }
0x28c: {  	v11 =	vadd.f32 v11, v23;
	v22 =	vsub.f32 $1.500000000e+00, v22  }
0x28d: {  	v17 =	vadd.f32 v24, v17  }
0x28e: {  	v11 =	vmax.f32 v11, $1.000000020e-24;
	v22 =	vmul.f32 v22, v16  }
0x28f: {  	s26 =	simm.s32 $0xC0;
	v16 =	vperm.xlane v17, v0;
	v23 =	vshrl.u32 v11, $0x1;
	v26 =	vmul.f32 $5.000000000e-01, v11  }
0x290: {  	v11 =	vld [tilespmem:s26+$0x6710];
	v23 =	vsub.s32 $0x5F3759DF, v23;
	v24 =	vmul.f32 v22, v8  }
0x291: {  	v8 =	vld [tilespmem:s26+$0x6720];
	v17 =	vadd.f32 v17, v16;
	v16 =	vmul.f32 v23, v26  }
0x292: {  	v24 =	vmul.f32 v24, v22  }
0x293: {  	v25 =	vperm.xlane v17, v1;
	v27 =	vmul.f32 v23, v16  }
0x294: {  	v16 =	vld [tilespmem:s26+$0x6730];
	v24 =	vsub.f32 $1.500000000e+00, v24  }
0x295: {  	v28 =	vmul.f32 v11, v11;
	v25 =	vadd.f32 v17, v25;
	v27 =	vsub.f32 $1.500000000e+00, v27  }
0x296: {  	v29 =	vmul.f32 v8, v8;
	v22 =	vmul.f32 v24, v22  }
0x297: {  	v17 =	vld [tilespmem:s26+$0x6740];
	v24 =	vperm.xlane v25, v2;
	v27 =	vmul.f32 v23, v27  }
0x298: {  	v30 =	vmul.f32 v22, v6;
	v23 =	vmul.f32 v22, v21;
	v6 =	vor.u32 $0x8, v5  }
0x299: {  	v21 =	vmul.f32 v16, v16;
	v24 =	vadd.f32 v25, v24;
	v25 =	vmul.f32 v27, v26  }
0x29a: {  	v28 =	vadd.f32 v29, v28;
	v63 =	vmul.f32 v22, v20;
	v29 =	vperm.xlane v30, v6  }
0x29b: {  	v32 =	vperm.xlane v24, v3;
	v25 =	vmul.f32 v25, v27  }
0x29c: {  	v31 =	vperm.xlane v23, v6;
	v21 =	vadd.f32 v21, v28;
	v28 =	vmul.f32 v17, v17  }
0x29d: {  	v33 =	vperm.xlane v63, v5;
	v24 =	vadd.f32 v24, v32;
	v25 =	vsub.f32 $1.500000000e+00, v25  }
0x29e: {  	v29 =	vsel vm0, v29, v31;
	v31 =	vmul.f32 v22, v19;
	v28 =	vadd.f32 v28, v21  }
0x29f: {  	v21 =	vperm.xlane v30, v5;
	v19 =	vmax.f32 v24, $1.000000020e-24;
	v24 =	vmul.f32 v25, v27  }
0x2a0: {  	s28 =	simm.s32 $0x100;
	[tilespmem:s24+$0x8740] =	vst v29;
	v20 =	vperm.xlane v28, v0;
	v25 =	vshrl.u32 v19, $0x1;
	v22 =	vmul.f32 $5.000000000e-01, v19  }
0x2a1: {  	v30 =	vperm.xlane v31, v5;
	v19 =	vld [tilespmem:s28+$0x6710];
	v25 =	vsub.s32 $0x5F3759DF, v25;
	v26 =	vmul.f32 v24, v26  }
0x2a2: {  	v29 =	vperm.xlane v31, v6;
	v27 =	vadd.f32 v28, v20;
	v20 =	vld [tilespmem:s28+$0x6720];
	v28 =	vmul.f32 v25, v22  }
0x2a3: {  	s29 =	simm.s32 $0x500;
	v31 =	vsel vm0, v30, v33;
	v30 =	vperm.xlane v63, v6;
	v26 =	vmul.f32 v26, v24  }
.LBB2_23:
0x2a4: {  	p0 =	sne.s32 s29, $0x7F00;
	v32 =	vperm.xlane v27, v1;
	v28 =	vmul.f32 v25, v28;
	[tilespmem:s24+$0x8710] =	vst v31  }
0x2a5: {  	v23 =	vperm.xlane v23, v5;
	v31 =	vld [tilespmem:s28+$0x6730];
	v26 =	vsub.f32 $1.500000000e+00, v26;
	v29 =	vsel vm0, v29, v30  }
0x2a6: {  	v30 =	vmul.f32 v19, v19;
	v27 =	vadd.f32 v27, v32;
	v28 =	vsub.f32 $1.500000000e+00, v28;
	[tilespmem:s24+$0x8720] =	vst v29  }
0x2a7: {  	v21 =	vsel vm0, v21, v23;
	v29 =	vmul.f32 v20, v20;
	v24 =	vmul.f32 v26, v24  }
0x2a8: {  	v26 =	vld [tilespmem:s28+$0x6740];
	v32 =	vperm.xlane v27, v2;
	v25 =	vmul.f32 v25, v28;
	[tilespmem:s24+$0x8730] =	vst v21;
	s24 =	smov.u32 s23;
	s23 =	smov.u32 s25;
	s25 =	smov.u32 s26  }
0x2a9: {  	s26 =	smov.u32 s28;
	v21 =	vmul.f32 v24, v15;
	v23 =	vmul.f32 v24, v18;
	v15 =	vmovc v13;
	v13 =	vmov v16  }
0x2aa: {  	v28 =	vmul.f32 v31, v31;
	v27 =	vadd.f32 v27, v32;
	v32 =	vmul.f32 v25, v22;
	v16 =	vmovc v31  }
0x2ab: {  	v29 =	vadd.f32 v29, v30;
	v18 =	vmovc v14;
	v30 =	vperm.xlane v21, v6;
	v31 =	vperm.xlane v23, v6  }
0x2ac: {  	v14 =	vmov v17;
	v33 =	vperm.xlane v27, v3;
	v32 =	vmul.f32 v32, v25  }
0x2ad: {  	v28 =	vadd.f32 v28, v29;
	v29 =	vmul.f32 v26, v26;
	v30 =	vsel vm0, v30, v31;
	v17 =	vmovc v26  }
0x2ae: {  	v31 =	vmul.f32 v24, v7;
	v7 =	vmovc v9;
	v26 =	vadd.f32 v27, v33;
	v27 =	vsub.f32 $1.500000000e+00, v32;
	[tilespmem:s24+$0x8740] =	vst v30  }
0x2af: {  	v21 =	vperm.xlane v21, v5;
	v9 =	vmovc v11;
	v30 =	vmul.f32 v24, v10;
	v28 =	vadd.f32 v29, v28  }
.Ltmp11:
0x2b0: {  	v11 =	vmovc v19;
	v10 =	vmovc v12;
	v32 =	vperm.xlane v31, v5;
	v26 =	vmax.f32 v26, $1.000000020e-24;
	v24 =	vmul.f32 v27, v25;
	(pc) =	sbr.rel @p0 .LBB2_23-.Ltmp11, $4  }
0x2b1: {  	s28 =	sshra.s32 s29, $0x2;
	v12 =	vmovc v8;
	v8 =	vmovc v20;
	v27 =	vperm.xlane v28, v0;
	v25 =	vshrl.u32 v26, $0x1;
	v26 =	vmul.f32 $5.000000000e-01, v26  }
0x2b2: {  	v34 =	vperm.xlane v30, v5;
	v19 =	vld [tilespmem:s28+$0x6710];
	v25 =	vsub.s32 $0x5F3759DF, v25;
	v33 =	vmul.f32 v24, v22  }
0x2b3: {  	v29 =	vperm.xlane v31, v6;
	v20 =	vld [tilespmem:s28+$0x6720];
	v27 =	vadd.f32 v28, v27;
	v28 =	vmul.f32 v25, v26;
	v22 =	vmovc v26  }
0x2b4: {  	s29 =	sadd.s32 $0x100, s29;
	v30 =	vperm.xlane v30, v6;
	v31 =	vsel vm0, v32, v34;
	v26 =	vmul.f32 v33, v24  }
0x2b5: {  	[tilespmem:s24+$0x8710] =	vst v31  }
0x2b6: {  	v31 =	vld [tilespmem:s28+$0x6730];
	v29 =	vsel vm0, v29, v30  }
0x2b7: {  	[tilespmem:s24+$0x8720] =	vst v29  }
0x2b8: {  	v29 =	vld [tilespmem:s28+$0x6740]  }
0x2b9: {  	v43 =	vmul.f32 v19, v19;
	v32 =	vmul.f32 v20, v20;
	_ =	sdelay $0x1  }
0x2ba: {  	v30 =	vadd.f32 v32, v43;
	v34 =	vmul.f32 v31, v31;
	_ =	sdelay $0x1  }
0x2bb: {  	v33 =	vperm.xlane v27, v1;
	v30 =	vadd.f32 v34, v30;
	v44 =	vmul.f32 v29, v29;
	_ =	sdelay $0x1  }
0x2bc: {  	v27 =	vadd.f32 v27, v33;
	v30 =	vadd.f32 v44, v30;
	_ =	sdelay $0x1  }
0x2bd: {  	v33 =	vperm.xlane v27, v2;
	v32 =	vperm.xlane v30, v0;
	_ =	sdelay $0x1  }
0x2be: {  	v27 =	vadd.f32 v27, v33;
	v30 =	vadd.f32 v30, v32  }
0x2bf: {  	v28 =	vmul.f32 v25, v28  }
0x2c0: {  	v33 =	vperm.xlane v27, v3;
	v32 =	vperm.xlane v30, v1  }
0x2c1: {  	v28 =	vsub.f32 $1.500000000e+00, v28  }
0x2c2: {  	v27 =	vadd.f32 v27, v33;
	v30 =	vadd.f32 v30, v32  }
0x2c3: {  	v23 =	vperm.xlane v23, v5  }
0x2c4: {  	v48 =	vmul.f32 v25, v28;
	v27 =	vmax.f32 v27, $1.000000020e-24;
	v47 =	vperm.xlane v30, v2  }
0x2c5: {  	v26 =	vsub.f32 $1.500000000e+00, v26;
	v45 =	vshrl.u32 v27, $0x1;
	v27 =	vmul.f32 $5.000000000e-01, v27  }
0x2c6: {  	v50 =	vmul.f32 v48, v22;
	v46 =	vsub.s32 $0x5F3759DF, v45;
	v30 =	vadd.f32 v30, v47  }
0x2c7: {  	v24 =	vmul.f32 v26, v24;
	v33 =	vmul.f32 v46, v27  }
0x2c8: {  	v26 =	vmul.f32 v50, v48;
	v51 =	vperm.xlane v30, v3  }
0x2c9: {  	v15 =	vmul.f32 v24, v15;
	v49 =	vmul.f32 v46, v33  }
0x2ca: {  	v18 =	vmul.f32 v24, v18;
	v26 =	vsub.f32 $1.500000000e+00, v26;
	v30 =	vadd.f32 v30, v51  }
0x2cb: {  	v7 =	vmul.f32 v24, v7;
	v10 =	vmul.f32 v24, v10;
	v28 =	vsub.f32 $1.500000000e+00, v49  }
0x2cc: {  	v52 =	vperm.xlane v15, v6;
	v25 =	vmul.f32 v26, v48;
	v30 =	vmax.f32 v30, $1.000000020e-24  }
0x2cd: {  	v28 =	vmul.f32 v46, v28;
	v55 =	vshrl.u32 v30, $0x1;
	v30 =	vmul.f32 $5.000000000e-01, v30  }
0x2ce: {  	v53 =	vperm.xlane v18, v6;
	v56 =	vmul.f32 v25, v22;
	v26 =	vsub.s32 $0x5F3759DF, v55  }
0x2cf: {  	v54 =	vmul.f32 v28, v27;
	v35 =	vmul.f32 v26, v30  }
0x2d0: {  	v15 =	vperm.xlane v15, v5;
	v22 =	vmul.f32 v56, v25  }
0x2d1: {  	v34 =	vmul.f32 v54, v28;
	v58 =	vmul.f32 v26, v35  }
0x2d2: {  	v59 =	vperm.xlane v7, v5;
	v60 =	vperm.xlane v10, v5;
	v22 =	vsub.f32 $1.500000000e+00, v22  }
0x2d3: {  	v7 =	vperm.xlane v7, v6;
	v57 =	vsub.f32 $1.500000000e+00, v34;
	v34 =	vsub.f32 $1.500000000e+00, v58  }
0x2d4: {  	v10 =	vperm.xlane v10, v6;
	v22 =	vmul.f32 v22, v25  }
0x2d5: {  	v18 =	vperm.xlane v18, v5;
	v61 =	vmul.f32 v26, v34  }
0x2d6: {  	v13 =	vmul.f32 v22, v13;
	v24 =	vmul.f32 v57, v28  }
0x2d7: {  	v14 =	vmul.f32 v22, v14;
	v63 =	vmul.f32 v61, v30  }
0x2d8: {  	v9 =	vmul.f32 v22, v9;
	v62 =	vmul.f32 v24, v27  }
0x2d9: {  	v12 =	vmul.f32 v22, v12;
	v27 =	vmul.f32 v63, v61  }
0x2da: {  	v36 =	vperm.xlane v13, v6;
	v26 =	vmul.f32 v62, v24  }
0x2db: {  	v38 =	vperm.xlane v14, v6;
	v13 =	vperm.xlane v13, v5;
	v27 =	vsub.f32 $1.500000000e+00, v27  }
0x2dc: {  	v39 =	vperm.xlane v9, v5;
	v41 =	vperm.xlane v12, v5;
	v37 =	vsub.f32 $1.500000000e+00, v26  }
0x2dd: {  	v21 =	vsel vm0, v21, v23;
	v9 =	vperm.xlane v9, v6;
	v40 =	vmul.f32 v27, v61  }
0x2de: {  	v42 =	vsel vm0, v52, v53;
	v12 =	vperm.xlane v12, v6;
	v22 =	vmul.f32 v37, v24  }
0x2df: {  	[tilespmem:s24+$0x8730] =	vst v21;
	v43 =	vsel vm0, v59, v60;
	v45 =	vperm.xlane v14, v5;
	v44 =	vmul.f32 v40, v30  }
0x2e0: {  	v7 =	vsel vm0, v7, v10;
	[tilespmem:s23+$0x8740] =	vst v42;
	v16 =	vmul.f32 v22, v16;
	v46 =	vmul.f32 v22, v17  }
0x2e1: {  	v15 =	vsel vm0, v15, v18;
	[tilespmem:s23+$0x8710] =	vst v43;
	v11 =	vmul.f32 v22, v11;
	v48 =	vmul.f32 v44, v40  }
0x2e2: {  	[tilespmem:s23+$0x8720] =	vst v7;
	v7 =	vsel vm0, v36, v38;
	v8 =	vmul.f32 v22, v8;
	v47 =	vperm.xlane v16, v6  }
0x2e3: {  	[tilespmem:s23+$0x8730] =	vst v15;
	v49 =	vperm.xlane v46, v6;
	v16 =	vperm.xlane v16, v5;
	v18 =	vsub.f32 $1.500000000e+00, v48  }
0x2e4: {  	[tilespmem:s25+$0x8740] =	vst v7;
	v7 =	vsel vm0, v39, v41;
	v50 =	vperm.xlane v11, v5;
	v22 =	vperm.xlane v8, v5  }
0x2e5: {  	[tilespmem:s25+$0x8710] =	vst v7;
	v7 =	vsel vm0, v9, v12;
	v51 =	vperm.xlane v11, v6;
	v52 =	vmul.f32 v18, v40  }
0x2e6: {  	[tilespmem:s25+$0x8720] =	vst v7;
	v7 =	vsel vm0, v13, v45;
	v8 =	vperm.xlane v8, v6;
	v53 =	vperm.xlane v46, v5  }
0x2e7: {  	[tilespmem:s25+$0x8730] =	vst v7;
	v7 =	vsel vm0, v47, v49;
	v54 =	vmul.f32 v52, v31;
	v55 =	vmul.f32 v52, v29  }
0x2e8: {  	[tilespmem:s26+$0x8740] =	vst v7;
	v7 =	vsel vm0, v50, v22;
	v56 =	vmul.f32 v52, v19;
	v11 =	vmul.f32 v52, v20  }
0x2e9: {  	[tilespmem:s26+$0x8710] =	vst v7;
	v7 =	vsel vm0, v51, v8;
	v57 =	vperm.xlane v54, v6;
	v58 =	vperm.xlane v55, v6  }
0x2ea: {  	[tilespmem:s26+$0x8720] =	vst v7;
	v7 =	vsel vm0, v16, v53;
	v59 =	vperm.xlane v56, v5;
	v60 =	vperm.xlane v11, v5  }
0x2eb: {  	[tilespmem:s26+$0x8730] =	vst v7;
	v61 =	vperm.xlane v56, v6;
	v6 =	vperm.xlane v11, v6;
	v7 =	vsel vm0, v57, v58  }
0x2ec: {  	v63 =	vperm.xlane v55, v5;
	v62 =	vsel vm0, v59, v60;
	[tilespmem:s28+$0x8740] =	vst v7;
	v7 =	vperm.xlane v54, v5  }
0x2ed: {  	s22 =	sadd.s32 $0x1, s22;
	v6 =	vsel vm0, v61, v6;
	[tilespmem:s28+$0x8710] =	vst v62  }
0x2ee: {  	p0 =	sne.s32 s22, s6;
	[tilespmem:s28+$0x8720] =	vst v6;
	v6 =	vsel vm0, v7, v63  }
.Ltmp12:
0x2ef: {  	[tilespmem:s28+$0x8730] =	vst v6;
	(pc) =	sbr.rel @p0 .LBB2_1-.Ltmp12, $4  }
0x2f0: {  	[hbm4b:s5+s2] =	stream.linear.scatter [tilespmem:s21], [sflag:$0x5], $0x2000, $0x38;
	[tilespmem:$0xA710] =	vst v63  }
0x2f1: {  	_ =	swait.ge [sflag:s7], $0x2000  }
0x2f2: {  	[sflag:s7] =	ssyncset.done $0x0  }
0x2f3: {  	[sflag:s7] =	ssyncadd.s32 $0xFFFFE000  }
0x2f4: {  	_ =	sfence.sel $0x180000  }
0x2f5: {  	[bflag:$0x0] =	sbarrier.arrive $0xFFFF  }
0x2f6: {  	p0 =	sne.s32 s0, $0x0;
	_ =	strace $0x90000047  }
0x2f7: {  	s0 =	sadd.s32 @!p0 $0x100000, s1;
	[bflag:$0x2] =	sbarrier.arrive $0xFFFF  }
0x2f8: {  	[sflag:s0] =	ssyncadd.tile.s32 @!p0 $0x1;
	_ =	shalt  }
.Lfunc_end2:
_tile_overlayer_lowered:
.L_overlay_start_2:
0x2f9: {  	(tag) =	ssettag $0x2  }
0x2fa: {  	s0 =	rddreg [dreg:$0x0];
	s2 =	stileid.u32  }
0x2fb: {  	s1 =	rddreg [dreg:$0x1];
	p0 =	sne.s32 s2, $0x0  }
0x2fc: {  	s3 =	rddreg [dreg:$0x2];
	[bflag:$0x3] =	sbarrier.arrive $0xFFFF;
	s2 =	simm.s32 @!p0 $0x1C05  }
0x2fd: {  	[timem:s3], [sflag:s2] =	dma.local @!p0 [hbm:s0], s1  }
0x2fe: {  	s0 =	simm.s32 @!p0 $0x5  }
0x2ff: {  	_ =	swait.ge @!p0 [sflag:s0], s1  }
0x300: {  	s1 =	ssub.s32 @!p0 $0x0, s1;
	[sflag:s0] =	ssyncset.done @!p0 $0x0  }
0x301: {  	[sflag:s0] =	ssyncadd.s32 @!p0 s1  }
0x302: {  	[bflag:$0x3] =	sbarrier.arrive $0xFFFF  }
0x303: {  	_ =	shalt  }

</sc_bundles>
